<compile_context>
chip_gen: v7x
topology: tpu7x:2x2x1
jax: 0.10.2.dev20260603
libtpu: 0.0.44.dev20260713+nightly
codegen_flags: <defaults>
</compile_context>

<pallas_src>
import functools

import jax
import jax.numpy as jnp
from jax import lax
from jax.experimental import pallas as pl
from jax.experimental.pallas import tpu as pltpu
from jax.experimental.pallas import tpu_sc as plsc

N = 10000
E = 320000
D = 128

NC = 2
NS = 16
CH = 128

NW = NC * NS
CPW = -(-E // (NW * CH))
EPW = CPW * CH
EP = EPW * NW
ZR = -(-(N // NS + 1) // 8) * 8
N2 = ZR * NS


def _sc_aggr_body(h_hbm, srcp, dstp, ap, w_hbm, be_hbm, zeros_hbm, out_hbm,
                  idx_v, dst_v, a_v, rows_v, wv, bev, acc, sem):
    c = lax.axis_index("c")
    s = lax.axis_index("s")

    pltpu.sync_copy(zeros_hbm, acc.at[pl.ds(s * ZR, ZR)])
    pltpu.sync_copy(w_hbm, wv)
    pltpu.sync_copy(be_hbm, bev)
    plsc.subcore_barrier()

    ebase = (c * NS + s) * EPW

    def chunk_body(ci, carry):
        off = ebase + ci * CH
        pltpu.sync_copy(srcp.at[pl.ds(off, CH)], idx_v)
        pltpu.sync_copy(dstp.at[pl.ds(off, CH)], dst_v)
        pltpu.sync_copy(ap.at[pl.ds(off, CH)], a_v)
        pltpu.async_copy(h_hbm.at[idx_v], rows_v, sem).wait()

        def group_body(gi, carry2):
            a16 = a_v[pl.ds(gi * 16, 16)]
            for j in range(16):
                a = a16[j]
                row = gi * 16 + j
                for f in range(D // 16):
                    sl = pl.ds(f * 16, 16)
                    r = rows_v[row, sl]
                    rows_v[row, sl] = jnp.maximum(r + a * wv[sl] + bev[sl], 0.0)
            return carry2

        lax.fori_loop(0, CH // 16, group_body, 0)
        pltpu.sync_copy(rows_v, acc.at[dst_v], add=True)
        return carry

    lax.fori_loop(0, CPW, chunk_body, 0)
    plsc.subcore_barrier()

    pltpu.sync_copy(acc.at[pl.ds(s * ZR, ZR)], out_hbm.at[c, pl.ds(s * ZR, ZR)])


@jax.jit
def _sc_aggr_call(h, srcp, dstp, ap, w, be, zeros):
    mesh = plsc.VectorSubcoreMesh(core_axis_name="c", subcore_axis_name="s")
    return pl.kernel(
        _sc_aggr_body,
        out_type=jax.ShapeDtypeStruct((NC, N2, D), jnp.float32),
        mesh=mesh,
        scratch_types=[
            pltpu.VMEM((CH,), jnp.int32),
            pltpu.VMEM((CH,), jnp.int32),
            pltpu.VMEM((CH,), jnp.float32),
            pltpu.VMEM((CH, D), jnp.float32),
            pltpu.VMEM((D,), jnp.float32),
            pltpu.VMEM((D,), jnp.float32),
            pltpu.VMEM_SHARED((N2, D), jnp.float32),
            pltpu.SemaphoreType.DMA,
        ],
    )(h, srcp, dstp, ap, w, be, zeros)


def _bn(y, g, bt):
    mu = jnp.mean(y, axis=0, keepdims=True)
    var = jnp.mean((y - mu) ** 2, axis=0, keepdims=True)
    return (y - mu) * lax.rsqrt(var + 1e-5) * g + bt


def _tc1_body(x_ref, agg_ref, W1_ref, b1_ref, g1_ref, bt1_ref, o_ref):
    agg = agg_ref[...]
    t = x_ref[...] + agg[0, :N, :] + agg[1, :N, :]
    y = jnp.maximum(
        jnp.dot(t, W1_ref[...], preferred_element_type=jnp.float32) + b1_ref[...],
        0.0)
    o_ref[...] = _bn(y, g1_ref[...], bt1_ref[...])


@jax.jit
def _tc1_call(x, agg, W1, b1, g1, bt1):
    return pl.pallas_call(
        _tc1_body,
        out_shape=jax.ShapeDtypeStruct((N, D), jnp.float32),
    )(x, agg, W1, b1, g1, bt1)


def _tc2_body(x1_ref, agg_ref, W2_ref, b2_ref, g2_ref, bt2_ref,
              W3a_ref, W3b_ref, b3_ref, g3_ref, bt3_ref,
              W4_ref, b4_ref, g4_ref, bt4_ref,
              W5_ref, b5_ref, g5_ref, bt5_ref, o_ref):
    x1 = x1_ref[...]
    agg = agg_ref[...]
    t = x1 + agg[0, :N, :] + agg[1, :N, :]
    y = jnp.maximum(
        jnp.dot(t, W2_ref[...], preferred_element_type=jnp.float32) + b2_ref[...],
        0.0)
    x2 = _bn(y, g2_ref[...], bt2_ref[...])
    h = (jnp.dot(x1, W3a_ref[...], preferred_element_type=jnp.float32)
         + jnp.dot(x2, W3b_ref[...], preferred_element_type=jnp.float32)
         + b3_ref[...])
    h = _bn(jnp.maximum(h, 0.0), g3_ref[...], bt3_ref[...])
    h = jnp.maximum(
        jnp.dot(h, W4_ref[...], preferred_element_type=jnp.float32) + b4_ref[...],
        0.0)
    h = _bn(h, g4_ref[...], bt4_ref[...])
    h = jnp.maximum(
        jnp.dot(h, W5_ref[...], preferred_element_type=jnp.float32) + b5_ref[...],
        0.0)
    o_ref[...] = _bn(h, g5_ref[...], bt5_ref[...])


@jax.jit
def _tc2_call(x1, agg, W2, b2, g2, bt2, W3a, W3b, b3, g3, bt3,
              W4, b4, g4, bt4, W5, b5, g5, bt5):
    return pl.pallas_call(
        _tc2_body,
        out_shape=jax.ShapeDtypeStruct((N, 16), jnp.float32),
    )(x1, agg, W2, b2, g2, bt2, W3a, W3b, b3, g3, bt3,
      W4, b4, g4, bt4, W5, b5, g5, bt5)


def kernel(x, edge_attr, We, be, W1, b1, g1, bt1, W2, b2, g2, bt2,
           W3, b3, g3, bt3, W4, b4, g4, bt4, W5, b5, g5, bt5, edge_index):
    src = edge_index[0]
    dst = edge_index[1]
    a = edge_attr[:, 0]

    pad = EP - E
    srcp = jnp.concatenate([src, jnp.zeros((pad,), jnp.int32)])
    dstp = jnp.concatenate([dst, jnp.full((pad,), N, jnp.int32)])
    ap = jnp.concatenate([a, jnp.zeros((pad,), jnp.float32)])

    w = We[0]
    zeros = jnp.zeros((ZR, D), jnp.float32)

    r1 = lambda v: v.reshape(1, -1)

    agg1 = _sc_aggr_call(x, srcp, dstp, ap, w, be, zeros)
    x1 = _tc1_call(x, agg1, W1, r1(b1), r1(g1), r1(bt1))
    agg2 = _sc_aggr_call(x1, srcp, dstp, ap, w, be, zeros)
    out = _tc2_call(x1, agg2, W2, r1(b2), r1(g2), r1(bt2),
                    W3[:D], W3[D:], r1(b3), r1(g3), r1(bt3),
                    W4, r1(b4), r1(g4), r1(bt4),
                    W5, r1(b5), r1(g5), r1(bt5))
    return out

# --- scband reference (transcript-rebuilt; emitter-appended) ---
"""Pipeline reference for scband-ginenet-24464133718762 (READ-ONLY COPY).

The authoritative reference and input builder live on the scoring server;
editing this copy changes nothing except your own understanding.
"""

import jax, jax.numpy as jnp
import numpy as np

N = 10000
E = 320000
D = 128
C = 16
CDIM = 96


def _bn(x, g, b):
    # BatchNorm1d in training mode: biased batch statistics, eps=1e-5
    mu = jnp.mean(x, axis=0)
    var = jnp.mean((x - mu) ** 2, axis=0)
    return (x - mu) / jnp.sqrt(var + 1e-5) * g + b


def _mlp_layer(x, W, b, g, bt):
    # Linear -> ReLU -> BatchNorm1d (matches MLP helper with batch_norm=True)
    h = jnp.maximum(x @ W + b, 0.0)
    return _bn(h, g, bt)


def setup_inputs(seed: int = 0) -> dict:
    key = jax.random.key(seed)
    ks = jax.random.split(key, 20)

    def lin(i, fan_in, fan_out):
        s = 1.0 / np.sqrt(fan_in)
        W = jax.random.uniform(ks[i], (fan_in, fan_out), minval=-s, maxval=s, dtype=jnp.float32)
        b = jax.random.uniform(ks[i + 1], (fan_out,), minval=-s, maxval=s, dtype=jnp.float32)
        return W, b

    x = jax.random.normal(ks[0], (N, D), dtype=jnp.float32)
    edge_index = jax.random.randint(ks[1], (2, E), 0, N, dtype=jnp.int32)
    edge_attr = jax.random.normal(ks[2], (E, 1), dtype=jnp.float32)

    We, be = lin(3, 1, D)          # runtime Linear(1, D) applied to edge_attr
    W1, b1 = lin(5, D, D)          # conv1.nn = MLP([D, D])
    W2, b2 = lin(7, D, 64)         # conv2.nn = MLP([D, 64])
    W3, b3 = lin(9, D + 64, CDIM)  # lin1 = MLP([D+64, cdim])
    W4, b4 = lin(11, CDIM, CDIM)   # mlp1 layer 1
    W5, b5 = lin(13, CDIM, C)      # mlp1 layer 2

    return {
        "x": x, "edge_attr": edge_attr,
        "We": We, "be": be,
        "W1": W1, "b1": b1, "g1": jnp.ones(D), "bt1": jnp.zeros(D),
        "W2": W2, "b2": b2, "g2": jnp.ones(64), "bt2": jnp.zeros(64),
        "W3": W3, "b3": b3, "g3": jnp.ones(CDIM), "bt3": jnp.zeros(CDIM),
        "W4": W4, "b4": b4, "g4": jnp.ones(CDIM), "bt4": jnp.zeros(CDIM),
        "W5": W5, "b5": b5, "g5": jnp.ones(C), "bt5": jnp.zeros(C),
        "edge_index": edge_index,
    }


def reference(x, edge_attr, We, be, W1, b1, g1, bt1, W2, b2, g2, bt2,
              W3, b3, g3, bt3, W4, b4, g4, bt4, W5, b5, g5, bt5, edge_index):
    src = edge_index[0]
    dst = edge_index[1]
    # edge_attr [E,1] projected to node dim D by runtime Linear(1, D)
    ea = edge_attr @ We + be  # [E, D]

    def gine(h, W, b, g, bt):
        # GINEConv, eps=0: out = nn(x_i + sum_j relu(x_j + e_ij))
        msg = jnp.maximum(h[src] + ea, 0.0)
        aggr = jax.ops.segment_sum(msg, dst, num_segments=N)
        return _mlp_layer(h + aggr, W, b, g, bt)

    x1 = gine(x, W1, b1, g1, bt1)    # [N, D]
    x2 = gine(x1, W2, b2, g2, bt2)   # [N, 64]
    h = jnp.concatenate([x1, x2], axis=1)  # [N, D+64]
    h = _mlp_layer(h, W3, b3, g3, bt3)     # lin1 -> [N, 96]
    h = _mlp_layer(h, W4, b4, g4, bt4)     # mlp1 layer 1
    h = _mlp_layer(h, W5, b5, g5, bt5)     # mlp1 layer 2 -> [N, C]
    return h

if __name__ == "__main__":
    import jax
    _d = setup_inputs()
    print(jax.jit(kernel)(*tuple(_d.values())))

</pallas_src>

<mosaic_0001>
#map = affine_map<(d0, d1) -> (0, 0)>
#map1 = affine_map<(d0, d1) -> (0)>
#map2 = affine_map<(d0, d1) -> (0, 0, 0)>
module attributes {stable_mosaic.version = 14 : i64} {
  func.func @_sc_aggr_body(%arg0: i32, %arg1: i32, %arg2: memref<10000x128xf32, #tpu.memory_space<hbm>>, %arg3: memref<323584xi32, #tpu.memory_space<hbm>>, %arg4: memref<323584xi32, #tpu.memory_space<hbm>>, %arg5: memref<323584xf32, #tpu.memory_space<hbm>>, %arg6: memref<128xf32, #tpu.memory_space<hbm>>, %arg7: memref<128xf32, #tpu.memory_space<hbm>>, %arg8: memref<632x128xf32, #tpu.memory_space<hbm>>, %arg9: memref<2x10112x128xf32, #tpu.memory_space<hbm>>, %arg10: memref<128xi32, #tpu.memory_space<vmem>>, %arg11: memref<128xi32, #tpu.memory_space<vmem>>, %arg12: memref<128xf32, #tpu.memory_space<vmem>>, %arg13: memref<128x128xf32, #tpu.memory_space<vmem>>, %arg14: memref<128xf32, #tpu.memory_space<vmem>>, %arg15: memref<128xf32, #tpu.memory_space<vmem>>, %arg16: memref<10112x128xf32, #tpu.memory_space<vmem_shared>>, %arg17: memref<!tpu.dma_semaphore, #tpu.memory_space<semaphore_mem>>) attributes {dimension_semantics = [#tpu.dimension_semantics<core_parallel>, #tpu.dimension_semantics<subcore_parallel>], iteration_bounds = array<i64: 2, 16>, scalar_prefetch = 0 : i64, scratch_operands = 8 : i64, tpu.core_type = #tpu.core_type<sc_vector_subcore>, window_params = [{transform_indices = #map}, {transform_indices = #map1}, {transform_indices = #map1}, {transform_indices = #map1}, {transform_indices = #map1}, {transform_indices = #map1}, {transform_indices = #map}, {transform_indices = #map2}]} {
    %mul3A = arith.constant 632 : i32
    %mul3A_0 = arith.muli %arg1, %mul3A : i32
    "tpu.region"() ({
      %run_scoped3A = tpu.sem_alloc : memref<!tpu.dma_semaphore, #tpu.memory_space<semaphore_mem>>
      %dma_start3A = arith.constant 0 : i32
      %dma_start3A_15 = tpu.memref_slice %arg16[%mul3A_0, %dma_start3A] : memref<10112x128xf32, #tpu.memory_space<vmem_shared>> -> memref<632x128xf32, #tpu.memory_space<vmem_shared>>
      tpu.enqueue_dma source(%arg8 : memref<632x128xf32, #tpu.memory_space<hbm>>) target(%dma_start3A_15 : memref<632x128xf32, #tpu.memory_space<vmem_shared>>) target_semaphore(%run_scoped3A : memref<!tpu.dma_semaphore, #tpu.memory_space<semaphore_mem>>)
      %dma_wait3A = arith.constant 0 : i32
      %dma_wait3A_16 = tpu.memref_slice %arg16[%mul3A_0, %dma_wait3A] : memref<10112x128xf32, #tpu.memory_space<vmem_shared>> -> memref<632x128xf32, #tpu.memory_space<vmem_shared>>
      tpu.wait_dma2 semaphore(%run_scoped3A : memref<!tpu.dma_semaphore, #tpu.memory_space<semaphore_mem>>) src(%arg8 : memref<632x128xf32, #tpu.memory_space<hbm>>) dst(%dma_wait3A_16 : memref<632x128xf32, #tpu.memory_space<vmem_shared>>)
      tpu.yield
    }) : () -> ()
    "tpu.region"() ({
      %run_scoped3A = tpu.sem_alloc : memref<!tpu.dma_semaphore, #tpu.memory_space<semaphore_mem>>
      tpu.enqueue_dma source(%arg6 : memref<128xf32, #tpu.memory_space<hbm>>) target(%arg14 : memref<128xf32, #tpu.memory_space<vmem>>) target_semaphore(%run_scoped3A : memref<!tpu.dma_semaphore, #tpu.memory_space<semaphore_mem>>)
      tpu.wait_dma2 semaphore(%run_scoped3A : memref<!tpu.dma_semaphore, #tpu.memory_space<semaphore_mem>>) src(%arg6 : memref<128xf32, #tpu.memory_space<hbm>>) dst(%arg14 : memref<128xf32, #tpu.memory_space<vmem>>)
      tpu.yield
    }) : () -> ()
    "tpu.region"() ({
      %run_scoped3A = tpu.sem_alloc : memref<!tpu.dma_semaphore, #tpu.memory_space<semaphore_mem>>
      tpu.enqueue_dma source(%arg7 : memref<128xf32, #tpu.memory_space<hbm>>) target(%arg15 : memref<128xf32, #tpu.memory_space<vmem>>) target_semaphore(%run_scoped3A : memref<!tpu.dma_semaphore, #tpu.memory_space<semaphore_mem>>)
      tpu.wait_dma2 semaphore(%run_scoped3A : memref<!tpu.dma_semaphore, #tpu.memory_space<semaphore_mem>>) src(%arg7 : memref<128xf32, #tpu.memory_space<hbm>>) dst(%arg15 : memref<128xf32, #tpu.memory_space<vmem>>)
      tpu.yield
    }) : () -> ()
    %barrier3A = arith.constant 0 : index
    tpu.barrier barrier_id(%barrier3A)
    %mul3A_1 = arith.constant 16 : i32
    %mul3A_2 = arith.muli %arg0, %mul3A_1 : i32
    %add3A = arith.addi %mul3A_2, %arg1 : i32
    %mul3A_3 = arith.constant 10112 : i32
    %mul3A_4 = arith.muli %add3A, %mul3A_3 : i32
    %scan3A = arith.constant 0 : i32
    %scan3A_5 = arith.constant 0 : i32
    %scan3A_6 = arith.constant 79 : i32
    %scan3A_7 = arith.addi %scan3A_5, %scan3A_6 : i32
    %scan3A_8 = arith.constant 1 : i32
    scf.for %scan3A_15 = %scan3A_5 to %scan3A_7 step %scan3A_8  : i32 {
      %mul3A_16 = arith.constant 128 : i32
      %mul3A_17 = arith.muli %scan3A_15, %mul3A_16 : i32
      %add3A_18 = arith.addi %mul3A_4, %mul3A_17 : i32
      "tpu.region"() ({
        %run_scoped3A = tpu.sem_alloc : memref<!tpu.dma_semaphore, #tpu.memory_space<semaphore_mem>>
        %dma_start3A_29 = tpu.memref_slice %arg3[%add3A_18] : memref<323584xi32, #tpu.memory_space<hbm>> -> memref<128xi32, #tpu.memory_space<hbm>>
        %dma_start3A_30 = tpu.memref_slice %arg3[%add3A_18] : memref<323584xi32, #tpu.memory_space<hbm>> -> memref<128xi32, #tpu.memory_space<hbm>>
        tpu.enqueue_dma source(%dma_start3A_30 : memref<128xi32, #tpu.memory_space<hbm>>) target(%arg10 : memref<128xi32, #tpu.memory_space<vmem>>) target_semaphore(%run_scoped3A : memref<!tpu.dma_semaphore, #tpu.memory_space<semaphore_mem>>)
        %dma_wait3A_31 = tpu.memref_slice %arg3[%add3A_18] : memref<323584xi32, #tpu.memory_space<hbm>> -> memref<128xi32, #tpu.memory_space<hbm>>
        %dma_wait3A_32 = tpu.memref_slice %arg3[%add3A_18] : memref<323584xi32, #tpu.memory_space<hbm>> -> memref<128xi32, #tpu.memory_space<hbm>>
        tpu.wait_dma2 semaphore(%run_scoped3A : memref<!tpu.dma_semaphore, #tpu.memory_space<semaphore_mem>>) src(%dma_wait3A_32 : memref<128xi32, #tpu.memory_space<hbm>>) dst(%arg10 : memref<128xi32, #tpu.memory_space<vmem>>)
        tpu.yield
      }) : () -> ()
      "tpu.region"() ({
        %run_scoped3A = tpu.sem_alloc : memref<!tpu.dma_semaphore, #tpu.memory_space<semaphore_mem>>
        %dma_start3A_29 = tpu.memref_slice %arg4[%add3A_18] : memref<323584xi32, #tpu.memory_space<hbm>> -> memref<128xi32, #tpu.memory_space<hbm>>
        %dma_start3A_30 = tpu.memref_slice %arg4[%add3A_18] : memref<323584xi32, #tpu.memory_space<hbm>> -> memref<128xi32, #tpu.memory_space<hbm>>
        tpu.enqueue_dma source(%dma_start3A_30 : memref<128xi32, #tpu.memory_space<hbm>>) target(%arg11 : memref<128xi32, #tpu.memory_space<vmem>>) target_semaphore(%run_scoped3A : memref<!tpu.dma_semaphore, #tpu.memory_space<semaphore_mem>>)
        %dma_wait3A_31 = tpu.memref_slice %arg4[%add3A_18] : memref<323584xi32, #tpu.memory_space<hbm>> -> memref<128xi32, #tpu.memory_space<hbm>>
        %dma_wait3A_32 = tpu.memref_slice %arg4[%add3A_18] : memref<323584xi32, #tpu.memory_space<hbm>> -> memref<128xi32, #tpu.memory_space<hbm>>
        tpu.wait_dma2 semaphore(%run_scoped3A : memref<!tpu.dma_semaphore, #tpu.memory_space<semaphore_mem>>) src(%dma_wait3A_32 : memref<128xi32, #tpu.memory_space<hbm>>) dst(%arg11 : memref<128xi32, #tpu.memory_space<vmem>>)
        tpu.yield
      }) : () -> ()
      "tpu.region"() ({
        %run_scoped3A = tpu.sem_alloc : memref<!tpu.dma_semaphore, #tpu.memory_space<semaphore_mem>>
        %dma_start3A_29 = tpu.memref_slice %arg5[%add3A_18] : memref<323584xf32, #tpu.memory_space<hbm>> -> memref<128xf32, #tpu.memory_space<hbm>>
        %dma_start3A_30 = tpu.memref_slice %arg5[%add3A_18] : memref<323584xf32, #tpu.memory_space<hbm>> -> memref<128xf32, #tpu.memory_space<hbm>>
        tpu.enqueue_dma source(%dma_start3A_30 : memref<128xf32, #tpu.memory_space<hbm>>) target(%arg12 : memref<128xf32, #tpu.memory_space<vmem>>) target_semaphore(%run_scoped3A : memref<!tpu.dma_semaphore, #tpu.memory_space<semaphore_mem>>)
        %dma_wait3A_31 = tpu.memref_slice %arg5[%add3A_18] : memref<323584xf32, #tpu.memory_space<hbm>> -> memref<128xf32, #tpu.memory_space<hbm>>
        %dma_wait3A_32 = tpu.memref_slice %arg5[%add3A_18] : memref<323584xf32, #tpu.memory_space<hbm>> -> memref<128xf32, #tpu.memory_space<hbm>>
        tpu.wait_dma2 semaphore(%run_scoped3A : memref<!tpu.dma_semaphore, #tpu.memory_space<semaphore_mem>>) src(%dma_wait3A_32 : memref<128xf32, #tpu.memory_space<hbm>>) dst(%arg12 : memref<128xf32, #tpu.memory_space<vmem>>)
        tpu.yield
      }) : () -> ()
      %dma_start3A = arith.constant 0 : i32
      %dma_start3A_19 = arith.constant 0 : i32
      %dma_start3A_20 = tpu.memref_slice %arg2[%dma_start3A, %dma_start3A_19] : memref<10000x128xf32, #tpu.memory_space<hbm>> -> memref<10000x128xf32, #tpu.memory_space<hbm>>
      tpu.enqueue_indirect_dma source(%dma_start3A_20 : memref<10000x128xf32, #tpu.memory_space<hbm>>) target(%arg13 : memref<128x128xf32, #tpu.memory_space<vmem>>) offsets(%arg10 : memref<128xi32, #tpu.memory_space<vmem>>) semaphore(%arg17 : memref<!tpu.dma_semaphore, #tpu.memory_space<semaphore_mem>>)
      %dma_wait3A = arith.constant 0 : i32
      %dma_wait3A_21 = arith.constant 0 : i32
      %dma_wait3A_22 = tpu.memref_slice %arg2[%dma_wait3A, %dma_wait3A_21] : memref<10000x128xf32, #tpu.memory_space<hbm>> -> memref<10000x128xf32, #tpu.memory_space<hbm>>
      tpu.wait_indirect_dma semaphore(%arg17 : memref<!tpu.dma_semaphore, #tpu.memory_space<semaphore_mem>>) src(%dma_wait3A_22 : memref<10000x128xf32, #tpu.memory_space<hbm>>) dst(%arg13 : memref<128x128xf32, #tpu.memory_space<vmem>>)
      %scan3A_23 = arith.constant 0 : i32
      %scan3A_24 = arith.constant 0 : i32
      %scan3A_25 = arith.constant 8 : i32
      %scan3A_26 = arith.addi %scan3A_24, %scan3A_25 : i32
      %scan3A_27 = arith.constant 1 : i32
      scf.for %scan3A_29 = %scan3A_24 to %scan3A_26 step %scan3A_27  : i32 {
        %mul3A_30 = arith.constant 16 : i32
        %mul3A_31 = arith.muli %scan3A_29, %mul3A_30 : i32
        %get3A = arith.index_cast %mul3A_31 : i32 to index
        %get3A_32 = tpu.vector_load %arg12[%get3A] {strides = array<i32>} : memref<128xf32, #tpu.memory_space<vmem>>, vector<16xf32>,
        %get3A_33 = vector.shape_cast %get3A_32 : vector<16xf32> to vector<16xf32>
        %slice3A = vector.extract_strided_slice %get3A_33 {offsets = [0], sizes = [1], strides = [1]} : vector<16xf32> to vector<1xf32>
        %squeeze3A = vector.extract %slice3A[0] : f32 from vector<1xf32>
        %mul3A_34 = arith.constant 16 : i32
        %mul3A_35 = arith.muli %scan3A_29, %mul3A_34 : i32
        %add3A_36 = arith.constant 0 : i32
        %add3A_37 = arith.addi %mul3A_35, %add3A_36 : i32
        %get3A_38 = arith.index_cast %add3A_37 : i32 to index
        %get3A_39 = arith.constant 0 : index
        %get3A_40 = tpu.vector_load %arg13[%get3A_38, %get3A_39] {strides = array<i32>} : memref<128x128xf32, #tpu.memory_space<vmem>>, vector<1x16xf32>,
        %get3A_41 = vector.shape_cast %get3A_40 : vector<1x16xf32> to vector<16xf32>
        %get3A_42 = arith.constant 0 : index
        %get3A_43 = tpu.vector_load %arg14[%get3A_42] {strides = array<i32>} : memref<128xf32, #tpu.memory_space<vmem>>, vector<16xf32>,
        %get3A_44 = vector.shape_cast %get3A_43 : vector<16xf32> to vector<16xf32>
        %mul3A_45 = vector.broadcast %squeeze3A : f32 to vector<16xf32>
        %mul3A_46 = arith.mulf %mul3A_45, %get3A_44 : vector<16xf32>
        %add3A_47 = arith.addf %get3A_41, %mul3A_46 : vector<16xf32>
        %get3A_48 = arith.constant 0 : index
        %get3A_49 = tpu.vector_load %arg15[%get3A_48] {strides = array<i32>} : memref<128xf32, #tpu.memory_space<vmem>>, vector<16xf32>,
        %get3A_50 = vector.shape_cast %get3A_49 : vector<16xf32> to vector<16xf32>
        %add3A_51 = arith.addf %add3A_47, %get3A_50 : vector<16xf32>
        %max3A = arith.constant 0.000000e+00 : f32
        %max3A_52 = vector.broadcast %max3A : f32 to vector<16xf32>
        %max3A_53 = arith.maximumf %add3A_51, %max3A_52 : vector<16xf32>
        %swap3A = arith.index_cast %add3A_37 : i32 to index
        %swap3A_54 = arith.constant 0 : index
        %swap3A_55 = tpu.vector_load %arg13[%swap3A, %swap3A_54] {strides = array<i32>} : memref<128x128xf32, #tpu.memory_space<vmem>>, vector<1x16xf32>,
        %swap3A_56 = vector.shape_cast %swap3A_55 : vector<1x16xf32> to vector<16xf32>
        %swap3A_57 = vector.shape_cast %max3A_53 : vector<16xf32> to vector<1x16xf32>
        tpu.vector_store %arg13[%swap3A, %swap3A_54], %swap3A_57 {strides = array<i32>} : memref<128x128xf32, #tpu.memory_space<vmem>>, vector<1x16xf32>,
        %get3A_58 = arith.index_cast %add3A_37 : i32 to index
        %get3A_59 = arith.constant 16 : index
        %get3A_60 = tpu.vector_load %arg13[%get3A_58, %get3A_59] {strides = array<i32>} : memref<128x128xf32, #tpu.memory_space<vmem>>, vector<1x16xf32>,
        %get3A_61 = vector.shape_cast %get3A_60 : vector<1x16xf32> to vector<16xf32>
        %get3A_62 = arith.constant 16 : index
        %get3A_63 = tpu.vector_load %arg14[%get3A_62] {strides = array<i32>} : memref<128xf32, #tpu.memory_space<vmem>>, vector<16xf32>,
        %get3A_64 = vector.shape_cast %get3A_63 : vector<16xf32> to vector<16xf32>
        %mul3A_65 = vector.broadcast %squeeze3A : f32 to vector<16xf32>
        %mul3A_66 = arith.mulf %mul3A_65, %get3A_64 : vector<16xf32>
        %add3A_67 = arith.addf %get3A_61, %mul3A_66 : vector<16xf32>
        %get3A_68 = arith.constant 16 : index
        %get3A_69 = tpu.vector_load %arg15[%get3A_68] {strides = array<i32>} : memref<128xf32, #tpu.memory_space<vmem>>, vector<16xf32>,
        %get3A_70 = vector.shape_cast %get3A_69 : vector<16xf32> to vector<16xf32>
        %add3A_71 = arith.addf %add3A_67, %get3A_70 : vector<16xf32>
        %max3A_72 = arith.constant 0.000000e+00 : f32
        %max3A_73 = vector.broadcast %max3A_72 : f32 to vector<16xf32>
        %max3A_74 = arith.maximumf %add3A_71, %max3A_73 : vector<16xf32>
        %swap3A_75 = arith.index_cast %add3A_37 : i32 to index
        %swap3A_76 = arith.constant 16 : index
        %swap3A_77 = tpu.vector_load %arg13[%swap3A_75, %swap3A_76] {strides = array<i32>} : memref<128x128xf32, #tpu.memory_space<vmem>>, vector<1x16xf32>,
        %swap3A_78 = vector.shape_cast %swap3A_77 : vector<1x16xf32> to vector<16xf32>
        %swap3A_79 = vector.shape_cast %max3A_74 : vector<16xf32> to vector<1x16xf32>
        tpu.vector_store %arg13[%swap3A_75, %swap3A_76], %swap3A_79 {strides = array<i32>} : memref<128x128xf32, #tpu.memory_space<vmem>>, vector<1x16xf32>,
        %get3A_80 = arith.index_cast %add3A_37 : i32 to index
        %get3A_81 = arith.constant 32 : index
        %get3A_82 = tpu.vector_load %arg13[%get3A_80, %get3A_81] {strides = array<i32>} : memref<128x128xf32, #tpu.memory_space<vmem>>, vector<1x16xf32>,
        %get3A_83 = vector.shape_cast %get3A_82 : vector<1x16xf32> to vector<16xf32>
        %get3A_84 = arith.constant 32 : index
        %get3A_85 = tpu.vector_load %arg14[%get3A_84] {strides = array<i32>} : memref<128xf32, #tpu.memory_space<vmem>>, vector<16xf32>,
        %get3A_86 = vector.shape_cast %get3A_85 : vector<16xf32> to vector<16xf32>
        %mul3A_87 = vector.broadcast %squeeze3A : f32 to vector<16xf32>
        %mul3A_88 = arith.mulf %mul3A_87, %get3A_86 : vector<16xf32>
        %add3A_89 = arith.addf %get3A_83, %mul3A_88 : vector<16xf32>
        %get3A_90 = arith.constant 32 : index
        %get3A_91 = tpu.vector_load %arg15[%get3A_90] {strides = array<i32>} : memref<128xf32, #tpu.memory_space<vmem>>, vector<16xf32>,
        %get3A_92 = vector.shape_cast %get3A_91 : vector<16xf32> to vector<16xf32>
        %add3A_93 = arith.addf %add3A_89, %get3A_92 : vector<16xf32>
        %max3A_94 = arith.constant 0.000000e+00 : f32
        %max3A_95 = vector.broadcast %max3A_94 : f32 to vector<16xf32>
        %max3A_96 = arith.maximumf %add3A_93, %max3A_95 : vector<16xf32>
        %swap3A_97 = arith.index_cast %add3A_37 : i32 to index
        %swap3A_98 = arith.constant 32 : index
        %swap3A_99 = tpu.vector_load %arg13[%swap3A_97, %swap3A_98] {strides = array<i32>} : memref<128x128xf32, #tpu.memory_space<vmem>>, vector<1x16xf32>,
        %swap3A_100 = vector.shape_cast %swap3A_99 : vector<1x16xf32> to vector<16xf32>
        %swap3A_101 = vector.shape_cast %max3A_96 : vector<16xf32> to vector<1x16xf32>
        tpu.vector_store %arg13[%swap3A_97, %swap3A_98], %swap3A_101 {strides = array<i32>} : memref<128x128xf32, #tpu.memory_space<vmem>>, vector<1x16xf32>,
        %get3A_102 = arith.index_cast %add3A_37 : i32 to index
        %get3A_103 = arith.constant 48 : index
        %get3A_104 = tpu.vector_load %arg13[%get3A_102, %get3A_103] {strides = array<i32>} : memref<128x128xf32, #tpu.memory_space<vmem>>, vector<1x16xf32>,
        %get3A_105 = vector.shape_cast %get3A_104 : vector<1x16xf32> to vector<16xf32>
        %get3A_106 = arith.constant 48 : index
        %get3A_107 = tpu.vector_load %arg14[%get3A_106] {strides = array<i32>} : memref<128xf32, #tpu.memory_space<vmem>>, vector<16xf32>,
        %get3A_108 = vector.shape_cast %get3A_107 : vector<16xf32> to vector<16xf32>
        %mul3A_109 = vector.broadcast %squeeze3A : f32 to vector<16xf32>
        %mul3A_110 = arith.mulf %mul3A_109, %get3A_108 : vector<16xf32>
        %add3A_111 = arith.addf %get3A_105, %mul3A_110 : vector<16xf32>
        %get3A_112 = arith.constant 48 : index
        %get3A_113 = tpu.vector_load %arg15[%get3A_112] {strides = array<i32>} : memref<128xf32, #tpu.memory_space<vmem>>, vector<16xf32>,
        %get3A_114 = vector.shape_cast %get3A_113 : vector<16xf32> to vector<16xf32>
        %add3A_115 = arith.addf %add3A_111, %get3A_114 : vector<16xf32>
        %max3A_116 = arith.constant 0.000000e+00 : f32
        %max3A_117 = vector.broadcast %max3A_116 : f32 to vector<16xf32>
        %max3A_118 = arith.maximumf %add3A_115, %max3A_117 : vector<16xf32>
        %swap3A_119 = arith.index_cast %add3A_37 : i32 to index
        %swap3A_120 = arith.constant 48 : index
        %swap3A_121 = tpu.vector_load %arg13[%swap3A_119, %swap3A_120] {strides = array<i32>} : memref<128x128xf32, #tpu.memory_space<vmem>>, vector<1x16xf32>,
        %swap3A_122 = vector.shape_cast %swap3A_121 : vector<1x16xf32> to vector<16xf32>
        %swap3A_123 = vector.shape_cast %max3A_118 : vector<16xf32> to vector<1x16xf32>
        tpu.vector_store %arg13[%swap3A_119, %swap3A_120], %swap3A_123 {strides = array<i32>} : memref<128x128xf32, #tpu.memory_space<vmem>>, vector<1x16xf32>,
        %get3A_124 = arith.index_cast %add3A_37 : i32 to index
        %get3A_125 = arith.constant 64 : index
        %get3A_126 = tpu.vector_load %arg13[%get3A_124, %get3A_125] {strides = array<i32>} : memref<128x128xf32, #tpu.memory_space<vmem>>, vector<1x16xf32>,
        %get3A_127 = vector.shape_cast %get3A_126 : vector<1x16xf32> to vector<16xf32>
        %get3A_128 = arith.constant 64 : index
        %get3A_129 = tpu.vector_load %arg14[%get3A_128] {strides = array<i32>} : memref<128xf32, #tpu.memory_space<vmem>>, vector<16xf32>,
        %get3A_130 = vector.shape_cast %get3A_129 : vector<16xf32> to vector<16xf32>
        %mul3A_131 = vector.broadcast %squeeze3A : f32 to vector<16xf32>
        %mul3A_132 = arith.mulf %mul3A_131, %get3A_130 : vector<16xf32>
        %add3A_133 = arith.addf %get3A_127, %mul3A_132 : vector<16xf32>
        %get3A_134 = arith.constant 64 : index
        %get3A_135 = tpu.vector_load %arg15[%get3A_134] {strides = array<i32>} : memref<128xf32, #tpu.memory_space<vmem>>, vector<16xf32>,
        %get3A_136 = vector.shape_cast %get3A_135 : vector<16xf32> to vector<16xf32>
        %add3A_137 = arith.addf %add3A_133, %get3A_136 : vector<16xf32>
        %max3A_138 = arith.constant 0.000000e+00 : f32
        %max3A_139 = vector.broadcast %max3A_138 : f32 to vector<16xf32>
        %max3A_140 = arith.maximumf %add3A_137, %max3A_139 : vector<16xf32>
        %swap3A_141 = arith.index_cast %add3A_37 : i32 to index
        %swap3A_142 = arith.constant 64 : index
        %swap3A_143 = tpu.vector_load %arg13[%swap3A_141, %swap3A_142] {strides = array<i32>} : memref<128x128xf32, #tpu.memory_space<vmem>>, vector<1x16xf32>,
        %swap3A_144 = vector.shape_cast %swap3A_143 : vector<1x16xf32> to vector<16xf32>
        %swap3A_145 = vector.shape_cast %max3A_140 : vector<16xf32> to vector<1x16xf32>
        tpu.vector_store %arg13[%swap3A_141, %swap3A_142], %swap3A_145 {strides = array<i32>} : memref<128x128xf32, #tpu.memory_space<vmem>>, vector<1x16xf32>,
        %get3A_146 = arith.index_cast %add3A_37 : i32 to index
        %get3A_147 = arith.constant 80 : index
        %get3A_148 = tpu.vector_load %arg13[%get3A_146, %get3A_147] {strides = array<i32>} : memref<128x128xf32, #tpu.memory_space<vmem>>, vector<1x16xf32>,
        %get3A_149 = vector.shape_cast %get3A_148 : vector<1x16xf32> to vector<16xf32>
        %get3A_150 = arith.constant 80 : index
        %get3A_151 = tpu.vector_load %arg14[%get3A_150] {strides = array<i32>} : memref<128xf32, #tpu.memory_space<vmem>>, vector<16xf32>,
        %get3A_152 = vector.shape_cast %get3A_151 : vector<16xf32> to vector<16xf32>
        %mul3A_153 = vector.broadcast %squeeze3A : f32 to vector<16xf32>
        %mul3A_154 = arith.mulf %mul3A_153, %get3A_152 : vector<16xf32>
        %add3A_155 = arith.addf %get3A_149, %mul3A_154 : vector<16xf32>
        %get3A_156 = arith.constant 80 : index
        %get3A_157 = tpu.vector_load %arg15[%get3A_156] {strides = array<i32>} : memref<128xf32, #tpu.memory_space<vmem>>, vector<16xf32>,
        %get3A_158 = vector.shape_cast %get3A_157 : vector<16xf32> to vector<16xf32>
        %add3A_159 = arith.addf %add3A_155, %get3A_158 : vector<16xf32>
        %max3A_160 = arith.constant 0.000000e+00 : f32
        %max3A_161 = vector.broadcast %max3A_160 : f32 to vector<16xf32>
        %max3A_162 = arith.maximumf %add3A_159, %max3A_161 : vector<16xf32>
        %swap3A_163 = arith.index_cast %add3A_37 : i32 to index
        %swap3A_164 = arith.constant 80 : index
        %swap3A_165 = tpu.vector_load %arg13[%swap3A_163, %swap3A_164] {strides = array<i32>} : memref<128x128xf32, #tpu.memory_space<vmem>>, vector<1x16xf32>,
        %swap3A_166 = vector.shape_cast %swap3A_165 : vector<1x16xf32> to vector<16xf32>
        %swap3A_167 = vector.shape_cast %max3A_162 : vector<16xf32> to vector<1x16xf32>
        tpu.vector_store %arg13[%swap3A_163, %swap3A_164], %swap3A_167 {strides = array<i32>} : memref<128x128xf32, #tpu.memory_space<vmem>>, vector<1x16xf32>,
        %get3A_168 = arith.index_cast %add3A_37 : i32 to index
        %get3A_169 = arith.constant 96 : index
        %get3A_170 = tpu.vector_load %arg13[%get3A_168, %get3A_169] {strides = array<i32>} : memref<128x128xf32, #tpu.memory_space<vmem>>, vector<1x16xf32>,
        %get3A_171 = vector.shape_cast %get3A_170 : vector<1x16xf32> to vector<16xf32>
        %get3A_172 = arith.constant 96 : index
        %get3A_173 = tpu.vector_load %arg14[%get3A_172] {strides = array<i32>} : memref<128xf32, #tpu.memory_space<vmem>>, vector<16xf32>,
        %get3A_174 = vector.shape_cast %get3A_173 : vector<16xf32> to vector<16xf32>
        %mul3A_175 = vector.broadcast %squeeze3A : f32 to vector<16xf32>
        %mul3A_176 = arith.mulf %mul3A_175, %get3A_174 : vector<16xf32>
        %add3A_177 = arith.addf %get3A_171, %mul3A_176 : vector<16xf32>
        %get3A_178 = arith.constant 96 : index
        %get3A_179 = tpu.vector_load %arg15[%get3A_178] {strides = array<i32>} : memref<128xf32, #tpu.memory_space<vmem>>, vector<16xf32>,
        %get3A_180 = vector.shape_cast %get3A_179 : vector<16xf32> to vector<16xf32>
        %add3A_181 = arith.addf %add3A_177, %get3A_180 : vector<16xf32>
        %max3A_182 = arith.constant 0.000000e+00 : f32
        %max3A_183 = vector.broadcast %max3A_182 : f32 to vector<16xf32>
        %max3A_184 = arith.maximumf %add3A_181, %max3A_183 : vector<16xf32>
        %swap3A_185 = arith.index_cast %add3A_37 : i32 to index
        %swap3A_186 = arith.constant 96 : index
        %swap3A_187 = tpu.vector_load %arg13[%swap3A_185, %swap3A_186] {strides = array<i32>} : memref<128x128xf32, #tpu.memory_space<vmem>>, vector<1x16xf32>,
        %swap3A_188 = vector.shape_cast %swap3A_187 : vector<1x16xf32> to vector<16xf32>
        %swap3A_189 = vector.shape_cast %max3A_184 : vector<16xf32> to vector<1x16xf32>
        tpu.vector_store %arg13[%swap3A_185, %swap3A_186], %swap3A_189 {strides = array<i32>} : memref<128x128xf32, #tpu.memory_space<vmem>>, vector<1x16xf32>,
        %get3A_190 = arith.index_cast %add3A_37 : i32 to index
        %get3A_191 = arith.constant 112 : index
        %get3A_192 = tpu.vector_load %arg13[%get3A_190, %get3A_191] {strides = array<i32>} : memref<128x128xf32, #tpu.memory_space<vmem>>, vector<1x16xf32>,
        %get3A_193 = vector.shape_cast %get3A_192 : vector<1x16xf32> to vector<16xf32>
        %get3A_194 = arith.constant 112 : index
        %get3A_195 = tpu.vector_load %arg14[%get3A_194] {strides = array<i32>} : memref<128xf32, #tpu.memory_space<vmem>>, vector<16xf32>,
        %get3A_196 = vector.shape_cast %get3A_195 : vector<16xf32> to vector<16xf32>
        %mul3A_197 = vector.broadcast %squeeze3A : f32 to vector<16xf32>
        %mul3A_198 = arith.mulf %mul3A_197, %get3A_196 : vector<16xf32>
        %add3A_199 = arith.addf %get3A_193, %mul3A_198 : vector<16xf32>
        %get3A_200 = arith.constant 112 : index
        %get3A_201 = tpu.vector_load %arg15[%get3A_200] {strides = array<i32>} : memref<128xf32, #tpu.memory_space<vmem>>, vector<16xf32>,
        %get3A_202 = vector.shape_cast %get3A_201 : vector<16xf32> to vector<16xf32>
        %add3A_203 = arith.addf %add3A_199, %get3A_202 : vector<16xf32>
        %max3A_204 = arith.constant 0.000000e+00 : f32
        %max3A_205 = vector.broadcast %max3A_204 : f32 to vector<16xf32>
        %max3A_206 = arith.maximumf %add3A_203, %max3A_205 : vector<16xf32>
        %swap3A_207 = arith.index_cast %add3A_37 : i32 to index
        %swap3A_208 = arith.constant 112 : index
        %swap3A_209 = tpu.vector_load %arg13[%swap3A_207, %swap3A_208] {strides = array<i32>} : memref<128x128xf32, #tpu.memory_space<vmem>>, vector<1x16xf32>,
        %swap3A_210 = vector.shape_cast %swap3A_209 : vector<1x16xf32> to vector<16xf32>
        %swap3A_211 = vector.shape_cast %max3A_206 : vector<16xf32> to vector<1x16xf32>
        tpu.vector_store %arg13[%swap3A_207, %swap3A_208], %swap3A_211 {strides = array<i32>} : memref<128x128xf32, #tpu.memory_space<vmem>>, vector<1x16xf32>,
        %slice3A_212 = vector.extract_strided_slice %get3A_33 {offsets = [1], sizes = [1], strides = [1]} : vector<16xf32> to vector<1xf32>
        %squeeze3A_213 = vector.extract %slice3A_212[0] : f32 from vector<1xf32>
        %mul3A_214 = arith.constant 16 : i32
        %mul3A_215 = arith.muli %scan3A_29, %mul3A_214 : i32
        %add3A_216 = arith.constant 1 : i32
        %add3A_217 = arith.addi %mul3A_215, %add3A_216 : i32
        %get3A_218 = arith.index_cast %add3A_217 : i32 to index
        %get3A_219 = arith.constant 0 : index
        %get3A_220 = tpu.vector_load %arg13[%get3A_218, %get3A_219] {strides = array<i32>} : memref<128x128xf32, #tpu.memory_space<vmem>>, vector<1x16xf32>,
        %get3A_221 = vector.shape_cast %get3A_220 : vector<1x16xf32> to vector<16xf32>
        %get3A_222 = arith.constant 0 : index
        %get3A_223 = tpu.vector_load %arg14[%get3A_222] {strides = array<i32>} : memref<128xf32, #tpu.memory_space<vmem>>, vector<16xf32>,
        %get3A_224 = vector.shape_cast %get3A_223 : vector<16xf32> to vector<16xf32>
        %mul3A_225 = vector.broadcast %squeeze3A_213 : f32 to vector<16xf32>
        %mul3A_226 = arith.mulf %mul3A_225, %get3A_224 : vector<16xf32>
        %add3A_227 = arith.addf %get3A_221, %mul3A_226 : vector<16xf32>
        %get3A_228 = arith.constant 0 : index
        %get3A_229 = tpu.vector_load %arg15[%get3A_228] {strides = array<i32>} : memref<128xf32, #tpu.memory_space<vmem>>, vector<16xf32>,
        %get3A_230 = vector.shape_cast %get3A_229 : vector<16xf32> to vector<16xf32>
        %add3A_231 = arith.addf %add3A_227, %get3A_230 : vector<16xf32>
        %max3A_232 = arith.constant 0.000000e+00 : f32
        %max3A_233 = vector.broadcast %max3A_232 : f32 to vector<16xf32>
        %max3A_234 = arith.maximumf %add3A_231, %max3A_233 : vector<16xf32>
        %swap3A_235 = arith.index_cast %add3A_217 : i32 to index
        %swap3A_236 = arith.constant 0 : index
        %swap3A_237 = tpu.vector_load %arg13[%swap3A_235, %swap3A_236] {strides = array<i32>} : memref<128x128xf32, #tpu.memory_space<vmem>>, vector<1x16xf32>,
        %swap3A_238 = vector.shape_cast %swap3A_237 : vector<1x16xf32> to vector<16xf32>
        %swap3A_239 = vector.shape_cast %max3A_234 : vector<16xf32> to vector<1x16xf32>
        tpu.vector_store %arg13[%swap3A_235, %swap3A_236], %swap3A_239 {strides = array<i32>} : memref<128x128xf32, #tpu.memory_space<vmem>>, vector<1x16xf32>,
        %get3A_240 = arith.index_cast %add3A_217 : i32 to index
        %get3A_241 = arith.constant 16 : index
        %get3A_242 = tpu.vector_load %arg13[%get3A_240, %get3A_241] {strides = array<i32>} : memref<128x128xf32, #tpu.memory_space<vmem>>, vector<1x16xf32>,
        %get3A_243 = vector.shape_cast %get3A_242 : vector<1x16xf32> to vector<16xf32>
        %get3A_244 = arith.constant 16 : index
        %get3A_245 = tpu.vector_load %arg14[%get3A_244] {strides = array<i32>} : memref<128xf32, #tpu.memory_space<vmem>>, vector<16xf32>,
        %get3A_246 = vector.shape_cast %get3A_245 : vector<16xf32> to vector<16xf32>
        %mul3A_247 = vector.broadcast %squeeze3A_213 : f32 to vector<16xf32>
        %mul3A_248 = arith.mulf %mul3A_247, %get3A_246 : vector<16xf32>
        %add3A_249 = arith.addf %get3A_243, %mul3A_248 : vector<16xf32>
        %get3A_250 = arith.constant 16 : index
        %get3A_251 = tpu.vector_load %arg15[%get3A_250] {strides = array<i32>} : memref<128xf32, #tpu.memory_space<vmem>>, vector<16xf32>,
        %get3A_252 = vector.shape_cast %get3A_251 : vector<16xf32> to vector<16xf32>
        %add3A_253 = arith.addf %add3A_249, %get3A_252 : vector<16xf32>
        %max3A_254 = arith.constant 0.000000e+00 : f32
        %max3A_255 = vector.broadcast %max3A_254 : f32 to vector<16xf32>
        %max3A_256 = arith.maximumf %add3A_253, %max3A_255 : vector<16xf32>
        %swap3A_257 = arith.index_cast %add3A_217 : i32 to index
        %swap3A_258 = arith.constant 16 : index
        %swap3A_259 = tpu.vector_load %arg13[%swap3A_257, %swap3A_258] {strides = array<i32>} : memref<128x128xf32, #tpu.memory_space<vmem>>, vector<1x16xf32>,
        %swap3A_260 = vector.shape_cast %swap3A_259 : vector<1x16xf32> to vector<16xf32>
        %swap3A_261 = vector.shape_cast %max3A_256 : vector<16xf32> to vector<1x16xf32>
        tpu.vector_store %arg13[%swap3A_257, %swap3A_258], %swap3A_261 {strides = array<i32>} : memref<128x128xf32, #tpu.memory_space<vmem>>, vector<1x16xf32>,
        %get3A_262 = arith.index_cast %add3A_217 : i32 to index
        %get3A_263 = arith.constant 32 : index
        %get3A_264 = tpu.vector_load %arg13[%get3A_262, %get3A_263] {strides = array<i32>} : memref<128x128xf32, #tpu.memory_space<vmem>>, vector<1x16xf32>,
        %get3A_265 = vector.shape_cast %get3A_264 : vector<1x16xf32> to vector<16xf32>
        %get3A_266 = arith.constant 32 : index
        %get3A_267 = tpu.vector_load %arg14[%get3A_266] {strides = array<i32>} : memref<128xf32, #tpu.memory_space<vmem>>, vector<16xf32>,
        %get3A_268 = vector.shape_cast %get3A_267 : vector<16xf32> to vector<16xf32>
        %mul3A_269 = vector.broadcast %squeeze3A_213 : f32 to vector<16xf32>
        %mul3A_270 = arith.mulf %mul3A_269, %get3A_268 : vector<16xf32>
        %add3A_271 = arith.addf %get3A_265, %mul3A_270 : vector<16xf32>
        %get3A_272 = arith.constant 32 : index
        %get3A_273 = tpu.vector_load %arg15[%get3A_272] {strides = array<i32>} : memref<128xf32, #tpu.memory_space<vmem>>, vector<16xf32>,
        %get3A_274 = vector.shape_cast %get3A_273 : vector<16xf32> to vector<16xf32>
        %add3A_275 = arith.addf %add3A_271, %get3A_274 : vector<16xf32>
        %max3A_276 = arith.constant 0.000000e+00 : f32
        %max3A_277 = vector.broadcast %max3A_276 : f32 to vector<16xf32>
        %max3A_278 = arith.maximumf %add3A_275, %max3A_277 : vector<16xf32>
        %swap3A_279 = arith.index_cast %add3A_217 : i32 to index
        %swap3A_280 = arith.constant 32 : index
        %swap3A_281 = tpu.vector_load %arg13[%swap3A_279, %swap3A_280] {strides = array<i32>} : memref<128x128xf32, #tpu.memory_space<vmem>>, vector<1x16xf32>,
        %swap3A_282 = vector.shape_cast %swap3A_281 : vector<1x16xf32> to vector<16xf32>
        %swap3A_283 = vector.shape_cast %max3A_278 : vector<16xf32> to vector<1x16xf32>
        tpu.vector_store %arg13[%swap3A_279, %swap3A_280], %swap3A_283 {strides = array<i32>} : memref<128x128xf32, #tpu.memory_space<vmem>>, vector<1x16xf32>,
        %get3A_284 = arith.index_cast %add3A_217 : i32 to index
        %get3A_285 = arith.constant 48 : index
        %get3A_286 = tpu.vector_load %arg13[%get3A_284, %get3A_285] {strides = array<i32>} : memref<128x128xf32, #tpu.memory_space<vmem>>, vector<1x16xf32>,
        %get3A_287 = vector.shape_cast %get3A_286 : vector<1x16xf32> to vector<16xf32>
        %get3A_288 = arith.constant 48 : index
        %get3A_289 = tpu.vector_load %arg14[%get3A_288] {strides = array<i32>} : memref<128xf32, #tpu.memory_space<vmem>>, vector<16xf32>,
        %get3A_290 = vector.shape_cast %get3A_289 : vector<16xf32> to vector<16xf32>
        %mul3A_291 = vector.broadcast %squeeze3A_213 : f32 to vector<16xf32>
        %mul3A_292 = arith.mulf %mul3A_291, %get3A_290 : vector<16xf32>
        %add3A_293 = arith.addf %get3A_287, %mul3A_292 : vector<16xf32>
        %get3A_294 = arith.constant 48 : index
        %get3A_295 = tpu.vector_load %arg15[%get3A_294] {strides = array<i32>} : memref<128xf32, #tpu.memory_space<vmem>>, vector<16xf32>,
        %get3A_296 = vector.shape_cast %get3A_295 : vector<16xf32> to vector<16xf32>
        %add3A_297 = arith.addf %add3A_293, %get3A_296 : vector<16xf32>
        %max3A_298 = arith.constant 0.000000e+00 : f32
        %max3A_299 = vector.broadcast %max3A_298 : f32 to vector<16xf32>
        %max3A_300 = arith.maximumf %add3A_297, %max3A_299 : vector<16xf32>
        %swap3A_301 = arith.index_cast %add3A_217 : i32 to index
        %swap3A_302 = arith.constant 48 : index
        %swap3A_303 = tpu.vector_load %arg13[%swap3A_301, %swap3A_302] {strides = array<i32>} : memref<128x128xf32, #tpu.memory_space<vmem>>, vector<1x16xf32>,
        %swap3A_304 = vector.shape_cast %swap3A_303 : vector<1x16xf32> to vector<16xf32>
        %swap3A_305 = vector.shape_cast %max3A_300 : vector<16xf32> to vector<1x16xf32>
        tpu.vector_store %arg13[%swap3A_301, %swap3A_302], %swap3A_305 {strides = array<i32>} : memref<128x128xf32, #tpu.memory_space<vmem>>, vector<1x16xf32>,
        %get3A_306 = arith.index_cast %add3A_217 : i32 to index
        %get3A_307 = arith.constant 64 : index
        %get3A_308 = tpu.vector_load %arg13[%get3A_306, %get3A_307] {strides = array<i32>} : memref<128x128xf32, #tpu.memory_space<vmem>>, vector<1x16xf32>,
        %get3A_309 = vector.shape_cast %get3A_308 : vector<1x16xf32> to vector<16xf32>
        %get3A_310 = arith.constant 64 : index
        %get3A_311 = tpu.vector_load %arg14[%get3A_310] {strides = array<i32>} : memref<128xf32, #tpu.memory_space<vmem>>, vector<16xf32>,
        %get3A_312 = vector.shape_cast %get3A_311 : vector<16xf32> to vector<16xf32>
        %mul3A_313 = vector.broadcast %squeeze3A_213 : f32 to vector<16xf32>
        %mul3A_314 = arith.mulf %mul3A_313, %get3A_312 : vector<16xf32>
        %add3A_315 = arith.addf %get3A_309, %mul3A_314 : vector<16xf32>
        %get3A_316 = arith.constant 64 : index
        %get3A_317 = tpu.vector_load %arg15[%get3A_316] {strides = array<i32>} : memref<128xf32, #tpu.memory_space<vmem>>, vector<16xf32>,
        %get3A_318 = vector.shape_cast %get3A_317 : vector<16xf32> to vector<16xf32>
        %add3A_319 = arith.addf %add3A_315, %get3A_318 : vector<16xf32>
        %max3A_320 = arith.constant 0.000000e+00 : f32
        %max3A_321 = vector.broadcast %max3A_320 : f32 to vector<16xf32>
        %max3A_322 = arith.maximumf %add3A_319, %max3A_321 : vector<16xf32>
        %swap3A_323 = arith.index_cast %add3A_217 : i32 to index
        %swap3A_324 = arith.constant 64 : index
        %swap3A_325 = tpu.vector_load %arg13[%swap3A_323, %swap3A_324] {strides = array<i32>} : memref<128x128xf32, #tpu.memory_space<vmem>>, vector<1x16xf32>,
        %swap3A_326 = vector.shape_cast %swap3A_325 : vector<1x16xf32> to vector<16xf32>
        %swap3A_327 = vector.shape_cast %max3A_322 : vector<16xf32> to vector<1x16xf32>
        tpu.vector_store %arg13[%swap3A_323, %swap3A_324], %swap3A_327 {strides = array<i32>} : memref<128x128xf32, #tpu.memory_space<vmem>>, vector<1x16xf32>,
        %get3A_328 = arith.index_cast %add3A_217 : i32 to index
        %get3A_329 = arith.constant 80 : index
        %get3A_330 = tpu.vector_load %arg13[%get3A_328, %get3A_329] {strides = array<i32>} : memref<128x128xf32, #tpu.memory_space<vmem>>, vector<1x16xf32>,
        %get3A_331 = vector.shape_cast %get3A_330 : vector<1x16xf32> to vector<16xf32>
        %get3A_332 = arith.constant 80 : index
        %get3A_333 = tpu.vector_load %arg14[%get3A_332] {strides = array<i32>} : memref<128xf32, #tpu.memory_space<vmem>>, vector<16xf32>,
        %get3A_334 = vector.shape_cast %get3A_333 : vector<16xf32> to vector<16xf32>
        %mul3A_335 = vector.broadcast %squeeze3A_213 : f32 to vector<16xf32>
        %mul3A_336 = arith.mulf %mul3A_335, %get3A_334 : vector<16xf32>
        %add3A_337 = arith.addf %get3A_331, %mul3A_336 : vector<16xf32>
        %get3A_338 = arith.constant 80 : index
        %get3A_339 = tpu.vector_load %arg15[%get3A_338] {strides = array<i32>} : memref<128xf32, #tpu.memory_space<vmem>>, vector<16xf32>,
        %get3A_340 = vector.shape_cast %get3A_339 : vector<16xf32> to vector<16xf32>
        %add3A_341 = arith.addf %add3A_337, %get3A_340 : vector<16xf32>
        %max3A_342 = arith.constant 0.000000e+00 : f32
        %max3A_343 = vector.broadcast %max3A_342 : f32 to vector<16xf32>
        %max3A_344 = arith.maximumf %add3A_341, %max3A_343 : vector<16xf32>
        %swap3A_345 = arith.index_cast %add3A_217 : i32 to index
        %swap3A_346 = arith.constant 80 : index
        %swap3A_347 = tpu.vector_load %arg13[%swap3A_345, %swap3A_346] {strides = array<i32>} : memref<128x128xf32, #tpu.memory_space<vmem>>, vector<1x16xf32>,
        %swap3A_348 = vector.shape_cast %swap3A_347 : vector<1x16xf32> to vector<16xf32>
        %swap3A_349 = vector.shape_cast %max3A_344 : vector<16xf32> to vector<1x16xf32>
        tpu.vector_store %arg13[%swap3A_345, %swap3A_346], %swap3A_349 {strides = array<i32>} : memref<128x128xf32, #tpu.memory_space<vmem>>, vector<1x16xf32>,
        %get3A_350 = arith.index_cast %add3A_217 : i32 to index
        %get3A_351 = arith.constant 96 : index
        %get3A_352 = tpu.vector_load %arg13[%get3A_350, %get3A_351] {strides = array<i32>} : memref<128x128xf32, #tpu.memory_space<vmem>>, vector<1x16xf32>,
        %get3A_353 = vector.shape_cast %get3A_352 : vector<1x16xf32> to vector<16xf32>
        %get3A_354 = arith.constant 96 : index
        %get3A_355 = tpu.vector_load %arg14[%get3A_354] {strides = array<i32>} : memref<128xf32, #tpu.memory_space<vmem>>, vector<16xf32>,
        %get3A_356 = vector.shape_cast %get3A_355 : vector<16xf32> to vector<16xf32>
        %mul3A_357 = vector.broadcast %squeeze3A_213 : f32 to vector<16xf32>
        %mul3A_358 = arith.mulf %mul3A_357, %get3A_356 : vector<16xf32>
        %add3A_359 = arith.addf %get3A_353, %mul3A_358 : vector<16xf32>
        %get3A_360 = arith.constant 96 : index
        %get3A_361 = tpu.vector_load %arg15[%get3A_360] {strides = array<i32>} : memref<128xf32, #tpu.memory_space<vmem>>, vector<16xf32>,
        %get3A_362 = vector.shape_cast %get3A_361 : vector<16xf32> to vector<16xf32>
        %add3A_363 = arith.addf %add3A_359, %get3A_362 : vector<16xf32>
        %max3A_364 = arith.constant 0.000000e+00 : f32
        %max3A_365 = vector.broadcast %max3A_364 : f32 to vector<16xf32>
        %max3A_366 = arith.maximumf %add3A_363, %max3A_365 : vector<16xf32>
        %swap3A_367 = arith.index_cast %add3A_217 : i32 to index
        %swap3A_368 = arith.constant 96 : index
        %swap3A_369 = tpu.vector_load %arg13[%swap3A_367, %swap3A_368] {strides = array<i32>} : memref<128x128xf32, #tpu.memory_space<vmem>>, vector<1x16xf32>,
        %swap3A_370 = vector.shape_cast %swap3A_369 : vector<1x16xf32> to vector<16xf32>
        %swap3A_371 = vector.shape_cast %max3A_366 : vector<16xf32> to vector<1x16xf32>
        tpu.vector_store %arg13[%swap3A_367, %swap3A_368], %swap3A_371 {strides = array<i32>} : memref<128x128xf32, #tpu.memory_space<vmem>>, vector<1x16xf32>,
        %get3A_372 = arith.index_cast %add3A_217 : i32 to index
        %get3A_373 = arith.constant 112 : index
        %get3A_374 = tpu.vector_load %arg13[%get3A_372, %get3A_373] {strides = array<i32>} : memref<128x128xf32, #tpu.memory_space<vmem>>, vector<1x16xf32>,
        %get3A_375 = vector.shape_cast %get3A_374 : vector<1x16xf32> to vector<16xf32>
        %get3A_376 = arith.constant 112 : index
        %get3A_377 = tpu.vector_load %arg14[%get3A_376] {strides = array<i32>} : memref<128xf32, #tpu.memory_space<vmem>>, vector<16xf32>,
        %get3A_378 = vector.shape_cast %get3A_377 : vector<16xf32> to vector<16xf32>
        %mul3A_379 = vector.broadcast %squeeze3A_213 : f32 to vector<16xf32>
        %mul3A_380 = arith.mulf %mul3A_379, %get3A_378 : vector<16xf32>
        %add3A_381 = arith.addf %get3A_375, %mul3A_380 : vector<16xf32>
        %get3A_382 = arith.constant 112 : index
        %get3A_383 = tpu.vector_load %arg15[%get3A_382] {strides = array<i32>} : memref<128xf32, #tpu.memory_space<vmem>>, vector<16xf32>,
        %get3A_384 = vector.shape_cast %get3A_383 : vector<16xf32> to vector<16xf32>
        %add3A_385 = arith.addf %add3A_381, %get3A_384 : vector<16xf32>
        %max3A_386 = arith.constant 0.000000e+00 : f32
        %max3A_387 = vector.broadcast %max3A_386 : f32 to vector<16xf32>
        %max3A_388 = arith.maximumf %add3A_385, %max3A_387 : vector<16xf32>
        %swap3A_389 = arith.index_cast %add3A_217 : i32 to index
        %swap3A_390 = arith.constant 112 : index
        %swap3A_391 = tpu.vector_load %arg13[%swap3A_389, %swap3A_390] {strides = array<i32>} : memref<128x128xf32, #tpu.memory_space<vmem>>, vector<1x16xf32>,
        %swap3A_392 = vector.shape_cast %swap3A_391 : vector<1x16xf32> to vector<16xf32>
        %swap3A_393 = vector.shape_cast %max3A_388 : vector<16xf32> to vector<1x16xf32>
        tpu.vector_store %arg13[%swap3A_389, %swap3A_390], %swap3A_393 {strides = array<i32>} : memref<128x128xf32, #tpu.memory_space<vmem>>, vector<1x16xf32>,
        %slice3A_394 = vector.extract_strided_slice %get3A_33 {offsets = [2], sizes = [1], strides = [1]} : vector<16xf32> to vector<1xf32>
        %squeeze3A_395 = vector.extract %slice3A_394[0] : f32 from vector<1xf32>
        %mul3A_396 = arith.constant 16 : i32
        %mul3A_397 = arith.muli %scan3A_29, %mul3A_396 : i32
        %add3A_398 = arith.constant 2 : i32
        %add3A_399 = arith.addi %mul3A_397, %add3A_398 : i32
        %get3A_400 = arith.index_cast %add3A_399 : i32 to index
        %get3A_401 = arith.constant 0 : index
        %get3A_402 = tpu.vector_load %arg13[%get3A_400, %get3A_401] {strides = array<i32>} : memref<128x128xf32, #tpu.memory_space<vmem>>, vector<1x16xf32>,
        %get3A_403 = vector.shape_cast %get3A_402 : vector<1x16xf32> to vector<16xf32>
        %get3A_404 = arith.constant 0 : index
        %get3A_405 = tpu.vector_load %arg14[%get3A_404] {strides = array<i32>} : memref<128xf32, #tpu.memory_space<vmem>>, vector<16xf32>,
        %get3A_406 = vector.shape_cast %get3A_405 : vector<16xf32> to vector<16xf32>
        %mul3A_407 = vector.broadcast %squeeze3A_395 : f32 to vector<16xf32>
        %mul3A_408 = arith.mulf %mul3A_407, %get3A_406 : vector<16xf32>
        %add3A_409 = arith.addf %get3A_403, %mul3A_408 : vector<16xf32>
        %get3A_410 = arith.constant 0 : index
        %get3A_411 = tpu.vector_load %arg15[%get3A_410] {strides = array<i32>} : memref<128xf32, #tpu.memory_space<vmem>>, vector<16xf32>,
        %get3A_412 = vector.shape_cast %get3A_411 : vector<16xf32> to vector<16xf32>
        %add3A_413 = arith.addf %add3A_409, %get3A_412 : vector<16xf32>
        %max3A_414 = arith.constant 0.000000e+00 : f32
        %max3A_415 = vector.broadcast %max3A_414 : f32 to vector<16xf32>
        %max3A_416 = arith.maximumf %add3A_413, %max3A_415 : vector<16xf32>
        %swap3A_417 = arith.index_cast %add3A_399 : i32 to index
        %swap3A_418 = arith.constant 0 : index
        %swap3A_419 = tpu.vector_load %arg13[%swap3A_417, %swap3A_418] {strides = array<i32>} : memref<128x128xf32, #tpu.memory_space<vmem>>, vector<1x16xf32>,
        %swap3A_420 = vector.shape_cast %swap3A_419 : vector<1x16xf32> to vector<16xf32>
        %swap3A_421 = vector.shape_cast %max3A_416 : vector<16xf32> to vector<1x16xf32>
        tpu.vector_store %arg13[%swap3A_417, %swap3A_418], %swap3A_421 {strides = array<i32>} : memref<128x128xf32, #tpu.memory_space<vmem>>, vector<1x16xf32>,
        %get3A_422 = arith.index_cast %add3A_399 : i32 to index
        %get3A_423 = arith.constant 16 : index
        %get3A_424 = tpu.vector_load %arg13[%get3A_422, %get3A_423] {strides = array<i32>} : memref<128x128xf32, #tpu.memory_space<vmem>>, vector<1x16xf32>,
        %get3A_425 = vector.shape_cast %get3A_424 : vector<1x16xf32> to vector<16xf32>
        %get3A_426 = arith.constant 16 : index
        %get3A_427 = tpu.vector_load %arg14[%get3A_426] {strides = array<i32>} : memref<128xf32, #tpu.memory_space<vmem>>, vector<16xf32>,
        %get3A_428 = vector.shape_cast %get3A_427 : vector<16xf32> to vector<16xf32>
        %mul3A_429 = vector.broadcast %squeeze3A_395 : f32 to vector<16xf32>
        %mul3A_430 = arith.mulf %mul3A_429, %get3A_428 : vector<16xf32>
        %add3A_431 = arith.addf %get3A_425, %mul3A_430 : vector<16xf32>
        %get3A_432 = arith.constant 16 : index
        %get3A_433 = tpu.vector_load %arg15[%get3A_432] {strides = array<i32>} : memref<128xf32, #tpu.memory_space<vmem>>, vector<16xf32>,
        %get3A_434 = vector.shape_cast %get3A_433 : vector<16xf32> to vector<16xf32>
        %add3A_435 = arith.addf %add3A_431, %get3A_434 : vector<16xf32>
        %max3A_436 = arith.constant 0.000000e+00 : f32
        %max3A_437 = vector.broadcast %max3A_436 : f32 to vector<16xf32>
        %max3A_438 = arith.maximumf %add3A_435, %max3A_437 : vector<16xf32>
        %swap3A_439 = arith.index_cast %add3A_399 : i32 to index
        %swap3A_440 = arith.constant 16 : index
        %swap3A_441 = tpu.vector_load %arg13[%swap3A_439, %swap3A_440] {strides = array<i32>} : memref<128x128xf32, #tpu.memory_space<vmem>>, vector<1x16xf32>,
        %swap3A_442 = vector.shape_cast %swap3A_441 : vector<1x16xf32> to vector<16xf32>
        %swap3A_443 = vector.shape_cast %max3A_438 : vector<16xf32> to vector<1x16xf32>
        tpu.vector_store %arg13[%swap3A_439, %swap3A_440], %swap3A_443 {strides = array<i32>} : memref<128x128xf32, #tpu.memory_space<vmem>>, vector<1x16xf32>,
        %get3A_444 = arith.index_cast %add3A_399 : i32 to index
        %get3A_445 = arith.constant 32 : index
        %get3A_446 = tpu.vector_load %arg13[%get3A_444, %get3A_445] {strides = array<i32>} : memref<128x128xf32, #tpu.memory_space<vmem>>, vector<1x16xf32>,
        %get3A_447 = vector.shape_cast %get3A_446 : vector<1x16xf32> to vector<16xf32>
        %get3A_448 = arith.constant 32 : index
        %get3A_449 = tpu.vector_load %arg14[%get3A_448] {strides = array<i32>} : memref<128xf32, #tpu.memory_space<vmem>>, vector<16xf32>,
        %get3A_450 = vector.shape_cast %get3A_449 : vector<16xf32> to vector<16xf32>
        %mul3A_451 = vector.broadcast %squeeze3A_395 : f32 to vector<16xf32>
        %mul3A_452 = arith.mulf %mul3A_451, %get3A_450 : vector<16xf32>
        %add3A_453 = arith.addf %get3A_447, %mul3A_452 : vector<16xf32>
        %get3A_454 = arith.constant 32 : index
        %get3A_455 = tpu.vector_load %arg15[%get3A_454] {strides = array<i32>} : memref<128xf32, #tpu.memory_space<vmem>>, vector<16xf32>,
        %get3A_456 = vector.shape_cast %get3A_455 : vector<16xf32> to vector<16xf32>
        %add3A_457 = arith.addf %add3A_453, %get3A_456 : vector<16xf32>
        %max3A_458 = arith.constant 0.000000e+00 : f32
        %max3A_459 = vector.broadcast %max3A_458 : f32 to vector<16xf32>
        %max3A_460 = arith.maximumf %add3A_457, %max3A_459 : vector<16xf32>
        %swap3A_461 = arith.index_cast %add3A_399 : i32 to index
        %swap3A_462 = arith.constant 32 : index
        %swap3A_463 = tpu.vector_load %arg13[%swap3A_461, %swap3A_462] {strides = array<i32>} : memref<128x128xf32, #tpu.memory_space<vmem>>, vector<1x16xf32>,
        %swap3A_464 = vector.shape_cast %swap3A_463 : vector<1x16xf32> to vector<16xf32>
        %swap3A_465 = vector.shape_cast %max3A_460 : vector<16xf32> to vector<1x16xf32>
        tpu.vector_store %arg13[%swap3A_461, %swap3A_462], %swap3A_465 {strides = array<i32>} : memref<128x128xf32, #tpu.memory_space<vmem>>, vector<1x16xf32>,
        %get3A_466 = arith.index_cast %add3A_399 : i32 to index
        %get3A_467 = arith.constant 48 : index
        %get3A_468 = tpu.vector_load %arg13[%get3A_466, %get3A_467] {strides = array<i32>} : memref<128x128xf32, #tpu.memory_space<vmem>>, vector<1x16xf32>,
        %get3A_469 = vector.shape_cast %get3A_468 : vector<1x16xf32> to vector<16xf32>
        %get3A_470 = arith.constant 48 : index
        %get3A_471 = tpu.vector_load %arg14[%get3A_470] {strides = array<i32>} : memref<128xf32, #tpu.memory_space<vmem>>, vector<16xf32>,
        %get3A_472 = vector.shape_cast %get3A_471 : vector<16xf32> to vector<16xf32>
        %mul3A_473 = vector.broadcast %squeeze3A_395 : f32 to vector<16xf32>
        %mul3A_474 = arith.mulf %mul3A_473, %get3A_472 : vector<16xf32>
        %add3A_475 = arith.addf %get3A_469, %mul3A_474 : vector<16xf32>
        %get3A_476 = arith.constant 48 : index
        %get3A_477 = tpu.vector_load %arg15[%get3A_476] {strides = array<i32>} : memref<128xf32, #tpu.memory_space<vmem>>, vector<16xf32>,
        %get3A_478 = vector.shape_cast %get3A_477 : vector<16xf32> to vector<16xf32>
        %add3A_479 = arith.addf %add3A_475, %get3A_478 : vector<16xf32>
        %max3A_480 = arith.constant 0.000000e+00 : f32
        %max3A_481 = vector.broadcast %max3A_480 : f32 to vector<16xf32>
        %max3A_482 = arith.maximumf %add3A_479, %max3A_481 : vector<16xf32>
        %swap3A_483 = arith.index_cast %add3A_399 : i32 to index
        %swap3A_484 = arith.constant 48 : index
        %swap3A_485 = tpu.vector_load %arg13[%swap3A_483, %swap3A_484] {strides = array<i32>} : memref<128x128xf32, #tpu.memory_space<vmem>>, vector<1x16xf32>,
        %swap3A_486 = vector.shape_cast %swap3A_485 : vector<1x16xf32> to vector<16xf32>
        %swap3A_487 = vector.shape_cast %max3A_482 : vector<16xf32> to vector<1x16xf32>
        tpu.vector_store %arg13[%swap3A_483, %swap3A_484], %swap3A_487 {strides = array<i32>} : memref<128x128xf32, #tpu.memory_space<vmem>>, vector<1x16xf32>,
        %get3A_488 = arith.index_cast %add3A_399 : i32 to index
        %get3A_489 = arith.constant 64 : index
        %get3A_490 = tpu.vector_load %arg13[%get3A_488, %get3A_489] {strides = array<i32>} : memref<128x128xf32, #tpu.memory_space<vmem>>, vector<1x16xf32>,
        %get3A_491 = vector.shape_cast %get3A_490 : vector<1x16xf32> to vector<16xf32>
        %get3A_492 = arith.constant 64 : index
        %get3A_493 = tpu.vector_load %arg14[%get3A_492] {strides = array<i32>} : memref<128xf32, #tpu.memory_space<vmem>>, vector<16xf32>,
        %get3A_494 = vector.shape_cast %get3A_493 : vector<16xf32> to vector<16xf32>
        %mul3A_495 = vector.broadcast %squeeze3A_395 : f32 to vector<16xf32>
        %mul3A_496 = arith.mulf %mul3A_495, %get3A_494 : vector<16xf32>
        %add3A_497 = arith.addf %get3A_491, %mul3A_496 : vector<16xf32>
        %get3A_498 = arith.constant 64 : index
        %get3A_499 = tpu.vector_load %arg15[%get3A_498] {strides = array<i32>} : memref<128xf32, #tpu.memory_space<vmem>>, vector<16xf32>,
        %get3A_500 = vector.shape_cast %get3A_499 : vector<16xf32> to vector<16xf32>
        %add3A_501 = arith.addf %add3A_497, %get3A_500 : vector<16xf32>
        %max3A_502 = arith.constant 0.000000e+00 : f32
        %max3A_503 = vector.broadcast %max3A_502 : f32 to vector<16xf32>
        %max3A_504 = arith.maximumf %add3A_501, %max3A_503 : vector<16xf32>
        %swap3A_505 = arith.index_cast %add3A_399 : i32 to index
        %swap3A_506 = arith.constant 64 : index
        %swap3A_507 = tpu.vector_load %arg13[%swap3A_505, %swap3A_506] {strides = array<i32>} : memref<128x128xf32, #tpu.memory_space<vmem>>, vector<1x16xf32>,
        %swap3A_508 = vector.shape_cast %swap3A_507 : vector<1x16xf32> to vector<16xf32>
        %swap3A_509 = vector.shape_cast %max3A_504 : vector<16xf32> to vector<1x16xf32>
        tpu.vector_store %arg13[%swap3A_505, %swap3A_506], %swap3A_509 {strides = array<i32>} : memref<128x128xf32, #tpu.memory_space<vmem>>, vector<1x16xf32>,
        %get3A_510 = arith.index_cast %add3A_399 : i32 to index
        %get3A_511 = arith.constant 80 : index
        %get3A_512 = tpu.vector_load %arg13[%get3A_510, %get3A_511] {strides = array<i32>} : memref<128x128xf32, #tpu.memory_space<vmem>>, vector<1x16xf32>,
        %get3A_513 = vector.shape_cast %get3A_512 : vector<1x16xf32> to vector<16xf32>
        %get3A_514 = arith.constant 80 : index
        %get3A_515 = tpu.vector_load %arg14[%get3A_514] {strides = array<i32>} : memref<128xf32, #tpu.memory_space<vmem>>, vector<16xf32>,
        %get3A_516 = vector.shape_cast %get3A_515 : vector<16xf32> to vector<16xf32>
        %mul3A_517 = vector.broadcast %squeeze3A_395 : f32 to vector<16xf32>
        %mul3A_518 = arith.mulf %mul3A_517, %get3A_516 : vector<16xf32>
        %add3A_519 = arith.addf %get3A_513, %mul3A_518 : vector<16xf32>
        %get3A_520 = arith.constant 80 : index
        %get3A_521 = tpu.vector_load %arg15[%get3A_520] {strides = array<i32>} : memref<128xf32, #tpu.memory_space<vmem>>, vector<16xf32>,
        %get3A_522 = vector.shape_cast %get3A_521 : vector<16xf32> to vector<16xf32>
        %add3A_523 = arith.addf %add3A_519, %get3A_522 : vector<16xf32>
        %max3A_524 = arith.constant 0.000000e+00 : f32
        %max3A_525 = vector.broadcast %max3A_524 : f32 to vector<16xf32>
        %max3A_526 = arith.maximumf %add3A_523, %max3A_525 : vector<16xf32>
        %swap3A_527 = arith.index_cast %add3A_399 : i32 to index
        %swap3A_528 = arith.constant 80 : index
        %swap3A_529 = tpu.vector_load %arg13[%swap3A_527, %swap3A_528] {strides = array<i32>} : memref<128x128xf32, #tpu.memory_space<vmem>>, vector<1x16xf32>,
        %swap3A_530 = vector.shape_cast %swap3A_529 : vector<1x16xf32> to vector<16xf32>
        %swap3A_531 = vector.shape_cast %max3A_526 : vector<16xf32> to vector<1x16xf32>
        tpu.vector_store %arg13[%swap3A_527, %swap3A_528], %swap3A_531 {strides = array<i32>} : memref<128x128xf32, #tpu.memory_space<vmem>>, vector<1x16xf32>,
        %get3A_532 = arith.index_cast %add3A_399 : i32 to index
        %get3A_533 = arith.constant 96 : index
        %get3A_534 = tpu.vector_load %arg13[%get3A_532, %get3A_533] {strides = array<i32>} : memref<128x128xf32, #tpu.memory_space<vmem>>, vector<1x16xf32>,
        %get3A_535 = vector.shape_cast %get3A_534 : vector<1x16xf32> to vector<16xf32>
        %get3A_536 = arith.constant 96 : index
        %get3A_537 = tpu.vector_load %arg14[%get3A_536] {strides = array<i32>} : memref<128xf32, #tpu.memory_space<vmem>>, vector<16xf32>,
        %get3A_538 = vector.shape_cast %get3A_537 : vector<16xf32> to vector<16xf32>
        %mul3A_539 = vector.broadcast %squeeze3A_395 : f32 to vector<16xf32>
        %mul3A_540 = arith.mulf %mul3A_539, %get3A_538 : vector<16xf32>
        %add3A_541 = arith.addf %get3A_535, %mul3A_540 : vector<16xf32>
        %get3A_542 = arith.constant 96 : index
        %get3A_543 = tpu.vector_load %arg15[%get3A_542] {strides = array<i32>} : memref<128xf32, #tpu.memory_space<vmem>>, vector<16xf32>,
        %get3A_544 = vector.shape_cast %get3A_543 : vector<16xf32> to vector<16xf32>
        %add3A_545 = arith.addf %add3A_541, %get3A_544 : vector<16xf32>
        %max3A_546 = arith.constant 0.000000e+00 : f32
        %max3A_547 = vector.broadcast %max3A_546 : f32 to vector<16xf32>
        %max3A_548 = arith.maximumf %add3A_545, %max3A_547 : vector<16xf32>
        %swap3A_549 = arith.index_cast %add3A_399 : i32 to index
        %swap3A_550 = arith.constant 96 : index
        %swap3A_551 = tpu.vector_load %arg13[%swap3A_549, %swap3A_550] {strides = array<i32>} : memref<128x128xf32, #tpu.memory_space<vmem>>, vector<1x16xf32>,
        %swap3A_552 = vector.shape_cast %swap3A_551 : vector<1x16xf32> to vector<16xf32>
        %swap3A_553 = vector.shape_cast %max3A_548 : vector<16xf32> to vector<1x16xf32>
        tpu.vector_store %arg13[%swap3A_549, %swap3A_550], %swap3A_553 {strides = array<i32>} : memref<128x128xf32, #tpu.memory_space<vmem>>, vector<1x16xf32>,
        %get3A_554 = arith.index_cast %add3A_399 : i32 to index
        %get3A_555 = arith.constant 112 : index
        %get3A_556 = tpu.vector_load %arg13[%get3A_554, %get3A_555] {strides = array<i32>} : memref<128x128xf32, #tpu.memory_space<vmem>>, vector<1x16xf32>,
        %get3A_557 = vector.shape_cast %get3A_556 : vector<1x16xf32> to vector<16xf32>
        %get3A_558 = arith.constant 112 : index
        %get3A_559 = tpu.vector_load %arg14[%get3A_558] {strides = array<i32>} : memref<128xf32, #tpu.memory_space<vmem>>, vector<16xf32>,
        %get3A_560 = vector.shape_cast %get3A_559 : vector<16xf32> to vector<16xf32>
        %mul3A_561 = vector.broadcast %squeeze3A_395 : f32 to vector<16xf32>
        %mul3A_562 = arith.mulf %mul3A_561, %get3A_560 : vector<16xf32>
        %add3A_563 = arith.addf %get3A_557, %mul3A_562 : vector<16xf32>
        %get3A_564 = arith.constant 112 : index
        %get3A_565 = tpu.vector_load %arg15[%get3A_564] {strides = array<i32>} : memref<128xf32, #tpu.memory_space<vmem>>, vector<16xf32>,
        %get3A_566 = vector.shape_cast %get3A_565 : vector<16xf32> to vector<16xf32>
        %add3A_567 = arith.addf %add3A_563, %get3A_566 : vector<16xf32>
        %max3A_568 = arith.constant 0.000000e+00 : f32
        %max3A_569 = vector.broadcast %max3A_568 : f32 to vector<16xf32>
        %max3A_570 = arith.maximumf %add3A_567, %max3A_569 : vector<16xf32>
        %swap3A_571 = arith.index_cast %add3A_399 : i32 to index
        %swap3A_572 = arith.constant 112 : index
        %swap3A_573 = tpu.vector_load %arg13[%swap3A_571, %swap3A_572] {strides = array<i32>} : memref<128x128xf32, #tpu.memory_space<vmem>>, vector<1x16xf32>,
        %swap3A_574 = vector.shape_cast %swap3A_573 : vector<1x16xf32> to vector<16xf32>
        %swap3A_575 = vector.shape_cast %max3A_570 : vector<16xf32> to vector<1x16xf32>
        tpu.vector_store %arg13[%swap3A_571, %swap3A_572], %swap3A_575 {strides = array<i32>} : memref<128x128xf32, #tpu.memory_space<vmem>>, vector<1x16xf32>,
        %slice3A_576 = vector.extract_strided_slice %get3A_33 {offsets = [3], sizes = [1], strides = [1]} : vector<16xf32> to vector<1xf32>
        %squeeze3A_577 = vector.extract %slice3A_576[0] : f32 from vector<1xf32>
        %mul3A_578 = arith.constant 16 : i32
        %mul3A_579 = arith.muli %scan3A_29, %mul3A_578 : i32
        %add3A_580 = arith.constant 3 : i32
        %add3A_581 = arith.addi %mul3A_579, %add3A_580 : i32
        %get3A_582 = arith.index_cast %add3A_581 : i32 to index
        %get3A_583 = arith.constant 0 : index
        %get3A_584 = tpu.vector_load %arg13[%get3A_582, %get3A_583] {strides = array<i32>} : memref<128x128xf32, #tpu.memory_space<vmem>>, vector<1x16xf32>,
        %get3A_585 = vector.shape_cast %get3A_584 : vector<1x16xf32> to vector<16xf32>
        %get3A_586 = arith.constant 0 : index
        %get3A_587 = tpu.vector_load %arg14[%get3A_586] {strides = array<i32>} : memref<128xf32, #tpu.memory_space<vmem>>, vector<16xf32>,
        %get3A_588 = vector.shape_cast %get3A_587 : vector<16xf32> to vector<16xf32>
        %mul3A_589 = vector.broadcast %squeeze3A_577 : f32 to vector<16xf32>
        %mul3A_590 = arith.mulf %mul3A_589, %get3A_588 : vector<16xf32>
        %add3A_591 = arith.addf %get3A_585, %mul3A_590 : vector<16xf32>
        %get3A_592 = arith.constant 0 : index
        %get3A_593 = tpu.vector_load %arg15[%get3A_592] {strides = array<i32>} : memref<128xf32, #tpu.memory_space<vmem>>, vector<16xf32>,
        %get3A_594 = vector.shape_cast %get3A_593 : vector<16xf32> to vector<16xf32>
        %add3A_595 = arith.addf %add3A_591, %get3A_594 : vector<16xf32>
        %max3A_596 = arith.constant 0.000000e+00 : f32
        %max3A_597 = vector.broadcast %max3A_596 : f32 to vector<16xf32>
        %max3A_598 = arith.maximumf %add3A_595, %max3A_597 : vector<16xf32>
        %swap3A_599 = arith.index_cast %add3A_581 : i32 to index
        %swap3A_600 = arith.constant 0 : index
        %swap3A_601 = tpu.vector_load %arg13[%swap3A_599, %swap3A_600] {strides = array<i32>} : memref<128x128xf32, #tpu.memory_space<vmem>>, vector<1x16xf32>,
        %swap3A_602 = vector.shape_cast %swap3A_601 : vector<1x16xf32> to vector<16xf32>
        %swap3A_603 = vector.shape_cast %max3A_598 : vector<16xf32> to vector<1x16xf32>
        tpu.vector_store %arg13[%swap3A_599, %swap3A_600], %swap3A_603 {strides = array<i32>} : memref<128x128xf32, #tpu.memory_space<vmem>>, vector<1x16xf32>,
        %get3A_604 = arith.index_cast %add3A_581 : i32 to index
        %get3A_605 = arith.constant 16 : index
        %get3A_606 = tpu.vector_load %arg13[%get3A_604, %get3A_605] {strides = array<i32>} : memref<128x128xf32, #tpu.memory_space<vmem>>, vector<1x16xf32>,
        %get3A_607 = vector.shape_cast %get3A_606 : vector<1x16xf32> to vector<16xf32>
        %get3A_608 = arith.constant 16 : index
        %get3A_609 = tpu.vector_load %arg14[%get3A_608] {strides = array<i32>} : memref<128xf32, #tpu.memory_space<vmem>>, vector<16xf32>,
        %get3A_610 = vector.shape_cast %get3A_609 : vector<16xf32> to vector<16xf32>
        %mul3A_611 = vector.broadcast %squeeze3A_577 : f32 to vector<16xf32>
        %mul3A_612 = arith.mulf %mul3A_611, %get3A_610 : vector<16xf32>
        %add3A_613 = arith.addf %get3A_607, %mul3A_612 : vector<16xf32>
        %get3A_614 = arith.constant 16 : index
        %get3A_615 = tpu.vector_load %arg15[%get3A_614] {strides = array<i32>} : memref<128xf32, #tpu.memory_space<vmem>>, vector<16xf32>,
        %get3A_616 = vector.shape_cast %get3A_615 : vector<16xf32> to vector<16xf32>
        %add3A_617 = arith.addf %add3A_613, %get3A_616 : vector<16xf32>
        %max3A_618 = arith.constant 0.000000e+00 : f32
        %max3A_619 = vector.broadcast %max3A_618 : f32 to vector<16xf32>
        %max3A_620 = arith.maximumf %add3A_617, %max3A_619 : vector<16xf32>
        %swap3A_621 = arith.index_cast %add3A_581 : i32 to index
        %swap3A_622 = arith.constant 16 : index
        %swap3A_623 = tpu.vector_load %arg13[%swap3A_621, %swap3A_622] {strides = array<i32>} : memref<128x128xf32, #tpu.memory_space<vmem>>, vector<1x16xf32>,
        %swap3A_624 = vector.shape_cast %swap3A_623 : vector<1x16xf32> to vector<16xf32>
        %swap3A_625 = vector.shape_cast %max3A_620 : vector<16xf32> to vector<1x16xf32>
        tpu.vector_store %arg13[%swap3A_621, %swap3A_622], %swap3A_625 {strides = array<i32>} : memref<128x128xf32, #tpu.memory_space<vmem>>, vector<1x16xf32>,
        %get3A_626 = arith.index_cast %add3A_581 : i32 to index
        %get3A_627 = arith.constant 32 : index
        %get3A_628 = tpu.vector_load %arg13[%get3A_626, %get3A_627] {strides = array<i32>} : memref<128x128xf32, #tpu.memory_space<vmem>>, vector<1x16xf32>,
        %get3A_629 = vector.shape_cast %get3A_628 : vector<1x16xf32> to vector<16xf32>
        %get3A_630 = arith.constant 32 : index
        %get3A_631 = tpu.vector_load %arg14[%get3A_630] {strides = array<i32>} : memref<128xf32, #tpu.memory_space<vmem>>, vector<16xf32>,
        %get3A_632 = vector.shape_cast %get3A_631 : vector<16xf32> to vector<16xf32>
        %mul3A_633 = vector.broadcast %squeeze3A_577 : f32 to vector<16xf32>
        %mul3A_634 = arith.mulf %mul3A_633, %get3A_632 : vector<16xf32>
        %add3A_635 = arith.addf %get3A_629, %mul3A_634 : vector<16xf32>
        %get3A_636 = arith.constant 32 : index
        %get3A_637 = tpu.vector_load %arg15[%get3A_636] {strides = array<i32>} : memref<128xf32, #tpu.memory_space<vmem>>, vector<16xf32>,
        %get3A_638 = vector.shape_cast %get3A_637 : vector<16xf32> to vector<16xf32>
        %add3A_639 = arith.addf %add3A_635, %get3A_638 : vector<16xf32>
        %max3A_640 = arith.constant 0.000000e+00 : f32
        %max3A_641 = vector.broadcast %max3A_640 : f32 to vector<16xf32>
        %max3A_642 = arith.maximumf %add3A_639, %max3A_641 : vector<16xf32>
        %swap3A_643 = arith.index_cast %add3A_581 : i32 to index
        %swap3A_644 = arith.constant 32 : index
        %swap3A_645 = tpu.vector_load %arg13[%swap3A_643, %swap3A_644] {strides = array<i32>} : memref<128x128xf32, #tpu.memory_space<vmem>>, vector<1x16xf32>,
        %swap3A_646 = vector.shape_cast %swap3A_645 : vector<1x16xf32> to vector<16xf32>
        %swap3A_647 = vector.shape_cast %max3A_642 : vector<16xf32> to vector<1x16xf32>
        tpu.vector_store %arg13[%swap3A_643, %swap3A_644], %swap3A_647 {strides = array<i32>} : memref<128x128xf32, #tpu.memory_space<vmem>>, vector<1x16xf32>,
        %get3A_648 = arith.index_cast %add3A_581 : i32 to index
        %get3A_649 = arith.constant 48 : index
        %get3A_650 = tpu.vector_load %arg13[%get3A_648, %get3A_649] {strides = array<i32>} : memref<128x128xf32, #tpu.memory_space<vmem>>, vector<1x16xf32>,
        %get3A_651 = vector.shape_cast %get3A_650 : vector<1x16xf32> to vector<16xf32>
        %get3A_652 = arith.constant 48 : index
        %get3A_653 = tpu.vector_load %arg14[%get3A_652] {strides = array<i32>} : memref<128xf32, #tpu.memory_space<vmem>>, vector<16xf32>,
        %get3A_654 = vector.shape_cast %get3A_653 : vector<16xf32> to vector<16xf32>
        %mul3A_655 = vector.broadcast %squeeze3A_577 : f32 to vector<16xf32>
        %mul3A_656 = arith.mulf %mul3A_655, %get3A_654 : vector<16xf32>
        %add3A_657 = arith.addf %get3A_651, %mul3A_656 : vector<16xf32>
        %get3A_658 = arith.constant 48 : index
        %get3A_659 = tpu.vector_load %arg15[%get3A_658] {strides = array<i32>} : memref<128xf32, #tpu.memory_space<vmem>>, vector<16xf32>,
        %get3A_660 = vector.shape_cast %get3A_659 : vector<16xf32> to vector<16xf32>
        %add3A_661 = arith.addf %add3A_657, %get3A_660 : vector<16xf32>
        %max3A_662 = arith.constant 0.000000e+00 : f32
        %max3A_663 = vector.broadcast %max3A_662 : f32 to vector<16xf32>
        %max3A_664 = arith.maximumf %add3A_661, %max3A_663 : vector<16xf32>
        %swap3A_665 = arith.index_cast %add3A_581 : i32 to index
        %swap3A_666 = arith.constant 48 : index
        %swap3A_667 = tpu.vector_load %arg13[%swap3A_665, %swap3A_666] {strides = array<i32>} : memref<128x128xf32, #tpu.memory_space<vmem>>, vector<1x16xf32>,
        %swap3A_668 = vector.shape_cast %swap3A_667 : vector<1x16xf32> to vector<16xf32>
        %swap3A_669 = vector.shape_cast %max3A_664 : vector<16xf32> to vector<1x16xf32>
        tpu.vector_store %arg13[%swap3A_665, %swap3A_666], %swap3A_669 {strides = array<i32>} : memref<128x128xf32, #tpu.memory_space<vmem>>, vector<1x16xf32>,
        %get3A_670 = arith.index_cast %add3A_581 : i32 to index
        %get3A_671 = arith.constant 64 : index
        %get3A_672 = tpu.vector_load %arg13[%get3A_670, %get3A_671] {strides = array<i32>} : memref<128x128xf32, #tpu.memory_space<vmem>>, vector<1x16xf32>,
        %get3A_673 = vector.shape_cast %get3A_672 : vector<1x16xf32> to vector<16xf32>
        %get3A_674 = arith.constant 64 : index
        %get3A_675 = tpu.vector_load %arg14[%get3A_674] {strides = array<i32>} : memref<128xf32, #tpu.memory_space<vmem>>, vector<16xf32>,
        %get3A_676 = vector.shape_cast %get3A_675 : vector<16xf32> to vector<16xf32>
        %mul3A_677 = vector.broadcast %squeeze3A_577 : f32 to vector<16xf32>
        %mul3A_678 = arith.mulf %mul3A_677, %get3A_676 : vector<16xf32>
        %add3A_679 = arith.addf %get3A_673, %mul3A_678 : vector<16xf32>
        %get3A_680 = arith.constant 64 : index
        %get3A_681 = tpu.vector_load %arg15[%get3A_680] {strides = array<i32>} : memref<128xf32, #tpu.memory_space<vmem>>, vector<16xf32>,
        %get3A_682 = vector.shape_cast %get3A_681 : vector<16xf32> to vector<16xf32>
        %add3A_683 = arith.addf %add3A_679, %get3A_682 : vector<16xf32>
        %max3A_684 = arith.constant 0.000000e+00 : f32
        %max3A_685 = vector.broadcast %max3A_684 : f32 to vector<16xf32>
        %max3A_686 = arith.maximumf %add3A_683, %max3A_685 : vector<16xf32>
        %swap3A_687 = arith.index_cast %add3A_581 : i32 to index
        %swap3A_688 = arith.constant 64 : index
        %swap3A_689 = tpu.vector_load %arg13[%swap3A_687, %swap3A_688] {strides = array<i32>} : memref<128x128xf32, #tpu.memory_space<vmem>>, vector<1x16xf32>,
        %swap3A_690 = vector.shape_cast %swap3A_689 : vector<1x16xf32> to vector<16xf32>
        %swap3A_691 = vector.shape_cast %max3A_686 : vector<16xf32> to vector<1x16xf32>
        tpu.vector_store %arg13[%swap3A_687, %swap3A_688], %swap3A_691 {strides = array<i32>} : memref<128x128xf32, #tpu.memory_space<vmem>>, vector<1x16xf32>,
        %get3A_692 = arith.index_cast %add3A_581 : i32 to index
        %get3A_693 = arith.constant 80 : index
        %get3A_694 = tpu.vector_load %arg13[%get3A_692, %get3A_693] {strides = array<i32>} : memref<128x128xf32, #tpu.memory_space<vmem>>, vector<1x16xf32>,
        %get3A_695 = vector.shape_cast %get3A_694 : vector<1x16xf32> to vector<16xf32>
        %get3A_696 = arith.constant 80 : index
        %get3A_697 = tpu.vector_load %arg14[%get3A_696] {strides = array<i32>} : memref<128xf32, #tpu.memory_space<vmem>>, vector<16xf32>,
        %get3A_698 = vector.shape_cast %get3A_697 : vector<16xf32> to vector<16xf32>
        %mul3A_699 = vector.broadcast %squeeze3A_577 : f32 to vector<16xf32>
        %mul3A_700 = arith.mulf %mul3A_699, %get3A_698 : vector<16xf32>
        %add3A_701 = arith.addf %get3A_695, %mul3A_700 : vector<16xf32>
        %get3A_702 = arith.constant 80 : index
        %get3A_703 = tpu.vector_load %arg15[%get3A_702] {strides = array<i32>} : memref<128xf32, #tpu.memory_space<vmem>>, vector<16xf32>,
        %get3A_704 = vector.shape_cast %get3A_703 : vector<16xf32> to vector<16xf32>
        %add3A_705 = arith.addf %add3A_701, %get3A_704 : vector<16xf32>
        %max3A_706 = arith.constant 0.000000e+00 : f32
        %max3A_707 = vector.broadcast %max3A_706 : f32 to vector<16xf32>
        %max3A_708 = arith.maximumf %add3A_705, %max3A_707 : vector<16xf32>
        %swap3A_709 = arith.index_cast %add3A_581 : i32 to index
        %swap3A_710 = arith.constant 80 : index
        %swap3A_711 = tpu.vector_load %arg13[%swap3A_709, %swap3A_710] {strides = array<i32>} : memref<128x128xf32, #tpu.memory_space<vmem>>, vector<1x16xf32>,
        %swap3A_712 = vector.shape_cast %swap3A_711 : vector<1x16xf32> to vector<16xf32>
        %swap3A_713 = vector.shape_cast %max3A_708 : vector<16xf32> to vector<1x16xf32>
        tpu.vector_store %arg13[%swap3A_709, %swap3A_710], %swap3A_713 {strides = array<i32>} : memref<128x128xf32, #tpu.memory_space<vmem>>, vector<1x16xf32>,
        %get3A_714 = arith.index_cast %add3A_581 : i32 to index
        %get3A_715 = arith.constant 96 : index
        %get3A_716 = tpu.vector_load %arg13[%get3A_714, %get3A_715] {strides = array<i32>} : memref<128x128xf32, #tpu.memory_space<vmem>>, vector<1x16xf32>,
        %get3A_717 = vector.shape_cast %get3A_716 : vector<1x16xf32> to vector<16xf32>
        %get3A_718 = arith.constant 96 : index
        %get3A_719 = tpu.vector_load %arg14[%get3A_718] {strides = array<i32>} : memref<128xf32, #tpu.memory_space<vmem>>, vector<16xf32>,
        %get3A_720 = vector.shape_cast %get3A_719 : vector<16xf32> to vector<16xf32>
        %mul3A_721 = vector.broadcast %squeeze3A_577 : f32 to vector<16xf32>
        %mul3A_722 = arith.mulf %mul3A_721, %get3A_720 : vector<16xf32>
        %add3A_723 = arith.addf %get3A_717, %mul3A_722 : vector<16xf32>
        %get3A_724 = arith.constant 96 : index
        %get3A_725 = tpu.vector_load %arg15[%get3A_724] {strides = array<i32>} : memref<128xf32, #tpu.memory_space<vmem>>, vector<16xf32>,
        %get3A_726 = vector.shape_cast %get3A_725 : vector<16xf32> to vector<16xf32>
        %add3A_727 = arith.addf %add3A_723, %get3A_726 : vector<16xf32>
        %max3A_728 = arith.constant 0.000000e+00 : f32
        %max3A_729 = vector.broadcast %max3A_728 : f32 to vector<16xf32>
        %max3A_730 = arith.maximumf %add3A_727, %max3A_729 : vector<16xf32>
        %swap3A_731 = arith.index_cast %add3A_581 : i32 to index
        %swap3A_732 = arith.constant 96 : index
        %swap3A_733 = tpu.vector_load %arg13[%swap3A_731, %swap3A_732] {strides = array<i32>} : memref<128x128xf32, #tpu.memory_space<vmem>>, vector<1x16xf32>,
        %swap3A_734 = vector.shape_cast %swap3A_733 : vector<1x16xf32> to vector<16xf32>
        %swap3A_735 = vector.shape_cast %max3A_730 : vector<16xf32> to vector<1x16xf32>
        tpu.vector_store %arg13[%swap3A_731, %swap3A_732], %swap3A_735 {strides = array<i32>} : memref<128x128xf32, #tpu.memory_space<vmem>>, vector<1x16xf32>,
        %get3A_736 = arith.index_cast %add3A_581 : i32 to index
        %get3A_737 = arith.constant 112 : index
        %get3A_738 = tpu.vector_load %arg13[%get3A_736, %get3A_737] {strides = array<i32>} : memref<128x128xf32, #tpu.memory_space<vmem>>, vector<1x16xf32>,
        %get3A_739 = vector.shape_cast %get3A_738 : vector<1x16xf32> to vector<16xf32>
        %get3A_740 = arith.constant 112 : index
        %get3A_741 = tpu.vector_load %arg14[%get3A_740] {strides = array<i32>} : memref<128xf32, #tpu.memory_space<vmem>>, vector<16xf32>,
        %get3A_742 = vector.shape_cast %get3A_741 : vector<16xf32> to vector<16xf32>
        %mul3A_743 = vector.broadcast %squeeze3A_577 : f32 to vector<16xf32>
        %mul3A_744 = arith.mulf %mul3A_743, %get3A_742 : vector<16xf32>
        %add3A_745 = arith.addf %get3A_739, %mul3A_744 : vector<16xf32>
        %get3A_746 = arith.constant 112 : index
        %get3A_747 = tpu.vector_load %arg15[%get3A_746] {strides = array<i32>} : memref<128xf32, #tpu.memory_space<vmem>>, vector<16xf32>,
        %get3A_748 = vector.shape_cast %get3A_747 : vector<16xf32> to vector<16xf32>
        %add3A_749 = arith.addf %add3A_745, %get3A_748 : vector<16xf32>
        %max3A_750 = arith.constant 0.000000e+00 : f32
        %max3A_751 = vector.broadcast %max3A_750 : f32 to vector<16xf32>
        %max3A_752 = arith.maximumf %add3A_749, %max3A_751 : vector<16xf32>
        %swap3A_753 = arith.index_cast %add3A_581 : i32 to index
        %swap3A_754 = arith.constant 112 : index
        %swap3A_755 = tpu.vector_load %arg13[%swap3A_753, %swap3A_754] {strides = array<i32>} : memref<128x128xf32, #tpu.memory_space<vmem>>, vector<1x16xf32>,
        %swap3A_756 = vector.shape_cast %swap3A_755 : vector<1x16xf32> to vector<16xf32>
        %swap3A_757 = vector.shape_cast %max3A_752 : vector<16xf32> to vector<1x16xf32>
        tpu.vector_store %arg13[%swap3A_753, %swap3A_754], %swap3A_757 {strides = array<i32>} : memref<128x128xf32, #tpu.memory_space<vmem>>, vector<1x16xf32>,
        %slice3A_758 = vector.extract_strided_slice %get3A_33 {offsets = [4], sizes = [1], strides = [1]} : vector<16xf32> to vector<1xf32>
        %squeeze3A_759 = vector.extract %slice3A_758[0] : f32 from vector<1xf32>
        %mul3A_760 = arith.constant 16 : i32
        %mul3A_761 = arith.muli %scan3A_29, %mul3A_760 : i32
        %add3A_762 = arith.constant 4 : i32
        %add3A_763 = arith.addi %mul3A_761, %add3A_762 : i32
        %get3A_764 = arith.index_cast %add3A_763 : i32 to index
        %get3A_765 = arith.constant 0 : index
        %get3A_766 = tpu.vector_load %arg13[%get3A_764, %get3A_765] {strides = array<i32>} : memref<128x128xf32, #tpu.memory_space<vmem>>, vector<1x16xf32>,
        %get3A_767 = vector.shape_cast %get3A_766 : vector<1x16xf32> to vector<16xf32>
        %get3A_768 = arith.constant 0 : index
        %get3A_769 = tpu.vector_load %arg14[%get3A_768] {strides = array<i32>} : memref<128xf32, #tpu.memory_space<vmem>>, vector<16xf32>,
        %get3A_770 = vector.shape_cast %get3A_769 : vector<16xf32> to vector<16xf32>
        %mul3A_771 = vector.broadcast %squeeze3A_759 : f32 to vector<16xf32>
        %mul3A_772 = arith.mulf %mul3A_771, %get3A_770 : vector<16xf32>
        %add3A_773 = arith.addf %get3A_767, %mul3A_772 : vector<16xf32>
        %get3A_774 = arith.constant 0 : index
        %get3A_775 = tpu.vector_load %arg15[%get3A_774] {strides = array<i32>} : memref<128xf32, #tpu.memory_space<vmem>>, vector<16xf32>,
        %get3A_776 = vector.shape_cast %get3A_775 : vector<16xf32> to vector<16xf32>
        %add3A_777 = arith.addf %add3A_773, %get3A_776 : vector<16xf32>
        %max3A_778 = arith.constant 0.000000e+00 : f32
        %max3A_779 = vector.broadcast %max3A_778 : f32 to vector<16xf32>
        %max3A_780 = arith.maximumf %add3A_777, %max3A_779 : vector<16xf32>
        %swap3A_781 = arith.index_cast %add3A_763 : i32 to index
        %swap3A_782 = arith.constant 0 : index
        %swap3A_783 = tpu.vector_load %arg13[%swap3A_781, %swap3A_782] {strides = array<i32>} : memref<128x128xf32, #tpu.memory_space<vmem>>, vector<1x16xf32>,
        %swap3A_784 = vector.shape_cast %swap3A_783 : vector<1x16xf32> to vector<16xf32>
        %swap3A_785 = vector.shape_cast %max3A_780 : vector<16xf32> to vector<1x16xf32>
        tpu.vector_store %arg13[%swap3A_781, %swap3A_782], %swap3A_785 {strides = array<i32>} : memref<128x128xf32, #tpu.memory_space<vmem>>, vector<1x16xf32>,
        %get3A_786 = arith.index_cast %add3A_763 : i32 to index
        %get3A_787 = arith.constant 16 : index
        %get3A_788 = tpu.vector_load %arg13[%get3A_786, %get3A_787] {strides = array<i32>} : memref<128x128xf32, #tpu.memory_space<vmem>>, vector<1x16xf32>,
        %get3A_789 = vector.shape_cast %get3A_788 : vector<1x16xf32> to vector<16xf32>
        %get3A_790 = arith.constant 16 : index
        %get3A_791 = tpu.vector_load %arg14[%get3A_790] {strides = array<i32>} : memref<128xf32, #tpu.memory_space<vmem>>, vector<16xf32>,
        %get3A_792 = vector.shape_cast %get3A_791 : vector<16xf32> to vector<16xf32>
        %mul3A_793 = vector.broadcast %squeeze3A_759 : f32 to vector<16xf32>
        %mul3A_794 = arith.mulf %mul3A_793, %get3A_792 : vector<16xf32>
        %add3A_795 = arith.addf %get3A_789, %mul3A_794 : vector<16xf32>
        %get3A_796 = arith.constant 16 : index
        %get3A_797 = tpu.vector_load %arg15[%get3A_796] {strides = array<i32>} : memref<128xf32, #tpu.memory_space<vmem>>, vector<16xf32>,
        %get3A_798 = vector.shape_cast %get3A_797 : vector<16xf32> to vector<16xf32>
        %add3A_799 = arith.addf %add3A_795, %get3A_798 : vector<16xf32>
        %max3A_800 = arith.constant 0.000000e+00 : f32
        %max3A_801 = vector.broadcast %max3A_800 : f32 to vector<16xf32>
        %max3A_802 = arith.maximumf %add3A_799, %max3A_801 : vector<16xf32>
        %swap3A_803 = arith.index_cast %add3A_763 : i32 to index
        %swap3A_804 = arith.constant 16 : index
        %swap3A_805 = tpu.vector_load %arg13[%swap3A_803, %swap3A_804] {strides = array<i32>} : memref<128x128xf32, #tpu.memory_space<vmem>>, vector<1x16xf32>,
        %swap3A_806 = vector.shape_cast %swap3A_805 : vector<1x16xf32> to vector<16xf32>
        %swap3A_807 = vector.shape_cast %max3A_802 : vector<16xf32> to vector<1x16xf32>
        tpu.vector_store %arg13[%swap3A_803, %swap3A_804], %swap3A_807 {strides = array<i32>} : memref<128x128xf32, #tpu.memory_space<vmem>>, vector<1x16xf32>,
        %get3A_808 = arith.index_cast %add3A_763 : i32 to index
        %get3A_809 = arith.constant 32 : index
        %get3A_810 = tpu.vector_load %arg13[%get3A_808, %get3A_809] {strides = array<i32>} : memref<128x128xf32, #tpu.memory_space<vmem>>, vector<1x16xf32>,
        %get3A_811 = vector.shape_cast %get3A_810 : vector<1x16xf32> to vector<16xf32>
        %get3A_812 = arith.constant 32 : index
        %get3A_813 = tpu.vector_load %arg14[%get3A_812] {strides = array<i32>} : memref<128xf32, #tpu.memory_space<vmem>>, vector<16xf32>,
        %get3A_814 = vector.shape_cast %get3A_813 : vector<16xf32> to vector<16xf32>
        %mul3A_815 = vector.broadcast %squeeze3A_759 : f32 to vector<16xf32>
        %mul3A_816 = arith.mulf %mul3A_815, %get3A_814 : vector<16xf32>
        %add3A_817 = arith.addf %get3A_811, %mul3A_816 : vector<16xf32>
        %get3A_818 = arith.constant 32 : index
        %get3A_819 = tpu.vector_load %arg15[%get3A_818] {strides = array<i32>} : memref<128xf32, #tpu.memory_space<vmem>>, vector<16xf32>,
        %get3A_820 = vector.shape_cast %get3A_819 : vector<16xf32> to vector<16xf32>
        %add3A_821 = arith.addf %add3A_817, %get3A_820 : vector<16xf32>
        %max3A_822 = arith.constant 0.000000e+00 : f32
        %max3A_823 = vector.broadcast %max3A_822 : f32 to vector<16xf32>
        %max3A_824 = arith.maximumf %add3A_821, %max3A_823 : vector<16xf32>
        %swap3A_825 = arith.index_cast %add3A_763 : i32 to index
        %swap3A_826 = arith.constant 32 : index
        %swap3A_827 = tpu.vector_load %arg13[%swap3A_825, %swap3A_826] {strides = array<i32>} : memref<128x128xf32, #tpu.memory_space<vmem>>, vector<1x16xf32>,
        %swap3A_828 = vector.shape_cast %swap3A_827 : vector<1x16xf32> to vector<16xf32>
        %swap3A_829 = vector.shape_cast %max3A_824 : vector<16xf32> to vector<1x16xf32>
        tpu.vector_store %arg13[%swap3A_825, %swap3A_826], %swap3A_829 {strides = array<i32>} : memref<128x128xf32, #tpu.memory_space<vmem>>, vector<1x16xf32>,
        %get3A_830 = arith.index_cast %add3A_763 : i32 to index
        %get3A_831 = arith.constant 48 : index
        %get3A_832 = tpu.vector_load %arg13[%get3A_830, %get3A_831] {strides = array<i32>} : memref<128x128xf32, #tpu.memory_space<vmem>>, vector<1x16xf32>,
        %get3A_833 = vector.shape_cast %get3A_832 : vector<1x16xf32> to vector<16xf32>
        %get3A_834 = arith.constant 48 : index
        %get3A_835 = tpu.vector_load %arg14[%get3A_834] {strides = array<i32>} : memref<128xf32, #tpu.memory_space<vmem>>, vector<16xf32>,
        %get3A_836 = vector.shape_cast %get3A_835 : vector<16xf32> to vector<16xf32>
        %mul3A_837 = vector.broadcast %squeeze3A_759 : f32 to vector<16xf32>
        %mul3A_838 = arith.mulf %mul3A_837, %get3A_836 : vector<16xf32>
        %add3A_839 = arith.addf %get3A_833, %mul3A_838 : vector<16xf32>
        %get3A_840 = arith.constant 48 : index
        %get3A_841 = tpu.vector_load %arg15[%get3A_840] {strides = array<i32>} : memref<128xf32, #tpu.memory_space<vmem>>, vector<16xf32>,
        %get3A_842 = vector.shape_cast %get3A_841 : vector<16xf32> to vector<16xf32>
        %add3A_843 = arith.addf %add3A_839, %get3A_842 : vector<16xf32>
        %max3A_844 = arith.constant 0.000000e+00 : f32
        %max3A_845 = vector.broadcast %max3A_844 : f32 to vector<16xf32>
        %max3A_846 = arith.maximumf %add3A_843, %max3A_845 : vector<16xf32>
        %swap3A_847 = arith.index_cast %add3A_763 : i32 to index
        %swap3A_848 = arith.constant 48 : index
        %swap3A_849 = tpu.vector_load %arg13[%swap3A_847, %swap3A_848] {strides = array<i32>} : memref<128x128xf32, #tpu.memory_space<vmem>>, vector<1x16xf32>,
        %swap3A_850 = vector.shape_cast %swap3A_849 : vector<1x16xf32> to vector<16xf32>
        %swap3A_851 = vector.shape_cast %max3A_846 : vector<16xf32> to vector<1x16xf32>
        tpu.vector_store %arg13[%swap3A_847, %swap3A_848], %swap3A_851 {strides = array<i32>} : memref<128x128xf32, #tpu.memory_space<vmem>>, vector<1x16xf32>,
        %get3A_852 = arith.index_cast %add3A_763 : i32 to index
        %get3A_853 = arith.constant 64 : index
        %get3A_854 = tpu.vector_load %arg13[%get3A_852, %get3A_853] {strides = array<i32>} : memref<128x128xf32, #tpu.memory_space<vmem>>, vector<1x16xf32>,
        %get3A_855 = vector.shape_cast %get3A_854 : vector<1x16xf32> to vector<16xf32>
        %get3A_856 = arith.constant 64 : index
        %get3A_857 = tpu.vector_load %arg14[%get3A_856] {strides = array<i32>} : memref<128xf32, #tpu.memory_space<vmem>>, vector<16xf32>,
        %get3A_858 = vector.shape_cast %get3A_857 : vector<16xf32> to vector<16xf32>
        %mul3A_859 = vector.broadcast %squeeze3A_759 : f32 to vector<16xf32>
        %mul3A_860 = arith.mulf %mul3A_859, %get3A_858 : vector<16xf32>
        %add3A_861 = arith.addf %get3A_855, %mul3A_860 : vector<16xf32>
        %get3A_862 = arith.constant 64 : index
        %get3A_863 = tpu.vector_load %arg15[%get3A_862] {strides = array<i32>} : memref<128xf32, #tpu.memory_space<vmem>>, vector<16xf32>,
        %get3A_864 = vector.shape_cast %get3A_863 : vector<16xf32> to vector<16xf32>
        %add3A_865 = arith.addf %add3A_861, %get3A_864 : vector<16xf32>
        %max3A_866 = arith.constant 0.000000e+00 : f32
        %max3A_867 = vector.broadcast %max3A_866 : f32 to vector<16xf32>
        %max3A_868 = arith.maximumf %add3A_865, %max3A_867 : vector<16xf32>
        %swap3A_869 = arith.index_cast %add3A_763 : i32 to index
        %swap3A_870 = arith.constant 64 : index
        %swap3A_871 = tpu.vector_load %arg13[%swap3A_869, %swap3A_870] {strides = array<i32>} : memref<128x128xf32, #tpu.memory_space<vmem>>, vector<1x16xf32>,
        %swap3A_872 = vector.shape_cast %swap3A_871 : vector<1x16xf32> to vector<16xf32>
        %swap3A_873 = vector.shape_cast %max3A_868 : vector<16xf32> to vector<1x16xf32>
        tpu.vector_store %arg13[%swap3A_869, %swap3A_870], %swap3A_873 {strides = array<i32>} : memref<128x128xf32, #tpu.memory_space<vmem>>, vector<1x16xf32>,
        %get3A_874 = arith.index_cast %add3A_763 : i32 to index
        %get3A_875 = arith.constant 80 : index
        %get3A_876 = tpu.vector_load %arg13[%get3A_874, %get3A_875] {strides = array<i32>} : memref<128x128xf32, #tpu.memory_space<vmem>>, vector<1x16xf32>,
        %get3A_877 = vector.shape_cast %get3A_876 : vector<1x16xf32> to vector<16xf32>
        %get3A_878 = arith.constant 80 : index
        %get3A_879 = tpu.vector_load %arg14[%get3A_878] {strides = array<i32>} : memref<128xf32, #tpu.memory_space<vmem>>, vector<16xf32>,
        %get3A_880 = vector.shape_cast %get3A_879 : vector<16xf32> to vector<16xf32>
        %mul3A_881 = vector.broadcast %squeeze3A_759 : f32 to vector<16xf32>
        %mul3A_882 = arith.mulf %mul3A_881, %get3A_880 : vector<16xf32>
        %add3A_883 = arith.addf %get3A_877, %mul3A_882 : vector<16xf32>
        %get3A_884 = arith.constant 80 : index
        %get3A_885 = tpu.vector_load %arg15[%get3A_884] {strides = array<i32>} : memref<128xf32, #tpu.memory_space<vmem>>, vector<16xf32>,
        %get3A_886 = vector.shape_cast %get3A_885 : vector<16xf32> to vector<16xf32>
        %add3A_887 = arith.addf %add3A_883, %get3A_886 : vector<16xf32>
        %max3A_888 = arith.constant 0.000000e+00 : f32
        %max3A_889 = vector.broadcast %max3A_888 : f32 to vector<16xf32>
        %max3A_890 = arith.maximumf %add3A_887, %max3A_889 : vector<16xf32>
        %swap3A_891 = arith.index_cast %add3A_763 : i32 to index
        %swap3A_892 = arith.constant 80 : index
        %swap3A_893 = tpu.vector_load %arg13[%swap3A_891, %swap3A_892] {strides = array<i32>} : memref<128x128xf32, #tpu.memory_space<vmem>>, vector<1x16xf32>,
        %swap3A_894 = vector.shape_cast %swap3A_893 : vector<1x16xf32> to vector<16xf32>
        %swap3A_895 = vector.shape_cast %max3A_890 : vector<16xf32> to vector<1x16xf32>
        tpu.vector_store %arg13[%swap3A_891, %swap3A_892], %swap3A_895 {strides = array<i32>} : memref<128x128xf32, #tpu.memory_space<vmem>>, vector<1x16xf32>,
        %get3A_896 = arith.index_cast %add3A_763 : i32 to index
        %get3A_897 = arith.constant 96 : index
        %get3A_898 = tpu.vector_load %arg13[%get3A_896, %get3A_897] {strides = array<i32>} : memref<128x128xf32, #tpu.memory_space<vmem>>, vector<1x16xf32>,
        %get3A_899 = vector.shape_cast %get3A_898 : vector<1x16xf32> to vector<16xf32>
        %get3A_900 = arith.constant 96 : index
        %get3A_901 = tpu.vector_load %arg14[%get3A_900] {strides = array<i32>} : memref<128xf32, #tpu.memory_space<vmem>>, vector<16xf32>,
        %get3A_902 = vector.shape_cast %get3A_901 : vector<16xf32> to vector<16xf32>
        %mul3A_903 = vector.broadcast %squeeze3A_759 : f32 to vector<16xf32>
        %mul3A_904 = arith.mulf %mul3A_903, %get3A_902 : vector<16xf32>
        %add3A_905 = arith.addf %get3A_899, %mul3A_904 : vector<16xf32>
        %get3A_906 = arith.constant 96 : index
        %get3A_907 = tpu.vector_load %arg15[%get3A_906] {strides = array<i32>} : memref<128xf32, #tpu.memory_space<vmem>>, vector<16xf32>,
        %get3A_908 = vector.shape_cast %get3A_907 : vector<16xf32> to vector<16xf32>
        %add3A_909 = arith.addf %add3A_905, %get3A_908 : vector<16xf32>
        %max3A_910 = arith.constant 0.000000e+00 : f32
        %max3A_911 = vector.broadcast %max3A_910 : f32 to vector<16xf32>
        %max3A_912 = arith.maximumf %add3A_909, %max3A_911 : vector<16xf32>
        %swap3A_913 = arith.index_cast %add3A_763 : i32 to index
        %swap3A_914 = arith.constant 96 : index
        %swap3A_915 = tpu.vector_load %arg13[%swap3A_913, %swap3A_914] {strides = array<i32>} : memref<128x128xf32, #tpu.memory_space<vmem>>, vector<1x16xf32>,
        %swap3A_916 = vector.shape_cast %swap3A_915 : vector<1x16xf32> to vector<16xf32>
        %swap3A_917 = vector.shape_cast %max3A_912 : vector<16xf32> to vector<1x16xf32>
        tpu.vector_store %arg13[%swap3A_913, %swap3A_914], %swap3A_917 {strides = array<i32>} : memref<128x128xf32, #tpu.memory_space<vmem>>, vector<1x16xf32>,
        %get3A_918 = arith.index_cast %add3A_763 : i32 to index
        %get3A_919 = arith.constant 112 : index
        %get3A_920 = tpu.vector_load %arg13[%get3A_918, %get3A_919] {strides = array<i32>} : memref<128x128xf32, #tpu.memory_space<vmem>>, vector<1x16xf32>,
        %get3A_921 = vector.shape_cast %get3A_920 : vector<1x16xf32> to vector<16xf32>
        %get3A_922 = arith.constant 112 : index
        %get3A_923 = tpu.vector_load %arg14[%get3A_922] {strides = array<i32>} : memref<128xf32, #tpu.memory_space<vmem>>, vector<16xf32>,
        %get3A_924 = vector.shape_cast %get3A_923 : vector<16xf32> to vector<16xf32>
        %mul3A_925 = vector.broadcast %squeeze3A_759 : f32 to vector<16xf32>
        %mul3A_926 = arith.mulf %mul3A_925, %get3A_924 : vector<16xf32>
        %add3A_927 = arith.addf %get3A_921, %mul3A_926 : vector<16xf32>
        %get3A_928 = arith.constant 112 : index
        %get3A_929 = tpu.vector_load %arg15[%get3A_928] {strides = array<i32>} : memref<128xf32, #tpu.memory_space<vmem>>, vector<16xf32>,
        %get3A_930 = vector.shape_cast %get3A_929 : vector<16xf32> to vector<16xf32>
        %add3A_931 = arith.addf %add3A_927, %get3A_930 : vector<16xf32>
        %max3A_932 = arith.constant 0.000000e+00 : f32
        %max3A_933 = vector.broadcast %max3A_932 : f32 to vector<16xf32>
        %max3A_934 = arith.maximumf %add3A_931, %max3A_933 : vector<16xf32>
        %swap3A_935 = arith.index_cast %add3A_763 : i32 to index
        %swap3A_936 = arith.constant 112 : index
        %swap3A_937 = tpu.vector_load %arg13[%swap3A_935, %swap3A_936] {strides = array<i32>} : memref<128x128xf32, #tpu.memory_space<vmem>>, vector<1x16xf32>,
        %swap3A_938 = vector.shape_cast %swap3A_937 : vector<1x16xf32> to vector<16xf32>
        %swap3A_939 = vector.shape_cast %max3A_934 : vector<16xf32> to vector<1x16xf32>
        tpu.vector_store %arg13[%swap3A_935, %swap3A_936], %swap3A_939 {strides = array<i32>} : memref<128x128xf32, #tpu.memory_space<vmem>>, vector<1x16xf32>,
        %slice3A_940 = vector.extract_strided_slice %get3A_33 {offsets = [5], sizes = [1], strides = [1]} : vector<16xf32> to vector<1xf32>
        %squeeze3A_941 = vector.extract %slice3A_940[0] : f32 from vector<1xf32>
        %mul3A_942 = arith.constant 16 : i32
        %mul3A_943 = arith.muli %scan3A_29, %mul3A_942 : i32
        %add3A_944 = arith.constant 5 : i32
        %add3A_945 = arith.addi %mul3A_943, %add3A_944 : i32
        %get3A_946 = arith.index_cast %add3A_945 : i32 to index
        %get3A_947 = arith.constant 0 : index
        %get3A_948 = tpu.vector_load %arg13[%get3A_946, %get3A_947] {strides = array<i32>} : memref<128x128xf32, #tpu.memory_space<vmem>>, vector<1x16xf32>,
        %get3A_949 = vector.shape_cast %get3A_948 : vector<1x16xf32> to vector<16xf32>
        %get3A_950 = arith.constant 0 : index
        %get3A_951 = tpu.vector_load %arg14[%get3A_950] {strides = array<i32>} : memref<128xf32, #tpu.memory_space<vmem>>, vector<16xf32>,
        %get3A_952 = vector.shape_cast %get3A_951 : vector<16xf32> to vector<16xf32>
        %mul3A_953 = vector.broadcast %squeeze3A_941 : f32 to vector<16xf32>
        %mul3A_954 = arith.mulf %mul3A_953, %get3A_952 : vector<16xf32>
        %add3A_955 = arith.addf %get3A_949, %mul3A_954 : vector<16xf32>
        %get3A_956 = arith.constant 0 : index
        %get3A_957 = tpu.vector_load %arg15[%get3A_956] {strides = array<i32>} : memref<128xf32, #tpu.memory_space<vmem>>, vector<16xf32>,
        %get3A_958 = vector.shape_cast %get3A_957 : vector<16xf32> to vector<16xf32>
        %add3A_959 = arith.addf %add3A_955, %get3A_958 : vector<16xf32>
        %max3A_960 = arith.constant 0.000000e+00 : f32
        %max3A_961 = vector.broadcast %max3A_960 : f32 to vector<16xf32>
        %max3A_962 = arith.maximumf %add3A_959, %max3A_961 : vector<16xf32>
        %swap3A_963 = arith.index_cast %add3A_945 : i32 to index
        %swap3A_964 = arith.constant 0 : index
        %swap3A_965 = tpu.vector_load %arg13[%swap3A_963, %swap3A_964] {strides = array<i32>} : memref<128x128xf32, #tpu.memory_space<vmem>>, vector<1x16xf32>,
        %swap3A_966 = vector.shape_cast %swap3A_965 : vector<1x16xf32> to vector<16xf32>
        %swap3A_967 = vector.shape_cast %max3A_962 : vector<16xf32> to vector<1x16xf32>
        tpu.vector_store %arg13[%swap3A_963, %swap3A_964], %swap3A_967 {strides = array<i32>} : memref<128x128xf32, #tpu.memory_space<vmem>>, vector<1x16xf32>,
        %get3A_968 = arith.index_cast %add3A_945 : i32 to index
        %get3A_969 = arith.constant 16 : index
        %get3A_970 = tpu.vector_load %arg13[%get3A_968, %get3A_969] {strides = array<i32>} : memref<128x128xf32, #tpu.memory_space<vmem>>, vector<1x16xf32>,
        %get3A_971 = vector.shape_cast %get3A_970 : vector<1x16xf32> to vector<16xf32>
        %get3A_972 = arith.constant 16 : index
        %get3A_973 = tpu.vector_load %arg14[%get3A_972] {strides = array<i32>} : memref<128xf32, #tpu.memory_space<vmem>>, vector<16xf32>,
        %get3A_974 = vector.shape_cast %get3A_973 : vector<16xf32> to vector<16xf32>
        %mul3A_975 = vector.broadcast %squeeze3A_941 : f32 to vector<16xf32>
        %mul3A_976 = arith.mulf %mul3A_975, %get3A_974 : vector<16xf32>
        %add3A_977 = arith.addf %get3A_971, %mul3A_976 : vector<16xf32>
        %get3A_978 = arith.constant 16 : index
        %get3A_979 = tpu.vector_load %arg15[%get3A_978] {strides = array<i32>} : memref<128xf32, #tpu.memory_space<vmem>>, vector<16xf32>,
        %get3A_980 = vector.shape_cast %get3A_979 : vector<16xf32> to vector<16xf32>
        %add3A_981 = arith.addf %add3A_977, %get3A_980 : vector<16xf32>
        %max3A_982 = arith.constant 0.000000e+00 : f32
        %max3A_983 = vector.broadcast %max3A_982 : f32 to vector<16xf32>
        %max3A_984 = arith.maximumf %add3A_981, %max3A_983 : vector<16xf32>
        %swap3A_985 = arith.index_cast %add3A_945 : i32 to index
        %swap3A_986 = arith.constant 16 : index
        %swap3A_987 = tpu.vector_load %arg13[%swap3A_985, %swap3A_986] {strides = array<i32>} : memref<128x128xf32, #tpu.memory_space<vmem>>, vector<1x16xf32>,
        %swap3A_988 = vector.shape_cast %swap3A_987 : vector<1x16xf32> to vector<16xf32>
        %swap3A_989 = vector.shape_cast %max3A_984 : vector<16xf32> to vector<1x16xf32>
        tpu.vector_store %arg13[%swap3A_985, %swap3A_986], %swap3A_989 {strides = array<i32>} : memref<128x128xf32, #tpu.memory_space<vmem>>, vector<1x16xf32>,
        %get3A_990 = arith.index_cast %add3A_945 : i32 to index
        %get3A_991 = arith.constant 32 : index
        %get3A_992 = tpu.vector_load %arg13[%get3A_990, %get3A_991] {strides = array<i32>} : memref<128x128xf32, #tpu.memory_space<vmem>>, vector<1x16xf32>,
        %get3A_993 = vector.shape_cast %get3A_992 : vector<1x16xf32> to vector<16xf32>
        %get3A_994 = arith.constant 32 : index
        %get3A_995 = tpu.vector_load %arg14[%get3A_994] {strides = array<i32>} : memref<128xf32, #tpu.memory_space<vmem>>, vector<16xf32>,
        %get3A_996 = vector.shape_cast %get3A_995 : vector<16xf32> to vector<16xf32>
        %mul3A_997 = vector.broadcast %squeeze3A_941 : f32 to vector<16xf32>
        %mul3A_998 = arith.mulf %mul3A_997, %get3A_996 : vector<16xf32>
        %add3A_999 = arith.addf %get3A_993, %mul3A_998 : vector<16xf32>
        %get3A_1000 = arith.constant 32 : index
        %get3A_1001 = tpu.vector_load %arg15[%get3A_1000] {strides = array<i32>} : memref<128xf32, #tpu.memory_space<vmem>>, vector<16xf32>,
        %get3A_1002 = vector.shape_cast %get3A_1001 : vector<16xf32> to vector<16xf32>
        %add3A_1003 = arith.addf %add3A_999, %get3A_1002 : vector<16xf32>
        %max3A_1004 = arith.constant 0.000000e+00 : f32
        %max3A_1005 = vector.broadcast %max3A_1004 : f32 to vector<16xf32>
        %max3A_1006 = arith.maximumf %add3A_1003, %max3A_1005 : vector<16xf32>
        %swap3A_1007 = arith.index_cast %add3A_945 : i32 to index
        %swap3A_1008 = arith.constant 32 : index
        %swap3A_1009 = tpu.vector_load %arg13[%swap3A_1007, %swap3A_1008] {strides = array<i32>} : memref<128x128xf32, #tpu.memory_space<vmem>>, vector<1x16xf32>,
        %swap3A_1010 = vector.shape_cast %swap3A_1009 : vector<1x16xf32> to vector<16xf32>
        %swap3A_1011 = vector.shape_cast %max3A_1006 : vector<16xf32> to vector<1x16xf32>
        tpu.vector_store %arg13[%swap3A_1007, %swap3A_1008], %swap3A_1011 {strides = array<i32>} : memref<128x128xf32, #tpu.memory_space<vmem>>, vector<1x16xf32>,
        %get3A_1012 = arith.index_cast %add3A_945 : i32 to index
        %get3A_1013 = arith.constant 48 : index
        %get3A_1014 = tpu.vector_load %arg13[%get3A_1012, %get3A_1013] {strides = array<i32>} : memref<128x128xf32, #tpu.memory_space<vmem>>, vector<1x16xf32>,
        %get3A_1015 = vector.shape_cast %get3A_1014 : vector<1x16xf32> to vector<16xf32>
        %get3A_1016 = arith.constant 48 : index
        %get3A_1017 = tpu.vector_load %arg14[%get3A_1016] {strides = array<i32>} : memref<128xf32, #tpu.memory_space<vmem>>, vector<16xf32>,
        %get3A_1018 = vector.shape_cast %get3A_1017 : vector<16xf32> to vector<16xf32>
        %mul3A_1019 = vector.broadcast %squeeze3A_941 : f32 to vector<16xf32>
        %mul3A_1020 = arith.mulf %mul3A_1019, %get3A_1018 : vector<16xf32>
        %add3A_1021 = arith.addf %get3A_1015, %mul3A_1020 : vector<16xf32>
        %get3A_1022 = arith.constant 48 : index
        %get3A_1023 = tpu.vector_load %arg15[%get3A_1022] {strides = array<i32>} : memref<128xf32, #tpu.memory_space<vmem>>, vector<16xf32>,
        %get3A_1024 = vector.shape_cast %get3A_1023 : vector<16xf32> to vector<16xf32>
        %add3A_1025 = arith.addf %add3A_1021, %get3A_1024 : vector<16xf32>
        %max3A_1026 = arith.constant 0.000000e+00 : f32
        %max3A_1027 = vector.broadcast %max3A_1026 : f32 to vector<16xf32>
        %max3A_1028 = arith.maximumf %add3A_1025, %max3A_1027 : vector<16xf32>
        %swap3A_1029 = arith.index_cast %add3A_945 : i32 to index
        %swap3A_1030 = arith.constant 48 : index
        %swap3A_1031 = tpu.vector_load %arg13[%swap3A_1029, %swap3A_1030] {strides = array<i32>} : memref<128x128xf32, #tpu.memory_space<vmem>>, vector<1x16xf32>,
        %swap3A_1032 = vector.shape_cast %swap3A_1031 : vector<1x16xf32> to vector<16xf32>
        %swap3A_1033 = vector.shape_cast %max3A_1028 : vector<16xf32> to vector<1x16xf32>
        tpu.vector_store %arg13[%swap3A_1029, %swap3A_1030], %swap3A_1033 {strides = array<i32>} : memref<128x128xf32, #tpu.memory_space<vmem>>, vector<1x16xf32>,
        %get3A_1034 = arith.index_cast %add3A_945 : i32 to index
        %get3A_1035 = arith.constant 64 : index
        %get3A_1036 = tpu.vector_load %arg13[%get3A_1034, %get3A_1035] {strides = array<i32>} : memref<128x128xf32, #tpu.memory_space<vmem>>, vector<1x16xf32>,
        %get3A_1037 = vector.shape_cast %get3A_1036 : vector<1x16xf32> to vector<16xf32>
        %get3A_1038 = arith.constant 64 : index
        %get3A_1039 = tpu.vector_load %arg14[%get3A_1038] {strides = array<i32>} : memref<128xf32, #tpu.memory_space<vmem>>, vector<16xf32>,
        %get3A_1040 = vector.shape_cast %get3A_1039 : vector<16xf32> to vector<16xf32>
        %mul3A_1041 = vector.broadcast %squeeze3A_941 : f32 to vector<16xf32>
        %mul3A_1042 = arith.mulf %mul3A_1041, %get3A_1040 : vector<16xf32>
        %add3A_1043 = arith.addf %get3A_1037, %mul3A_1042 : vector<16xf32>
        %get3A_1044 = arith.constant 64 : index
        %get3A_1045 = tpu.vector_load %arg15[%get3A_1044] {strides = array<i32>} : memref<128xf32, #tpu.memory_space<vmem>>, vector<16xf32>,
        %get3A_1046 = vector.shape_cast %get3A_1045 : vector<16xf32> to vector<16xf32>
        %add3A_1047 = arith.addf %add3A_1043, %get3A_1046 : vector<16xf32>
        %max3A_1048 = arith.constant 0.000000e+00 : f32
        %max3A_1049 = vector.broadcast %max3A_1048 : f32 to vector<16xf32>
        %max3A_1050 = arith.maximumf %add3A_1047, %max3A_1049 : vector<16xf32>
        %swap3A_1051 = arith.index_cast %add3A_945 : i32 to index
        %swap3A_1052 = arith.constant 64 : index
        %swap3A_1053 = tpu.vector_load %arg13[%swap3A_1051, %swap3A_1052] {strides = array<i32>} : memref<128x128xf32, #tpu.memory_space<vmem>>, vector<1x16xf32>,
        %swap3A_1054 = vector.shape_cast %swap3A_1053 : vector<1x16xf32> to vector<16xf32>
        %swap3A_1055 = vector.shape_cast %max3A_1050 : vector<16xf32> to vector<1x16xf32>
        tpu.vector_store %arg13[%swap3A_1051, %swap3A_1052], %swap3A_1055 {strides = array<i32>} : memref<128x128xf32, #tpu.memory_space<vmem>>, vector<1x16xf32>,
        %get3A_1056 = arith.index_cast %add3A_945 : i32 to index
        %get3A_1057 = arith.constant 80 : index
        %get3A_1058 = tpu.vector_load %arg13[%get3A_1056, %get3A_1057] {strides = array<i32>} : memref<128x128xf32, #tpu.memory_space<vmem>>, vector<1x16xf32>,
        %get3A_1059 = vector.shape_cast %get3A_1058 : vector<1x16xf32> to vector<16xf32>
        %get3A_1060 = arith.constant 80 : index
        %get3A_1061 = tpu.vector_load %arg14[%get3A_1060] {strides = array<i32>} : memref<128xf32, #tpu.memory_space<vmem>>, vector<16xf32>,
        %get3A_1062 = vector.shape_cast %get3A_1061 : vector<16xf32> to vector<16xf32>
        %mul3A_1063 = vector.broadcast %squeeze3A_941 : f32 to vector<16xf32>
        %mul3A_1064 = arith.mulf %mul3A_1063, %get3A_1062 : vector<16xf32>
        %add3A_1065 = arith.addf %get3A_1059, %mul3A_1064 : vector<16xf32>
        %get3A_1066 = arith.constant 80 : index
        %get3A_1067 = tpu.vector_load %arg15[%get3A_1066] {strides = array<i32>} : memref<128xf32, #tpu.memory_space<vmem>>, vector<16xf32>,
        %get3A_1068 = vector.shape_cast %get3A_1067 : vector<16xf32> to vector<16xf32>
        %add3A_1069 = arith.addf %add3A_1065, %get3A_1068 : vector<16xf32>
        %max3A_1070 = arith.constant 0.000000e+00 : f32
        %max3A_1071 = vector.broadcast %max3A_1070 : f32 to vector<16xf32>
        %max3A_1072 = arith.maximumf %add3A_1069, %max3A_1071 : vector<16xf32>
        %swap3A_1073 = arith.index_cast %add3A_945 : i32 to index
        %swap3A_1074 = arith.constant 80 : index
        %swap3A_1075 = tpu.vector_load %arg13[%swap3A_1073, %swap3A_1074] {strides = array<i32>} : memref<128x128xf32, #tpu.memory_space<vmem>>, vector<1x16xf32>,
        %swap3A_1076 = vector.shape_cast %swap3A_1075 : vector<1x16xf32> to vector<16xf32>
        %swap3A_1077 = vector.shape_cast %max3A_1072 : vector<16xf32> to vector<1x16xf32>
        tpu.vector_store %arg13[%swap3A_1073, %swap3A_1074], %swap3A_1077 {strides = array<i32>} : memref<128x128xf32, #tpu.memory_space<vmem>>, vector<1x16xf32>,
        %get3A_1078 = arith.index_cast %add3A_945 : i32 to index
        %get3A_1079 = arith.constant 96 : index
        %get3A_1080 = tpu.vector_load %arg13[%get3A_1078, %get3A_1079] {strides = array<i32>} : memref<128x128xf32, #tpu.memory_space<vmem>>, vector<1x16xf32>,
        %get3A_1081 = vector.shape_cast %get3A_1080 : vector<1x16xf32> to vector<16xf32>
        %get3A_1082 = arith.constant 96 : index
        %get3A_1083 = tpu.vector_load %arg14[%get3A_1082] {strides = array<i32>} : memref<128xf32, #tpu.memory_space<vmem>>, vector<16xf32>,
        %get3A_1084 = vector.shape_cast %get3A_1083 : vector<16xf32> to vector<16xf32>
        %mul3A_1085 = vector.broadcast %squeeze3A_941 : f32 to vector<16xf32>
        %mul3A_1086 = arith.mulf %mul3A_1085, %get3A_1084 : vector<16xf32>
        %add3A_1087 = arith.addf %get3A_1081, %mul3A_1086 : vector<16xf32>
        %get3A_1088 = arith.constant 96 : index
        %get3A_1089 = tpu.vector_load %arg15[%get3A_1088] {strides = array<i32>} : memref<128xf32, #tpu.memory_space<vmem>>, vector<16xf32>,
        %get3A_1090 = vector.shape_cast %get3A_1089 : vector<16xf32> to vector<16xf32>
        %add3A_1091 = arith.addf %add3A_1087, %get3A_1090 : vector<16xf32>
        %max3A_1092 = arith.constant 0.000000e+00 : f32
        %max3A_1093 = vector.broadcast %max3A_1092 : f32 to vector<16xf32>
        %max3A_1094 = arith.maximumf %add3A_1091, %max3A_1093 : vector<16xf32>
        %swap3A_1095 = arith.index_cast %add3A_945 : i32 to index
        %swap3A_1096 = arith.constant 96 : index
        %swap3A_1097 = tpu.vector_load %arg13[%swap3A_1095, %swap3A_1096] {strides = array<i32>} : memref<128x128xf32, #tpu.memory_space<vmem>>, vector<1x16xf32>,
        %swap3A_1098 = vector.shape_cast %swap3A_1097 : vector<1x16xf32> to vector<16xf32>
        %swap3A_1099 = vector.shape_cast %max3A_1094 : vector<16xf32> to vector<1x16xf32>
        tpu.vector_store %arg13[%swap3A_1095, %swap3A_1096], %swap3A_1099 {strides = array<i32>} : memref<128x128xf32, #tpu.memory_space<vmem>>, vector<1x16xf32>,
        %get3A_1100 = arith.index_cast %add3A_945 : i32 to index
        %get3A_1101 = arith.constant 112 : index
        %get3A_1102 = tpu.vector_load %arg13[%get3A_1100, %get3A_1101] {strides = array<i32>} : memref<128x128xf32, #tpu.memory_space<vmem>>, vector<1x16xf32>,
        %get3A_1103 = vector.shape_cast %get3A_1102 : vector<1x16xf32> to vector<16xf32>
        %get3A_1104 = arith.constant 112 : index
        %get3A_1105 = tpu.vector_load %arg14[%get3A_1104] {strides = array<i32>} : memref<128xf32, #tpu.memory_space<vmem>>, vector<16xf32>,
        %get3A_1106 = vector.shape_cast %get3A_1105 : vector<16xf32> to vector<16xf32>
        %mul3A_1107 = vector.broadcast %squeeze3A_941 : f32 to vector<16xf32>
        %mul3A_1108 = arith.mulf %mul3A_1107, %get3A_1106 : vector<16xf32>
        %add3A_1109 = arith.addf %get3A_1103, %mul3A_1108 : vector<16xf32>
        %get3A_1110 = arith.constant 112 : index
        %get3A_1111 = tpu.vector_load %arg15[%get3A_1110] {strides = array<i32>} : memref<128xf32, #tpu.memory_space<vmem>>, vector<16xf32>,
        %get3A_1112 = vector.shape_cast %get3A_1111 : vector<16xf32> to vector<16xf32>
        %add3A_1113 = arith.addf %add3A_1109, %get3A_1112 : vector<16xf32>
        %max3A_1114 = arith.constant 0.000000e+00 : f32
        %max3A_1115 = vector.broadcast %max3A_1114 : f32 to vector<16xf32>
        %max3A_1116 = arith.maximumf %add3A_1113, %max3A_1115 : vector<16xf32>
        %swap3A_1117 = arith.index_cast %add3A_945 : i32 to index
        %swap3A_1118 = arith.constant 112 : index
        %swap3A_1119 = tpu.vector_load %arg13[%swap3A_1117, %swap3A_1118] {strides = array<i32>} : memref<128x128xf32, #tpu.memory_space<vmem>>, vector<1x16xf32>,
        %swap3A_1120 = vector.shape_cast %swap3A_1119 : vector<1x16xf32> to vector<16xf32>
        %swap3A_1121 = vector.shape_cast %max3A_1116 : vector<16xf32> to vector<1x16xf32>
        tpu.vector_store %arg13[%swap3A_1117, %swap3A_1118], %swap3A_1121 {strides = array<i32>} : memref<128x128xf32, #tpu.memory_space<vmem>>, vector<1x16xf32>,
        %slice3A_1122 = vector.extract_strided_slice %get3A_33 {offsets = [6], sizes = [1], strides = [1]} : vector<16xf32> to vector<1xf32>
        %squeeze3A_1123 = vector.extract %slice3A_1122[0] : f32 from vector<1xf32>
        %mul3A_1124 = arith.constant 16 : i32
        %mul3A_1125 = arith.muli %scan3A_29, %mul3A_1124 : i32
        %add3A_1126 = arith.constant 6 : i32
        %add3A_1127 = arith.addi %mul3A_1125, %add3A_1126 : i32
        %get3A_1128 = arith.index_cast %add3A_1127 : i32 to index
        %get3A_1129 = arith.constant 0 : index
        %get3A_1130 = tpu.vector_load %arg13[%get3A_1128, %get3A_1129] {strides = array<i32>} : memref<128x128xf32, #tpu.memory_space<vmem>>, vector<1x16xf32>,
        %get3A_1131 = vector.shape_cast %get3A_1130 : vector<1x16xf32> to vector<16xf32>
        %get3A_1132 = arith.constant 0 : index
        %get3A_1133 = tpu.vector_load %arg14[%get3A_1132] {strides = array<i32>} : memref<128xf32, #tpu.memory_space<vmem>>, vector<16xf32>,
        %get3A_1134 = vector.shape_cast %get3A_1133 : vector<16xf32> to vector<16xf32>
        %mul3A_1135 = vector.broadcast %squeeze3A_1123 : f32 to vector<16xf32>
        %mul3A_1136 = arith.mulf %mul3A_1135, %get3A_1134 : vector<16xf32>
        %add3A_1137 = arith.addf %get3A_1131, %mul3A_1136 : vector<16xf32>
        %get3A_1138 = arith.constant 0 : index
        %get3A_1139 = tpu.vector_load %arg15[%get3A_1138] {strides = array<i32>} : memref<128xf32, #tpu.memory_space<vmem>>, vector<16xf32>,
        %get3A_1140 = vector.shape_cast %get3A_1139 : vector<16xf32> to vector<16xf32>
        %add3A_1141 = arith.addf %add3A_1137, %get3A_1140 : vector<16xf32>
        %max3A_1142 = arith.constant 0.000000e+00 : f32
        %max3A_1143 = vector.broadcast %max3A_1142 : f32 to vector<16xf32>
        %max3A_1144 = arith.maximumf %add3A_1141, %max3A_1143 : vector<16xf32>
        %swap3A_1145 = arith.index_cast %add3A_1127 : i32 to index
        %swap3A_1146 = arith.constant 0 : index
        %swap3A_1147 = tpu.vector_load %arg13[%swap3A_1145, %swap3A_1146] {strides = array<i32>} : memref<128x128xf32, #tpu.memory_space<vmem>>, vector<1x16xf32>,
        %swap3A_1148 = vector.shape_cast %swap3A_1147 : vector<1x16xf32> to vector<16xf32>
        %swap3A_1149 = vector.shape_cast %max3A_1144 : vector<16xf32> to vector<1x16xf32>
        tpu.vector_store %arg13[%swap3A_1145, %swap3A_1146], %swap3A_1149 {strides = array<i32>} : memref<128x128xf32, #tpu.memory_space<vmem>>, vector<1x16xf32>,
        %get3A_1150 = arith.index_cast %add3A_1127 : i32 to index
        %get3A_1151 = arith.constant 16 : index
        %get3A_1152 = tpu.vector_load %arg13[%get3A_1150, %get3A_1151] {strides = array<i32>} : memref<128x128xf32, #tpu.memory_space<vmem>>, vector<1x16xf32>,
        %get3A_1153 = vector.shape_cast %get3A_1152 : vector<1x16xf32> to vector<16xf32>
        %get3A_1154 = arith.constant 16 : index
        %get3A_1155 = tpu.vector_load %arg14[%get3A_1154] {strides = array<i32>} : memref<128xf32, #tpu.memory_space<vmem>>, vector<16xf32>,
        %get3A_1156 = vector.shape_cast %get3A_1155 : vector<16xf32> to vector<16xf32>
        %mul3A_1157 = vector.broadcast %squeeze3A_1123 : f32 to vector<16xf32>
        %mul3A_1158 = arith.mulf %mul3A_1157, %get3A_1156 : vector<16xf32>
        %add3A_1159 = arith.addf %get3A_1153, %mul3A_1158 : vector<16xf32>
        %get3A_1160 = arith.constant 16 : index
        %get3A_1161 = tpu.vector_load %arg15[%get3A_1160] {strides = array<i32>} : memref<128xf32, #tpu.memory_space<vmem>>, vector<16xf32>,
        %get3A_1162 = vector.shape_cast %get3A_1161 : vector<16xf32> to vector<16xf32>
        %add3A_1163 = arith.addf %add3A_1159, %get3A_1162 : vector<16xf32>
        %max3A_1164 = arith.constant 0.000000e+00 : f32
        %max3A_1165 = vector.broadcast %max3A_1164 : f32 to vector<16xf32>
        %max3A_1166 = arith.maximumf %add3A_1163, %max3A_1165 : vector<16xf32>
        %swap3A_1167 = arith.index_cast %add3A_1127 : i32 to index
        %swap3A_1168 = arith.constant 16 : index
        %swap3A_1169 = tpu.vector_load %arg13[%swap3A_1167, %swap3A_1168] {strides = array<i32>} : memref<128x128xf32, #tpu.memory_space<vmem>>, vector<1x16xf32>,
        %swap3A_1170 = vector.shape_cast %swap3A_1169 : vector<1x16xf32> to vector<16xf32>
        %swap3A_1171 = vector.shape_cast %max3A_1166 : vector<16xf32> to vector<1x16xf32>
        tpu.vector_store %arg13[%swap3A_1167, %swap3A_1168], %swap3A_1171 {strides = array<i32>} : memref<128x128xf32, #tpu.memory_space<vmem>>, vector<1x16xf32>,
        %get3A_1172 = arith.index_cast %add3A_1127 : i32 to index
        %get3A_1173 = arith.constant 32 : index
        %get3A_1174 = tpu.vector_load %arg13[%get3A_1172, %get3A_1173] {strides = array<i32>} : memref<128x128xf32, #tpu.memory_space<vmem>>, vector<1x16xf32>,
        %get3A_1175 = vector.shape_cast %get3A_1174 : vector<1x16xf32> to vector<16xf32>
        %get3A_1176 = arith.constant 32 : index
        %get3A_1177 = tpu.vector_load %arg14[%get3A_1176] {strides = array<i32>} : memref<128xf32, #tpu.memory_space<vmem>>, vector<16xf32>,
        %get3A_1178 = vector.shape_cast %get3A_1177 : vector<16xf32> to vector<16xf32>
        %mul3A_1179 = vector.broadcast %squeeze3A_1123 : f32 to vector<16xf32>
        %mul3A_1180 = arith.mulf %mul3A_1179, %get3A_1178 : vector<16xf32>
        %add3A_1181 = arith.addf %get3A_1175, %mul3A_1180 : vector<16xf32>
        %get3A_1182 = arith.constant 32 : index
        %get3A_1183 = tpu.vector_load %arg15[%get3A_1182] {strides = array<i32>} : memref<128xf32, #tpu.memory_space<vmem>>, vector<16xf32>,
        %get3A_1184 = vector.shape_cast %get3A_1183 : vector<16xf32> to vector<16xf32>
        %add3A_1185 = arith.addf %add3A_1181, %get3A_1184 : vector<16xf32>
        %max3A_1186 = arith.constant 0.000000e+00 : f32
        %max3A_1187 = vector.broadcast %max3A_1186 : f32 to vector<16xf32>
        %max3A_1188 = arith.maximumf %add3A_1185, %max3A_1187 : vector<16xf32>
        %swap3A_1189 = arith.index_cast %add3A_1127 : i32 to index
        %swap3A_1190 = arith.constant 32 : index
        %swap3A_1191 = tpu.vector_load %arg13[%swap3A_1189, %swap3A_1190] {strides = array<i32>} : memref<128x128xf32, #tpu.memory_space<vmem>>, vector<1x16xf32>,
        %swap3A_1192 = vector.shape_cast %swap3A_1191 : vector<1x16xf32> to vector<16xf32>
        %swap3A_1193 = vector.shape_cast %max3A_1188 : vector<16xf32> to vector<1x16xf32>
        tpu.vector_store %arg13[%swap3A_1189, %swap3A_1190], %swap3A_1193 {strides = array<i32>} : memref<128x128xf32, #tpu.memory_space<vmem>>, vector<1x16xf32>,
        %get3A_1194 = arith.index_cast %add3A_1127 : i32 to index
        %get3A_1195 = arith.constant 48 : index
        %get3A_1196 = tpu.vector_load %arg13[%get3A_1194, %get3A_1195] {strides = array<i32>} : memref<128x128xf32, #tpu.memory_space<vmem>>, vector<1x16xf32>,
        %get3A_1197 = vector.shape_cast %get3A_1196 : vector<1x16xf32> to vector<16xf32>
        %get3A_1198 = arith.constant 48 : index
        %get3A_1199 = tpu.vector_load %arg14[%get3A_1198] {strides = array<i32>} : memref<128xf32, #tpu.memory_space<vmem>>, vector<16xf32>,
        %get3A_1200 = vector.shape_cast %get3A_1199 : vector<16xf32> to vector<16xf32>
        %mul3A_1201 = vector.broadcast %squeeze3A_1123 : f32 to vector<16xf32>
        %mul3A_1202 = arith.mulf %mul3A_1201, %get3A_1200 : vector<16xf32>
        %add3A_1203 = arith.addf %get3A_1197, %mul3A_1202 : vector<16xf32>
        %get3A_1204 = arith.constant 48 : index
        %get3A_1205 = tpu.vector_load %arg15[%get3A_1204] {strides = array<i32>} : memref<128xf32, #tpu.memory_space<vmem>>, vector<16xf32>,
        %get3A_1206 = vector.shape_cast %get3A_1205 : vector<16xf32> to vector<16xf32>
        %add3A_1207 = arith.addf %add3A_1203, %get3A_1206 : vector<16xf32>
        %max3A_1208 = arith.constant 0.000000e+00 : f32
        %max3A_1209 = vector.broadcast %max3A_1208 : f32 to vector<16xf32>
        %max3A_1210 = arith.maximumf %add3A_1207, %max3A_1209 : vector<16xf32>
        %swap3A_1211 = arith.index_cast %add3A_1127 : i32 to index
        %swap3A_1212 = arith.constant 48 : index
        %swap3A_1213 = tpu.vector_load %arg13[%swap3A_1211, %swap3A_1212] {strides = array<i32>} : memref<128x128xf32, #tpu.memory_space<vmem>>, vector<1x16xf32>,
        %swap3A_1214 = vector.shape_cast %swap3A_1213 : vector<1x16xf32> to vector<16xf32>
        %swap3A_1215 = vector.shape_cast %max3A_1210 : vector<16xf32> to vector<1x16xf32>
        tpu.vector_store %arg13[%swap3A_1211, %swap3A_1212], %swap3A_1215 {strides = array<i32>} : memref<128x128xf32, #tpu.memory_space<vmem>>, vector<1x16xf32>,
        %get3A_1216 = arith.index_cast %add3A_1127 : i32 to index
        %get3A_1217 = arith.constant 64 : index
        %get3A_1218 = tpu.vector_load %arg13[%get3A_1216, %get3A_1217] {strides = array<i32>} : memref<128x128xf32, #tpu.memory_space<vmem>>, vector<1x16xf32>,
        %get3A_1219 = vector.shape_cast %get3A_1218 : vector<1x16xf32> to vector<16xf32>
        %get3A_1220 = arith.constant 64 : index
        %get3A_1221 = tpu.vector_load %arg14[%get3A_1220] {strides = array<i32>} : memref<128xf32, #tpu.memory_space<vmem>>, vector<16xf32>,
        %get3A_1222 = vector.shape_cast %get3A_1221 : vector<16xf32> to vector<16xf32>
        %mul3A_1223 = vector.broadcast %squeeze3A_1123 : f32 to vector<16xf32>
        %mul3A_1224 = arith.mulf %mul3A_1223, %get3A_1222 : vector<16xf32>
        %add3A_1225 = arith.addf %get3A_1219, %mul3A_1224 : vector<16xf32>
        %get3A_1226 = arith.constant 64 : index
        %get3A_1227 = tpu.vector_load %arg15[%get3A_1226] {strides = array<i32>} : memref<128xf32, #tpu.memory_space<vmem>>, vector<16xf32>,
        %get3A_1228 = vector.shape_cast %get3A_1227 : vector<16xf32> to vector<16xf32>
        %add3A_1229 = arith.addf %add3A_1225, %get3A_1228 : vector<16xf32>
        %max3A_1230 = arith.constant 0.000000e+00 : f32
        %max3A_1231 = vector.broadcast %max3A_1230 : f32 to vector<16xf32>
        %max3A_1232 = arith.maximumf %add3A_1229, %max3A_1231 : vector<16xf32>
        %swap3A_1233 = arith.index_cast %add3A_1127 : i32 to index
        %swap3A_1234 = arith.constant 64 : index
        %swap3A_1235 = tpu.vector_load %arg13[%swap3A_1233, %swap3A_1234] {strides = array<i32>} : memref<128x128xf32, #tpu.memory_space<vmem>>, vector<1x16xf32>,
        %swap3A_1236 = vector.shape_cast %swap3A_1235 : vector<1x16xf32> to vector<16xf32>
        %swap3A_1237 = vector.shape_cast %max3A_1232 : vector<16xf32> to vector<1x16xf32>
        tpu.vector_store %arg13[%swap3A_1233, %swap3A_1234], %swap3A_1237 {strides = array<i32>} : memref<128x128xf32, #tpu.memory_space<vmem>>, vector<1x16xf32>,
        %get3A_1238 = arith.index_cast %add3A_1127 : i32 to index
        %get3A_1239 = arith.constant 80 : index
        %get3A_1240 = tpu.vector_load %arg13[%get3A_1238, %get3A_1239] {strides = array<i32>} : memref<128x128xf32, #tpu.memory_space<vmem>>, vector<1x16xf32>,
        %get3A_1241 = vector.shape_cast %get3A_1240 : vector<1x16xf32> to vector<16xf32>
        %get3A_1242 = arith.constant 80 : index
        %get3A_1243 = tpu.vector_load %arg14[%get3A_1242] {strides = array<i32>} : memref<128xf32, #tpu.memory_space<vmem>>, vector<16xf32>,
        %get3A_1244 = vector.shape_cast %get3A_1243 : vector<16xf32> to vector<16xf32>
        %mul3A_1245 = vector.broadcast %squeeze3A_1123 : f32 to vector<16xf32>
        %mul3A_1246 = arith.mulf %mul3A_1245, %get3A_1244 : vector<16xf32>
        %add3A_1247 = arith.addf %get3A_1241, %mul3A_1246 : vector<16xf32>
        %get3A_1248 = arith.constant 80 : index
        %get3A_1249 = tpu.vector_load %arg15[%get3A_1248] {strides = array<i32>} : memref<128xf32, #tpu.memory_space<vmem>>, vector<16xf32>,
        %get3A_1250 = vector.shape_cast %get3A_1249 : vector<16xf32> to vector<16xf32>
        %add3A_1251 = arith.addf %add3A_1247, %get3A_1250 : vector<16xf32>
        %max3A_1252 = arith.constant 0.000000e+00 : f32
        %max3A_1253 = vector.broadcast %max3A_1252 : f32 to vector<16xf32>
        %max3A_1254 = arith.maximumf %add3A_1251, %max3A_1253 : vector<16xf32>
        %swap3A_1255 = arith.index_cast %add3A_1127 : i32 to index
        %swap3A_1256 = arith.constant 80 : index
        %swap3A_1257 = tpu.vector_load %arg13[%swap3A_1255, %swap3A_1256] {strides = array<i32>} : memref<128x128xf32, #tpu.memory_space<vmem>>, vector<1x16xf32>,
        %swap3A_1258 = vector.shape_cast %swap3A_1257 : vector<1x16xf32> to vector<16xf32>
        %swap3A_1259 = vector.shape_cast %max3A_1254 : vector<16xf32> to vector<1x16xf32>
        tpu.vector_store %arg13[%swap3A_1255, %swap3A_1256], %swap3A_1259 {strides = array<i32>} : memref<128x128xf32, #tpu.memory_space<vmem>>, vector<1x16xf32>,
        %get3A_1260 = arith.index_cast %add3A_1127 : i32 to index
        %get3A_1261 = arith.constant 96 : index
        %get3A_1262 = tpu.vector_load %arg13[%get3A_1260, %get3A_1261] {strides = array<i32>} : memref<128x128xf32, #tpu.memory_space<vmem>>, vector<1x16xf32>,
        %get3A_1263 = vector.shape_cast %get3A_1262 : vector<1x16xf32> to vector<16xf32>
        %get3A_1264 = arith.constant 96 : index
        %get3A_1265 = tpu.vector_load %arg14[%get3A_1264] {strides = array<i32>} : memref<128xf32, #tpu.memory_space<vmem>>, vector<16xf32>,
        %get3A_1266 = vector.shape_cast %get3A_1265 : vector<16xf32> to vector<16xf32>
        %mul3A_1267 = vector.broadcast %squeeze3A_1123 : f32 to vector<16xf32>
        %mul3A_1268 = arith.mulf %mul3A_1267, %get3A_1266 : vector<16xf32>
        %add3A_1269 = arith.addf %get3A_1263, %mul3A_1268 : vector<16xf32>
        %get3A_1270 = arith.constant 96 : index
        %get3A_1271 = tpu.vector_load %arg15[%get3A_1270] {strides = array<i32>} : memref<128xf32, #tpu.memory_space<vmem>>, vector<16xf32>,
        %get3A_1272 = vector.shape_cast %get3A_1271 : vector<16xf32> to vector<16xf32>
        %add3A_1273 = arith.addf %add3A_1269, %get3A_1272 : vector<16xf32>
        %max3A_1274 = arith.constant 0.000000e+00 : f32
        %max3A_1275 = vector.broadcast %max3A_1274 : f32 to vector<16xf32>
        %max3A_1276 = arith.maximumf %add3A_1273, %max3A_1275 : vector<16xf32>
        %swap3A_1277 = arith.index_cast %add3A_1127 : i32 to index
        %swap3A_1278 = arith.constant 96 : index
        %swap3A_1279 = tpu.vector_load %arg13[%swap3A_1277, %swap3A_1278] {strides = array<i32>} : memref<128x128xf32, #tpu.memory_space<vmem>>, vector<1x16xf32>,
        %swap3A_1280 = vector.shape_cast %swap3A_1279 : vector<1x16xf32> to vector<16xf32>
        %swap3A_1281 = vector.shape_cast %max3A_1276 : vector<16xf32> to vector<1x16xf32>
        tpu.vector_store %arg13[%swap3A_1277, %swap3A_1278], %swap3A_1281 {strides = array<i32>} : memref<128x128xf32, #tpu.memory_space<vmem>>, vector<1x16xf32>,
        %get3A_1282 = arith.index_cast %add3A_1127 : i32 to index
        %get3A_1283 = arith.constant 112 : index
        %get3A_1284 = tpu.vector_load %arg13[%get3A_1282, %get3A_1283] {strides = array<i32>} : memref<128x128xf32, #tpu.memory_space<vmem>>, vector<1x16xf32>,
        %get3A_1285 = vector.shape_cast %get3A_1284 : vector<1x16xf32> to vector<16xf32>
        %get3A_1286 = arith.constant 112 : index
        %get3A_1287 = tpu.vector_load %arg14[%get3A_1286] {strides = array<i32>} : memref<128xf32, #tpu.memory_space<vmem>>, vector<16xf32>,
        %get3A_1288 = vector.shape_cast %get3A_1287 : vector<16xf32> to vector<16xf32>
        %mul3A_1289 = vector.broadcast %squeeze3A_1123 : f32 to vector<16xf32>
        %mul3A_1290 = arith.mulf %mul3A_1289, %get3A_1288 : vector<16xf32>
        %add3A_1291 = arith.addf %get3A_1285, %mul3A_1290 : vector<16xf32>
        %get3A_1292 = arith.constant 112 : index
        %get3A_1293 = tpu.vector_load %arg15[%get3A_1292] {strides = array<i32>} : memref<128xf32, #tpu.memory_space<vmem>>, vector<16xf32>,
        %get3A_1294 = vector.shape_cast %get3A_1293 : vector<16xf32> to vector<16xf32>
        %add3A_1295 = arith.addf %add3A_1291, %get3A_1294 : vector<16xf32>
        %max3A_1296 = arith.constant 0.000000e+00 : f32
        %max3A_1297 = vector.broadcast %max3A_1296 : f32 to vector<16xf32>
        %max3A_1298 = arith.maximumf %add3A_1295, %max3A_1297 : vector<16xf32>
        %swap3A_1299 = arith.index_cast %add3A_1127 : i32 to index
        %swap3A_1300 = arith.constant 112 : index
        %swap3A_1301 = tpu.vector_load %arg13[%swap3A_1299, %swap3A_1300] {strides = array<i32>} : memref<128x128xf32, #tpu.memory_space<vmem>>, vector<1x16xf32>,
        %swap3A_1302 = vector.shape_cast %swap3A_1301 : vector<1x16xf32> to vector<16xf32>
        %swap3A_1303 = vector.shape_cast %max3A_1298 : vector<16xf32> to vector<1x16xf32>
        tpu.vector_store %arg13[%swap3A_1299, %swap3A_1300], %swap3A_1303 {strides = array<i32>} : memref<128x128xf32, #tpu.memory_space<vmem>>, vector<1x16xf32>,
        %slice3A_1304 = vector.extract_strided_slice %get3A_33 {offsets = [7], sizes = [1], strides = [1]} : vector<16xf32> to vector<1xf32>
        %squeeze3A_1305 = vector.extract %slice3A_1304[0] : f32 from vector<1xf32>
        %mul3A_1306 = arith.constant 16 : i32
        %mul3A_1307 = arith.muli %scan3A_29, %mul3A_1306 : i32
        %add3A_1308 = arith.constant 7 : i32
        %add3A_1309 = arith.addi %mul3A_1307, %add3A_1308 : i32
        %get3A_1310 = arith.index_cast %add3A_1309 : i32 to index
        %get3A_1311 = arith.constant 0 : index
        %get3A_1312 = tpu.vector_load %arg13[%get3A_1310, %get3A_1311] {strides = array<i32>} : memref<128x128xf32, #tpu.memory_space<vmem>>, vector<1x16xf32>,
        %get3A_1313 = vector.shape_cast %get3A_1312 : vector<1x16xf32> to vector<16xf32>
        %get3A_1314 = arith.constant 0 : index
        %get3A_1315 = tpu.vector_load %arg14[%get3A_1314] {strides = array<i32>} : memref<128xf32, #tpu.memory_space<vmem>>, vector<16xf32>,
        %get3A_1316 = vector.shape_cast %get3A_1315 : vector<16xf32> to vector<16xf32>
        %mul3A_1317 = vector.broadcast %squeeze3A_1305 : f32 to vector<16xf32>
        %mul3A_1318 = arith.mulf %mul3A_1317, %get3A_1316 : vector<16xf32>
        %add3A_1319 = arith.addf %get3A_1313, %mul3A_1318 : vector<16xf32>
        %get3A_1320 = arith.constant 0 : index
        %get3A_1321 = tpu.vector_load %arg15[%get3A_1320] {strides = array<i32>} : memref<128xf32, #tpu.memory_space<vmem>>, vector<16xf32>,
        %get3A_1322 = vector.shape_cast %get3A_1321 : vector<16xf32> to vector<16xf32>
        %add3A_1323 = arith.addf %add3A_1319, %get3A_1322 : vector<16xf32>
        %max3A_1324 = arith.constant 0.000000e+00 : f32
        %max3A_1325 = vector.broadcast %max3A_1324 : f32 to vector<16xf32>
        %max3A_1326 = arith.maximumf %add3A_1323, %max3A_1325 : vector<16xf32>
        %swap3A_1327 = arith.index_cast %add3A_1309 : i32 to index
        %swap3A_1328 = arith.constant 0 : index
        %swap3A_1329 = tpu.vector_load %arg13[%swap3A_1327, %swap3A_1328] {strides = array<i32>} : memref<128x128xf32, #tpu.memory_space<vmem>>, vector<1x16xf32>,
        %swap3A_1330 = vector.shape_cast %swap3A_1329 : vector<1x16xf32> to vector<16xf32>
        %swap3A_1331 = vector.shape_cast %max3A_1326 : vector<16xf32> to vector<1x16xf32>
        tpu.vector_store %arg13[%swap3A_1327, %swap3A_1328], %swap3A_1331 {strides = array<i32>} : memref<128x128xf32, #tpu.memory_space<vmem>>, vector<1x16xf32>,
        %get3A_1332 = arith.index_cast %add3A_1309 : i32 to index
        %get3A_1333 = arith.constant 16 : index
        %get3A_1334 = tpu.vector_load %arg13[%get3A_1332, %get3A_1333] {strides = array<i32>} : memref<128x128xf32, #tpu.memory_space<vmem>>, vector<1x16xf32>,
        %get3A_1335 = vector.shape_cast %get3A_1334 : vector<1x16xf32> to vector<16xf32>
        %get3A_1336 = arith.constant 16 : index
        %get3A_1337 = tpu.vector_load %arg14[%get3A_1336] {strides = array<i32>} : memref<128xf32, #tpu.memory_space<vmem>>, vector<16xf32>,
        %get3A_1338 = vector.shape_cast %get3A_1337 : vector<16xf32> to vector<16xf32>
        %mul3A_1339 = vector.broadcast %squeeze3A_1305 : f32 to vector<16xf32>
        %mul3A_1340 = arith.mulf %mul3A_1339, %get3A_1338 : vector<16xf32>
        %add3A_1341 = arith.addf %get3A_1335, %mul3A_1340 : vector<16xf32>
        %get3A_1342 = arith.constant 16 : index
        %get3A_1343 = tpu.vector_load %arg15[%get3A_1342] {strides = array<i32>} : memref<128xf32, #tpu.memory_space<vmem>>, vector<16xf32>,
        %get3A_1344 = vector.shape_cast %get3A_1343 : vector<16xf32> to vector<16xf32>
        %add3A_1345 = arith.addf %add3A_1341, %get3A_1344 : vector<16xf32>
        %max3A_1346 = arith.constant 0.000000e+00 : f32
        %max3A_1347 = vector.broadcast %max3A_1346 : f32 to vector<16xf32>
        %max3A_1348 = arith.maximumf %add3A_1345, %max3A_1347 : vector<16xf32>
        %swap3A_1349 = arith.index_cast %add3A_1309 : i32 to index
        %swap3A_1350 = arith.constant 16 : index
        %swap3A_1351 = tpu.vector_load %arg13[%swap3A_1349, %swap3A_1350] {strides = array<i32>} : memref<128x128xf32, #tpu.memory_space<vmem>>, vector<1x16xf32>,
        %swap3A_1352 = vector.shape_cast %swap3A_1351 : vector<1x16xf32> to vector<16xf32>
        %swap3A_1353 = vector.shape_cast %max3A_1348 : vector<16xf32> to vector<1x16xf32>
        tpu.vector_store %arg13[%swap3A_1349, %swap3A_1350], %swap3A_1353 {strides = array<i32>} : memref<128x128xf32, #tpu.memory_space<vmem>>, vector<1x16xf32>,
        %get3A_1354 = arith.index_cast %add3A_1309 : i32 to index
        %get3A_1355 = arith.constant 32 : index
        %get3A_1356 = tpu.vector_load %arg13[%get3A_1354, %get3A_1355] {strides = array<i32>} : memref<128x128xf32, #tpu.memory_space<vmem>>, vector<1x16xf32>,
        %get3A_1357 = vector.shape_cast %get3A_1356 : vector<1x16xf32> to vector<16xf32>
        %get3A_1358 = arith.constant 32 : index
        %get3A_1359 = tpu.vector_load %arg14[%get3A_1358] {strides = array<i32>} : memref<128xf32, #tpu.memory_space<vmem>>, vector<16xf32>,
        %get3A_1360 = vector.shape_cast %get3A_1359 : vector<16xf32> to vector<16xf32>
        %mul3A_1361 = vector.broadcast %squeeze3A_1305 : f32 to vector<16xf32>
        %mul3A_1362 = arith.mulf %mul3A_1361, %get3A_1360 : vector<16xf32>
        %add3A_1363 = arith.addf %get3A_1357, %mul3A_1362 : vector<16xf32>
        %get3A_1364 = arith.constant 32 : index
        %get3A_1365 = tpu.vector_load %arg15[%get3A_1364] {strides = array<i32>} : memref<128xf32, #tpu.memory_space<vmem>>, vector<16xf32>,
        %get3A_1366 = vector.shape_cast %get3A_1365 : vector<16xf32> to vector<16xf32>
        %add3A_1367 = arith.addf %add3A_1363, %get3A_1366 : vector<16xf32>
        %max3A_1368 = arith.constant 0.000000e+00 : f32
        %max3A_1369 = vector.broadcast %max3A_1368 : f32 to vector<16xf32>
        %max3A_1370 = arith.maximumf %add3A_1367, %max3A_1369 : vector<16xf32>
        %swap3A_1371 = arith.index_cast %add3A_1309 : i32 to index
        %swap3A_1372 = arith.constant 32 : index
        %swap3A_1373 = tpu.vector_load %arg13[%swap3A_1371, %swap3A_1372] {strides = array<i32>} : memref<128x128xf32, #tpu.memory_space<vmem>>, vector<1x16xf32>,
        %swap3A_1374 = vector.shape_cast %swap3A_1373 : vector<1x16xf32> to vector<16xf32>
        %swap3A_1375 = vector.shape_cast %max3A_1370 : vector<16xf32> to vector<1x16xf32>
        tpu.vector_store %arg13[%swap3A_1371, %swap3A_1372], %swap3A_1375 {strides = array<i32>} : memref<128x128xf32, #tpu.memory_space<vmem>>, vector<1x16xf32>,
        %get3A_1376 = arith.index_cast %add3A_1309 : i32 to index
        %get3A_1377 = arith.constant 48 : index
        %get3A_1378 = tpu.vector_load %arg13[%get3A_1376, %get3A_1377] {strides = array<i32>} : memref<128x128xf32, #tpu.memory_space<vmem>>, vector<1x16xf32>,
        %get3A_1379 = vector.shape_cast %get3A_1378 : vector<1x16xf32> to vector<16xf32>
        %get3A_1380 = arith.constant 48 : index
        %get3A_1381 = tpu.vector_load %arg14[%get3A_1380] {strides = array<i32>} : memref<128xf32, #tpu.memory_space<vmem>>, vector<16xf32>,
        %get3A_1382 = vector.shape_cast %get3A_1381 : vector<16xf32> to vector<16xf32>
        %mul3A_1383 = vector.broadcast %squeeze3A_1305 : f32 to vector<16xf32>
        %mul3A_1384 = arith.mulf %mul3A_1383, %get3A_1382 : vector<16xf32>
        %add3A_1385 = arith.addf %get3A_1379, %mul3A_1384 : vector<16xf32>
        %get3A_1386 = arith.constant 48 : index
        %get3A_1387 = tpu.vector_load %arg15[%get3A_1386] {strides = array<i32>} : memref<128xf32, #tpu.memory_space<vmem>>, vector<16xf32>,
        %get3A_1388 = vector.shape_cast %get3A_1387 : vector<16xf32> to vector<16xf32>
        %add3A_1389 = arith.addf %add3A_1385, %get3A_1388 : vector<16xf32>
        %max3A_1390 = arith.constant 0.000000e+00 : f32
        %max3A_1391 = vector.broadcast %max3A_1390 : f32 to vector<16xf32>
        %max3A_1392 = arith.maximumf %add3A_1389, %max3A_1391 : vector<16xf32>
        %swap3A_1393 = arith.index_cast %add3A_1309 : i32 to index
        %swap3A_1394 = arith.constant 48 : index
        %swap3A_1395 = tpu.vector_load %arg13[%swap3A_1393, %swap3A_1394] {strides = array<i32>} : memref<128x128xf32, #tpu.memory_space<vmem>>, vector<1x16xf32>,
        %swap3A_1396 = vector.shape_cast %swap3A_1395 : vector<1x16xf32> to vector<16xf32>
        %swap3A_1397 = vector.shape_cast %max3A_1392 : vector<16xf32> to vector<1x16xf32>
        tpu.vector_store %arg13[%swap3A_1393, %swap3A_1394], %swap3A_1397 {strides = array<i32>} : memref<128x128xf32, #tpu.memory_space<vmem>>, vector<1x16xf32>,
        %get3A_1398 = arith.index_cast %add3A_1309 : i32 to index
        %get3A_1399 = arith.constant 64 : index
        %get3A_1400 = tpu.vector_load %arg13[%get3A_1398, %get3A_1399] {strides = array<i32>} : memref<128x128xf32, #tpu.memory_space<vmem>>, vector<1x16xf32>,
        %get3A_1401 = vector.shape_cast %get3A_1400 : vector<1x16xf32> to vector<16xf32>
        %get3A_1402 = arith.constant 64 : index
        %get3A_1403 = tpu.vector_load %arg14[%get3A_1402] {strides = array<i32>} : memref<128xf32, #tpu.memory_space<vmem>>, vector<16xf32>,
        %get3A_1404 = vector.shape_cast %get3A_1403 : vector<16xf32> to vector<16xf32>
        %mul3A_1405 = vector.broadcast %squeeze3A_1305 : f32 to vector<16xf32>
        %mul3A_1406 = arith.mulf %mul3A_1405, %get3A_1404 : vector<16xf32>
        %add3A_1407 = arith.addf %get3A_1401, %mul3A_1406 : vector<16xf32>
        %get3A_1408 = arith.constant 64 : index
        %get3A_1409 = tpu.vector_load %arg15[%get3A_1408] {strides = array<i32>} : memref<128xf32, #tpu.memory_space<vmem>>, vector<16xf32>,
        %get3A_1410 = vector.shape_cast %get3A_1409 : vector<16xf32> to vector<16xf32>
        %add3A_1411 = arith.addf %add3A_1407, %get3A_1410 : vector<16xf32>
        %max3A_1412 = arith.constant 0.000000e+00 : f32
        %max3A_1413 = vector.broadcast %max3A_1412 : f32 to vector<16xf32>
        %max3A_1414 = arith.maximumf %add3A_1411, %max3A_1413 : vector<16xf32>
        %swap3A_1415 = arith.index_cast %add3A_1309 : i32 to index
        %swap3A_1416 = arith.constant 64 : index
        %swap3A_1417 = tpu.vector_load %arg13[%swap3A_1415, %swap3A_1416] {strides = array<i32>} : memref<128x128xf32, #tpu.memory_space<vmem>>, vector<1x16xf32>,
        %swap3A_1418 = vector.shape_cast %swap3A_1417 : vector<1x16xf32> to vector<16xf32>
        %swap3A_1419 = vector.shape_cast %max3A_1414 : vector<16xf32> to vector<1x16xf32>
        tpu.vector_store %arg13[%swap3A_1415, %swap3A_1416], %swap3A_1419 {strides = array<i32>} : memref<128x128xf32, #tpu.memory_space<vmem>>, vector<1x16xf32>,
        %get3A_1420 = arith.index_cast %add3A_1309 : i32 to index
        %get3A_1421 = arith.constant 80 : index
        %get3A_1422 = tpu.vector_load %arg13[%get3A_1420, %get3A_1421] {strides = array<i32>} : memref<128x128xf32, #tpu.memory_space<vmem>>, vector<1x16xf32>,
        %get3A_1423 = vector.shape_cast %get3A_1422 : vector<1x16xf32> to vector<16xf32>
        %get3A_1424 = arith.constant 80 : index
        %get3A_1425 = tpu.vector_load %arg14[%get3A_1424] {strides = array<i32>} : memref<128xf32, #tpu.memory_space<vmem>>, vector<16xf32>,
        %get3A_1426 = vector.shape_cast %get3A_1425 : vector<16xf32> to vector<16xf32>
        %mul3A_1427 = vector.broadcast %squeeze3A_1305 : f32 to vector<16xf32>
        %mul3A_1428 = arith.mulf %mul3A_1427, %get3A_1426 : vector<16xf32>
        %add3A_1429 = arith.addf %get3A_1423, %mul3A_1428 : vector<16xf32>
        %get3A_1430 = arith.constant 80 : index
        %get3A_1431 = tpu.vector_load %arg15[%get3A_1430] {strides = array<i32>} : memref<128xf32, #tpu.memory_space<vmem>>, vector<16xf32>,
        %get3A_1432 = vector.shape_cast %get3A_1431 : vector<16xf32> to vector<16xf32>
        %add3A_1433 = arith.addf %add3A_1429, %get3A_1432 : vector<16xf32>
        %max3A_1434 = arith.constant 0.000000e+00 : f32
        %max3A_1435 = vector.broadcast %max3A_1434 : f32 to vector<16xf32>
        %max3A_1436 = arith.maximumf %add3A_1433, %max3A_1435 : vector<16xf32>
        %swap3A_1437 = arith.index_cast %add3A_1309 : i32 to index
        %swap3A_1438 = arith.constant 80 : index
        %swap3A_1439 = tpu.vector_load %arg13[%swap3A_1437, %swap3A_1438] {strides = array<i32>} : memref<128x128xf32, #tpu.memory_space<vmem>>, vector<1x16xf32>,
        %swap3A_1440 = vector.shape_cast %swap3A_1439 : vector<1x16xf32> to vector<16xf32>
        %swap3A_1441 = vector.shape_cast %max3A_1436 : vector<16xf32> to vector<1x16xf32>
        tpu.vector_store %arg13[%swap3A_1437, %swap3A_1438], %swap3A_1441 {strides = array<i32>} : memref<128x128xf32, #tpu.memory_space<vmem>>, vector<1x16xf32>,
        %get3A_1442 = arith.index_cast %add3A_1309 : i32 to index
        %get3A_1443 = arith.constant 96 : index
        %get3A_1444 = tpu.vector_load %arg13[%get3A_1442, %get3A_1443] {strides = array<i32>} : memref<128x128xf32, #tpu.memory_space<vmem>>, vector<1x16xf32>,
        %get3A_1445 = vector.shape_cast %get3A_1444 : vector<1x16xf32> to vector<16xf32>
        %get3A_1446 = arith.constant 96 : index
        %get3A_1447 = tpu.vector_load %arg14[%get3A_1446] {strides = array<i32>} : memref<128xf32, #tpu.memory_space<vmem>>, vector<16xf32>,
        %get3A_1448 = vector.shape_cast %get3A_1447 : vector<16xf32> to vector<16xf32>
        %mul3A_1449 = vector.broadcast %squeeze3A_1305 : f32 to vector<16xf32>
        %mul3A_1450 = arith.mulf %mul3A_1449, %get3A_1448 : vector<16xf32>
        %add3A_1451 = arith.addf %get3A_1445, %mul3A_1450 : vector<16xf32>
        %get3A_1452 = arith.constant 96 : index
        %get3A_1453 = tpu.vector_load %arg15[%get3A_1452] {strides = array<i32>} : memref<128xf32, #tpu.memory_space<vmem>>, vector<16xf32>,
        %get3A_1454 = vector.shape_cast %get3A_1453 : vector<16xf32> to vector<16xf32>
        %add3A_1455 = arith.addf %add3A_1451, %get3A_1454 : vector<16xf32>
        %max3A_1456 = arith.constant 0.000000e+00 : f32
        %max3A_1457 = vector.broadcast %max3A_1456 : f32 to vector<16xf32>
        %max3A_1458 = arith.maximumf %add3A_1455, %max3A_1457 : vector<16xf32>
        %swap3A_1459 = arith.index_cast %add3A_1309 : i32 to index
        %swap3A_1460 = arith.constant 96 : index
        %swap3A_1461 = tpu.vector_load %arg13[%swap3A_1459, %swap3A_1460] {strides = array<i32>} : memref<128x128xf32, #tpu.memory_space<vmem>>, vector<1x16xf32>,
        %swap3A_1462 = vector.shape_cast %swap3A_1461 : vector<1x16xf32> to vector<16xf32>
        %swap3A_1463 = vector.shape_cast %max3A_1458 : vector<16xf32> to vector<1x16xf32>
        tpu.vector_store %arg13[%swap3A_1459, %swap3A_1460], %swap3A_1463 {strides = array<i32>} : memref<128x128xf32, #tpu.memory_space<vmem>>, vector<1x16xf32>,
        %get3A_1464 = arith.index_cast %add3A_1309 : i32 to index
        %get3A_1465 = arith.constant 112 : index
        %get3A_1466 = tpu.vector_load %arg13[%get3A_1464, %get3A_1465] {strides = array<i32>} : memref<128x128xf32, #tpu.memory_space<vmem>>, vector<1x16xf32>,
        %get3A_1467 = vector.shape_cast %get3A_1466 : vector<1x16xf32> to vector<16xf32>
        %get3A_1468 = arith.constant 112 : index
        %get3A_1469 = tpu.vector_load %arg14[%get3A_1468] {strides = array<i32>} : memref<128xf32, #tpu.memory_space<vmem>>, vector<16xf32>,
        %get3A_1470 = vector.shape_cast %get3A_1469 : vector<16xf32> to vector<16xf32>
        %mul3A_1471 = vector.broadcast %squeeze3A_1305 : f32 to vector<16xf32>
        %mul3A_1472 = arith.mulf %mul3A_1471, %get3A_1470 : vector<16xf32>
        %add3A_1473 = arith.addf %get3A_1467, %mul3A_1472 : vector<16xf32>
        %get3A_1474 = arith.constant 112 : index
        %get3A_1475 = tpu.vector_load %arg15[%get3A_1474] {strides = array<i32>} : memref<128xf32, #tpu.memory_space<vmem>>, vector<16xf32>,
        %get3A_1476 = vector.shape_cast %get3A_1475 : vector<16xf32> to vector<16xf32>
        %add3A_1477 = arith.addf %add3A_1473, %get3A_1476 : vector<16xf32>
        %max3A_1478 = arith.constant 0.000000e+00 : f32
        %max3A_1479 = vector.broadcast %max3A_1478 : f32 to vector<16xf32>
        %max3A_1480 = arith.maximumf %add3A_1477, %max3A_1479 : vector<16xf32>
        %swap3A_1481 = arith.index_cast %add3A_1309 : i32 to index
        %swap3A_1482 = arith.constant 112 : index
        %swap3A_1483 = tpu.vector_load %arg13[%swap3A_1481, %swap3A_1482] {strides = array<i32>} : memref<128x128xf32, #tpu.memory_space<vmem>>, vector<1x16xf32>,
        %swap3A_1484 = vector.shape_cast %swap3A_1483 : vector<1x16xf32> to vector<16xf32>
        %swap3A_1485 = vector.shape_cast %max3A_1480 : vector<16xf32> to vector<1x16xf32>
        tpu.vector_store %arg13[%swap3A_1481, %swap3A_1482], %swap3A_1485 {strides = array<i32>} : memref<128x128xf32, #tpu.memory_space<vmem>>, vector<1x16xf32>,
        %slice3A_1486 = vector.extract_strided_slice %get3A_33 {offsets = [8], sizes = [1], strides = [1]} : vector<16xf32> to vector<1xf32>
        %squeeze3A_1487 = vector.extract %slice3A_1486[0] : f32 from vector<1xf32>
        %mul3A_1488 = arith.constant 16 : i32
        %mul3A_1489 = arith.muli %scan3A_29, %mul3A_1488 : i32
        %add3A_1490 = arith.constant 8 : i32
        %add3A_1491 = arith.addi %mul3A_1489, %add3A_1490 : i32
        %get3A_1492 = arith.index_cast %add3A_1491 : i32 to index
        %get3A_1493 = arith.constant 0 : index
        %get3A_1494 = tpu.vector_load %arg13[%get3A_1492, %get3A_1493] {strides = array<i32>} : memref<128x128xf32, #tpu.memory_space<vmem>>, vector<1x16xf32>,
        %get3A_1495 = vector.shape_cast %get3A_1494 : vector<1x16xf32> to vector<16xf32>
        %get3A_1496 = arith.constant 0 : index
        %get3A_1497 = tpu.vector_load %arg14[%get3A_1496] {strides = array<i32>} : memref<128xf32, #tpu.memory_space<vmem>>, vector<16xf32>,
        %get3A_1498 = vector.shape_cast %get3A_1497 : vector<16xf32> to vector<16xf32>
        %mul3A_1499 = vector.broadcast %squeeze3A_1487 : f32 to vector<16xf32>
        %mul3A_1500 = arith.mulf %mul3A_1499, %get3A_1498 : vector<16xf32>
        %add3A_1501 = arith.addf %get3A_1495, %mul3A_1500 : vector<16xf32>
        %get3A_1502 = arith.constant 0 : index
        %get3A_1503 = tpu.vector_load %arg15[%get3A_1502] {strides = array<i32>} : memref<128xf32, #tpu.memory_space<vmem>>, vector<16xf32>,
        %get3A_1504 = vector.shape_cast %get3A_1503 : vector<16xf32> to vector<16xf32>
        %add3A_1505 = arith.addf %add3A_1501, %get3A_1504 : vector<16xf32>
        %max3A_1506 = arith.constant 0.000000e+00 : f32
        %max3A_1507 = vector.broadcast %max3A_1506 : f32 to vector<16xf32>
        %max3A_1508 = arith.maximumf %add3A_1505, %max3A_1507 : vector<16xf32>
        %swap3A_1509 = arith.index_cast %add3A_1491 : i32 to index
        %swap3A_1510 = arith.constant 0 : index
        %swap3A_1511 = tpu.vector_load %arg13[%swap3A_1509, %swap3A_1510] {strides = array<i32>} : memref<128x128xf32, #tpu.memory_space<vmem>>, vector<1x16xf32>,
        %swap3A_1512 = vector.shape_cast %swap3A_1511 : vector<1x16xf32> to vector<16xf32>
        %swap3A_1513 = vector.shape_cast %max3A_1508 : vector<16xf32> to vector<1x16xf32>
        tpu.vector_store %arg13[%swap3A_1509, %swap3A_1510], %swap3A_1513 {strides = array<i32>} : memref<128x128xf32, #tpu.memory_space<vmem>>, vector<1x16xf32>,
        %get3A_1514 = arith.index_cast %add3A_1491 : i32 to index
        %get3A_1515 = arith.constant 16 : index
        %get3A_1516 = tpu.vector_load %arg13[%get3A_1514, %get3A_1515] {strides = array<i32>} : memref<128x128xf32, #tpu.memory_space<vmem>>, vector<1x16xf32>,
        %get3A_1517 = vector.shape_cast %get3A_1516 : vector<1x16xf32> to vector<16xf32>
        %get3A_1518 = arith.constant 16 : index
        %get3A_1519 = tpu.vector_load %arg14[%get3A_1518] {strides = array<i32>} : memref<128xf32, #tpu.memory_space<vmem>>, vector<16xf32>,
        %get3A_1520 = vector.shape_cast %get3A_1519 : vector<16xf32> to vector<16xf32>
        %mul3A_1521 = vector.broadcast %squeeze3A_1487 : f32 to vector<16xf32>
        %mul3A_1522 = arith.mulf %mul3A_1521, %get3A_1520 : vector<16xf32>
        %add3A_1523 = arith.addf %get3A_1517, %mul3A_1522 : vector<16xf32>
        %get3A_1524 = arith.constant 16 : index
        %get3A_1525 = tpu.vector_load %arg15[%get3A_1524] {strides = array<i32>} : memref<128xf32, #tpu.memory_space<vmem>>, vector<16xf32>,
        %get3A_1526 = vector.shape_cast %get3A_1525 : vector<16xf32> to vector<16xf32>
        %add3A_1527 = arith.addf %add3A_1523, %get3A_1526 : vector<16xf32>
        %max3A_1528 = arith.constant 0.000000e+00 : f32
        %max3A_1529 = vector.broadcast %max3A_1528 : f32 to vector<16xf32>
        %max3A_1530 = arith.maximumf %add3A_1527, %max3A_1529 : vector<16xf32>
        %swap3A_1531 = arith.index_cast %add3A_1491 : i32 to index
        %swap3A_1532 = arith.constant 16 : index
        %swap3A_1533 = tpu.vector_load %arg13[%swap3A_1531, %swap3A_1532] {strides = array<i32>} : memref<128x128xf32, #tpu.memory_space<vmem>>, vector<1x16xf32>,
        %swap3A_1534 = vector.shape_cast %swap3A_1533 : vector<1x16xf32> to vector<16xf32>
        %swap3A_1535 = vector.shape_cast %max3A_1530 : vector<16xf32> to vector<1x16xf32>
        tpu.vector_store %arg13[%swap3A_1531, %swap3A_1532], %swap3A_1535 {strides = array<i32>} : memref<128x128xf32, #tpu.memory_space<vmem>>, vector<1x16xf32>,
        %get3A_1536 = arith.index_cast %add3A_1491 : i32 to index
        %get3A_1537 = arith.constant 32 : index
        %get3A_1538 = tpu.vector_load %arg13[%get3A_1536, %get3A_1537] {strides = array<i32>} : memref<128x128xf32, #tpu.memory_space<vmem>>, vector<1x16xf32>,
        %get3A_1539 = vector.shape_cast %get3A_1538 : vector<1x16xf32> to vector<16xf32>
        %get3A_1540 = arith.constant 32 : index
        %get3A_1541 = tpu.vector_load %arg14[%get3A_1540] {strides = array<i32>} : memref<128xf32, #tpu.memory_space<vmem>>, vector<16xf32>,
        %get3A_1542 = vector.shape_cast %get3A_1541 : vector<16xf32> to vector<16xf32>
        %mul3A_1543 = vector.broadcast %squeeze3A_1487 : f32 to vector<16xf32>
        %mul3A_1544 = arith.mulf %mul3A_1543, %get3A_1542 : vector<16xf32>
        %add3A_1545 = arith.addf %get3A_1539, %mul3A_1544 : vector<16xf32>
        %get3A_1546 = arith.constant 32 : index
        %get3A_1547 = tpu.vector_load %arg15[%get3A_1546] {strides = array<i32>} : memref<128xf32, #tpu.memory_space<vmem>>, vector<16xf32>,
        %get3A_1548 = vector.shape_cast %get3A_1547 : vector<16xf32> to vector<16xf32>
        %add3A_1549 = arith.addf %add3A_1545, %get3A_1548 : vector<16xf32>
        %max3A_1550 = arith.constant 0.000000e+00 : f32
        %max3A_1551 = vector.broadcast %max3A_1550 : f32 to vector<16xf32>
        %max3A_1552 = arith.maximumf %add3A_1549, %max3A_1551 : vector<16xf32>
        %swap3A_1553 = arith.index_cast %add3A_1491 : i32 to index
        %swap3A_1554 = arith.constant 32 : index
        %swap3A_1555 = tpu.vector_load %arg13[%swap3A_1553, %swap3A_1554] {strides = array<i32>} : memref<128x128xf32, #tpu.memory_space<vmem>>, vector<1x16xf32>,
        %swap3A_1556 = vector.shape_cast %swap3A_1555 : vector<1x16xf32> to vector<16xf32>
        %swap3A_1557 = vector.shape_cast %max3A_1552 : vector<16xf32> to vector<1x16xf32>
        tpu.vector_store %arg13[%swap3A_1553, %swap3A_1554], %swap3A_1557 {strides = array<i32>} : memref<128x128xf32, #tpu.memory_space<vmem>>, vector<1x16xf32>,
        %get3A_1558 = arith.index_cast %add3A_1491 : i32 to index
        %get3A_1559 = arith.constant 48 : index
        %get3A_1560 = tpu.vector_load %arg13[%get3A_1558, %get3A_1559] {strides = array<i32>} : memref<128x128xf32, #tpu.memory_space<vmem>>, vector<1x16xf32>,
        %get3A_1561 = vector.shape_cast %get3A_1560 : vector<1x16xf32> to vector<16xf32>
        %get3A_1562 = arith.constant 48 : index
        %get3A_1563 = tpu.vector_load %arg14[%get3A_1562] {strides = array<i32>} : memref<128xf32, #tpu.memory_space<vmem>>, vector<16xf32>,
        %get3A_1564 = vector.shape_cast %get3A_1563 : vector<16xf32> to vector<16xf32>
        %mul3A_1565 = vector.broadcast %squeeze3A_1487 : f32 to vector<16xf32>
        %mul3A_1566 = arith.mulf %mul3A_1565, %get3A_1564 : vector<16xf32>
        %add3A_1567 = arith.addf %get3A_1561, %mul3A_1566 : vector<16xf32>
        %get3A_1568 = arith.constant 48 : index
        %get3A_1569 = tpu.vector_load %arg15[%get3A_1568] {strides = array<i32>} : memref<128xf32, #tpu.memory_space<vmem>>, vector<16xf32>,
        %get3A_1570 = vector.shape_cast %get3A_1569 : vector<16xf32> to vector<16xf32>
        %add3A_1571 = arith.addf %add3A_1567, %get3A_1570 : vector<16xf32>
        %max3A_1572 = arith.constant 0.000000e+00 : f32
        %max3A_1573 = vector.broadcast %max3A_1572 : f32 to vector<16xf32>
        %max3A_1574 = arith.maximumf %add3A_1571, %max3A_1573 : vector<16xf32>
        %swap3A_1575 = arith.index_cast %add3A_1491 : i32 to index
        %swap3A_1576 = arith.constant 48 : index
        %swap3A_1577 = tpu.vector_load %arg13[%swap3A_1575, %swap3A_1576] {strides = array<i32>} : memref<128x128xf32, #tpu.memory_space<vmem>>, vector<1x16xf32>,
        %swap3A_1578 = vector.shape_cast %swap3A_1577 : vector<1x16xf32> to vector<16xf32>
        %swap3A_1579 = vector.shape_cast %max3A_1574 : vector<16xf32> to vector<1x16xf32>
        tpu.vector_store %arg13[%swap3A_1575, %swap3A_1576], %swap3A_1579 {strides = array<i32>} : memref<128x128xf32, #tpu.memory_space<vmem>>, vector<1x16xf32>,
        %get3A_1580 = arith.index_cast %add3A_1491 : i32 to index
        %get3A_1581 = arith.constant 64 : index
        %get3A_1582 = tpu.vector_load %arg13[%get3A_1580, %get3A_1581] {strides = array<i32>} : memref<128x128xf32, #tpu.memory_space<vmem>>, vector<1x16xf32>,
        %get3A_1583 = vector.shape_cast %get3A_1582 : vector<1x16xf32> to vector<16xf32>
        %get3A_1584 = arith.constant 64 : index
        %get3A_1585 = tpu.vector_load %arg14[%get3A_1584] {strides = array<i32>} : memref<128xf32, #tpu.memory_space<vmem>>, vector<16xf32>,
        %get3A_1586 = vector.shape_cast %get3A_1585 : vector<16xf32> to vector<16xf32>
        %mul3A_1587 = vector.broadcast %squeeze3A_1487 : f32 to vector<16xf32>
        %mul3A_1588 = arith.mulf %mul3A_1587, %get3A_1586 : vector<16xf32>
        %add3A_1589 = arith.addf %get3A_1583, %mul3A_1588 : vector<16xf32>
        %get3A_1590 = arith.constant 64 : index
        %get3A_1591 = tpu.vector_load %arg15[%get3A_1590] {strides = array<i32>} : memref<128xf32, #tpu.memory_space<vmem>>, vector<16xf32>,
        %get3A_1592 = vector.shape_cast %get3A_1591 : vector<16xf32> to vector<16xf32>
        %add3A_1593 = arith.addf %add3A_1589, %get3A_1592 : vector<16xf32>
        %max3A_1594 = arith.constant 0.000000e+00 : f32
        %max3A_1595 = vector.broadcast %max3A_1594 : f32 to vector<16xf32>
        %max3A_1596 = arith.maximumf %add3A_1593, %max3A_1595 : vector<16xf32>
        %swap3A_1597 = arith.index_cast %add3A_1491 : i32 to index
        %swap3A_1598 = arith.constant 64 : index
        %swap3A_1599 = tpu.vector_load %arg13[%swap3A_1597, %swap3A_1598] {strides = array<i32>} : memref<128x128xf32, #tpu.memory_space<vmem>>, vector<1x16xf32>,
        %swap3A_1600 = vector.shape_cast %swap3A_1599 : vector<1x16xf32> to vector<16xf32>
        %swap3A_1601 = vector.shape_cast %max3A_1596 : vector<16xf32> to vector<1x16xf32>
        tpu.vector_store %arg13[%swap3A_1597, %swap3A_1598], %swap3A_1601 {strides = array<i32>} : memref<128x128xf32, #tpu.memory_space<vmem>>, vector<1x16xf32>,
        %get3A_1602 = arith.index_cast %add3A_1491 : i32 to index
        %get3A_1603 = arith.constant 80 : index
        %get3A_1604 = tpu.vector_load %arg13[%get3A_1602, %get3A_1603] {strides = array<i32>} : memref<128x128xf32, #tpu.memory_space<vmem>>, vector<1x16xf32>,
        %get3A_1605 = vector.shape_cast %get3A_1604 : vector<1x16xf32> to vector<16xf32>
        %get3A_1606 = arith.constant 80 : index
        %get3A_1607 = tpu.vector_load %arg14[%get3A_1606] {strides = array<i32>} : memref<128xf32, #tpu.memory_space<vmem>>, vector<16xf32>,
        %get3A_1608 = vector.shape_cast %get3A_1607 : vector<16xf32> to vector<16xf32>
        %mul3A_1609 = vector.broadcast %squeeze3A_1487 : f32 to vector<16xf32>
        %mul3A_1610 = arith.mulf %mul3A_1609, %get3A_1608 : vector<16xf32>
        %add3A_1611 = arith.addf %get3A_1605, %mul3A_1610 : vector<16xf32>
        %get3A_1612 = arith.constant 80 : index
        %get3A_1613 = tpu.vector_load %arg15[%get3A_1612] {strides = array<i32>} : memref<128xf32, #tpu.memory_space<vmem>>, vector<16xf32>,
        %get3A_1614 = vector.shape_cast %get3A_1613 : vector<16xf32> to vector<16xf32>
        %add3A_1615 = arith.addf %add3A_1611, %get3A_1614 : vector<16xf32>
        %max3A_1616 = arith.constant 0.000000e+00 : f32
        %max3A_1617 = vector.broadcast %max3A_1616 : f32 to vector<16xf32>
        %max3A_1618 = arith.maximumf %add3A_1615, %max3A_1617 : vector<16xf32>
        %swap3A_1619 = arith.index_cast %add3A_1491 : i32 to index
        %swap3A_1620 = arith.constant 80 : index
        %swap3A_1621 = tpu.vector_load %arg13[%swap3A_1619, %swap3A_1620] {strides = array<i32>} : memref<128x128xf32, #tpu.memory_space<vmem>>, vector<1x16xf32>,
        %swap3A_1622 = vector.shape_cast %swap3A_1621 : vector<1x16xf32> to vector<16xf32>
        %swap3A_1623 = vector.shape_cast %max3A_1618 : vector<16xf32> to vector<1x16xf32>
        tpu.vector_store %arg13[%swap3A_1619, %swap3A_1620], %swap3A_1623 {strides = array<i32>} : memref<128x128xf32, #tpu.memory_space<vmem>>, vector<1x16xf32>,
        %get3A_1624 = arith.index_cast %add3A_1491 : i32 to index
        %get3A_1625 = arith.constant 96 : index
        %get3A_1626 = tpu.vector_load %arg13[%get3A_1624, %get3A_1625] {strides = array<i32>} : memref<128x128xf32, #tpu.memory_space<vmem>>, vector<1x16xf32>,
        %get3A_1627 = vector.shape_cast %get3A_1626 : vector<1x16xf32> to vector<16xf32>
        %get3A_1628 = arith.constant 96 : index
        %get3A_1629 = tpu.vector_load %arg14[%get3A_1628] {strides = array<i32>} : memref<128xf32, #tpu.memory_space<vmem>>, vector<16xf32>,
        %get3A_1630 = vector.shape_cast %get3A_1629 : vector<16xf32> to vector<16xf32>
        %mul3A_1631 = vector.broadcast %squeeze3A_1487 : f32 to vector<16xf32>
        %mul3A_1632 = arith.mulf %mul3A_1631, %get3A_1630 : vector<16xf32>
        %add3A_1633 = arith.addf %get3A_1627, %mul3A_1632 : vector<16xf32>
        %get3A_1634 = arith.constant 96 : index
        %get3A_1635 = tpu.vector_load %arg15[%get3A_1634] {strides = array<i32>} : memref<128xf32, #tpu.memory_space<vmem>>, vector<16xf32>,
        %get3A_1636 = vector.shape_cast %get3A_1635 : vector<16xf32> to vector<16xf32>
        %add3A_1637 = arith.addf %add3A_1633, %get3A_1636 : vector<16xf32>
        %max3A_1638 = arith.constant 0.000000e+00 : f32
        %max3A_1639 = vector.broadcast %max3A_1638 : f32 to vector<16xf32>
        %max3A_1640 = arith.maximumf %add3A_1637, %max3A_1639 : vector<16xf32>
        %swap3A_1641 = arith.index_cast %add3A_1491 : i32 to index
        %swap3A_1642 = arith.constant 96 : index
        %swap3A_1643 = tpu.vector_load %arg13[%swap3A_1641, %swap3A_1642] {strides = array<i32>} : memref<128x128xf32, #tpu.memory_space<vmem>>, vector<1x16xf32>,
        %swap3A_1644 = vector.shape_cast %swap3A_1643 : vector<1x16xf32> to vector<16xf32>
        %swap3A_1645 = vector.shape_cast %max3A_1640 : vector<16xf32> to vector<1x16xf32>
        tpu.vector_store %arg13[%swap3A_1641, %swap3A_1642], %swap3A_1645 {strides = array<i32>} : memref<128x128xf32, #tpu.memory_space<vmem>>, vector<1x16xf32>,
        %get3A_1646 = arith.index_cast %add3A_1491 : i32 to index
        %get3A_1647 = arith.constant 112 : index
        %get3A_1648 = tpu.vector_load %arg13[%get3A_1646, %get3A_1647] {strides = array<i32>} : memref<128x128xf32, #tpu.memory_space<vmem>>, vector<1x16xf32>,
        %get3A_1649 = vector.shape_cast %get3A_1648 : vector<1x16xf32> to vector<16xf32>
        %get3A_1650 = arith.constant 112 : index
        %get3A_1651 = tpu.vector_load %arg14[%get3A_1650] {strides = array<i32>} : memref<128xf32, #tpu.memory_space<vmem>>, vector<16xf32>,
        %get3A_1652 = vector.shape_cast %get3A_1651 : vector<16xf32> to vector<16xf32>
        %mul3A_1653 = vector.broadcast %squeeze3A_1487 : f32 to vector<16xf32>
        %mul3A_1654 = arith.mulf %mul3A_1653, %get3A_1652 : vector<16xf32>
        %add3A_1655 = arith.addf %get3A_1649, %mul3A_1654 : vector<16xf32>
        %get3A_1656 = arith.constant 112 : index
        %get3A_1657 = tpu.vector_load %arg15[%get3A_1656] {strides = array<i32>} : memref<128xf32, #tpu.memory_space<vmem>>, vector<16xf32>,
        %get3A_1658 = vector.shape_cast %get3A_1657 : vector<16xf32> to vector<16xf32>
        %add3A_1659 = arith.addf %add3A_1655, %get3A_1658 : vector<16xf32>
        %max3A_1660 = arith.constant 0.000000e+00 : f32
        %max3A_1661 = vector.broadcast %max3A_1660 : f32 to vector<16xf32>
        %max3A_1662 = arith.maximumf %add3A_1659, %max3A_1661 : vector<16xf32>
        %swap3A_1663 = arith.index_cast %add3A_1491 : i32 to index
        %swap3A_1664 = arith.constant 112 : index
        %swap3A_1665 = tpu.vector_load %arg13[%swap3A_1663, %swap3A_1664] {strides = array<i32>} : memref<128x128xf32, #tpu.memory_space<vmem>>, vector<1x16xf32>,
        %swap3A_1666 = vector.shape_cast %swap3A_1665 : vector<1x16xf32> to vector<16xf32>
        %swap3A_1667 = vector.shape_cast %max3A_1662 : vector<16xf32> to vector<1x16xf32>
        tpu.vector_store %arg13[%swap3A_1663, %swap3A_1664], %swap3A_1667 {strides = array<i32>} : memref<128x128xf32, #tpu.memory_space<vmem>>, vector<1x16xf32>,
        %slice3A_1668 = vector.extract_strided_slice %get3A_33 {offsets = [9], sizes = [1], strides = [1]} : vector<16xf32> to vector<1xf32>
        %squeeze3A_1669 = vector.extract %slice3A_1668[0] : f32 from vector<1xf32>
        %mul3A_1670 = arith.constant 16 : i32
        %mul3A_1671 = arith.muli %scan3A_29, %mul3A_1670 : i32
        %add3A_1672 = arith.constant 9 : i32
        %add3A_1673 = arith.addi %mul3A_1671, %add3A_1672 : i32
        %get3A_1674 = arith.index_cast %add3A_1673 : i32 to index
        %get3A_1675 = arith.constant 0 : index
        %get3A_1676 = tpu.vector_load %arg13[%get3A_1674, %get3A_1675] {strides = array<i32>} : memref<128x128xf32, #tpu.memory_space<vmem>>, vector<1x16xf32>,
        %get3A_1677 = vector.shape_cast %get3A_1676 : vector<1x16xf32> to vector<16xf32>
        %get3A_1678 = arith.constant 0 : index
        %get3A_1679 = tpu.vector_load %arg14[%get3A_1678] {strides = array<i32>} : memref<128xf32, #tpu.memory_space<vmem>>, vector<16xf32>,
        %get3A_1680 = vector.shape_cast %get3A_1679 : vector<16xf32> to vector<16xf32>
        %mul3A_1681 = vector.broadcast %squeeze3A_1669 : f32 to vector<16xf32>
        %mul3A_1682 = arith.mulf %mul3A_1681, %get3A_1680 : vector<16xf32>
        %add3A_1683 = arith.addf %get3A_1677, %mul3A_1682 : vector<16xf32>
        %get3A_1684 = arith.constant 0 : index
        %get3A_1685 = tpu.vector_load %arg15[%get3A_1684] {strides = array<i32>} : memref<128xf32, #tpu.memory_space<vmem>>, vector<16xf32>,
        %get3A_1686 = vector.shape_cast %get3A_1685 : vector<16xf32> to vector<16xf32>
        %add3A_1687 = arith.addf %add3A_1683, %get3A_1686 : vector<16xf32>
        %max3A_1688 = arith.constant 0.000000e+00 : f32
        %max3A_1689 = vector.broadcast %max3A_1688 : f32 to vector<16xf32>
        %max3A_1690 = arith.maximumf %add3A_1687, %max3A_1689 : vector<16xf32>
        %swap3A_1691 = arith.index_cast %add3A_1673 : i32 to index
        %swap3A_1692 = arith.constant 0 : index
        %swap3A_1693 = tpu.vector_load %arg13[%swap3A_1691, %swap3A_1692] {strides = array<i32>} : memref<128x128xf32, #tpu.memory_space<vmem>>, vector<1x16xf32>,
        %swap3A_1694 = vector.shape_cast %swap3A_1693 : vector<1x16xf32> to vector<16xf32>
        %swap3A_1695 = vector.shape_cast %max3A_1690 : vector<16xf32> to vector<1x16xf32>
        tpu.vector_store %arg13[%swap3A_1691, %swap3A_1692], %swap3A_1695 {strides = array<i32>} : memref<128x128xf32, #tpu.memory_space<vmem>>, vector<1x16xf32>,
        %get3A_1696 = arith.index_cast %add3A_1673 : i32 to index
        %get3A_1697 = arith.constant 16 : index
        %get3A_1698 = tpu.vector_load %arg13[%get3A_1696, %get3A_1697] {strides = array<i32>} : memref<128x128xf32, #tpu.memory_space<vmem>>, vector<1x16xf32>,
        %get3A_1699 = vector.shape_cast %get3A_1698 : vector<1x16xf32> to vector<16xf32>
        %get3A_1700 = arith.constant 16 : index
        %get3A_1701 = tpu.vector_load %arg14[%get3A_1700] {strides = array<i32>} : memref<128xf32, #tpu.memory_space<vmem>>, vector<16xf32>,
        %get3A_1702 = vector.shape_cast %get3A_1701 : vector<16xf32> to vector<16xf32>
        %mul3A_1703 = vector.broadcast %squeeze3A_1669 : f32 to vector<16xf32>
        %mul3A_1704 = arith.mulf %mul3A_1703, %get3A_1702 : vector<16xf32>
        %add3A_1705 = arith.addf %get3A_1699, %mul3A_1704 : vector<16xf32>
        %get3A_1706 = arith.constant 16 : index
        %get3A_1707 = tpu.vector_load %arg15[%get3A_1706] {strides = array<i32>} : memref<128xf32, #tpu.memory_space<vmem>>, vector<16xf32>,
        %get3A_1708 = vector.shape_cast %get3A_1707 : vector<16xf32> to vector<16xf32>
        %add3A_1709 = arith.addf %add3A_1705, %get3A_1708 : vector<16xf32>
        %max3A_1710 = arith.constant 0.000000e+00 : f32
        %max3A_1711 = vector.broadcast %max3A_1710 : f32 to vector<16xf32>
        %max3A_1712 = arith.maximumf %add3A_1709, %max3A_1711 : vector<16xf32>
        %swap3A_1713 = arith.index_cast %add3A_1673 : i32 to index
        %swap3A_1714 = arith.constant 16 : index
        %swap3A_1715 = tpu.vector_load %arg13[%swap3A_1713, %swap3A_1714] {strides = array<i32>} : memref<128x128xf32, #tpu.memory_space<vmem>>, vector<1x16xf32>,
        %swap3A_1716 = vector.shape_cast %swap3A_1715 : vector<1x16xf32> to vector<16xf32>
        %swap3A_1717 = vector.shape_cast %max3A_1712 : vector<16xf32> to vector<1x16xf32>
        tpu.vector_store %arg13[%swap3A_1713, %swap3A_1714], %swap3A_1717 {strides = array<i32>} : memref<128x128xf32, #tpu.memory_space<vmem>>, vector<1x16xf32>,
        %get3A_1718 = arith.index_cast %add3A_1673 : i32 to index
        %get3A_1719 = arith.constant 32 : index
        %get3A_1720 = tpu.vector_load %arg13[%get3A_1718, %get3A_1719] {strides = array<i32>} : memref<128x128xf32, #tpu.memory_space<vmem>>, vector<1x16xf32>,
        %get3A_1721 = vector.shape_cast %get3A_1720 : vector<1x16xf32> to vector<16xf32>
        %get3A_1722 = arith.constant 32 : index
        %get3A_1723 = tpu.vector_load %arg14[%get3A_1722] {strides = array<i32>} : memref<128xf32, #tpu.memory_space<vmem>>, vector<16xf32>,
        %get3A_1724 = vector.shape_cast %get3A_1723 : vector<16xf32> to vector<16xf32>
        %mul3A_1725 = vector.broadcast %squeeze3A_1669 : f32 to vector<16xf32>
        %mul3A_1726 = arith.mulf %mul3A_1725, %get3A_1724 : vector<16xf32>
        %add3A_1727 = arith.addf %get3A_1721, %mul3A_1726 : vector<16xf32>
        %get3A_1728 = arith.constant 32 : index
        %get3A_1729 = tpu.vector_load %arg15[%get3A_1728] {strides = array<i32>} : memref<128xf32, #tpu.memory_space<vmem>>, vector<16xf32>,
        %get3A_1730 = vector.shape_cast %get3A_1729 : vector<16xf32> to vector<16xf32>
        %add3A_1731 = arith.addf %add3A_1727, %get3A_1730 : vector<16xf32>
        %max3A_1732 = arith.constant 0.000000e+00 : f32
        %max3A_1733 = vector.broadcast %max3A_1732 : f32 to vector<16xf32>
        %max3A_1734 = arith.maximumf %add3A_1731, %max3A_1733 : vector<16xf32>
        %swap3A_1735 = arith.index_cast %add3A_1673 : i32 to index
        %swap3A_1736 = arith.constant 32 : index
        %swap3A_1737 = tpu.vector_load %arg13[%swap3A_1735, %swap3A_1736] {strides = array<i32>} : memref<128x128xf32, #tpu.memory_space<vmem>>, vector<1x16xf32>,
        %swap3A_1738 = vector.shape_cast %swap3A_1737 : vector<1x16xf32> to vector<16xf32>
        %swap3A_1739 = vector.shape_cast %max3A_1734 : vector<16xf32> to vector<1x16xf32>
        tpu.vector_store %arg13[%swap3A_1735, %swap3A_1736], %swap3A_1739 {strides = array<i32>} : memref<128x128xf32, #tpu.memory_space<vmem>>, vector<1x16xf32>,
        %get3A_1740 = arith.index_cast %add3A_1673 : i32 to index
        %get3A_1741 = arith.constant 48 : index
        %get3A_1742 = tpu.vector_load %arg13[%get3A_1740, %get3A_1741] {strides = array<i32>} : memref<128x128xf32, #tpu.memory_space<vmem>>, vector<1x16xf32>,
        %get3A_1743 = vector.shape_cast %get3A_1742 : vector<1x16xf32> to vector<16xf32>
        %get3A_1744 = arith.constant 48 : index
        %get3A_1745 = tpu.vector_load %arg14[%get3A_1744] {strides = array<i32>} : memref<128xf32, #tpu.memory_space<vmem>>, vector<16xf32>,
        %get3A_1746 = vector.shape_cast %get3A_1745 : vector<16xf32> to vector<16xf32>
        %mul3A_1747 = vector.broadcast %squeeze3A_1669 : f32 to vector<16xf32>
        %mul3A_1748 = arith.mulf %mul3A_1747, %get3A_1746 : vector<16xf32>
        %add3A_1749 = arith.addf %get3A_1743, %mul3A_1748 : vector<16xf32>
        %get3A_1750 = arith.constant 48 : index
        %get3A_1751 = tpu.vector_load %arg15[%get3A_1750] {strides = array<i32>} : memref<128xf32, #tpu.memory_space<vmem>>, vector<16xf32>,
        %get3A_1752 = vector.shape_cast %get3A_1751 : vector<16xf32> to vector<16xf32>
        %add3A_1753 = arith.addf %add3A_1749, %get3A_1752 : vector<16xf32>
        %max3A_1754 = arith.constant 0.000000e+00 : f32
        %max3A_1755 = vector.broadcast %max3A_1754 : f32 to vector<16xf32>
        %max3A_1756 = arith.maximumf %add3A_1753, %max3A_1755 : vector<16xf32>
        %swap3A_1757 = arith.index_cast %add3A_1673 : i32 to index
        %swap3A_1758 = arith.constant 48 : index
        %swap3A_1759 = tpu.vector_load %arg13[%swap3A_1757, %swap3A_1758] {strides = array<i32>} : memref<128x128xf32, #tpu.memory_space<vmem>>, vector<1x16xf32>,
        %swap3A_1760 = vector.shape_cast %swap3A_1759 : vector<1x16xf32> to vector<16xf32>
        %swap3A_1761 = vector.shape_cast %max3A_1756 : vector<16xf32> to vector<1x16xf32>
        tpu.vector_store %arg13[%swap3A_1757, %swap3A_1758], %swap3A_1761 {strides = array<i32>} : memref<128x128xf32, #tpu.memory_space<vmem>>, vector<1x16xf32>,
        %get3A_1762 = arith.index_cast %add3A_1673 : i32 to index
        %get3A_1763 = arith.constant 64 : index
        %get3A_1764 = tpu.vector_load %arg13[%get3A_1762, %get3A_1763] {strides = array<i32>} : memref<128x128xf32, #tpu.memory_space<vmem>>, vector<1x16xf32>,
        %get3A_1765 = vector.shape_cast %get3A_1764 : vector<1x16xf32> to vector<16xf32>
        %get3A_1766 = arith.constant 64 : index
        %get3A_1767 = tpu.vector_load %arg14[%get3A_1766] {strides = array<i32>} : memref<128xf32, #tpu.memory_space<vmem>>, vector<16xf32>,
        %get3A_1768 = vector.shape_cast %get3A_1767 : vector<16xf32> to vector<16xf32>
        %mul3A_1769 = vector.broadcast %squeeze3A_1669 : f32 to vector<16xf32>
        %mul3A_1770 = arith.mulf %mul3A_1769, %get3A_1768 : vector<16xf32>
        %add3A_1771 = arith.addf %get3A_1765, %mul3A_1770 : vector<16xf32>
        %get3A_1772 = arith.constant 64 : index
        %get3A_1773 = tpu.vector_load %arg15[%get3A_1772] {strides = array<i32>} : memref<128xf32, #tpu.memory_space<vmem>>, vector<16xf32>,
        %get3A_1774 = vector.shape_cast %get3A_1773 : vector<16xf32> to vector<16xf32>
        %add3A_1775 = arith.addf %add3A_1771, %get3A_1774 : vector<16xf32>
        %max3A_1776 = arith.constant 0.000000e+00 : f32
        %max3A_1777 = vector.broadcast %max3A_1776 : f32 to vector<16xf32>
        %max3A_1778 = arith.maximumf %add3A_1775, %max3A_1777 : vector<16xf32>
        %swap3A_1779 = arith.index_cast %add3A_1673 : i32 to index
        %swap3A_1780 = arith.constant 64 : index
        %swap3A_1781 = tpu.vector_load %arg13[%swap3A_1779, %swap3A_1780] {strides = array<i32>} : memref<128x128xf32, #tpu.memory_space<vmem>>, vector<1x16xf32>,
        %swap3A_1782 = vector.shape_cast %swap3A_1781 : vector<1x16xf32> to vector<16xf32>
        %swap3A_1783 = vector.shape_cast %max3A_1778 : vector<16xf32> to vector<1x16xf32>
        tpu.vector_store %arg13[%swap3A_1779, %swap3A_1780], %swap3A_1783 {strides = array<i32>} : memref<128x128xf32, #tpu.memory_space<vmem>>, vector<1x16xf32>,
        %get3A_1784 = arith.index_cast %add3A_1673 : i32 to index
        %get3A_1785 = arith.constant 80 : index
        %get3A_1786 = tpu.vector_load %arg13[%get3A_1784, %get3A_1785] {strides = array<i32>} : memref<128x128xf32, #tpu.memory_space<vmem>>, vector<1x16xf32>,
        %get3A_1787 = vector.shape_cast %get3A_1786 : vector<1x16xf32> to vector<16xf32>
        %get3A_1788 = arith.constant 80 : index
        %get3A_1789 = tpu.vector_load %arg14[%get3A_1788] {strides = array<i32>} : memref<128xf32, #tpu.memory_space<vmem>>, vector<16xf32>,
        %get3A_1790 = vector.shape_cast %get3A_1789 : vector<16xf32> to vector<16xf32>
        %mul3A_1791 = vector.broadcast %squeeze3A_1669 : f32 to vector<16xf32>
        %mul3A_1792 = arith.mulf %mul3A_1791, %get3A_1790 : vector<16xf32>
        %add3A_1793 = arith.addf %get3A_1787, %mul3A_1792 : vector<16xf32>
        %get3A_1794 = arith.constant 80 : index
        %get3A_1795 = tpu.vector_load %arg15[%get3A_1794] {strides = array<i32>} : memref<128xf32, #tpu.memory_space<vmem>>, vector<16xf32>,
        %get3A_1796 = vector.shape_cast %get3A_1795 : vector<16xf32> to vector<16xf32>
        %add3A_1797 = arith.addf %add3A_1793, %get3A_1796 : vector<16xf32>
        %max3A_1798 = arith.constant 0.000000e+00 : f32
        %max3A_1799 = vector.broadcast %max3A_1798 : f32 to vector<16xf32>
        %max3A_1800 = arith.maximumf %add3A_1797, %max3A_1799 : vector<16xf32>
        %swap3A_1801 = arith.index_cast %add3A_1673 : i32 to index
        %swap3A_1802 = arith.constant 80 : index
        %swap3A_1803 = tpu.vector_load %arg13[%swap3A_1801, %swap3A_1802] {strides = array<i32>} : memref<128x128xf32, #tpu.memory_space<vmem>>, vector<1x16xf32>,
        %swap3A_1804 = vector.shape_cast %swap3A_1803 : vector<1x16xf32> to vector<16xf32>
        %swap3A_1805 = vector.shape_cast %max3A_1800 : vector<16xf32> to vector<1x16xf32>
        tpu.vector_store %arg13[%swap3A_1801, %swap3A_1802], %swap3A_1805 {strides = array<i32>} : memref<128x128xf32, #tpu.memory_space<vmem>>, vector<1x16xf32>,
        %get3A_1806 = arith.index_cast %add3A_1673 : i32 to index
        %get3A_1807 = arith.constant 96 : index
        %get3A_1808 = tpu.vector_load %arg13[%get3A_1806, %get3A_1807] {strides = array<i32>} : memref<128x128xf32, #tpu.memory_space<vmem>>, vector<1x16xf32>,
        %get3A_1809 = vector.shape_cast %get3A_1808 : vector<1x16xf32> to vector<16xf32>
        %get3A_1810 = arith.constant 96 : index
        %get3A_1811 = tpu.vector_load %arg14[%get3A_1810] {strides = array<i32>} : memref<128xf32, #tpu.memory_space<vmem>>, vector<16xf32>,
        %get3A_1812 = vector.shape_cast %get3A_1811 : vector<16xf32> to vector<16xf32>
        %mul3A_1813 = vector.broadcast %squeeze3A_1669 : f32 to vector<16xf32>
        %mul3A_1814 = arith.mulf %mul3A_1813, %get3A_1812 : vector<16xf32>
        %add3A_1815 = arith.addf %get3A_1809, %mul3A_1814 : vector<16xf32>
        %get3A_1816 = arith.constant 96 : index
        %get3A_1817 = tpu.vector_load %arg15[%get3A_1816] {strides = array<i32>} : memref<128xf32, #tpu.memory_space<vmem>>, vector<16xf32>,
        %get3A_1818 = vector.shape_cast %get3A_1817 : vector<16xf32> to vector<16xf32>
        %add3A_1819 = arith.addf %add3A_1815, %get3A_1818 : vector<16xf32>
        %max3A_1820 = arith.constant 0.000000e+00 : f32
        %max3A_1821 = vector.broadcast %max3A_1820 : f32 to vector<16xf32>
        %max3A_1822 = arith.maximumf %add3A_1819, %max3A_1821 : vector<16xf32>
        %swap3A_1823 = arith.index_cast %add3A_1673 : i32 to index
        %swap3A_1824 = arith.constant 96 : index
        %swap3A_1825 = tpu.vector_load %arg13[%swap3A_1823, %swap3A_1824] {strides = array<i32>} : memref<128x128xf32, #tpu.memory_space<vmem>>, vector<1x16xf32>,
        %swap3A_1826 = vector.shape_cast %swap3A_1825 : vector<1x16xf32> to vector<16xf32>
        %swap3A_1827 = vector.shape_cast %max3A_1822 : vector<16xf32> to vector<1x16xf32>
        tpu.vector_store %arg13[%swap3A_1823, %swap3A_1824], %swap3A_1827 {strides = array<i32>} : memref<128x128xf32, #tpu.memory_space<vmem>>, vector<1x16xf32>,
        %get3A_1828 = arith.index_cast %add3A_1673 : i32 to index
        %get3A_1829 = arith.constant 112 : index
        %get3A_1830 = tpu.vector_load %arg13[%get3A_1828, %get3A_1829] {strides = array<i32>} : memref<128x128xf32, #tpu.memory_space<vmem>>, vector<1x16xf32>,
        %get3A_1831 = vector.shape_cast %get3A_1830 : vector<1x16xf32> to vector<16xf32>
        %get3A_1832 = arith.constant 112 : index
        %get3A_1833 = tpu.vector_load %arg14[%get3A_1832] {strides = array<i32>} : memref<128xf32, #tpu.memory_space<vmem>>, vector<16xf32>,
        %get3A_1834 = vector.shape_cast %get3A_1833 : vector<16xf32> to vector<16xf32>
        %mul3A_1835 = vector.broadcast %squeeze3A_1669 : f32 to vector<16xf32>
        %mul3A_1836 = arith.mulf %mul3A_1835, %get3A_1834 : vector<16xf32>
        %add3A_1837 = arith.addf %get3A_1831, %mul3A_1836 : vector<16xf32>
        %get3A_1838 = arith.constant 112 : index
        %get3A_1839 = tpu.vector_load %arg15[%get3A_1838] {strides = array<i32>} : memref<128xf32, #tpu.memory_space<vmem>>, vector<16xf32>,
        %get3A_1840 = vector.shape_cast %get3A_1839 : vector<16xf32> to vector<16xf32>
        %add3A_1841 = arith.addf %add3A_1837, %get3A_1840 : vector<16xf32>
        %max3A_1842 = arith.constant 0.000000e+00 : f32
        %max3A_1843 = vector.broadcast %max3A_1842 : f32 to vector<16xf32>
        %max3A_1844 = arith.maximumf %add3A_1841, %max3A_1843 : vector<16xf32>
        %swap3A_1845 = arith.index_cast %add3A_1673 : i32 to index
        %swap3A_1846 = arith.constant 112 : index
        %swap3A_1847 = tpu.vector_load %arg13[%swap3A_1845, %swap3A_1846] {strides = array<i32>} : memref<128x128xf32, #tpu.memory_space<vmem>>, vector<1x16xf32>,
        %swap3A_1848 = vector.shape_cast %swap3A_1847 : vector<1x16xf32> to vector<16xf32>
        %swap3A_1849 = vector.shape_cast %max3A_1844 : vector<16xf32> to vector<1x16xf32>
        tpu.vector_store %arg13[%swap3A_1845, %swap3A_1846], %swap3A_1849 {strides = array<i32>} : memref<128x128xf32, #tpu.memory_space<vmem>>, vector<1x16xf32>,
        %slice3A_1850 = vector.extract_strided_slice %get3A_33 {offsets = [10], sizes = [1], strides = [1]} : vector<16xf32> to vector<1xf32>
        %squeeze3A_1851 = vector.extract %slice3A_1850[0] : f32 from vector<1xf32>
        %mul3A_1852 = arith.constant 16 : i32
        %mul3A_1853 = arith.muli %scan3A_29, %mul3A_1852 : i32
        %add3A_1854 = arith.constant 10 : i32
        %add3A_1855 = arith.addi %mul3A_1853, %add3A_1854 : i32
        %get3A_1856 = arith.index_cast %add3A_1855 : i32 to index
        %get3A_1857 = arith.constant 0 : index
        %get3A_1858 = tpu.vector_load %arg13[%get3A_1856, %get3A_1857] {strides = array<i32>} : memref<128x128xf32, #tpu.memory_space<vmem>>, vector<1x16xf32>,
        %get3A_1859 = vector.shape_cast %get3A_1858 : vector<1x16xf32> to vector<16xf32>
        %get3A_1860 = arith.constant 0 : index
        %get3A_1861 = tpu.vector_load %arg14[%get3A_1860] {strides = array<i32>} : memref<128xf32, #tpu.memory_space<vmem>>, vector<16xf32>,
        %get3A_1862 = vector.shape_cast %get3A_1861 : vector<16xf32> to vector<16xf32>
        %mul3A_1863 = vector.broadcast %squeeze3A_1851 : f32 to vector<16xf32>
        %mul3A_1864 = arith.mulf %mul3A_1863, %get3A_1862 : vector<16xf32>
        %add3A_1865 = arith.addf %get3A_1859, %mul3A_1864 : vector<16xf32>
        %get3A_1866 = arith.constant 0 : index
        %get3A_1867 = tpu.vector_load %arg15[%get3A_1866] {strides = array<i32>} : memref<128xf32, #tpu.memory_space<vmem>>, vector<16xf32>,
        %get3A_1868 = vector.shape_cast %get3A_1867 : vector<16xf32> to vector<16xf32>
        %add3A_1869 = arith.addf %add3A_1865, %get3A_1868 : vector<16xf32>
        %max3A_1870 = arith.constant 0.000000e+00 : f32
        %max3A_1871 = vector.broadcast %max3A_1870 : f32 to vector<16xf32>
        %max3A_1872 = arith.maximumf %add3A_1869, %max3A_1871 : vector<16xf32>
        %swap3A_1873 = arith.index_cast %add3A_1855 : i32 to index
        %swap3A_1874 = arith.constant 0 : index
        %swap3A_1875 = tpu.vector_load %arg13[%swap3A_1873, %swap3A_1874] {strides = array<i32>} : memref<128x128xf32, #tpu.memory_space<vmem>>, vector<1x16xf32>,
        %swap3A_1876 = vector.shape_cast %swap3A_1875 : vector<1x16xf32> to vector<16xf32>
        %swap3A_1877 = vector.shape_cast %max3A_1872 : vector<16xf32> to vector<1x16xf32>
        tpu.vector_store %arg13[%swap3A_1873, %swap3A_1874], %swap3A_1877 {strides = array<i32>} : memref<128x128xf32, #tpu.memory_space<vmem>>, vector<1x16xf32>,
        %get3A_1878 = arith.index_cast %add3A_1855 : i32 to index
        %get3A_1879 = arith.constant 16 : index
        %get3A_1880 = tpu.vector_load %arg13[%get3A_1878, %get3A_1879] {strides = array<i32>} : memref<128x128xf32, #tpu.memory_space<vmem>>, vector<1x16xf32>,
        %get3A_1881 = vector.shape_cast %get3A_1880 : vector<1x16xf32> to vector<16xf32>
        %get3A_1882 = arith.constant 16 : index
        %get3A_1883 = tpu.vector_load %arg14[%get3A_1882] {strides = array<i32>} : memref<128xf32, #tpu.memory_space<vmem>>, vector<16xf32>,
        %get3A_1884 = vector.shape_cast %get3A_1883 : vector<16xf32> to vector<16xf32>
        %mul3A_1885 = vector.broadcast %squeeze3A_1851 : f32 to vector<16xf32>
        %mul3A_1886 = arith.mulf %mul3A_1885, %get3A_1884 : vector<16xf32>
        %add3A_1887 = arith.addf %get3A_1881, %mul3A_1886 : vector<16xf32>
        %get3A_1888 = arith.constant 16 : index
        %get3A_1889 = tpu.vector_load %arg15[%get3A_1888] {strides = array<i32>} : memref<128xf32, #tpu.memory_space<vmem>>, vector<16xf32>,
        %get3A_1890 = vector.shape_cast %get3A_1889 : vector<16xf32> to vector<16xf32>
        %add3A_1891 = arith.addf %add3A_1887, %get3A_1890 : vector<16xf32>
        %max3A_1892 = arith.constant 0.000000e+00 : f32
        %max3A_1893 = vector.broadcast %max3A_1892 : f32 to vector<16xf32>
        %max3A_1894 = arith.maximumf %add3A_1891, %max3A_1893 : vector<16xf32>
        %swap3A_1895 = arith.index_cast %add3A_1855 : i32 to index
        %swap3A_1896 = arith.constant 16 : index
        %swap3A_1897 = tpu.vector_load %arg13[%swap3A_1895, %swap3A_1896] {strides = array<i32>} : memref<128x128xf32, #tpu.memory_space<vmem>>, vector<1x16xf32>,
        %swap3A_1898 = vector.shape_cast %swap3A_1897 : vector<1x16xf32> to vector<16xf32>
        %swap3A_1899 = vector.shape_cast %max3A_1894 : vector<16xf32> to vector<1x16xf32>
        tpu.vector_store %arg13[%swap3A_1895, %swap3A_1896], %swap3A_1899 {strides = array<i32>} : memref<128x128xf32, #tpu.memory_space<vmem>>, vector<1x16xf32>,
        %get3A_1900 = arith.index_cast %add3A_1855 : i32 to index
        %get3A_1901 = arith.constant 32 : index
        %get3A_1902 = tpu.vector_load %arg13[%get3A_1900, %get3A_1901] {strides = array<i32>} : memref<128x128xf32, #tpu.memory_space<vmem>>, vector<1x16xf32>,
        %get3A_1903 = vector.shape_cast %get3A_1902 : vector<1x16xf32> to vector<16xf32>
        %get3A_1904 = arith.constant 32 : index
        %get3A_1905 = tpu.vector_load %arg14[%get3A_1904] {strides = array<i32>} : memref<128xf32, #tpu.memory_space<vmem>>, vector<16xf32>,
        %get3A_1906 = vector.shape_cast %get3A_1905 : vector<16xf32> to vector<16xf32>
        %mul3A_1907 = vector.broadcast %squeeze3A_1851 : f32 to vector<16xf32>
        %mul3A_1908 = arith.mulf %mul3A_1907, %get3A_1906 : vector<16xf32>
        %add3A_1909 = arith.addf %get3A_1903, %mul3A_1908 : vector<16xf32>
        %get3A_1910 = arith.constant 32 : index
        %get3A_1911 = tpu.vector_load %arg15[%get3A_1910] {strides = array<i32>} : memref<128xf32, #tpu.memory_space<vmem>>, vector<16xf32>,
        %get3A_1912 = vector.shape_cast %get3A_1911 : vector<16xf32> to vector<16xf32>
        %add3A_1913 = arith.addf %add3A_1909, %get3A_1912 : vector<16xf32>
        %max3A_1914 = arith.constant 0.000000e+00 : f32
        %max3A_1915 = vector.broadcast %max3A_1914 : f32 to vector<16xf32>
        %max3A_1916 = arith.maximumf %add3A_1913, %max3A_1915 : vector<16xf32>
        %swap3A_1917 = arith.index_cast %add3A_1855 : i32 to index
        %swap3A_1918 = arith.constant 32 : index
        %swap3A_1919 = tpu.vector_load %arg13[%swap3A_1917, %swap3A_1918] {strides = array<i32>} : memref<128x128xf32, #tpu.memory_space<vmem>>, vector<1x16xf32>,
        %swap3A_1920 = vector.shape_cast %swap3A_1919 : vector<1x16xf32> to vector<16xf32>
        %swap3A_1921 = vector.shape_cast %max3A_1916 : vector<16xf32> to vector<1x16xf32>
        tpu.vector_store %arg13[%swap3A_1917, %swap3A_1918], %swap3A_1921 {strides = array<i32>} : memref<128x128xf32, #tpu.memory_space<vmem>>, vector<1x16xf32>,
        %get3A_1922 = arith.index_cast %add3A_1855 : i32 to index
        %get3A_1923 = arith.constant 48 : index
        %get3A_1924 = tpu.vector_load %arg13[%get3A_1922, %get3A_1923] {strides = array<i32>} : memref<128x128xf32, #tpu.memory_space<vmem>>, vector<1x16xf32>,
        %get3A_1925 = vector.shape_cast %get3A_1924 : vector<1x16xf32> to vector<16xf32>
        %get3A_1926 = arith.constant 48 : index
        %get3A_1927 = tpu.vector_load %arg14[%get3A_1926] {strides = array<i32>} : memref<128xf32, #tpu.memory_space<vmem>>, vector<16xf32>,
        %get3A_1928 = vector.shape_cast %get3A_1927 : vector<16xf32> to vector<16xf32>
        %mul3A_1929 = vector.broadcast %squeeze3A_1851 : f32 to vector<16xf32>
        %mul3A_1930 = arith.mulf %mul3A_1929, %get3A_1928 : vector<16xf32>
        %add3A_1931 = arith.addf %get3A_1925, %mul3A_1930 : vector<16xf32>
        %get3A_1932 = arith.constant 48 : index
        %get3A_1933 = tpu.vector_load %arg15[%get3A_1932] {strides = array<i32>} : memref<128xf32, #tpu.memory_space<vmem>>, vector<16xf32>,
        %get3A_1934 = vector.shape_cast %get3A_1933 : vector<16xf32> to vector<16xf32>
        %add3A_1935 = arith.addf %add3A_1931, %get3A_1934 : vector<16xf32>
        %max3A_1936 = arith.constant 0.000000e+00 : f32
        %max3A_1937 = vector.broadcast %max3A_1936 : f32 to vector<16xf32>
        %max3A_1938 = arith.maximumf %add3A_1935, %max3A_1937 : vector<16xf32>
        %swap3A_1939 = arith.index_cast %add3A_1855 : i32 to index
        %swap3A_1940 = arith.constant 48 : index
        %swap3A_1941 = tpu.vector_load %arg13[%swap3A_1939, %swap3A_1940] {strides = array<i32>} : memref<128x128xf32, #tpu.memory_space<vmem>>, vector<1x16xf32>,
        %swap3A_1942 = vector.shape_cast %swap3A_1941 : vector<1x16xf32> to vector<16xf32>
        %swap3A_1943 = vector.shape_cast %max3A_1938 : vector<16xf32> to vector<1x16xf32>
        tpu.vector_store %arg13[%swap3A_1939, %swap3A_1940], %swap3A_1943 {strides = array<i32>} : memref<128x128xf32, #tpu.memory_space<vmem>>, vector<1x16xf32>,
        %get3A_1944 = arith.index_cast %add3A_1855 : i32 to index
        %get3A_1945 = arith.constant 64 : index
        %get3A_1946 = tpu.vector_load %arg13[%get3A_1944, %get3A_1945] {strides = array<i32>} : memref<128x128xf32, #tpu.memory_space<vmem>>, vector<1x16xf32>,
        %get3A_1947 = vector.shape_cast %get3A_1946 : vector<1x16xf32> to vector<16xf32>
        %get3A_1948 = arith.constant 64 : index
        %get3A_1949 = tpu.vector_load %arg14[%get3A_1948] {strides = array<i32>} : memref<128xf32, #tpu.memory_space<vmem>>, vector<16xf32>,
        %get3A_1950 = vector.shape_cast %get3A_1949 : vector<16xf32> to vector<16xf32>
        %mul3A_1951 = vector.broadcast %squeeze3A_1851 : f32 to vector<16xf32>
        %mul3A_1952 = arith.mulf %mul3A_1951, %get3A_1950 : vector<16xf32>
        %add3A_1953 = arith.addf %get3A_1947, %mul3A_1952 : vector<16xf32>
        %get3A_1954 = arith.constant 64 : index
        %get3A_1955 = tpu.vector_load %arg15[%get3A_1954] {strides = array<i32>} : memref<128xf32, #tpu.memory_space<vmem>>, vector<16xf32>,
        %get3A_1956 = vector.shape_cast %get3A_1955 : vector<16xf32> to vector<16xf32>
        %add3A_1957 = arith.addf %add3A_1953, %get3A_1956 : vector<16xf32>
        %max3A_1958 = arith.constant 0.000000e+00 : f32
        %max3A_1959 = vector.broadcast %max3A_1958 : f32 to vector<16xf32>
        %max3A_1960 = arith.maximumf %add3A_1957, %max3A_1959 : vector<16xf32>
        %swap3A_1961 = arith.index_cast %add3A_1855 : i32 to index
        %swap3A_1962 = arith.constant 64 : index
        %swap3A_1963 = tpu.vector_load %arg13[%swap3A_1961, %swap3A_1962] {strides = array<i32>} : memref<128x128xf32, #tpu.memory_space<vmem>>, vector<1x16xf32>,
        %swap3A_1964 = vector.shape_cast %swap3A_1963 : vector<1x16xf32> to vector<16xf32>
        %swap3A_1965 = vector.shape_cast %max3A_1960 : vector<16xf32> to vector<1x16xf32>
        tpu.vector_store %arg13[%swap3A_1961, %swap3A_1962], %swap3A_1965 {strides = array<i32>} : memref<128x128xf32, #tpu.memory_space<vmem>>, vector<1x16xf32>,
        %get3A_1966 = arith.index_cast %add3A_1855 : i32 to index
        %get3A_1967 = arith.constant 80 : index
        %get3A_1968 = tpu.vector_load %arg13[%get3A_1966, %get3A_1967] {strides = array<i32>} : memref<128x128xf32, #tpu.memory_space<vmem>>, vector<1x16xf32>,
        %get3A_1969 = vector.shape_cast %get3A_1968 : vector<1x16xf32> to vector<16xf32>
        %get3A_1970 = arith.constant 80 : index
        %get3A_1971 = tpu.vector_load %arg14[%get3A_1970] {strides = array<i32>} : memref<128xf32, #tpu.memory_space<vmem>>, vector<16xf32>,
        %get3A_1972 = vector.shape_cast %get3A_1971 : vector<16xf32> to vector<16xf32>
        %mul3A_1973 = vector.broadcast %squeeze3A_1851 : f32 to vector<16xf32>
        %mul3A_1974 = arith.mulf %mul3A_1973, %get3A_1972 : vector<16xf32>
        %add3A_1975 = arith.addf %get3A_1969, %mul3A_1974 : vector<16xf32>
        %get3A_1976 = arith.constant 80 : index
        %get3A_1977 = tpu.vector_load %arg15[%get3A_1976] {strides = array<i32>} : memref<128xf32, #tpu.memory_space<vmem>>, vector<16xf32>,
        %get3A_1978 = vector.shape_cast %get3A_1977 : vector<16xf32> to vector<16xf32>
        %add3A_1979 = arith.addf %add3A_1975, %get3A_1978 : vector<16xf32>
        %max3A_1980 = arith.constant 0.000000e+00 : f32
        %max3A_1981 = vector.broadcast %max3A_1980 : f32 to vector<16xf32>
        %max3A_1982 = arith.maximumf %add3A_1979, %max3A_1981 : vector<16xf32>
        %swap3A_1983 = arith.index_cast %add3A_1855 : i32 to index
        %swap3A_1984 = arith.constant 80 : index
        %swap3A_1985 = tpu.vector_load %arg13[%swap3A_1983, %swap3A_1984] {strides = array<i32>} : memref<128x128xf32, #tpu.memory_space<vmem>>, vector<1x16xf32>,
        %swap3A_1986 = vector.shape_cast %swap3A_1985 : vector<1x16xf32> to vector<16xf32>
        %swap3A_1987 = vector.shape_cast %max3A_1982 : vector<16xf32> to vector<1x16xf32>
        tpu.vector_store %arg13[%swap3A_1983, %swap3A_1984], %swap3A_1987 {strides = array<i32>} : memref<128x128xf32, #tpu.memory_space<vmem>>, vector<1x16xf32>,
        %get3A_1988 = arith.index_cast %add3A_1855 : i32 to index
        %get3A_1989 = arith.constant 96 : index
        %get3A_1990 = tpu.vector_load %arg13[%get3A_1988, %get3A_1989] {strides = array<i32>} : memref<128x128xf32, #tpu.memory_space<vmem>>, vector<1x16xf32>,
        %get3A_1991 = vector.shape_cast %get3A_1990 : vector<1x16xf32> to vector<16xf32>
        %get3A_1992 = arith.constant 96 : index
        %get3A_1993 = tpu.vector_load %arg14[%get3A_1992] {strides = array<i32>} : memref<128xf32, #tpu.memory_space<vmem>>, vector<16xf32>,
        %get3A_1994 = vector.shape_cast %get3A_1993 : vector<16xf32> to vector<16xf32>
        %mul3A_1995 = vector.broadcast %squeeze3A_1851 : f32 to vector<16xf32>
        %mul3A_1996 = arith.mulf %mul3A_1995, %get3A_1994 : vector<16xf32>
        %add3A_1997 = arith.addf %get3A_1991, %mul3A_1996 : vector<16xf32>
        %get3A_1998 = arith.constant 96 : index
        %get3A_1999 = tpu.vector_load %arg15[%get3A_1998] {strides = array<i32>} : memref<128xf32, #tpu.memory_space<vmem>>, vector<16xf32>,
        %get3A_2000 = vector.shape_cast %get3A_1999 : vector<16xf32> to vector<16xf32>
        %add3A_2001 = arith.addf %add3A_1997, %get3A_2000 : vector<16xf32>
        %max3A_2002 = arith.constant 0.000000e+00 : f32
        %max3A_2003 = vector.broadcast %max3A_2002 : f32 to vector<16xf32>
        %max3A_2004 = arith.maximumf %add3A_2001, %max3A_2003 : vector<16xf32>
        %swap3A_2005 = arith.index_cast %add3A_1855 : i32 to index
        %swap3A_2006 = arith.constant 96 : index
        %swap3A_2007 = tpu.vector_load %arg13[%swap3A_2005, %swap3A_2006] {strides = array<i32>} : memref<128x128xf32, #tpu.memory_space<vmem>>, vector<1x16xf32>,
        %swap3A_2008 = vector.shape_cast %swap3A_2007 : vector<1x16xf32> to vector<16xf32>
        %swap3A_2009 = vector.shape_cast %max3A_2004 : vector<16xf32> to vector<1x16xf32>
        tpu.vector_store %arg13[%swap3A_2005, %swap3A_2006], %swap3A_2009 {strides = array<i32>} : memref<128x128xf32, #tpu.memory_space<vmem>>, vector<1x16xf32>,
        %get3A_2010 = arith.index_cast %add3A_1855 : i32 to index
        %get3A_2011 = arith.constant 112 : index
        %get3A_2012 = tpu.vector_load %arg13[%get3A_2010, %get3A_2011] {strides = array<i32>} : memref<128x128xf32, #tpu.memory_space<vmem>>, vector<1x16xf32>,
        %get3A_2013 = vector.shape_cast %get3A_2012 : vector<1x16xf32> to vector<16xf32>
        %get3A_2014 = arith.constant 112 : index
        %get3A_2015 = tpu.vector_load %arg14[%get3A_2014] {strides = array<i32>} : memref<128xf32, #tpu.memory_space<vmem>>, vector<16xf32>,
        %get3A_2016 = vector.shape_cast %get3A_2015 : vector<16xf32> to vector<16xf32>
        %mul3A_2017 = vector.broadcast %squeeze3A_1851 : f32 to vector<16xf32>
        %mul3A_2018 = arith.mulf %mul3A_2017, %get3A_2016 : vector<16xf32>
        %add3A_2019 = arith.addf %get3A_2013, %mul3A_2018 : vector<16xf32>
        %get3A_2020 = arith.constant 112 : index
        %get3A_2021 = tpu.vector_load %arg15[%get3A_2020] {strides = array<i32>} : memref<128xf32, #tpu.memory_space<vmem>>, vector<16xf32>,
        %get3A_2022 = vector.shape_cast %get3A_2021 : vector<16xf32> to vector<16xf32>
        %add3A_2023 = arith.addf %add3A_2019, %get3A_2022 : vector<16xf32>
        %max3A_2024 = arith.constant 0.000000e+00 : f32
        %max3A_2025 = vector.broadcast %max3A_2024 : f32 to vector<16xf32>
        %max3A_2026 = arith.maximumf %add3A_2023, %max3A_2025 : vector<16xf32>
        %swap3A_2027 = arith.index_cast %add3A_1855 : i32 to index
        %swap3A_2028 = arith.constant 112 : index
        %swap3A_2029 = tpu.vector_load %arg13[%swap3A_2027, %swap3A_2028] {strides = array<i32>} : memref<128x128xf32, #tpu.memory_space<vmem>>, vector<1x16xf32>,
        %swap3A_2030 = vector.shape_cast %swap3A_2029 : vector<1x16xf32> to vector<16xf32>
        %swap3A_2031 = vector.shape_cast %max3A_2026 : vector<16xf32> to vector<1x16xf32>
        tpu.vector_store %arg13[%swap3A_2027, %swap3A_2028], %swap3A_2031 {strides = array<i32>} : memref<128x128xf32, #tpu.memory_space<vmem>>, vector<1x16xf32>,
        %slice3A_2032 = vector.extract_strided_slice %get3A_33 {offsets = [11], sizes = [1], strides = [1]} : vector<16xf32> to vector<1xf32>
        %squeeze3A_2033 = vector.extract %slice3A_2032[0] : f32 from vector<1xf32>
        %mul3A_2034 = arith.constant 16 : i32
        %mul3A_2035 = arith.muli %scan3A_29, %mul3A_2034 : i32
        %add3A_2036 = arith.constant 11 : i32
        %add3A_2037 = arith.addi %mul3A_2035, %add3A_2036 : i32
        %get3A_2038 = arith.index_cast %add3A_2037 : i32 to index
        %get3A_2039 = arith.constant 0 : index
        %get3A_2040 = tpu.vector_load %arg13[%get3A_2038, %get3A_2039] {strides = array<i32>} : memref<128x128xf32, #tpu.memory_space<vmem>>, vector<1x16xf32>,
        %get3A_2041 = vector.shape_cast %get3A_2040 : vector<1x16xf32> to vector<16xf32>
        %get3A_2042 = arith.constant 0 : index
        %get3A_2043 = tpu.vector_load %arg14[%get3A_2042] {strides = array<i32>} : memref<128xf32, #tpu.memory_space<vmem>>, vector<16xf32>,
        %get3A_2044 = vector.shape_cast %get3A_2043 : vector<16xf32> to vector<16xf32>
        %mul3A_2045 = vector.broadcast %squeeze3A_2033 : f32 to vector<16xf32>
        %mul3A_2046 = arith.mulf %mul3A_2045, %get3A_2044 : vector<16xf32>
        %add3A_2047 = arith.addf %get3A_2041, %mul3A_2046 : vector<16xf32>
        %get3A_2048 = arith.constant 0 : index
        %get3A_2049 = tpu.vector_load %arg15[%get3A_2048] {strides = array<i32>} : memref<128xf32, #tpu.memory_space<vmem>>, vector<16xf32>,
        %get3A_2050 = vector.shape_cast %get3A_2049 : vector<16xf32> to vector<16xf32>
        %add3A_2051 = arith.addf %add3A_2047, %get3A_2050 : vector<16xf32>
        %max3A_2052 = arith.constant 0.000000e+00 : f32
        %max3A_2053 = vector.broadcast %max3A_2052 : f32 to vector<16xf32>
        %max3A_2054 = arith.maximumf %add3A_2051, %max3A_2053 : vector<16xf32>
        %swap3A_2055 = arith.index_cast %add3A_2037 : i32 to index
        %swap3A_2056 = arith.constant 0 : index
        %swap3A_2057 = tpu.vector_load %arg13[%swap3A_2055, %swap3A_2056] {strides = array<i32>} : memref<128x128xf32, #tpu.memory_space<vmem>>, vector<1x16xf32>,
        %swap3A_2058 = vector.shape_cast %swap3A_2057 : vector<1x16xf32> to vector<16xf32>
        %swap3A_2059 = vector.shape_cast %max3A_2054 : vector<16xf32> to vector<1x16xf32>
        tpu.vector_store %arg13[%swap3A_2055, %swap3A_2056], %swap3A_2059 {strides = array<i32>} : memref<128x128xf32, #tpu.memory_space<vmem>>, vector<1x16xf32>,
        %get3A_2060 = arith.index_cast %add3A_2037 : i32 to index
        %get3A_2061 = arith.constant 16 : index
        %get3A_2062 = tpu.vector_load %arg13[%get3A_2060, %get3A_2061] {strides = array<i32>} : memref<128x128xf32, #tpu.memory_space<vmem>>, vector<1x16xf32>,
        %get3A_2063 = vector.shape_cast %get3A_2062 : vector<1x16xf32> to vector<16xf32>
        %get3A_2064 = arith.constant 16 : index
        %get3A_2065 = tpu.vector_load %arg14[%get3A_2064] {strides = array<i32>} : memref<128xf32, #tpu.memory_space<vmem>>, vector<16xf32>,
        %get3A_2066 = vector.shape_cast %get3A_2065 : vector<16xf32> to vector<16xf32>
        %mul3A_2067 = vector.broadcast %squeeze3A_2033 : f32 to vector<16xf32>
        %mul3A_2068 = arith.mulf %mul3A_2067, %get3A_2066 : vector<16xf32>
        %add3A_2069 = arith.addf %get3A_2063, %mul3A_2068 : vector<16xf32>
        %get3A_2070 = arith.constant 16 : index
        %get3A_2071 = tpu.vector_load %arg15[%get3A_2070] {strides = array<i32>} : memref<128xf32, #tpu.memory_space<vmem>>, vector<16xf32>,
        %get3A_2072 = vector.shape_cast %get3A_2071 : vector<16xf32> to vector<16xf32>
        %add3A_2073 = arith.addf %add3A_2069, %get3A_2072 : vector<16xf32>
        %max3A_2074 = arith.constant 0.000000e+00 : f32
        %max3A_2075 = vector.broadcast %max3A_2074 : f32 to vector<16xf32>
        %max3A_2076 = arith.maximumf %add3A_2073, %max3A_2075 : vector<16xf32>
        %swap3A_2077 = arith.index_cast %add3A_2037 : i32 to index
        %swap3A_2078 = arith.constant 16 : index
        %swap3A_2079 = tpu.vector_load %arg13[%swap3A_2077, %swap3A_2078] {strides = array<i32>} : memref<128x128xf32, #tpu.memory_space<vmem>>, vector<1x16xf32>,
        %swap3A_2080 = vector.shape_cast %swap3A_2079 : vector<1x16xf32> to vector<16xf32>
        %swap3A_2081 = vector.shape_cast %max3A_2076 : vector<16xf32> to vector<1x16xf32>
        tpu.vector_store %arg13[%swap3A_2077, %swap3A_2078], %swap3A_2081 {strides = array<i32>} : memref<128x128xf32, #tpu.memory_space<vmem>>, vector<1x16xf32>,
        %get3A_2082 = arith.index_cast %add3A_2037 : i32 to index
        %get3A_2083 = arith.constant 32 : index
        %get3A_2084 = tpu.vector_load %arg13[%get3A_2082, %get3A_2083] {strides = array<i32>} : memref<128x128xf32, #tpu.memory_space<vmem>>, vector<1x16xf32>,
        %get3A_2085 = vector.shape_cast %get3A_2084 : vector<1x16xf32> to vector<16xf32>
        %get3A_2086 = arith.constant 32 : index
        %get3A_2087 = tpu.vector_load %arg14[%get3A_2086] {strides = array<i32>} : memref<128xf32, #tpu.memory_space<vmem>>, vector<16xf32>,
        %get3A_2088 = vector.shape_cast %get3A_2087 : vector<16xf32> to vector<16xf32>
        %mul3A_2089 = vector.broadcast %squeeze3A_2033 : f32 to vector<16xf32>
        %mul3A_2090 = arith.mulf %mul3A_2089, %get3A_2088 : vector<16xf32>
        %add3A_2091 = arith.addf %get3A_2085, %mul3A_2090 : vector<16xf32>
        %get3A_2092 = arith.constant 32 : index
        %get3A_2093 = tpu.vector_load %arg15[%get3A_2092] {strides = array<i32>} : memref<128xf32, #tpu.memory_space<vmem>>, vector<16xf32>,
        %get3A_2094 = vector.shape_cast %get3A_2093 : vector<16xf32> to vector<16xf32>
        %add3A_2095 = arith.addf %add3A_2091, %get3A_2094 : vector<16xf32>
        %max3A_2096 = arith.constant 0.000000e+00 : f32
        %max3A_2097 = vector.broadcast %max3A_2096 : f32 to vector<16xf32>
        %max3A_2098 = arith.maximumf %add3A_2095, %max3A_2097 : vector<16xf32>
        %swap3A_2099 = arith.index_cast %add3A_2037 : i32 to index
        %swap3A_2100 = arith.constant 32 : index
        %swap3A_2101 = tpu.vector_load %arg13[%swap3A_2099, %swap3A_2100] {strides = array<i32>} : memref<128x128xf32, #tpu.memory_space<vmem>>, vector<1x16xf32>,
        %swap3A_2102 = vector.shape_cast %swap3A_2101 : vector<1x16xf32> to vector<16xf32>
        %swap3A_2103 = vector.shape_cast %max3A_2098 : vector<16xf32> to vector<1x16xf32>
        tpu.vector_store %arg13[%swap3A_2099, %swap3A_2100], %swap3A_2103 {strides = array<i32>} : memref<128x128xf32, #tpu.memory_space<vmem>>, vector<1x16xf32>,
        %get3A_2104 = arith.index_cast %add3A_2037 : i32 to index
        %get3A_2105 = arith.constant 48 : index
        %get3A_2106 = tpu.vector_load %arg13[%get3A_2104, %get3A_2105] {strides = array<i32>} : memref<128x128xf32, #tpu.memory_space<vmem>>, vector<1x16xf32>,
        %get3A_2107 = vector.shape_cast %get3A_2106 : vector<1x16xf32> to vector<16xf32>
        %get3A_2108 = arith.constant 48 : index
        %get3A_2109 = tpu.vector_load %arg14[%get3A_2108] {strides = array<i32>} : memref<128xf32, #tpu.memory_space<vmem>>, vector<16xf32>,
        %get3A_2110 = vector.shape_cast %get3A_2109 : vector<16xf32> to vector<16xf32>
        %mul3A_2111 = vector.broadcast %squeeze3A_2033 : f32 to vector<16xf32>
        %mul3A_2112 = arith.mulf %mul3A_2111, %get3A_2110 : vector<16xf32>
        %add3A_2113 = arith.addf %get3A_2107, %mul3A_2112 : vector<16xf32>
        %get3A_2114 = arith.constant 48 : index
        %get3A_2115 = tpu.vector_load %arg15[%get3A_2114] {strides = array<i32>} : memref<128xf32, #tpu.memory_space<vmem>>, vector<16xf32>,
        %get3A_2116 = vector.shape_cast %get3A_2115 : vector<16xf32> to vector<16xf32>
        %add3A_2117 = arith.addf %add3A_2113, %get3A_2116 : vector<16xf32>
        %max3A_2118 = arith.constant 0.000000e+00 : f32
        %max3A_2119 = vector.broadcast %max3A_2118 : f32 to vector<16xf32>
        %max3A_2120 = arith.maximumf %add3A_2117, %max3A_2119 : vector<16xf32>
        %swap3A_2121 = arith.index_cast %add3A_2037 : i32 to index
        %swap3A_2122 = arith.constant 48 : index
        %swap3A_2123 = tpu.vector_load %arg13[%swap3A_2121, %swap3A_2122] {strides = array<i32>} : memref<128x128xf32, #tpu.memory_space<vmem>>, vector<1x16xf32>,
        %swap3A_2124 = vector.shape_cast %swap3A_2123 : vector<1x16xf32> to vector<16xf32>
        %swap3A_2125 = vector.shape_cast %max3A_2120 : vector<16xf32> to vector<1x16xf32>
        tpu.vector_store %arg13[%swap3A_2121, %swap3A_2122], %swap3A_2125 {strides = array<i32>} : memref<128x128xf32, #tpu.memory_space<vmem>>, vector<1x16xf32>,
        %get3A_2126 = arith.index_cast %add3A_2037 : i32 to index
        %get3A_2127 = arith.constant 64 : index
        %get3A_2128 = tpu.vector_load %arg13[%get3A_2126, %get3A_2127] {strides = array<i32>} : memref<128x128xf32, #tpu.memory_space<vmem>>, vector<1x16xf32>,
        %get3A_2129 = vector.shape_cast %get3A_2128 : vector<1x16xf32> to vector<16xf32>
        %get3A_2130 = arith.constant 64 : index
        %get3A_2131 = tpu.vector_load %arg14[%get3A_2130] {strides = array<i32>} : memref<128xf32, #tpu.memory_space<vmem>>, vector<16xf32>,
        %get3A_2132 = vector.shape_cast %get3A_2131 : vector<16xf32> to vector<16xf32>
        %mul3A_2133 = vector.broadcast %squeeze3A_2033 : f32 to vector<16xf32>
        %mul3A_2134 = arith.mulf %mul3A_2133, %get3A_2132 : vector<16xf32>
        %add3A_2135 = arith.addf %get3A_2129, %mul3A_2134 : vector<16xf32>
        %get3A_2136 = arith.constant 64 : index
        %get3A_2137 = tpu.vector_load %arg15[%get3A_2136] {strides = array<i32>} : memref<128xf32, #tpu.memory_space<vmem>>, vector<16xf32>,
        %get3A_2138 = vector.shape_cast %get3A_2137 : vector<16xf32> to vector<16xf32>
        %add3A_2139 = arith.addf %add3A_2135, %get3A_2138 : vector<16xf32>
        %max3A_2140 = arith.constant 0.000000e+00 : f32
        %max3A_2141 = vector.broadcast %max3A_2140 : f32 to vector<16xf32>
        %max3A_2142 = arith.maximumf %add3A_2139, %max3A_2141 : vector<16xf32>
        %swap3A_2143 = arith.index_cast %add3A_2037 : i32 to index
        %swap3A_2144 = arith.constant 64 : index
        %swap3A_2145 = tpu.vector_load %arg13[%swap3A_2143, %swap3A_2144] {strides = array<i32>} : memref<128x128xf32, #tpu.memory_space<vmem>>, vector<1x16xf32>,
        %swap3A_2146 = vector.shape_cast %swap3A_2145 : vector<1x16xf32> to vector<16xf32>
        %swap3A_2147 = vector.shape_cast %max3A_2142 : vector<16xf32> to vector<1x16xf32>
        tpu.vector_store %arg13[%swap3A_2143, %swap3A_2144], %swap3A_2147 {strides = array<i32>} : memref<128x128xf32, #tpu.memory_space<vmem>>, vector<1x16xf32>,
        %get3A_2148 = arith.index_cast %add3A_2037 : i32 to index
        %get3A_2149 = arith.constant 80 : index
        %get3A_2150 = tpu.vector_load %arg13[%get3A_2148, %get3A_2149] {strides = array<i32>} : memref<128x128xf32, #tpu.memory_space<vmem>>, vector<1x16xf32>,
        %get3A_2151 = vector.shape_cast %get3A_2150 : vector<1x16xf32> to vector<16xf32>
        %get3A_2152 = arith.constant 80 : index
        %get3A_2153 = tpu.vector_load %arg14[%get3A_2152] {strides = array<i32>} : memref<128xf32, #tpu.memory_space<vmem>>, vector<16xf32>,
        %get3A_2154 = vector.shape_cast %get3A_2153 : vector<16xf32> to vector<16xf32>
        %mul3A_2155 = vector.broadcast %squeeze3A_2033 : f32 to vector<16xf32>
        %mul3A_2156 = arith.mulf %mul3A_2155, %get3A_2154 : vector<16xf32>
        %add3A_2157 = arith.addf %get3A_2151, %mul3A_2156 : vector<16xf32>
        %get3A_2158 = arith.constant 80 : index
        %get3A_2159 = tpu.vector_load %arg15[%get3A_2158] {strides = array<i32>} : memref<128xf32, #tpu.memory_space<vmem>>, vector<16xf32>,
        %get3A_2160 = vector.shape_cast %get3A_2159 : vector<16xf32> to vector<16xf32>
        %add3A_2161 = arith.addf %add3A_2157, %get3A_2160 : vector<16xf32>
        %max3A_2162 = arith.constant 0.000000e+00 : f32
        %max3A_2163 = vector.broadcast %max3A_2162 : f32 to vector<16xf32>
        %max3A_2164 = arith.maximumf %add3A_2161, %max3A_2163 : vector<16xf32>
        %swap3A_2165 = arith.index_cast %add3A_2037 : i32 to index
        %swap3A_2166 = arith.constant 80 : index
        %swap3A_2167 = tpu.vector_load %arg13[%swap3A_2165, %swap3A_2166] {strides = array<i32>} : memref<128x128xf32, #tpu.memory_space<vmem>>, vector<1x16xf32>,
        %swap3A_2168 = vector.shape_cast %swap3A_2167 : vector<1x16xf32> to vector<16xf32>
        %swap3A_2169 = vector.shape_cast %max3A_2164 : vector<16xf32> to vector<1x16xf32>
        tpu.vector_store %arg13[%swap3A_2165, %swap3A_2166], %swap3A_2169 {strides = array<i32>} : memref<128x128xf32, #tpu.memory_space<vmem>>, vector<1x16xf32>,
        %get3A_2170 = arith.index_cast %add3A_2037 : i32 to index
        %get3A_2171 = arith.constant 96 : index
        %get3A_2172 = tpu.vector_load %arg13[%get3A_2170, %get3A_2171] {strides = array<i32>} : memref<128x128xf32, #tpu.memory_space<vmem>>, vector<1x16xf32>,
        %get3A_2173 = vector.shape_cast %get3A_2172 : vector<1x16xf32> to vector<16xf32>
        %get3A_2174 = arith.constant 96 : index
        %get3A_2175 = tpu.vector_load %arg14[%get3A_2174] {strides = array<i32>} : memref<128xf32, #tpu.memory_space<vmem>>, vector<16xf32>,
        %get3A_2176 = vector.shape_cast %get3A_2175 : vector<16xf32> to vector<16xf32>
        %mul3A_2177 = vector.broadcast %squeeze3A_2033 : f32 to vector<16xf32>
        %mul3A_2178 = arith.mulf %mul3A_2177, %get3A_2176 : vector<16xf32>
        %add3A_2179 = arith.addf %get3A_2173, %mul3A_2178 : vector<16xf32>
        %get3A_2180 = arith.constant 96 : index
        %get3A_2181 = tpu.vector_load %arg15[%get3A_2180] {strides = array<i32>} : memref<128xf32, #tpu.memory_space<vmem>>, vector<16xf32>,
        %get3A_2182 = vector.shape_cast %get3A_2181 : vector<16xf32> to vector<16xf32>
        %add3A_2183 = arith.addf %add3A_2179, %get3A_2182 : vector<16xf32>
        %max3A_2184 = arith.constant 0.000000e+00 : f32
        %max3A_2185 = vector.broadcast %max3A_2184 : f32 to vector<16xf32>
        %max3A_2186 = arith.maximumf %add3A_2183, %max3A_2185 : vector<16xf32>
        %swap3A_2187 = arith.index_cast %add3A_2037 : i32 to index
        %swap3A_2188 = arith.constant 96 : index
        %swap3A_2189 = tpu.vector_load %arg13[%swap3A_2187, %swap3A_2188] {strides = array<i32>} : memref<128x128xf32, #tpu.memory_space<vmem>>, vector<1x16xf32>,
        %swap3A_2190 = vector.shape_cast %swap3A_2189 : vector<1x16xf32> to vector<16xf32>
        %swap3A_2191 = vector.shape_cast %max3A_2186 : vector<16xf32> to vector<1x16xf32>
        tpu.vector_store %arg13[%swap3A_2187, %swap3A_2188], %swap3A_2191 {strides = array<i32>} : memref<128x128xf32, #tpu.memory_space<vmem>>, vector<1x16xf32>,
        %get3A_2192 = arith.index_cast %add3A_2037 : i32 to index
        %get3A_2193 = arith.constant 112 : index
        %get3A_2194 = tpu.vector_load %arg13[%get3A_2192, %get3A_2193] {strides = array<i32>} : memref<128x128xf32, #tpu.memory_space<vmem>>, vector<1x16xf32>,
        %get3A_2195 = vector.shape_cast %get3A_2194 : vector<1x16xf32> to vector<16xf32>
        %get3A_2196 = arith.constant 112 : index
        %get3A_2197 = tpu.vector_load %arg14[%get3A_2196] {strides = array<i32>} : memref<128xf32, #tpu.memory_space<vmem>>, vector<16xf32>,
        %get3A_2198 = vector.shape_cast %get3A_2197 : vector<16xf32> to vector<16xf32>
        %mul3A_2199 = vector.broadcast %squeeze3A_2033 : f32 to vector<16xf32>
        %mul3A_2200 = arith.mulf %mul3A_2199, %get3A_2198 : vector<16xf32>
        %add3A_2201 = arith.addf %get3A_2195, %mul3A_2200 : vector<16xf32>
        %get3A_2202 = arith.constant 112 : index
        %get3A_2203 = tpu.vector_load %arg15[%get3A_2202] {strides = array<i32>} : memref<128xf32, #tpu.memory_space<vmem>>, vector<16xf32>,
        %get3A_2204 = vector.shape_cast %get3A_2203 : vector<16xf32> to vector<16xf32>
        %add3A_2205 = arith.addf %add3A_2201, %get3A_2204 : vector<16xf32>
        %max3A_2206 = arith.constant 0.000000e+00 : f32
        %max3A_2207 = vector.broadcast %max3A_2206 : f32 to vector<16xf32>
        %max3A_2208 = arith.maximumf %add3A_2205, %max3A_2207 : vector<16xf32>
        %swap3A_2209 = arith.index_cast %add3A_2037 : i32 to index
        %swap3A_2210 = arith.constant 112 : index
        %swap3A_2211 = tpu.vector_load %arg13[%swap3A_2209, %swap3A_2210] {strides = array<i32>} : memref<128x128xf32, #tpu.memory_space<vmem>>, vector<1x16xf32>,
        %swap3A_2212 = vector.shape_cast %swap3A_2211 : vector<1x16xf32> to vector<16xf32>
        %swap3A_2213 = vector.shape_cast %max3A_2208 : vector<16xf32> to vector<1x16xf32>
        tpu.vector_store %arg13[%swap3A_2209, %swap3A_2210], %swap3A_2213 {strides = array<i32>} : memref<128x128xf32, #tpu.memory_space<vmem>>, vector<1x16xf32>,
        %slice3A_2214 = vector.extract_strided_slice %get3A_33 {offsets = [12], sizes = [1], strides = [1]} : vector<16xf32> to vector<1xf32>
        %squeeze3A_2215 = vector.extract %slice3A_2214[0] : f32 from vector<1xf32>
        %mul3A_2216 = arith.constant 16 : i32
        %mul3A_2217 = arith.muli %scan3A_29, %mul3A_2216 : i32
        %add3A_2218 = arith.constant 12 : i32
        %add3A_2219 = arith.addi %mul3A_2217, %add3A_2218 : i32
        %get3A_2220 = arith.index_cast %add3A_2219 : i32 to index
        %get3A_2221 = arith.constant 0 : index
        %get3A_2222 = tpu.vector_load %arg13[%get3A_2220, %get3A_2221] {strides = array<i32>} : memref<128x128xf32, #tpu.memory_space<vmem>>, vector<1x16xf32>,
        %get3A_2223 = vector.shape_cast %get3A_2222 : vector<1x16xf32> to vector<16xf32>
        %get3A_2224 = arith.constant 0 : index
        %get3A_2225 = tpu.vector_load %arg14[%get3A_2224] {strides = array<i32>} : memref<128xf32, #tpu.memory_space<vmem>>, vector<16xf32>,
        %get3A_2226 = vector.shape_cast %get3A_2225 : vector<16xf32> to vector<16xf32>
        %mul3A_2227 = vector.broadcast %squeeze3A_2215 : f32 to vector<16xf32>
        %mul3A_2228 = arith.mulf %mul3A_2227, %get3A_2226 : vector<16xf32>
        %add3A_2229 = arith.addf %get3A_2223, %mul3A_2228 : vector<16xf32>
        %get3A_2230 = arith.constant 0 : index
        %get3A_2231 = tpu.vector_load %arg15[%get3A_2230] {strides = array<i32>} : memref<128xf32, #tpu.memory_space<vmem>>, vector<16xf32>,
        %get3A_2232 = vector.shape_cast %get3A_2231 : vector<16xf32> to vector<16xf32>
        %add3A_2233 = arith.addf %add3A_2229, %get3A_2232 : vector<16xf32>
        %max3A_2234 = arith.constant 0.000000e+00 : f32
        %max3A_2235 = vector.broadcast %max3A_2234 : f32 to vector<16xf32>
        %max3A_2236 = arith.maximumf %add3A_2233, %max3A_2235 : vector<16xf32>
        %swap3A_2237 = arith.index_cast %add3A_2219 : i32 to index
        %swap3A_2238 = arith.constant 0 : index
        %swap3A_2239 = tpu.vector_load %arg13[%swap3A_2237, %swap3A_2238] {strides = array<i32>} : memref<128x128xf32, #tpu.memory_space<vmem>>, vector<1x16xf32>,
        %swap3A_2240 = vector.shape_cast %swap3A_2239 : vector<1x16xf32> to vector<16xf32>
        %swap3A_2241 = vector.shape_cast %max3A_2236 : vector<16xf32> to vector<1x16xf32>
        tpu.vector_store %arg13[%swap3A_2237, %swap3A_2238], %swap3A_2241 {strides = array<i32>} : memref<128x128xf32, #tpu.memory_space<vmem>>, vector<1x16xf32>,
        %get3A_2242 = arith.index_cast %add3A_2219 : i32 to index
        %get3A_2243 = arith.constant 16 : index
        %get3A_2244 = tpu.vector_load %arg13[%get3A_2242, %get3A_2243] {strides = array<i32>} : memref<128x128xf32, #tpu.memory_space<vmem>>, vector<1x16xf32>,
        %get3A_2245 = vector.shape_cast %get3A_2244 : vector<1x16xf32> to vector<16xf32>
        %get3A_2246 = arith.constant 16 : index
        %get3A_2247 = tpu.vector_load %arg14[%get3A_2246] {strides = array<i32>} : memref<128xf32, #tpu.memory_space<vmem>>, vector<16xf32>,
        %get3A_2248 = vector.shape_cast %get3A_2247 : vector<16xf32> to vector<16xf32>
        %mul3A_2249 = vector.broadcast %squeeze3A_2215 : f32 to vector<16xf32>
        %mul3A_2250 = arith.mulf %mul3A_2249, %get3A_2248 : vector<16xf32>
        %add3A_2251 = arith.addf %get3A_2245, %mul3A_2250 : vector<16xf32>
        %get3A_2252 = arith.constant 16 : index
        %get3A_2253 = tpu.vector_load %arg15[%get3A_2252] {strides = array<i32>} : memref<128xf32, #tpu.memory_space<vmem>>, vector<16xf32>,
        %get3A_2254 = vector.shape_cast %get3A_2253 : vector<16xf32> to vector<16xf32>
        %add3A_2255 = arith.addf %add3A_2251, %get3A_2254 : vector<16xf32>
        %max3A_2256 = arith.constant 0.000000e+00 : f32
        %max3A_2257 = vector.broadcast %max3A_2256 : f32 to vector<16xf32>
        %max3A_2258 = arith.maximumf %add3A_2255, %max3A_2257 : vector<16xf32>
        %swap3A_2259 = arith.index_cast %add3A_2219 : i32 to index
        %swap3A_2260 = arith.constant 16 : index
        %swap3A_2261 = tpu.vector_load %arg13[%swap3A_2259, %swap3A_2260] {strides = array<i32>} : memref<128x128xf32, #tpu.memory_space<vmem>>, vector<1x16xf32>,
        %swap3A_2262 = vector.shape_cast %swap3A_2261 : vector<1x16xf32> to vector<16xf32>
        %swap3A_2263 = vector.shape_cast %max3A_2258 : vector<16xf32> to vector<1x16xf32>
        tpu.vector_store %arg13[%swap3A_2259, %swap3A_2260], %swap3A_2263 {strides = array<i32>} : memref<128x128xf32, #tpu.memory_space<vmem>>, vector<1x16xf32>,
        %get3A_2264 = arith.index_cast %add3A_2219 : i32 to index
        %get3A_2265 = arith.constant 32 : index
        %get3A_2266 = tpu.vector_load %arg13[%get3A_2264, %get3A_2265] {strides = array<i32>} : memref<128x128xf32, #tpu.memory_space<vmem>>, vector<1x16xf32>,
        %get3A_2267 = vector.shape_cast %get3A_2266 : vector<1x16xf32> to vector<16xf32>
        %get3A_2268 = arith.constant 32 : index
        %get3A_2269 = tpu.vector_load %arg14[%get3A_2268] {strides = array<i32>} : memref<128xf32, #tpu.memory_space<vmem>>, vector<16xf32>,
        %get3A_2270 = vector.shape_cast %get3A_2269 : vector<16xf32> to vector<16xf32>
        %mul3A_2271 = vector.broadcast %squeeze3A_2215 : f32 to vector<16xf32>
        %mul3A_2272 = arith.mulf %mul3A_2271, %get3A_2270 : vector<16xf32>
        %add3A_2273 = arith.addf %get3A_2267, %mul3A_2272 : vector<16xf32>
        %get3A_2274 = arith.constant 32 : index
        %get3A_2275 = tpu.vector_load %arg15[%get3A_2274] {strides = array<i32>} : memref<128xf32, #tpu.memory_space<vmem>>, vector<16xf32>,
        %get3A_2276 = vector.shape_cast %get3A_2275 : vector<16xf32> to vector<16xf32>
        %add3A_2277 = arith.addf %add3A_2273, %get3A_2276 : vector<16xf32>
        %max3A_2278 = arith.constant 0.000000e+00 : f32
        %max3A_2279 = vector.broadcast %max3A_2278 : f32 to vector<16xf32>
        %max3A_2280 = arith.maximumf %add3A_2277, %max3A_2279 : vector<16xf32>
        %swap3A_2281 = arith.index_cast %add3A_2219 : i32 to index
        %swap3A_2282 = arith.constant 32 : index
        %swap3A_2283 = tpu.vector_load %arg13[%swap3A_2281, %swap3A_2282] {strides = array<i32>} : memref<128x128xf32, #tpu.memory_space<vmem>>, vector<1x16xf32>,
        %swap3A_2284 = vector.shape_cast %swap3A_2283 : vector<1x16xf32> to vector<16xf32>
        %swap3A_2285 = vector.shape_cast %max3A_2280 : vector<16xf32> to vector<1x16xf32>
        tpu.vector_store %arg13[%swap3A_2281, %swap3A_2282], %swap3A_2285 {strides = array<i32>} : memref<128x128xf32, #tpu.memory_space<vmem>>, vector<1x16xf32>,
        %get3A_2286 = arith.index_cast %add3A_2219 : i32 to index
        %get3A_2287 = arith.constant 48 : index
        %get3A_2288 = tpu.vector_load %arg13[%get3A_2286, %get3A_2287] {strides = array<i32>} : memref<128x128xf32, #tpu.memory_space<vmem>>, vector<1x16xf32>,
        %get3A_2289 = vector.shape_cast %get3A_2288 : vector<1x16xf32> to vector<16xf32>
        %get3A_2290 = arith.constant 48 : index
        %get3A_2291 = tpu.vector_load %arg14[%get3A_2290] {strides = array<i32>} : memref<128xf32, #tpu.memory_space<vmem>>, vector<16xf32>,
        %get3A_2292 = vector.shape_cast %get3A_2291 : vector<16xf32> to vector<16xf32>
        %mul3A_2293 = vector.broadcast %squeeze3A_2215 : f32 to vector<16xf32>
        %mul3A_2294 = arith.mulf %mul3A_2293, %get3A_2292 : vector<16xf32>
        %add3A_2295 = arith.addf %get3A_2289, %mul3A_2294 : vector<16xf32>
        %get3A_2296 = arith.constant 48 : index
        %get3A_2297 = tpu.vector_load %arg15[%get3A_2296] {strides = array<i32>} : memref<128xf32, #tpu.memory_space<vmem>>, vector<16xf32>,
        %get3A_2298 = vector.shape_cast %get3A_2297 : vector<16xf32> to vector<16xf32>
        %add3A_2299 = arith.addf %add3A_2295, %get3A_2298 : vector<16xf32>
        %max3A_2300 = arith.constant 0.000000e+00 : f32
        %max3A_2301 = vector.broadcast %max3A_2300 : f32 to vector<16xf32>
        %max3A_2302 = arith.maximumf %add3A_2299, %max3A_2301 : vector<16xf32>
        %swap3A_2303 = arith.index_cast %add3A_2219 : i32 to index
        %swap3A_2304 = arith.constant 48 : index
        %swap3A_2305 = tpu.vector_load %arg13[%swap3A_2303, %swap3A_2304] {strides = array<i32>} : memref<128x128xf32, #tpu.memory_space<vmem>>, vector<1x16xf32>,
        %swap3A_2306 = vector.shape_cast %swap3A_2305 : vector<1x16xf32> to vector<16xf32>
        %swap3A_2307 = vector.shape_cast %max3A_2302 : vector<16xf32> to vector<1x16xf32>
        tpu.vector_store %arg13[%swap3A_2303, %swap3A_2304], %swap3A_2307 {strides = array<i32>} : memref<128x128xf32, #tpu.memory_space<vmem>>, vector<1x16xf32>,
        %get3A_2308 = arith.index_cast %add3A_2219 : i32 to index
        %get3A_2309 = arith.constant 64 : index
        %get3A_2310 = tpu.vector_load %arg13[%get3A_2308, %get3A_2309] {strides = array<i32>} : memref<128x128xf32, #tpu.memory_space<vmem>>, vector<1x16xf32>,
        %get3A_2311 = vector.shape_cast %get3A_2310 : vector<1x16xf32> to vector<16xf32>
        %get3A_2312 = arith.constant 64 : index
        %get3A_2313 = tpu.vector_load %arg14[%get3A_2312] {strides = array<i32>} : memref<128xf32, #tpu.memory_space<vmem>>, vector<16xf32>,
        %get3A_2314 = vector.shape_cast %get3A_2313 : vector<16xf32> to vector<16xf32>
        %mul3A_2315 = vector.broadcast %squeeze3A_2215 : f32 to vector<16xf32>
        %mul3A_2316 = arith.mulf %mul3A_2315, %get3A_2314 : vector<16xf32>
        %add3A_2317 = arith.addf %get3A_2311, %mul3A_2316 : vector<16xf32>
        %get3A_2318 = arith.constant 64 : index
        %get3A_2319 = tpu.vector_load %arg15[%get3A_2318] {strides = array<i32>} : memref<128xf32, #tpu.memory_space<vmem>>, vector<16xf32>,
        %get3A_2320 = vector.shape_cast %get3A_2319 : vector<16xf32> to vector<16xf32>
        %add3A_2321 = arith.addf %add3A_2317, %get3A_2320 : vector<16xf32>
        %max3A_2322 = arith.constant 0.000000e+00 : f32
        %max3A_2323 = vector.broadcast %max3A_2322 : f32 to vector<16xf32>
        %max3A_2324 = arith.maximumf %add3A_2321, %max3A_2323 : vector<16xf32>
        %swap3A_2325 = arith.index_cast %add3A_2219 : i32 to index
        %swap3A_2326 = arith.constant 64 : index
        %swap3A_2327 = tpu.vector_load %arg13[%swap3A_2325, %swap3A_2326] {strides = array<i32>} : memref<128x128xf32, #tpu.memory_space<vmem>>, vector<1x16xf32>,
        %swap3A_2328 = vector.shape_cast %swap3A_2327 : vector<1x16xf32> to vector<16xf32>
        %swap3A_2329 = vector.shape_cast %max3A_2324 : vector<16xf32> to vector<1x16xf32>
        tpu.vector_store %arg13[%swap3A_2325, %swap3A_2326], %swap3A_2329 {strides = array<i32>} : memref<128x128xf32, #tpu.memory_space<vmem>>, vector<1x16xf32>,
        %get3A_2330 = arith.index_cast %add3A_2219 : i32 to index
        %get3A_2331 = arith.constant 80 : index
        %get3A_2332 = tpu.vector_load %arg13[%get3A_2330, %get3A_2331] {strides = array<i32>} : memref<128x128xf32, #tpu.memory_space<vmem>>, vector<1x16xf32>,
        %get3A_2333 = vector.shape_cast %get3A_2332 : vector<1x16xf32> to vector<16xf32>
        %get3A_2334 = arith.constant 80 : index
        %get3A_2335 = tpu.vector_load %arg14[%get3A_2334] {strides = array<i32>} : memref<128xf32, #tpu.memory_space<vmem>>, vector<16xf32>,
        %get3A_2336 = vector.shape_cast %get3A_2335 : vector<16xf32> to vector<16xf32>
        %mul3A_2337 = vector.broadcast %squeeze3A_2215 : f32 to vector<16xf32>
        %mul3A_2338 = arith.mulf %mul3A_2337, %get3A_2336 : vector<16xf32>
        %add3A_2339 = arith.addf %get3A_2333, %mul3A_2338 : vector<16xf32>
        %get3A_2340 = arith.constant 80 : index
        %get3A_2341 = tpu.vector_load %arg15[%get3A_2340] {strides = array<i32>} : memref<128xf32, #tpu.memory_space<vmem>>, vector<16xf32>,
        %get3A_2342 = vector.shape_cast %get3A_2341 : vector<16xf32> to vector<16xf32>
        %add3A_2343 = arith.addf %add3A_2339, %get3A_2342 : vector<16xf32>
        %max3A_2344 = arith.constant 0.000000e+00 : f32
        %max3A_2345 = vector.broadcast %max3A_2344 : f32 to vector<16xf32>
        %max3A_2346 = arith.maximumf %add3A_2343, %max3A_2345 : vector<16xf32>
        %swap3A_2347 = arith.index_cast %add3A_2219 : i32 to index
        %swap3A_2348 = arith.constant 80 : index
        %swap3A_2349 = tpu.vector_load %arg13[%swap3A_2347, %swap3A_2348] {strides = array<i32>} : memref<128x128xf32, #tpu.memory_space<vmem>>, vector<1x16xf32>,
        %swap3A_2350 = vector.shape_cast %swap3A_2349 : vector<1x16xf32> to vector<16xf32>
        %swap3A_2351 = vector.shape_cast %max3A_2346 : vector<16xf32> to vector<1x16xf32>
        tpu.vector_store %arg13[%swap3A_2347, %swap3A_2348], %swap3A_2351 {strides = array<i32>} : memref<128x128xf32, #tpu.memory_space<vmem>>, vector<1x16xf32>,
        %get3A_2352 = arith.index_cast %add3A_2219 : i32 to index
        %get3A_2353 = arith.constant 96 : index
        %get3A_2354 = tpu.vector_load %arg13[%get3A_2352, %get3A_2353] {strides = array<i32>} : memref<128x128xf32, #tpu.memory_space<vmem>>, vector<1x16xf32>,
        %get3A_2355 = vector.shape_cast %get3A_2354 : vector<1x16xf32> to vector<16xf32>
        %get3A_2356 = arith.constant 96 : index
        %get3A_2357 = tpu.vector_load %arg14[%get3A_2356] {strides = array<i32>} : memref<128xf32, #tpu.memory_space<vmem>>, vector<16xf32>,
        %get3A_2358 = vector.shape_cast %get3A_2357 : vector<16xf32> to vector<16xf32>
        %mul3A_2359 = vector.broadcast %squeeze3A_2215 : f32 to vector<16xf32>
        %mul3A_2360 = arith.mulf %mul3A_2359, %get3A_2358 : vector<16xf32>
        %add3A_2361 = arith.addf %get3A_2355, %mul3A_2360 : vector<16xf32>
        %get3A_2362 = arith.constant 96 : index
        %get3A_2363 = tpu.vector_load %arg15[%get3A_2362] {strides = array<i32>} : memref<128xf32, #tpu.memory_space<vmem>>, vector<16xf32>,
        %get3A_2364 = vector.shape_cast %get3A_2363 : vector<16xf32> to vector<16xf32>
        %add3A_2365 = arith.addf %add3A_2361, %get3A_2364 : vector<16xf32>
        %max3A_2366 = arith.constant 0.000000e+00 : f32
        %max3A_2367 = vector.broadcast %max3A_2366 : f32 to vector<16xf32>
        %max3A_2368 = arith.maximumf %add3A_2365, %max3A_2367 : vector<16xf32>
        %swap3A_2369 = arith.index_cast %add3A_2219 : i32 to index
        %swap3A_2370 = arith.constant 96 : index
        %swap3A_2371 = tpu.vector_load %arg13[%swap3A_2369, %swap3A_2370] {strides = array<i32>} : memref<128x128xf32, #tpu.memory_space<vmem>>, vector<1x16xf32>,
        %swap3A_2372 = vector.shape_cast %swap3A_2371 : vector<1x16xf32> to vector<16xf32>
        %swap3A_2373 = vector.shape_cast %max3A_2368 : vector<16xf32> to vector<1x16xf32>
        tpu.vector_store %arg13[%swap3A_2369, %swap3A_2370], %swap3A_2373 {strides = array<i32>} : memref<128x128xf32, #tpu.memory_space<vmem>>, vector<1x16xf32>,
        %get3A_2374 = arith.index_cast %add3A_2219 : i32 to index
        %get3A_2375 = arith.constant 112 : index
        %get3A_2376 = tpu.vector_load %arg13[%get3A_2374, %get3A_2375] {strides = array<i32>} : memref<128x128xf32, #tpu.memory_space<vmem>>, vector<1x16xf32>,
        %get3A_2377 = vector.shape_cast %get3A_2376 : vector<1x16xf32> to vector<16xf32>
        %get3A_2378 = arith.constant 112 : index
        %get3A_2379 = tpu.vector_load %arg14[%get3A_2378] {strides = array<i32>} : memref<128xf32, #tpu.memory_space<vmem>>, vector<16xf32>,
        %get3A_2380 = vector.shape_cast %get3A_2379 : vector<16xf32> to vector<16xf32>
        %mul3A_2381 = vector.broadcast %squeeze3A_2215 : f32 to vector<16xf32>
        %mul3A_2382 = arith.mulf %mul3A_2381, %get3A_2380 : vector<16xf32>
        %add3A_2383 = arith.addf %get3A_2377, %mul3A_2382 : vector<16xf32>
        %get3A_2384 = arith.constant 112 : index
        %get3A_2385 = tpu.vector_load %arg15[%get3A_2384] {strides = array<i32>} : memref<128xf32, #tpu.memory_space<vmem>>, vector<16xf32>,
        %get3A_2386 = vector.shape_cast %get3A_2385 : vector<16xf32> to vector<16xf32>
        %add3A_2387 = arith.addf %add3A_2383, %get3A_2386 : vector<16xf32>
        %max3A_2388 = arith.constant 0.000000e+00 : f32
        %max3A_2389 = vector.broadcast %max3A_2388 : f32 to vector<16xf32>
        %max3A_2390 = arith.maximumf %add3A_2387, %max3A_2389 : vector<16xf32>
        %swap3A_2391 = arith.index_cast %add3A_2219 : i32 to index
        %swap3A_2392 = arith.constant 112 : index
        %swap3A_2393 = tpu.vector_load %arg13[%swap3A_2391, %swap3A_2392] {strides = array<i32>} : memref<128x128xf32, #tpu.memory_space<vmem>>, vector<1x16xf32>,
        %swap3A_2394 = vector.shape_cast %swap3A_2393 : vector<1x16xf32> to vector<16xf32>
        %swap3A_2395 = vector.shape_cast %max3A_2390 : vector<16xf32> to vector<1x16xf32>
        tpu.vector_store %arg13[%swap3A_2391, %swap3A_2392], %swap3A_2395 {strides = array<i32>} : memref<128x128xf32, #tpu.memory_space<vmem>>, vector<1x16xf32>,
        %slice3A_2396 = vector.extract_strided_slice %get3A_33 {offsets = [13], sizes = [1], strides = [1]} : vector<16xf32> to vector<1xf32>
        %squeeze3A_2397 = vector.extract %slice3A_2396[0] : f32 from vector<1xf32>
        %mul3A_2398 = arith.constant 16 : i32
        %mul3A_2399 = arith.muli %scan3A_29, %mul3A_2398 : i32
        %add3A_2400 = arith.constant 13 : i32
        %add3A_2401 = arith.addi %mul3A_2399, %add3A_2400 : i32
        %get3A_2402 = arith.index_cast %add3A_2401 : i32 to index
        %get3A_2403 = arith.constant 0 : index
        %get3A_2404 = tpu.vector_load %arg13[%get3A_2402, %get3A_2403] {strides = array<i32>} : memref<128x128xf32, #tpu.memory_space<vmem>>, vector<1x16xf32>,
        %get3A_2405 = vector.shape_cast %get3A_2404 : vector<1x16xf32> to vector<16xf32>
        %get3A_2406 = arith.constant 0 : index
        %get3A_2407 = tpu.vector_load %arg14[%get3A_2406] {strides = array<i32>} : memref<128xf32, #tpu.memory_space<vmem>>, vector<16xf32>,
        %get3A_2408 = vector.shape_cast %get3A_2407 : vector<16xf32> to vector<16xf32>
        %mul3A_2409 = vector.broadcast %squeeze3A_2397 : f32 to vector<16xf32>
        %mul3A_2410 = arith.mulf %mul3A_2409, %get3A_2408 : vector<16xf32>
        %add3A_2411 = arith.addf %get3A_2405, %mul3A_2410 : vector<16xf32>
        %get3A_2412 = arith.constant 0 : index
        %get3A_2413 = tpu.vector_load %arg15[%get3A_2412] {strides = array<i32>} : memref<128xf32, #tpu.memory_space<vmem>>, vector<16xf32>,
        %get3A_2414 = vector.shape_cast %get3A_2413 : vector<16xf32> to vector<16xf32>
        %add3A_2415 = arith.addf %add3A_2411, %get3A_2414 : vector<16xf32>
        %max3A_2416 = arith.constant 0.000000e+00 : f32
        %max3A_2417 = vector.broadcast %max3A_2416 : f32 to vector<16xf32>
        %max3A_2418 = arith.maximumf %add3A_2415, %max3A_2417 : vector<16xf32>
        %swap3A_2419 = arith.index_cast %add3A_2401 : i32 to index
        %swap3A_2420 = arith.constant 0 : index
        %swap3A_2421 = tpu.vector_load %arg13[%swap3A_2419, %swap3A_2420] {strides = array<i32>} : memref<128x128xf32, #tpu.memory_space<vmem>>, vector<1x16xf32>,
        %swap3A_2422 = vector.shape_cast %swap3A_2421 : vector<1x16xf32> to vector<16xf32>
        %swap3A_2423 = vector.shape_cast %max3A_2418 : vector<16xf32> to vector<1x16xf32>
        tpu.vector_store %arg13[%swap3A_2419, %swap3A_2420], %swap3A_2423 {strides = array<i32>} : memref<128x128xf32, #tpu.memory_space<vmem>>, vector<1x16xf32>,
        %get3A_2424 = arith.index_cast %add3A_2401 : i32 to index
        %get3A_2425 = arith.constant 16 : index
        %get3A_2426 = tpu.vector_load %arg13[%get3A_2424, %get3A_2425] {strides = array<i32>} : memref<128x128xf32, #tpu.memory_space<vmem>>, vector<1x16xf32>,
        %get3A_2427 = vector.shape_cast %get3A_2426 : vector<1x16xf32> to vector<16xf32>
        %get3A_2428 = arith.constant 16 : index
        %get3A_2429 = tpu.vector_load %arg14[%get3A_2428] {strides = array<i32>} : memref<128xf32, #tpu.memory_space<vmem>>, vector<16xf32>,
        %get3A_2430 = vector.shape_cast %get3A_2429 : vector<16xf32> to vector<16xf32>
        %mul3A_2431 = vector.broadcast %squeeze3A_2397 : f32 to vector<16xf32>
        %mul3A_2432 = arith.mulf %mul3A_2431, %get3A_2430 : vector<16xf32>
        %add3A_2433 = arith.addf %get3A_2427, %mul3A_2432 : vector<16xf32>
        %get3A_2434 = arith.constant 16 : index
        %get3A_2435 = tpu.vector_load %arg15[%get3A_2434] {strides = array<i32>} : memref<128xf32, #tpu.memory_space<vmem>>, vector<16xf32>,
        %get3A_2436 = vector.shape_cast %get3A_2435 : vector<16xf32> to vector<16xf32>
        %add3A_2437 = arith.addf %add3A_2433, %get3A_2436 : vector<16xf32>
        %max3A_2438 = arith.constant 0.000000e+00 : f32
        %max3A_2439 = vector.broadcast %max3A_2438 : f32 to vector<16xf32>
        %max3A_2440 = arith.maximumf %add3A_2437, %max3A_2439 : vector<16xf32>
        %swap3A_2441 = arith.index_cast %add3A_2401 : i32 to index
        %swap3A_2442 = arith.constant 16 : index
        %swap3A_2443 = tpu.vector_load %arg13[%swap3A_2441, %swap3A_2442] {strides = array<i32>} : memref<128x128xf32, #tpu.memory_space<vmem>>, vector<1x16xf32>,
        %swap3A_2444 = vector.shape_cast %swap3A_2443 : vector<1x16xf32> to vector<16xf32>
        %swap3A_2445 = vector.shape_cast %max3A_2440 : vector<16xf32> to vector<1x16xf32>
        tpu.vector_store %arg13[%swap3A_2441, %swap3A_2442], %swap3A_2445 {strides = array<i32>} : memref<128x128xf32, #tpu.memory_space<vmem>>, vector<1x16xf32>,
        %get3A_2446 = arith.index_cast %add3A_2401 : i32 to index
        %get3A_2447 = arith.constant 32 : index
        %get3A_2448 = tpu.vector_load %arg13[%get3A_2446, %get3A_2447] {strides = array<i32>} : memref<128x128xf32, #tpu.memory_space<vmem>>, vector<1x16xf32>,
        %get3A_2449 = vector.shape_cast %get3A_2448 : vector<1x16xf32> to vector<16xf32>
        %get3A_2450 = arith.constant 32 : index
        %get3A_2451 = tpu.vector_load %arg14[%get3A_2450] {strides = array<i32>} : memref<128xf32, #tpu.memory_space<vmem>>, vector<16xf32>,
        %get3A_2452 = vector.shape_cast %get3A_2451 : vector<16xf32> to vector<16xf32>
        %mul3A_2453 = vector.broadcast %squeeze3A_2397 : f32 to vector<16xf32>
        %mul3A_2454 = arith.mulf %mul3A_2453, %get3A_2452 : vector<16xf32>
        %add3A_2455 = arith.addf %get3A_2449, %mul3A_2454 : vector<16xf32>
        %get3A_2456 = arith.constant 32 : index
        %get3A_2457 = tpu.vector_load %arg15[%get3A_2456] {strides = array<i32>} : memref<128xf32, #tpu.memory_space<vmem>>, vector<16xf32>,
        %get3A_2458 = vector.shape_cast %get3A_2457 : vector<16xf32> to vector<16xf32>
        %add3A_2459 = arith.addf %add3A_2455, %get3A_2458 : vector<16xf32>
        %max3A_2460 = arith.constant 0.000000e+00 : f32
        %max3A_2461 = vector.broadcast %max3A_2460 : f32 to vector<16xf32>
        %max3A_2462 = arith.maximumf %add3A_2459, %max3A_2461 : vector<16xf32>
        %swap3A_2463 = arith.index_cast %add3A_2401 : i32 to index
        %swap3A_2464 = arith.constant 32 : index
        %swap3A_2465 = tpu.vector_load %arg13[%swap3A_2463, %swap3A_2464] {strides = array<i32>} : memref<128x128xf32, #tpu.memory_space<vmem>>, vector<1x16xf32>,
        %swap3A_2466 = vector.shape_cast %swap3A_2465 : vector<1x16xf32> to vector<16xf32>
        %swap3A_2467 = vector.shape_cast %max3A_2462 : vector<16xf32> to vector<1x16xf32>
        tpu.vector_store %arg13[%swap3A_2463, %swap3A_2464], %swap3A_2467 {strides = array<i32>} : memref<128x128xf32, #tpu.memory_space<vmem>>, vector<1x16xf32>,
        %get3A_2468 = arith.index_cast %add3A_2401 : i32 to index
        %get3A_2469 = arith.constant 48 : index
        %get3A_2470 = tpu.vector_load %arg13[%get3A_2468, %get3A_2469] {strides = array<i32>} : memref<128x128xf32, #tpu.memory_space<vmem>>, vector<1x16xf32>,
        %get3A_2471 = vector.shape_cast %get3A_2470 : vector<1x16xf32> to vector<16xf32>
        %get3A_2472 = arith.constant 48 : index
        %get3A_2473 = tpu.vector_load %arg14[%get3A_2472] {strides = array<i32>} : memref<128xf32, #tpu.memory_space<vmem>>, vector<16xf32>,
        %get3A_2474 = vector.shape_cast %get3A_2473 : vector<16xf32> to vector<16xf32>
        %mul3A_2475 = vector.broadcast %squeeze3A_2397 : f32 to vector<16xf32>
        %mul3A_2476 = arith.mulf %mul3A_2475, %get3A_2474 : vector<16xf32>
        %add3A_2477 = arith.addf %get3A_2471, %mul3A_2476 : vector<16xf32>
        %get3A_2478 = arith.constant 48 : index
        %get3A_2479 = tpu.vector_load %arg15[%get3A_2478] {strides = array<i32>} : memref<128xf32, #tpu.memory_space<vmem>>, vector<16xf32>,
        %get3A_2480 = vector.shape_cast %get3A_2479 : vector<16xf32> to vector<16xf32>
        %add3A_2481 = arith.addf %add3A_2477, %get3A_2480 : vector<16xf32>
        %max3A_2482 = arith.constant 0.000000e+00 : f32
        %max3A_2483 = vector.broadcast %max3A_2482 : f32 to vector<16xf32>
        %max3A_2484 = arith.maximumf %add3A_2481, %max3A_2483 : vector<16xf32>
        %swap3A_2485 = arith.index_cast %add3A_2401 : i32 to index
        %swap3A_2486 = arith.constant 48 : index
        %swap3A_2487 = tpu.vector_load %arg13[%swap3A_2485, %swap3A_2486] {strides = array<i32>} : memref<128x128xf32, #tpu.memory_space<vmem>>, vector<1x16xf32>,
        %swap3A_2488 = vector.shape_cast %swap3A_2487 : vector<1x16xf32> to vector<16xf32>
        %swap3A_2489 = vector.shape_cast %max3A_2484 : vector<16xf32> to vector<1x16xf32>
        tpu.vector_store %arg13[%swap3A_2485, %swap3A_2486], %swap3A_2489 {strides = array<i32>} : memref<128x128xf32, #tpu.memory_space<vmem>>, vector<1x16xf32>,
        %get3A_2490 = arith.index_cast %add3A_2401 : i32 to index
        %get3A_2491 = arith.constant 64 : index
        %get3A_2492 = tpu.vector_load %arg13[%get3A_2490, %get3A_2491] {strides = array<i32>} : memref<128x128xf32, #tpu.memory_space<vmem>>, vector<1x16xf32>,
        %get3A_2493 = vector.shape_cast %get3A_2492 : vector<1x16xf32> to vector<16xf32>
        %get3A_2494 = arith.constant 64 : index
        %get3A_2495 = tpu.vector_load %arg14[%get3A_2494] {strides = array<i32>} : memref<128xf32, #tpu.memory_space<vmem>>, vector<16xf32>,
        %get3A_2496 = vector.shape_cast %get3A_2495 : vector<16xf32> to vector<16xf32>
        %mul3A_2497 = vector.broadcast %squeeze3A_2397 : f32 to vector<16xf32>
        %mul3A_2498 = arith.mulf %mul3A_2497, %get3A_2496 : vector<16xf32>
        %add3A_2499 = arith.addf %get3A_2493, %mul3A_2498 : vector<16xf32>
        %get3A_2500 = arith.constant 64 : index
        %get3A_2501 = tpu.vector_load %arg15[%get3A_2500] {strides = array<i32>} : memref<128xf32, #tpu.memory_space<vmem>>, vector<16xf32>,
        %get3A_2502 = vector.shape_cast %get3A_2501 : vector<16xf32> to vector<16xf32>
        %add3A_2503 = arith.addf %add3A_2499, %get3A_2502 : vector<16xf32>
        %max3A_2504 = arith.constant 0.000000e+00 : f32
        %max3A_2505 = vector.broadcast %max3A_2504 : f32 to vector<16xf32>
        %max3A_2506 = arith.maximumf %add3A_2503, %max3A_2505 : vector<16xf32>
        %swap3A_2507 = arith.index_cast %add3A_2401 : i32 to index
        %swap3A_2508 = arith.constant 64 : index
        %swap3A_2509 = tpu.vector_load %arg13[%swap3A_2507, %swap3A_2508] {strides = array<i32>} : memref<128x128xf32, #tpu.memory_space<vmem>>, vector<1x16xf32>,
        %swap3A_2510 = vector.shape_cast %swap3A_2509 : vector<1x16xf32> to vector<16xf32>
        %swap3A_2511 = vector.shape_cast %max3A_2506 : vector<16xf32> to vector<1x16xf32>
        tpu.vector_store %arg13[%swap3A_2507, %swap3A_2508], %swap3A_2511 {strides = array<i32>} : memref<128x128xf32, #tpu.memory_space<vmem>>, vector<1x16xf32>,
        %get3A_2512 = arith.index_cast %add3A_2401 : i32 to index
        %get3A_2513 = arith.constant 80 : index
        %get3A_2514 = tpu.vector_load %arg13[%get3A_2512, %get3A_2513] {strides = array<i32>} : memref<128x128xf32, #tpu.memory_space<vmem>>, vector<1x16xf32>,
        %get3A_2515 = vector.shape_cast %get3A_2514 : vector<1x16xf32> to vector<16xf32>
        %get3A_2516 = arith.constant 80 : index
        %get3A_2517 = tpu.vector_load %arg14[%get3A_2516] {strides = array<i32>} : memref<128xf32, #tpu.memory_space<vmem>>, vector<16xf32>,
        %get3A_2518 = vector.shape_cast %get3A_2517 : vector<16xf32> to vector<16xf32>
        %mul3A_2519 = vector.broadcast %squeeze3A_2397 : f32 to vector<16xf32>
        %mul3A_2520 = arith.mulf %mul3A_2519, %get3A_2518 : vector<16xf32>
        %add3A_2521 = arith.addf %get3A_2515, %mul3A_2520 : vector<16xf32>
        %get3A_2522 = arith.constant 80 : index
        %get3A_2523 = tpu.vector_load %arg15[%get3A_2522] {strides = array<i32>} : memref<128xf32, #tpu.memory_space<vmem>>, vector<16xf32>,
        %get3A_2524 = vector.shape_cast %get3A_2523 : vector<16xf32> to vector<16xf32>
        %add3A_2525 = arith.addf %add3A_2521, %get3A_2524 : vector<16xf32>
        %max3A_2526 = arith.constant 0.000000e+00 : f32
        %max3A_2527 = vector.broadcast %max3A_2526 : f32 to vector<16xf32>
        %max3A_2528 = arith.maximumf %add3A_2525, %max3A_2527 : vector<16xf32>
        %swap3A_2529 = arith.index_cast %add3A_2401 : i32 to index
        %swap3A_2530 = arith.constant 80 : index
        %swap3A_2531 = tpu.vector_load %arg13[%swap3A_2529, %swap3A_2530] {strides = array<i32>} : memref<128x128xf32, #tpu.memory_space<vmem>>, vector<1x16xf32>,
        %swap3A_2532 = vector.shape_cast %swap3A_2531 : vector<1x16xf32> to vector<16xf32>
        %swap3A_2533 = vector.shape_cast %max3A_2528 : vector<16xf32> to vector<1x16xf32>
        tpu.vector_store %arg13[%swap3A_2529, %swap3A_2530], %swap3A_2533 {strides = array<i32>} : memref<128x128xf32, #tpu.memory_space<vmem>>, vector<1x16xf32>,
        %get3A_2534 = arith.index_cast %add3A_2401 : i32 to index
        %get3A_2535 = arith.constant 96 : index
        %get3A_2536 = tpu.vector_load %arg13[%get3A_2534, %get3A_2535] {strides = array<i32>} : memref<128x128xf32, #tpu.memory_space<vmem>>, vector<1x16xf32>,
        %get3A_2537 = vector.shape_cast %get3A_2536 : vector<1x16xf32> to vector<16xf32>
        %get3A_2538 = arith.constant 96 : index
        %get3A_2539 = tpu.vector_load %arg14[%get3A_2538] {strides = array<i32>} : memref<128xf32, #tpu.memory_space<vmem>>, vector<16xf32>,
        %get3A_2540 = vector.shape_cast %get3A_2539 : vector<16xf32> to vector<16xf32>
        %mul3A_2541 = vector.broadcast %squeeze3A_2397 : f32 to vector<16xf32>
        %mul3A_2542 = arith.mulf %mul3A_2541, %get3A_2540 : vector<16xf32>
        %add3A_2543 = arith.addf %get3A_2537, %mul3A_2542 : vector<16xf32>
        %get3A_2544 = arith.constant 96 : index
        %get3A_2545 = tpu.vector_load %arg15[%get3A_2544] {strides = array<i32>} : memref<128xf32, #tpu.memory_space<vmem>>, vector<16xf32>,
        %get3A_2546 = vector.shape_cast %get3A_2545 : vector<16xf32> to vector<16xf32>
        %add3A_2547 = arith.addf %add3A_2543, %get3A_2546 : vector<16xf32>
        %max3A_2548 = arith.constant 0.000000e+00 : f32
        %max3A_2549 = vector.broadcast %max3A_2548 : f32 to vector<16xf32>
        %max3A_2550 = arith.maximumf %add3A_2547, %max3A_2549 : vector<16xf32>
        %swap3A_2551 = arith.index_cast %add3A_2401 : i32 to index
        %swap3A_2552 = arith.constant 96 : index
        %swap3A_2553 = tpu.vector_load %arg13[%swap3A_2551, %swap3A_2552] {strides = array<i32>} : memref<128x128xf32, #tpu.memory_space<vmem>>, vector<1x16xf32>,
        %swap3A_2554 = vector.shape_cast %swap3A_2553 : vector<1x16xf32> to vector<16xf32>
        %swap3A_2555 = vector.shape_cast %max3A_2550 : vector<16xf32> to vector<1x16xf32>
        tpu.vector_store %arg13[%swap3A_2551, %swap3A_2552], %swap3A_2555 {strides = array<i32>} : memref<128x128xf32, #tpu.memory_space<vmem>>, vector<1x16xf32>,
        %get3A_2556 = arith.index_cast %add3A_2401 : i32 to index
        %get3A_2557 = arith.constant 112 : index
        %get3A_2558 = tpu.vector_load %arg13[%get3A_2556, %get3A_2557] {strides = array<i32>} : memref<128x128xf32, #tpu.memory_space<vmem>>, vector<1x16xf32>,
        %get3A_2559 = vector.shape_cast %get3A_2558 : vector<1x16xf32> to vector<16xf32>
        %get3A_2560 = arith.constant 112 : index
        %get3A_2561 = tpu.vector_load %arg14[%get3A_2560] {strides = array<i32>} : memref<128xf32, #tpu.memory_space<vmem>>, vector<16xf32>,
        %get3A_2562 = vector.shape_cast %get3A_2561 : vector<16xf32> to vector<16xf32>
        %mul3A_2563 = vector.broadcast %squeeze3A_2397 : f32 to vector<16xf32>
        %mul3A_2564 = arith.mulf %mul3A_2563, %get3A_2562 : vector<16xf32>
        %add3A_2565 = arith.addf %get3A_2559, %mul3A_2564 : vector<16xf32>
        %get3A_2566 = arith.constant 112 : index
        %get3A_2567 = tpu.vector_load %arg15[%get3A_2566] {strides = array<i32>} : memref<128xf32, #tpu.memory_space<vmem>>, vector<16xf32>,
        %get3A_2568 = vector.shape_cast %get3A_2567 : vector<16xf32> to vector<16xf32>
        %add3A_2569 = arith.addf %add3A_2565, %get3A_2568 : vector<16xf32>
        %max3A_2570 = arith.constant 0.000000e+00 : f32
        %max3A_2571 = vector.broadcast %max3A_2570 : f32 to vector<16xf32>
        %max3A_2572 = arith.maximumf %add3A_2569, %max3A_2571 : vector<16xf32>
        %swap3A_2573 = arith.index_cast %add3A_2401 : i32 to index
        %swap3A_2574 = arith.constant 112 : index
        %swap3A_2575 = tpu.vector_load %arg13[%swap3A_2573, %swap3A_2574] {strides = array<i32>} : memref<128x128xf32, #tpu.memory_space<vmem>>, vector<1x16xf32>,
        %swap3A_2576 = vector.shape_cast %swap3A_2575 : vector<1x16xf32> to vector<16xf32>
        %swap3A_2577 = vector.shape_cast %max3A_2572 : vector<16xf32> to vector<1x16xf32>
        tpu.vector_store %arg13[%swap3A_2573, %swap3A_2574], %swap3A_2577 {strides = array<i32>} : memref<128x128xf32, #tpu.memory_space<vmem>>, vector<1x16xf32>,
        %slice3A_2578 = vector.extract_strided_slice %get3A_33 {offsets = [14], sizes = [1], strides = [1]} : vector<16xf32> to vector<1xf32>
        %squeeze3A_2579 = vector.extract %slice3A_2578[0] : f32 from vector<1xf32>
        %mul3A_2580 = arith.constant 16 : i32
        %mul3A_2581 = arith.muli %scan3A_29, %mul3A_2580 : i32
        %add3A_2582 = arith.constant 14 : i32
        %add3A_2583 = arith.addi %mul3A_2581, %add3A_2582 : i32
        %get3A_2584 = arith.index_cast %add3A_2583 : i32 to index
        %get3A_2585 = arith.constant 0 : index
        %get3A_2586 = tpu.vector_load %arg13[%get3A_2584, %get3A_2585] {strides = array<i32>} : memref<128x128xf32, #tpu.memory_space<vmem>>, vector<1x16xf32>,
        %get3A_2587 = vector.shape_cast %get3A_2586 : vector<1x16xf32> to vector<16xf32>
        %get3A_2588 = arith.constant 0 : index
        %get3A_2589 = tpu.vector_load %arg14[%get3A_2588] {strides = array<i32>} : memref<128xf32, #tpu.memory_space<vmem>>, vector<16xf32>,
        %get3A_2590 = vector.shape_cast %get3A_2589 : vector<16xf32> to vector<16xf32>
        %mul3A_2591 = vector.broadcast %squeeze3A_2579 : f32 to vector<16xf32>
        %mul3A_2592 = arith.mulf %mul3A_2591, %get3A_2590 : vector<16xf32>
        %add3A_2593 = arith.addf %get3A_2587, %mul3A_2592 : vector<16xf32>
        %get3A_2594 = arith.constant 0 : index
        %get3A_2595 = tpu.vector_load %arg15[%get3A_2594] {strides = array<i32>} : memref<128xf32, #tpu.memory_space<vmem>>, vector<16xf32>,
        %get3A_2596 = vector.shape_cast %get3A_2595 : vector<16xf32> to vector<16xf32>
        %add3A_2597 = arith.addf %add3A_2593, %get3A_2596 : vector<16xf32>
        %max3A_2598 = arith.constant 0.000000e+00 : f32
        %max3A_2599 = vector.broadcast %max3A_2598 : f32 to vector<16xf32>
        %max3A_2600 = arith.maximumf %add3A_2597, %max3A_2599 : vector<16xf32>
        %swap3A_2601 = arith.index_cast %add3A_2583 : i32 to index
        %swap3A_2602 = arith.constant 0 : index
        %swap3A_2603 = tpu.vector_load %arg13[%swap3A_2601, %swap3A_2602] {strides = array<i32>} : memref<128x128xf32, #tpu.memory_space<vmem>>, vector<1x16xf32>,
        %swap3A_2604 = vector.shape_cast %swap3A_2603 : vector<1x16xf32> to vector<16xf32>
        %swap3A_2605 = vector.shape_cast %max3A_2600 : vector<16xf32> to vector<1x16xf32>
        tpu.vector_store %arg13[%swap3A_2601, %swap3A_2602], %swap3A_2605 {strides = array<i32>} : memref<128x128xf32, #tpu.memory_space<vmem>>, vector<1x16xf32>,
        %get3A_2606 = arith.index_cast %add3A_2583 : i32 to index
        %get3A_2607 = arith.constant 16 : index
        %get3A_2608 = tpu.vector_load %arg13[%get3A_2606, %get3A_2607] {strides = array<i32>} : memref<128x128xf32, #tpu.memory_space<vmem>>, vector<1x16xf32>,
        %get3A_2609 = vector.shape_cast %get3A_2608 : vector<1x16xf32> to vector<16xf32>
        %get3A_2610 = arith.constant 16 : index
        %get3A_2611 = tpu.vector_load %arg14[%get3A_2610] {strides = array<i32>} : memref<128xf32, #tpu.memory_space<vmem>>, vector<16xf32>,
        %get3A_2612 = vector.shape_cast %get3A_2611 : vector<16xf32> to vector<16xf32>
        %mul3A_2613 = vector.broadcast %squeeze3A_2579 : f32 to vector<16xf32>
        %mul3A_2614 = arith.mulf %mul3A_2613, %get3A_2612 : vector<16xf32>
        %add3A_2615 = arith.addf %get3A_2609, %mul3A_2614 : vector<16xf32>
        %get3A_2616 = arith.constant 16 : index
        %get3A_2617 = tpu.vector_load %arg15[%get3A_2616] {strides = array<i32>} : memref<128xf32, #tpu.memory_space<vmem>>, vector<16xf32>,
        %get3A_2618 = vector.shape_cast %get3A_2617 : vector<16xf32> to vector<16xf32>
        %add3A_2619 = arith.addf %add3A_2615, %get3A_2618 : vector<16xf32>
        %max3A_2620 = arith.constant 0.000000e+00 : f32
        %max3A_2621 = vector.broadcast %max3A_2620 : f32 to vector<16xf32>
        %max3A_2622 = arith.maximumf %add3A_2619, %max3A_2621 : vector<16xf32>
        %swap3A_2623 = arith.index_cast %add3A_2583 : i32 to index
        %swap3A_2624 = arith.constant 16 : index
        %swap3A_2625 = tpu.vector_load %arg13[%swap3A_2623, %swap3A_2624] {strides = array<i32>} : memref<128x128xf32, #tpu.memory_space<vmem>>, vector<1x16xf32>,
        %swap3A_2626 = vector.shape_cast %swap3A_2625 : vector<1x16xf32> to vector<16xf32>
        %swap3A_2627 = vector.shape_cast %max3A_2622 : vector<16xf32> to vector<1x16xf32>
        tpu.vector_store %arg13[%swap3A_2623, %swap3A_2624], %swap3A_2627 {strides = array<i32>} : memref<128x128xf32, #tpu.memory_space<vmem>>, vector<1x16xf32>,
        %get3A_2628 = arith.index_cast %add3A_2583 : i32 to index
        %get3A_2629 = arith.constant 32 : index
        %get3A_2630 = tpu.vector_load %arg13[%get3A_2628, %get3A_2629] {strides = array<i32>} : memref<128x128xf32, #tpu.memory_space<vmem>>, vector<1x16xf32>,
        %get3A_2631 = vector.shape_cast %get3A_2630 : vector<1x16xf32> to vector<16xf32>
        %get3A_2632 = arith.constant 32 : index
        %get3A_2633 = tpu.vector_load %arg14[%get3A_2632] {strides = array<i32>} : memref<128xf32, #tpu.memory_space<vmem>>, vector<16xf32>,
        %get3A_2634 = vector.shape_cast %get3A_2633 : vector<16xf32> to vector<16xf32>
        %mul3A_2635 = vector.broadcast %squeeze3A_2579 : f32 to vector<16xf32>
        %mul3A_2636 = arith.mulf %mul3A_2635, %get3A_2634 : vector<16xf32>
        %add3A_2637 = arith.addf %get3A_2631, %mul3A_2636 : vector<16xf32>
        %get3A_2638 = arith.constant 32 : index
        %get3A_2639 = tpu.vector_load %arg15[%get3A_2638] {strides = array<i32>} : memref<128xf32, #tpu.memory_space<vmem>>, vector<16xf32>,
        %get3A_2640 = vector.shape_cast %get3A_2639 : vector<16xf32> to vector<16xf32>
        %add3A_2641 = arith.addf %add3A_2637, %get3A_2640 : vector<16xf32>
        %max3A_2642 = arith.constant 0.000000e+00 : f32
        %max3A_2643 = vector.broadcast %max3A_2642 : f32 to vector<16xf32>
        %max3A_2644 = arith.maximumf %add3A_2641, %max3A_2643 : vector<16xf32>
        %swap3A_2645 = arith.index_cast %add3A_2583 : i32 to index
        %swap3A_2646 = arith.constant 32 : index
        %swap3A_2647 = tpu.vector_load %arg13[%swap3A_2645, %swap3A_2646] {strides = array<i32>} : memref<128x128xf32, #tpu.memory_space<vmem>>, vector<1x16xf32>,
        %swap3A_2648 = vector.shape_cast %swap3A_2647 : vector<1x16xf32> to vector<16xf32>
        %swap3A_2649 = vector.shape_cast %max3A_2644 : vector<16xf32> to vector<1x16xf32>
        tpu.vector_store %arg13[%swap3A_2645, %swap3A_2646], %swap3A_2649 {strides = array<i32>} : memref<128x128xf32, #tpu.memory_space<vmem>>, vector<1x16xf32>,
        %get3A_2650 = arith.index_cast %add3A_2583 : i32 to index
        %get3A_2651 = arith.constant 48 : index
        %get3A_2652 = tpu.vector_load %arg13[%get3A_2650, %get3A_2651] {strides = array<i32>} : memref<128x128xf32, #tpu.memory_space<vmem>>, vector<1x16xf32>,
        %get3A_2653 = vector.shape_cast %get3A_2652 : vector<1x16xf32> to vector<16xf32>
        %get3A_2654 = arith.constant 48 : index
        %get3A_2655 = tpu.vector_load %arg14[%get3A_2654] {strides = array<i32>} : memref<128xf32, #tpu.memory_space<vmem>>, vector<16xf32>,
        %get3A_2656 = vector.shape_cast %get3A_2655 : vector<16xf32> to vector<16xf32>
        %mul3A_2657 = vector.broadcast %squeeze3A_2579 : f32 to vector<16xf32>
        %mul3A_2658 = arith.mulf %mul3A_2657, %get3A_2656 : vector<16xf32>
        %add3A_2659 = arith.addf %get3A_2653, %mul3A_2658 : vector<16xf32>
        %get3A_2660 = arith.constant 48 : index
        %get3A_2661 = tpu.vector_load %arg15[%get3A_2660] {strides = array<i32>} : memref<128xf32, #tpu.memory_space<vmem>>, vector<16xf32>,
        %get3A_2662 = vector.shape_cast %get3A_2661 : vector<16xf32> to vector<16xf32>
        %add3A_2663 = arith.addf %add3A_2659, %get3A_2662 : vector<16xf32>
        %max3A_2664 = arith.constant 0.000000e+00 : f32
        %max3A_2665 = vector.broadcast %max3A_2664 : f32 to vector<16xf32>
        %max3A_2666 = arith.maximumf %add3A_2663, %max3A_2665 : vector<16xf32>
        %swap3A_2667 = arith.index_cast %add3A_2583 : i32 to index
        %swap3A_2668 = arith.constant 48 : index
        %swap3A_2669 = tpu.vector_load %arg13[%swap3A_2667, %swap3A_2668] {strides = array<i32>} : memref<128x128xf32, #tpu.memory_space<vmem>>, vector<1x16xf32>,
        %swap3A_2670 = vector.shape_cast %swap3A_2669 : vector<1x16xf32> to vector<16xf32>
        %swap3A_2671 = vector.shape_cast %max3A_2666 : vector<16xf32> to vector<1x16xf32>
        tpu.vector_store %arg13[%swap3A_2667, %swap3A_2668], %swap3A_2671 {strides = array<i32>} : memref<128x128xf32, #tpu.memory_space<vmem>>, vector<1x16xf32>,
        %get3A_2672 = arith.index_cast %add3A_2583 : i32 to index
        %get3A_2673 = arith.constant 64 : index
        %get3A_2674 = tpu.vector_load %arg13[%get3A_2672, %get3A_2673] {strides = array<i32>} : memref<128x128xf32, #tpu.memory_space<vmem>>, vector<1x16xf32>,
        %get3A_2675 = vector.shape_cast %get3A_2674 : vector<1x16xf32> to vector<16xf32>
        %get3A_2676 = arith.constant 64 : index
        %get3A_2677 = tpu.vector_load %arg14[%get3A_2676] {strides = array<i32>} : memref<128xf32, #tpu.memory_space<vmem>>, vector<16xf32>,
        %get3A_2678 = vector.shape_cast %get3A_2677 : vector<16xf32> to vector<16xf32>
        %mul3A_2679 = vector.broadcast %squeeze3A_2579 : f32 to vector<16xf32>
        %mul3A_2680 = arith.mulf %mul3A_2679, %get3A_2678 : vector<16xf32>
        %add3A_2681 = arith.addf %get3A_2675, %mul3A_2680 : vector<16xf32>
        %get3A_2682 = arith.constant 64 : index
        %get3A_2683 = tpu.vector_load %arg15[%get3A_2682] {strides = array<i32>} : memref<128xf32, #tpu.memory_space<vmem>>, vector<16xf32>,
        %get3A_2684 = vector.shape_cast %get3A_2683 : vector<16xf32> to vector<16xf32>
        %add3A_2685 = arith.addf %add3A_2681, %get3A_2684 : vector<16xf32>
        %max3A_2686 = arith.constant 0.000000e+00 : f32
        %max3A_2687 = vector.broadcast %max3A_2686 : f32 to vector<16xf32>
        %max3A_2688 = arith.maximumf %add3A_2685, %max3A_2687 : vector<16xf32>
        %swap3A_2689 = arith.index_cast %add3A_2583 : i32 to index
        %swap3A_2690 = arith.constant 64 : index
        %swap3A_2691 = tpu.vector_load %arg13[%swap3A_2689, %swap3A_2690] {strides = array<i32>} : memref<128x128xf32, #tpu.memory_space<vmem>>, vector<1x16xf32>,
        %swap3A_2692 = vector.shape_cast %swap3A_2691 : vector<1x16xf32> to vector<16xf32>
        %swap3A_2693 = vector.shape_cast %max3A_2688 : vector<16xf32> to vector<1x16xf32>
        tpu.vector_store %arg13[%swap3A_2689, %swap3A_2690], %swap3A_2693 {strides = array<i32>} : memref<128x128xf32, #tpu.memory_space<vmem>>, vector<1x16xf32>,
        %get3A_2694 = arith.index_cast %add3A_2583 : i32 to index
        %get3A_2695 = arith.constant 80 : index
        %get3A_2696 = tpu.vector_load %arg13[%get3A_2694, %get3A_2695] {strides = array<i32>} : memref<128x128xf32, #tpu.memory_space<vmem>>, vector<1x16xf32>,
        %get3A_2697 = vector.shape_cast %get3A_2696 : vector<1x16xf32> to vector<16xf32>
        %get3A_2698 = arith.constant 80 : index
        %get3A_2699 = tpu.vector_load %arg14[%get3A_2698] {strides = array<i32>} : memref<128xf32, #tpu.memory_space<vmem>>, vector<16xf32>,
        %get3A_2700 = vector.shape_cast %get3A_2699 : vector<16xf32> to vector<16xf32>
        %mul3A_2701 = vector.broadcast %squeeze3A_2579 : f32 to vector<16xf32>
        %mul3A_2702 = arith.mulf %mul3A_2701, %get3A_2700 : vector<16xf32>
        %add3A_2703 = arith.addf %get3A_2697, %mul3A_2702 : vector<16xf32>
        %get3A_2704 = arith.constant 80 : index
        %get3A_2705 = tpu.vector_load %arg15[%get3A_2704] {strides = array<i32>} : memref<128xf32, #tpu.memory_space<vmem>>, vector<16xf32>,
        %get3A_2706 = vector.shape_cast %get3A_2705 : vector<16xf32> to vector<16xf32>
        %add3A_2707 = arith.addf %add3A_2703, %get3A_2706 : vector<16xf32>
        %max3A_2708 = arith.constant 0.000000e+00 : f32
        %max3A_2709 = vector.broadcast %max3A_2708 : f32 to vector<16xf32>
        %max3A_2710 = arith.maximumf %add3A_2707, %max3A_2709 : vector<16xf32>
        %swap3A_2711 = arith.index_cast %add3A_2583 : i32 to index
        %swap3A_2712 = arith.constant 80 : index
        %swap3A_2713 = tpu.vector_load %arg13[%swap3A_2711, %swap3A_2712] {strides = array<i32>} : memref<128x128xf32, #tpu.memory_space<vmem>>, vector<1x16xf32>,
        %swap3A_2714 = vector.shape_cast %swap3A_2713 : vector<1x16xf32> to vector<16xf32>
        %swap3A_2715 = vector.shape_cast %max3A_2710 : vector<16xf32> to vector<1x16xf32>
        tpu.vector_store %arg13[%swap3A_2711, %swap3A_2712], %swap3A_2715 {strides = array<i32>} : memref<128x128xf32, #tpu.memory_space<vmem>>, vector<1x16xf32>,
        %get3A_2716 = arith.index_cast %add3A_2583 : i32 to index
        %get3A_2717 = arith.constant 96 : index
        %get3A_2718 = tpu.vector_load %arg13[%get3A_2716, %get3A_2717] {strides = array<i32>} : memref<128x128xf32, #tpu.memory_space<vmem>>, vector<1x16xf32>,
        %get3A_2719 = vector.shape_cast %get3A_2718 : vector<1x16xf32> to vector<16xf32>
        %get3A_2720 = arith.constant 96 : index
        %get3A_2721 = tpu.vector_load %arg14[%get3A_2720] {strides = array<i32>} : memref<128xf32, #tpu.memory_space<vmem>>, vector<16xf32>,
        %get3A_2722 = vector.shape_cast %get3A_2721 : vector<16xf32> to vector<16xf32>
        %mul3A_2723 = vector.broadcast %squeeze3A_2579 : f32 to vector<16xf32>
        %mul3A_2724 = arith.mulf %mul3A_2723, %get3A_2722 : vector<16xf32>
        %add3A_2725 = arith.addf %get3A_2719, %mul3A_2724 : vector<16xf32>
        %get3A_2726 = arith.constant 96 : index
        %get3A_2727 = tpu.vector_load %arg15[%get3A_2726] {strides = array<i32>} : memref<128xf32, #tpu.memory_space<vmem>>, vector<16xf32>,
        %get3A_2728 = vector.shape_cast %get3A_2727 : vector<16xf32> to vector<16xf32>
        %add3A_2729 = arith.addf %add3A_2725, %get3A_2728 : vector<16xf32>
        %max3A_2730 = arith.constant 0.000000e+00 : f32
        %max3A_2731 = vector.broadcast %max3A_2730 : f32 to vector<16xf32>
        %max3A_2732 = arith.maximumf %add3A_2729, %max3A_2731 : vector<16xf32>
        %swap3A_2733 = arith.index_cast %add3A_2583 : i32 to index
        %swap3A_2734 = arith.constant 96 : index
        %swap3A_2735 = tpu.vector_load %arg13[%swap3A_2733, %swap3A_2734] {strides = array<i32>} : memref<128x128xf32, #tpu.memory_space<vmem>>, vector<1x16xf32>,
        %swap3A_2736 = vector.shape_cast %swap3A_2735 : vector<1x16xf32> to vector<16xf32>
        %swap3A_2737 = vector.shape_cast %max3A_2732 : vector<16xf32> to vector<1x16xf32>
        tpu.vector_store %arg13[%swap3A_2733, %swap3A_2734], %swap3A_2737 {strides = array<i32>} : memref<128x128xf32, #tpu.memory_space<vmem>>, vector<1x16xf32>,
        %get3A_2738 = arith.index_cast %add3A_2583 : i32 to index
        %get3A_2739 = arith.constant 112 : index
        %get3A_2740 = tpu.vector_load %arg13[%get3A_2738, %get3A_2739] {strides = array<i32>} : memref<128x128xf32, #tpu.memory_space<vmem>>, vector<1x16xf32>,
        %get3A_2741 = vector.shape_cast %get3A_2740 : vector<1x16xf32> to vector<16xf32>
        %get3A_2742 = arith.constant 112 : index
        %get3A_2743 = tpu.vector_load %arg14[%get3A_2742] {strides = array<i32>} : memref<128xf32, #tpu.memory_space<vmem>>, vector<16xf32>,
        %get3A_2744 = vector.shape_cast %get3A_2743 : vector<16xf32> to vector<16xf32>
        %mul3A_2745 = vector.broadcast %squeeze3A_2579 : f32 to vector<16xf32>
        %mul3A_2746 = arith.mulf %mul3A_2745, %get3A_2744 : vector<16xf32>
        %add3A_2747 = arith.addf %get3A_2741, %mul3A_2746 : vector<16xf32>
        %get3A_2748 = arith.constant 112 : index
        %get3A_2749 = tpu.vector_load %arg15[%get3A_2748] {strides = array<i32>} : memref<128xf32, #tpu.memory_space<vmem>>, vector<16xf32>,
        %get3A_2750 = vector.shape_cast %get3A_2749 : vector<16xf32> to vector<16xf32>
        %add3A_2751 = arith.addf %add3A_2747, %get3A_2750 : vector<16xf32>
        %max3A_2752 = arith.constant 0.000000e+00 : f32
        %max3A_2753 = vector.broadcast %max3A_2752 : f32 to vector<16xf32>
        %max3A_2754 = arith.maximumf %add3A_2751, %max3A_2753 : vector<16xf32>
        %swap3A_2755 = arith.index_cast %add3A_2583 : i32 to index
        %swap3A_2756 = arith.constant 112 : index
        %swap3A_2757 = tpu.vector_load %arg13[%swap3A_2755, %swap3A_2756] {strides = array<i32>} : memref<128x128xf32, #tpu.memory_space<vmem>>, vector<1x16xf32>,
        %swap3A_2758 = vector.shape_cast %swap3A_2757 : vector<1x16xf32> to vector<16xf32>
        %swap3A_2759 = vector.shape_cast %max3A_2754 : vector<16xf32> to vector<1x16xf32>
        tpu.vector_store %arg13[%swap3A_2755, %swap3A_2756], %swap3A_2759 {strides = array<i32>} : memref<128x128xf32, #tpu.memory_space<vmem>>, vector<1x16xf32>,
        %slice3A_2760 = vector.extract_strided_slice %get3A_33 {offsets = [15], sizes = [1], strides = [1]} : vector<16xf32> to vector<1xf32>
        %squeeze3A_2761 = vector.extract %slice3A_2760[0] : f32 from vector<1xf32>
        %mul3A_2762 = arith.constant 16 : i32
        %mul3A_2763 = arith.muli %scan3A_29, %mul3A_2762 : i32
        %add3A_2764 = arith.constant 15 : i32
        %add3A_2765 = arith.addi %mul3A_2763, %add3A_2764 : i32
        %get3A_2766 = arith.index_cast %add3A_2765 : i32 to index
        %get3A_2767 = arith.constant 0 : index
        %get3A_2768 = tpu.vector_load %arg13[%get3A_2766, %get3A_2767] {strides = array<i32>} : memref<128x128xf32, #tpu.memory_space<vmem>>, vector<1x16xf32>,
        %get3A_2769 = vector.shape_cast %get3A_2768 : vector<1x16xf32> to vector<16xf32>
        %get3A_2770 = arith.constant 0 : index
        %get3A_2771 = tpu.vector_load %arg14[%get3A_2770] {strides = array<i32>} : memref<128xf32, #tpu.memory_space<vmem>>, vector<16xf32>,
        %get3A_2772 = vector.shape_cast %get3A_2771 : vector<16xf32> to vector<16xf32>
        %mul3A_2773 = vector.broadcast %squeeze3A_2761 : f32 to vector<16xf32>
        %mul3A_2774 = arith.mulf %mul3A_2773, %get3A_2772 : vector<16xf32>
        %add3A_2775 = arith.addf %get3A_2769, %mul3A_2774 : vector<16xf32>
        %get3A_2776 = arith.constant 0 : index
        %get3A_2777 = tpu.vector_load %arg15[%get3A_2776] {strides = array<i32>} : memref<128xf32, #tpu.memory_space<vmem>>, vector<16xf32>,
        %get3A_2778 = vector.shape_cast %get3A_2777 : vector<16xf32> to vector<16xf32>
        %add3A_2779 = arith.addf %add3A_2775, %get3A_2778 : vector<16xf32>
        %max3A_2780 = arith.constant 0.000000e+00 : f32
        %max3A_2781 = vector.broadcast %max3A_2780 : f32 to vector<16xf32>
        %max3A_2782 = arith.maximumf %add3A_2779, %max3A_2781 : vector<16xf32>
        %swap3A_2783 = arith.index_cast %add3A_2765 : i32 to index
        %swap3A_2784 = arith.constant 0 : index
        %swap3A_2785 = tpu.vector_load %arg13[%swap3A_2783, %swap3A_2784] {strides = array<i32>} : memref<128x128xf32, #tpu.memory_space<vmem>>, vector<1x16xf32>,
        %swap3A_2786 = vector.shape_cast %swap3A_2785 : vector<1x16xf32> to vector<16xf32>
        %swap3A_2787 = vector.shape_cast %max3A_2782 : vector<16xf32> to vector<1x16xf32>
        tpu.vector_store %arg13[%swap3A_2783, %swap3A_2784], %swap3A_2787 {strides = array<i32>} : memref<128x128xf32, #tpu.memory_space<vmem>>, vector<1x16xf32>,
        %get3A_2788 = arith.index_cast %add3A_2765 : i32 to index
        %get3A_2789 = arith.constant 16 : index
        %get3A_2790 = tpu.vector_load %arg13[%get3A_2788, %get3A_2789] {strides = array<i32>} : memref<128x128xf32, #tpu.memory_space<vmem>>, vector<1x16xf32>,
        %get3A_2791 = vector.shape_cast %get3A_2790 : vector<1x16xf32> to vector<16xf32>
        %get3A_2792 = arith.constant 16 : index
        %get3A_2793 = tpu.vector_load %arg14[%get3A_2792] {strides = array<i32>} : memref<128xf32, #tpu.memory_space<vmem>>, vector<16xf32>,
        %get3A_2794 = vector.shape_cast %get3A_2793 : vector<16xf32> to vector<16xf32>
        %mul3A_2795 = vector.broadcast %squeeze3A_2761 : f32 to vector<16xf32>
        %mul3A_2796 = arith.mulf %mul3A_2795, %get3A_2794 : vector<16xf32>
        %add3A_2797 = arith.addf %get3A_2791, %mul3A_2796 : vector<16xf32>
        %get3A_2798 = arith.constant 16 : index
        %get3A_2799 = tpu.vector_load %arg15[%get3A_2798] {strides = array<i32>} : memref<128xf32, #tpu.memory_space<vmem>>, vector<16xf32>,
        %get3A_2800 = vector.shape_cast %get3A_2799 : vector<16xf32> to vector<16xf32>
        %add3A_2801 = arith.addf %add3A_2797, %get3A_2800 : vector<16xf32>
        %max3A_2802 = arith.constant 0.000000e+00 : f32
        %max3A_2803 = vector.broadcast %max3A_2802 : f32 to vector<16xf32>
        %max3A_2804 = arith.maximumf %add3A_2801, %max3A_2803 : vector<16xf32>
        %swap3A_2805 = arith.index_cast %add3A_2765 : i32 to index
        %swap3A_2806 = arith.constant 16 : index
        %swap3A_2807 = tpu.vector_load %arg13[%swap3A_2805, %swap3A_2806] {strides = array<i32>} : memref<128x128xf32, #tpu.memory_space<vmem>>, vector<1x16xf32>,
        %swap3A_2808 = vector.shape_cast %swap3A_2807 : vector<1x16xf32> to vector<16xf32>
        %swap3A_2809 = vector.shape_cast %max3A_2804 : vector<16xf32> to vector<1x16xf32>
        tpu.vector_store %arg13[%swap3A_2805, %swap3A_2806], %swap3A_2809 {strides = array<i32>} : memref<128x128xf32, #tpu.memory_space<vmem>>, vector<1x16xf32>,
        %get3A_2810 = arith.index_cast %add3A_2765 : i32 to index
        %get3A_2811 = arith.constant 32 : index
        %get3A_2812 = tpu.vector_load %arg13[%get3A_2810, %get3A_2811] {strides = array<i32>} : memref<128x128xf32, #tpu.memory_space<vmem>>, vector<1x16xf32>,
        %get3A_2813 = vector.shape_cast %get3A_2812 : vector<1x16xf32> to vector<16xf32>
        %get3A_2814 = arith.constant 32 : index
        %get3A_2815 = tpu.vector_load %arg14[%get3A_2814] {strides = array<i32>} : memref<128xf32, #tpu.memory_space<vmem>>, vector<16xf32>,
        %get3A_2816 = vector.shape_cast %get3A_2815 : vector<16xf32> to vector<16xf32>
        %mul3A_2817 = vector.broadcast %squeeze3A_2761 : f32 to vector<16xf32>
        %mul3A_2818 = arith.mulf %mul3A_2817, %get3A_2816 : vector<16xf32>
        %add3A_2819 = arith.addf %get3A_2813, %mul3A_2818 : vector<16xf32>
        %get3A_2820 = arith.constant 32 : index
        %get3A_2821 = tpu.vector_load %arg15[%get3A_2820] {strides = array<i32>} : memref<128xf32, #tpu.memory_space<vmem>>, vector<16xf32>,
        %get3A_2822 = vector.shape_cast %get3A_2821 : vector<16xf32> to vector<16xf32>
        %add3A_2823 = arith.addf %add3A_2819, %get3A_2822 : vector<16xf32>
        %max3A_2824 = arith.constant 0.000000e+00 : f32
        %max3A_2825 = vector.broadcast %max3A_2824 : f32 to vector<16xf32>
        %max3A_2826 = arith.maximumf %add3A_2823, %max3A_2825 : vector<16xf32>
        %swap3A_2827 = arith.index_cast %add3A_2765 : i32 to index
        %swap3A_2828 = arith.constant 32 : index
        %swap3A_2829 = tpu.vector_load %arg13[%swap3A_2827, %swap3A_2828] {strides = array<i32>} : memref<128x128xf32, #tpu.memory_space<vmem>>, vector<1x16xf32>,
        %swap3A_2830 = vector.shape_cast %swap3A_2829 : vector<1x16xf32> to vector<16xf32>
        %swap3A_2831 = vector.shape_cast %max3A_2826 : vector<16xf32> to vector<1x16xf32>
        tpu.vector_store %arg13[%swap3A_2827, %swap3A_2828], %swap3A_2831 {strides = array<i32>} : memref<128x128xf32, #tpu.memory_space<vmem>>, vector<1x16xf32>,
        %get3A_2832 = arith.index_cast %add3A_2765 : i32 to index
        %get3A_2833 = arith.constant 48 : index
        %get3A_2834 = tpu.vector_load %arg13[%get3A_2832, %get3A_2833] {strides = array<i32>} : memref<128x128xf32, #tpu.memory_space<vmem>>, vector<1x16xf32>,
        %get3A_2835 = vector.shape_cast %get3A_2834 : vector<1x16xf32> to vector<16xf32>
        %get3A_2836 = arith.constant 48 : index
        %get3A_2837 = tpu.vector_load %arg14[%get3A_2836] {strides = array<i32>} : memref<128xf32, #tpu.memory_space<vmem>>, vector<16xf32>,
        %get3A_2838 = vector.shape_cast %get3A_2837 : vector<16xf32> to vector<16xf32>
        %mul3A_2839 = vector.broadcast %squeeze3A_2761 : f32 to vector<16xf32>
        %mul3A_2840 = arith.mulf %mul3A_2839, %get3A_2838 : vector<16xf32>
        %add3A_2841 = arith.addf %get3A_2835, %mul3A_2840 : vector<16xf32>
        %get3A_2842 = arith.constant 48 : index
        %get3A_2843 = tpu.vector_load %arg15[%get3A_2842] {strides = array<i32>} : memref<128xf32, #tpu.memory_space<vmem>>, vector<16xf32>,
        %get3A_2844 = vector.shape_cast %get3A_2843 : vector<16xf32> to vector<16xf32>
        %add3A_2845 = arith.addf %add3A_2841, %get3A_2844 : vector<16xf32>
        %max3A_2846 = arith.constant 0.000000e+00 : f32
        %max3A_2847 = vector.broadcast %max3A_2846 : f32 to vector<16xf32>
        %max3A_2848 = arith.maximumf %add3A_2845, %max3A_2847 : vector<16xf32>
        %swap3A_2849 = arith.index_cast %add3A_2765 : i32 to index
        %swap3A_2850 = arith.constant 48 : index
        %swap3A_2851 = tpu.vector_load %arg13[%swap3A_2849, %swap3A_2850] {strides = array<i32>} : memref<128x128xf32, #tpu.memory_space<vmem>>, vector<1x16xf32>,
        %swap3A_2852 = vector.shape_cast %swap3A_2851 : vector<1x16xf32> to vector<16xf32>
        %swap3A_2853 = vector.shape_cast %max3A_2848 : vector<16xf32> to vector<1x16xf32>
        tpu.vector_store %arg13[%swap3A_2849, %swap3A_2850], %swap3A_2853 {strides = array<i32>} : memref<128x128xf32, #tpu.memory_space<vmem>>, vector<1x16xf32>,
        %get3A_2854 = arith.index_cast %add3A_2765 : i32 to index
        %get3A_2855 = arith.constant 64 : index
        %get3A_2856 = tpu.vector_load %arg13[%get3A_2854, %get3A_2855] {strides = array<i32>} : memref<128x128xf32, #tpu.memory_space<vmem>>, vector<1x16xf32>,
        %get3A_2857 = vector.shape_cast %get3A_2856 : vector<1x16xf32> to vector<16xf32>
        %get3A_2858 = arith.constant 64 : index
        %get3A_2859 = tpu.vector_load %arg14[%get3A_2858] {strides = array<i32>} : memref<128xf32, #tpu.memory_space<vmem>>, vector<16xf32>,
        %get3A_2860 = vector.shape_cast %get3A_2859 : vector<16xf32> to vector<16xf32>
        %mul3A_2861 = vector.broadcast %squeeze3A_2761 : f32 to vector<16xf32>
        %mul3A_2862 = arith.mulf %mul3A_2861, %get3A_2860 : vector<16xf32>
        %add3A_2863 = arith.addf %get3A_2857, %mul3A_2862 : vector<16xf32>
        %get3A_2864 = arith.constant 64 : index
        %get3A_2865 = tpu.vector_load %arg15[%get3A_2864] {strides = array<i32>} : memref<128xf32, #tpu.memory_space<vmem>>, vector<16xf32>,
        %get3A_2866 = vector.shape_cast %get3A_2865 : vector<16xf32> to vector<16xf32>
        %add3A_2867 = arith.addf %add3A_2863, %get3A_2866 : vector<16xf32>
        %max3A_2868 = arith.constant 0.000000e+00 : f32
        %max3A_2869 = vector.broadcast %max3A_2868 : f32 to vector<16xf32>
        %max3A_2870 = arith.maximumf %add3A_2867, %max3A_2869 : vector<16xf32>
        %swap3A_2871 = arith.index_cast %add3A_2765 : i32 to index
        %swap3A_2872 = arith.constant 64 : index
        %swap3A_2873 = tpu.vector_load %arg13[%swap3A_2871, %swap3A_2872] {strides = array<i32>} : memref<128x128xf32, #tpu.memory_space<vmem>>, vector<1x16xf32>,
        %swap3A_2874 = vector.shape_cast %swap3A_2873 : vector<1x16xf32> to vector<16xf32>
        %swap3A_2875 = vector.shape_cast %max3A_2870 : vector<16xf32> to vector<1x16xf32>
        tpu.vector_store %arg13[%swap3A_2871, %swap3A_2872], %swap3A_2875 {strides = array<i32>} : memref<128x128xf32, #tpu.memory_space<vmem>>, vector<1x16xf32>,
        %get3A_2876 = arith.index_cast %add3A_2765 : i32 to index
        %get3A_2877 = arith.constant 80 : index
        %get3A_2878 = tpu.vector_load %arg13[%get3A_2876, %get3A_2877] {strides = array<i32>} : memref<128x128xf32, #tpu.memory_space<vmem>>, vector<1x16xf32>,
        %get3A_2879 = vector.shape_cast %get3A_2878 : vector<1x16xf32> to vector<16xf32>
        %get3A_2880 = arith.constant 80 : index
        %get3A_2881 = tpu.vector_load %arg14[%get3A_2880] {strides = array<i32>} : memref<128xf32, #tpu.memory_space<vmem>>, vector<16xf32>,
        %get3A_2882 = vector.shape_cast %get3A_2881 : vector<16xf32> to vector<16xf32>
        %mul3A_2883 = vector.broadcast %squeeze3A_2761 : f32 to vector<16xf32>
        %mul3A_2884 = arith.mulf %mul3A_2883, %get3A_2882 : vector<16xf32>
        %add3A_2885 = arith.addf %get3A_2879, %mul3A_2884 : vector<16xf32>
        %get3A_2886 = arith.constant 80 : index
        %get3A_2887 = tpu.vector_load %arg15[%get3A_2886] {strides = array<i32>} : memref<128xf32, #tpu.memory_space<vmem>>, vector<16xf32>,
        %get3A_2888 = vector.shape_cast %get3A_2887 : vector<16xf32> to vector<16xf32>
        %add3A_2889 = arith.addf %add3A_2885, %get3A_2888 : vector<16xf32>
        %max3A_2890 = arith.constant 0.000000e+00 : f32
        %max3A_2891 = vector.broadcast %max3A_2890 : f32 to vector<16xf32>
        %max3A_2892 = arith.maximumf %add3A_2889, %max3A_2891 : vector<16xf32>
        %swap3A_2893 = arith.index_cast %add3A_2765 : i32 to index
        %swap3A_2894 = arith.constant 80 : index
        %swap3A_2895 = tpu.vector_load %arg13[%swap3A_2893, %swap3A_2894] {strides = array<i32>} : memref<128x128xf32, #tpu.memory_space<vmem>>, vector<1x16xf32>,
        %swap3A_2896 = vector.shape_cast %swap3A_2895 : vector<1x16xf32> to vector<16xf32>
        %swap3A_2897 = vector.shape_cast %max3A_2892 : vector<16xf32> to vector<1x16xf32>
        tpu.vector_store %arg13[%swap3A_2893, %swap3A_2894], %swap3A_2897 {strides = array<i32>} : memref<128x128xf32, #tpu.memory_space<vmem>>, vector<1x16xf32>,
        %get3A_2898 = arith.index_cast %add3A_2765 : i32 to index
        %get3A_2899 = arith.constant 96 : index
        %get3A_2900 = tpu.vector_load %arg13[%get3A_2898, %get3A_2899] {strides = array<i32>} : memref<128x128xf32, #tpu.memory_space<vmem>>, vector<1x16xf32>,
        %get3A_2901 = vector.shape_cast %get3A_2900 : vector<1x16xf32> to vector<16xf32>
        %get3A_2902 = arith.constant 96 : index
        %get3A_2903 = tpu.vector_load %arg14[%get3A_2902] {strides = array<i32>} : memref<128xf32, #tpu.memory_space<vmem>>, vector<16xf32>,
        %get3A_2904 = vector.shape_cast %get3A_2903 : vector<16xf32> to vector<16xf32>
        %mul3A_2905 = vector.broadcast %squeeze3A_2761 : f32 to vector<16xf32>
        %mul3A_2906 = arith.mulf %mul3A_2905, %get3A_2904 : vector<16xf32>
        %add3A_2907 = arith.addf %get3A_2901, %mul3A_2906 : vector<16xf32>
        %get3A_2908 = arith.constant 96 : index
        %get3A_2909 = tpu.vector_load %arg15[%get3A_2908] {strides = array<i32>} : memref<128xf32, #tpu.memory_space<vmem>>, vector<16xf32>,
        %get3A_2910 = vector.shape_cast %get3A_2909 : vector<16xf32> to vector<16xf32>
        %add3A_2911 = arith.addf %add3A_2907, %get3A_2910 : vector<16xf32>
        %max3A_2912 = arith.constant 0.000000e+00 : f32
        %max3A_2913 = vector.broadcast %max3A_2912 : f32 to vector<16xf32>
        %max3A_2914 = arith.maximumf %add3A_2911, %max3A_2913 : vector<16xf32>
        %swap3A_2915 = arith.index_cast %add3A_2765 : i32 to index
        %swap3A_2916 = arith.constant 96 : index
        %swap3A_2917 = tpu.vector_load %arg13[%swap3A_2915, %swap3A_2916] {strides = array<i32>} : memref<128x128xf32, #tpu.memory_space<vmem>>, vector<1x16xf32>,
        %swap3A_2918 = vector.shape_cast %swap3A_2917 : vector<1x16xf32> to vector<16xf32>
        %swap3A_2919 = vector.shape_cast %max3A_2914 : vector<16xf32> to vector<1x16xf32>
        tpu.vector_store %arg13[%swap3A_2915, %swap3A_2916], %swap3A_2919 {strides = array<i32>} : memref<128x128xf32, #tpu.memory_space<vmem>>, vector<1x16xf32>,
        %get3A_2920 = arith.index_cast %add3A_2765 : i32 to index
        %get3A_2921 = arith.constant 112 : index
        %get3A_2922 = tpu.vector_load %arg13[%get3A_2920, %get3A_2921] {strides = array<i32>} : memref<128x128xf32, #tpu.memory_space<vmem>>, vector<1x16xf32>,
        %get3A_2923 = vector.shape_cast %get3A_2922 : vector<1x16xf32> to vector<16xf32>
        %get3A_2924 = arith.constant 112 : index
        %get3A_2925 = tpu.vector_load %arg14[%get3A_2924] {strides = array<i32>} : memref<128xf32, #tpu.memory_space<vmem>>, vector<16xf32>,
        %get3A_2926 = vector.shape_cast %get3A_2925 : vector<16xf32> to vector<16xf32>
        %mul3A_2927 = vector.broadcast %squeeze3A_2761 : f32 to vector<16xf32>
        %mul3A_2928 = arith.mulf %mul3A_2927, %get3A_2926 : vector<16xf32>
        %add3A_2929 = arith.addf %get3A_2923, %mul3A_2928 : vector<16xf32>
        %get3A_2930 = arith.constant 112 : index
        %get3A_2931 = tpu.vector_load %arg15[%get3A_2930] {strides = array<i32>} : memref<128xf32, #tpu.memory_space<vmem>>, vector<16xf32>,
        %get3A_2932 = vector.shape_cast %get3A_2931 : vector<16xf32> to vector<16xf32>
        %add3A_2933 = arith.addf %add3A_2929, %get3A_2932 : vector<16xf32>
        %max3A_2934 = arith.constant 0.000000e+00 : f32
        %max3A_2935 = vector.broadcast %max3A_2934 : f32 to vector<16xf32>
        %max3A_2936 = arith.maximumf %add3A_2933, %max3A_2935 : vector<16xf32>
        %swap3A_2937 = arith.index_cast %add3A_2765 : i32 to index
        %swap3A_2938 = arith.constant 112 : index
        %swap3A_2939 = tpu.vector_load %arg13[%swap3A_2937, %swap3A_2938] {strides = array<i32>} : memref<128x128xf32, #tpu.memory_space<vmem>>, vector<1x16xf32>,
        %swap3A_2940 = vector.shape_cast %swap3A_2939 : vector<1x16xf32> to vector<16xf32>
        %swap3A_2941 = vector.shape_cast %max3A_2936 : vector<16xf32> to vector<1x16xf32>
        tpu.vector_store %arg13[%swap3A_2937, %swap3A_2938], %swap3A_2941 {strides = array<i32>} : memref<128x128xf32, #tpu.memory_space<vmem>>, vector<1x16xf32>,
      }
      %scan3A_28 = arith.constant 8 : i32
      "tpu.region"() ({
        %run_scoped3A = tpu.sem_alloc : memref<!tpu.dma_semaphore, #tpu.memory_space<semaphore_mem>>
        %dma_start3A_29 = arith.constant 0 : i32
        %dma_start3A_30 = arith.constant 0 : i32
        %dma_start3A_31 = tpu.memref_slice %arg16[%dma_start3A_29, %dma_start3A_30] : memref<10112x128xf32, #tpu.memory_space<vmem_shared>> -> memref<10112x128xf32, #tpu.memory_space<vmem_shared>>
        tpu.enqueue_indirect_dma source(%arg13 : memref<128x128xf32, #tpu.memory_space<vmem>>) target(%dma_start3A_31 : memref<10112x128xf32, #tpu.memory_space<vmem_shared>>) offsets(%arg11 : memref<128xi32, #tpu.memory_space<vmem>>) semaphore(%run_scoped3A : memref<!tpu.dma_semaphore, #tpu.memory_space<semaphore_mem>>) {add = true}
        %dma_wait3A_32 = arith.constant 0 : i32
        %dma_wait3A_33 = arith.constant 0 : i32
        %dma_wait3A_34 = tpu.memref_slice %arg16[%dma_wait3A_32, %dma_wait3A_33] : memref<10112x128xf32, #tpu.memory_space<vmem_shared>> -> memref<10112x128xf32, #tpu.memory_space<vmem_shared>>
        tpu.wait_indirect_dma semaphore(%run_scoped3A : memref<!tpu.dma_semaphore, #tpu.memory_space<semaphore_mem>>) src(%arg13 : memref<128x128xf32, #tpu.memory_space<vmem>>) dst(%dma_wait3A_34 : memref<10112x128xf32, #tpu.memory_space<vmem_shared>>)
        tpu.yield
      }) : () -> ()
    }
    %scan3A_9 = arith.constant 79 : i32
    %barrier3A_10 = arith.constant 0 : index
    tpu.barrier barrier_id(%barrier3A_10)
    %mul3A_11 = arith.constant 632 : i32
    %mul3A_12 = arith.muli %arg1, %mul3A_11 : i32
    %mul3A_13 = arith.constant 632 : i32
    %mul3A_14 = arith.muli %arg1, %mul3A_13 : i32
    "tpu.region"() ({
      %run_scoped3A = tpu.sem_alloc : memref<!tpu.dma_semaphore, #tpu.memory_space<semaphore_mem>>
      %dma_start3A = arith.constant 0 : i32
      %dma_start3A_15 = tpu.memref_slice %arg9[%arg0, %mul3A_14, %dma_start3A] : memref<2x10112x128xf32, #tpu.memory_space<hbm>> -> memref<1x632x128xf32, #tpu.memory_space<hbm>>
      %dma_start3A_16 = tpu.memref_squeeze %dma_start3A_15 : memref<1x632x128xf32, #tpu.memory_space<hbm>> -> memref<632x128xf32, #tpu.memory_space<hbm>>
      %dma_start3A_17 = arith.constant 0 : i32
      %dma_start3A_18 = tpu.memref_slice %arg16[%mul3A_12, %dma_start3A_17] : memref<10112x128xf32, #tpu.memory_space<vmem_shared>> -> memref<632x128xf32, #tpu.memory_space<vmem_shared>>
      tpu.enqueue_dma source(%dma_start3A_18 : memref<632x128xf32, #tpu.memory_space<vmem_shared>>) target(%dma_start3A_16 : memref<632x128xf32, #tpu.memory_space<hbm>>) target_semaphore(%run_scoped3A : memref<!tpu.dma_semaphore, #tpu.memory_space<semaphore_mem>>)
      %dma_wait3A = arith.constant 0 : i32
      %dma_wait3A_19 = tpu.memref_slice %arg9[%arg0, %mul3A_14, %dma_wait3A] : memref<2x10112x128xf32, #tpu.memory_space<hbm>> -> memref<1x632x128xf32, #tpu.memory_space<hbm>>
      %dma_wait3A_20 = tpu.memref_squeeze %dma_wait3A_19 : memref<1x632x128xf32, #tpu.memory_space<hbm>> -> memref<632x128xf32, #tpu.memory_space<hbm>>
      %dma_wait3A_21 = arith.constant 0 : i32
      %dma_wait3A_22 = tpu.memref_slice %arg16[%mul3A_12, %dma_wait3A_21] : memref<10112x128xf32, #tpu.memory_space<vmem_shared>> -> memref<632x128xf32, #tpu.memory_space<vmem_shared>>
      tpu.wait_dma2 semaphore(%run_scoped3A : memref<!tpu.dma_semaphore, #tpu.memory_space<semaphore_mem>>) src(%dma_wait3A_22 : memref<632x128xf32, #tpu.memory_space<vmem_shared>>) dst(%dma_wait3A_20 : memref<632x128xf32, #tpu.memory_space<hbm>>)
      tpu.yield
    }) : () -> ()
    return
  }
}

</mosaic_0001>

<sc_bundles>
// kernel: _sc_aggr_call.3.cloned.1.call-start
scs
__scs_entry_jumppad:
0x0: {  	(pc) =	sbr.rel $0x88, $3  }
0x1: {  	(tag) =	ssettag $0x0;
	lr =	simm.s32 $0x1  }
0x2: {  	[smem:$0x3F9A] =	sst lr;
	_ =	strace $0xD0000000  }
0x3: {  	_ = 	snop  }
0x4: {  	_ = 	snop  }
0x5: {  	_ = 	snop  }
0x6: {  	_ = 	snop  }
0x7: {  	_ = 	snop  }
__scs_overlays_trampoline_lowered:
0x8: {  	[smem:$0x3FA9] =	sst s0  }
0x9: {  	[smem:$0x3FAA] =	sst s1  }
0xa: {  	[smem:$0x3FAB] =	sst s2  }
0xb: {  	[smem:$0x3FAC] =	sst s3  }
0xc: {  	[smem:$0x3FAD] =	sst s4  }
0xd: {  	[smem:$0x3FAE] =	sst s5  }
0xe: {  	[smem:$0x3FAF] =	sst s6  }
0xf: {  	[smem:$0x3FB0] =	sst s7  }
0x10: {  	[smem:$0x3FB1] =	sst s8  }
0x11: {  	[smem:$0x3FB2] =	sst s9;
	s0 =	simm.s32 @!p0 $0x0  }
0x12: {  	s1 =	sld [smem:$0x3F98];
	s0 =	simm.s32 @p0 $0x1  }
0x13: {  	[smem:$0x3FB3] =	sst s0;
	s0 =	simm.s32 @!p1 $0x0  }
0x14: {  	s2 =	sld [smem:$0x3F97];
	s0 =	simm.s32 @p1 $0x1  }
0x15: {  	[smem:$0x3FB4] =	sst s0;
	s0 =	simm.s32 @!p2 $0x0  }
0x16: {  	s3 =	sld [smem:$0x3FDB];
	s0 =	simm.s32 @p2 $0x1  }
0x17: {  	s4 =	simm.s32 $0x1BF5;
	[smem:$0x3FB6] =	sst s0  }
0x18: {  	s0 =	sld [smem:$0x3F99];
	_ =	swait.ge [sflag:s4], $0x0  }
0x19: {  	s7 =	sld [smem:$0x3F9A]  }
0x1a: {  	s8 =	sadd.s32 $0xFFFFE003, lr  }
0x1b: {  	s9 =	sadd.s32 $0xFFFFFEF7, lr;
	s5 =	simm.s32 $0xFFFFFFFF;
	p2 =	slt.u32 s8, $0xFFFFF086  }
0x1c: {  	p1 =	slt.u32 s9, $0xF7A;
	s5 =	simm.s32 @!p2 $0x0  }
0x1d: {  	s5 =	simm.s32 @p1 $0x1;
	p0 =	seq.s32 s7, s2  }
0x1e: {  	s7 =	smul.u32 @!p0 $0xF7A, s2;
	p2 =	seq.s32 @!p0 s5, $0x0  }
0x1f: {  	s9 =	smul.u32 $0xF7A, s1;
	s8 =	simm.s32 @!p0 $0x1BF5;
	p2 =	por !p2, p0  }
0x20: {  	[sflag:s8] =	ssyncset.s32 @!p0 $0xFFFFF086;
	s6 =	sadd.s32 @!p0 s3, s7;
	s7 =	simm.s32 @!p0 $0x108  }
0x21: {  	s3 =	sadd.s32 s3, s9;
	s6 =	sadd.s32 @!p0 $0x88, s6;
	s7 =	simm.s32 @p2 $0x1082  }
0x22: {  	[simem:s7], [sflag:s8] =	dma.local @!p0 [hbm:s6], $0xF7A  }
0x23: {  	s9 =	sor.u32 $0xD0000000, s2;
	s6 =	simm.s32 $0x108;
	_ =	swait.ge @!p0 [sflag:s8], $0x0  }
0x24: {  	s3 =	sadd.s32 $0x88, s3;
	s6 =	simm.s32 @!p1 $0x1082;
	[sflag:s4] =	ssyncset.s32 $0xFFFFF086  }
0x25: {  	[simem:s6], [sflag:s4] =	dma.local [hbm:s3], $0xF7A  }
0x26: {  	[smem:$0x3F9A] =	sst s1;
	(tag) =	ssettag s2;
	_ =	strace s9  }
0x27: {  	s1 =	sld [smem:$0x3FAA]  }
0x28: {  	s2 =	sld [smem:$0x3FAB]  }
0x29: {  	s4 =	sld [smem:$0x3FAD]  }
0x2a: {  	p0 =	seq.s32 s5, $0x0;
	s5 =	sld [smem:$0x3FAE]  }
0x2b: {  	s6 =	sld [smem:$0x3FAF]  }
0x2c: {  	s7 =	sld [smem:$0x3FB0]  }
0x2d: {  	s3 =	simm.s32 $0x108;
	s8 =	sld [smem:$0x3FB1]  }
0x2e: {  	s3 =	simm.s32 @!p0 $0x1082;
	s9 =	sld [smem:$0x3FB2]  }
0x2f: {  	lr =	sadd.s32 s0, s3;
	s0 =	sld [smem:$0x3FA9]  }
0x30: {  	s3 =	sld [smem:$0x3FAC]  }
0x31: {  	[smem:$0x3FB5] =	sst s10  }
0x32: {  	s10 =	sld [smem:$0x3FB3];
	_ =	sdelay $0x3  }
0x33: {  	p0 =	seq.s32 s10, $0x1;
	s10 =	sld [smem:$0x3FB5];
	_ =	sdelay $0x3  }
0x34: {  	[smem:$0x3FB5] =	sst s10  }
0x35: {  	s10 =	sld [smem:$0x3FB4];
	_ =	sdelay $0x3  }
0x36: {  	p1 =	seq.s32 s10, $0x1;
	s10 =	sld [smem:$0x3FB5];
	_ =	sdelay $0x3  }
0x37: {  	[smem:$0x3FB5] =	sst s10  }
0x38: {  	s10 =	sld [smem:$0x3FB6]  }
0x39: {  	_ = 	snop;
	(pc) =	sbr.ind lr, $3  }
0x3a: {  	_ = 	snop  }
0x3b: {  	_ = 	snop  }
0x3c: {  	p2 =	seq.s32 s10, $0x1;
	s10 =	sld [smem:$0x3FB5]  }
0x3d: {  	_ =	shalt  }
0x3e: {  	_ =	shalt  }
0x3f: {  	_ =	shalt  }
0x40: {  	_ =	shalt  }
0x41: {  	_ =	shalt  }
0x42: {  	_ =	shalt  }
0x43: {  	_ =	shalt  }
0x44: {  	_ =	shalt  }
0x45: {  	_ =	shalt  }
0x46: {  	_ =	shalt  }
0x47: {  	_ =	shalt  }
0x48: {  	_ =	shalt  }
0x49: {  	_ =	shalt  }
0x4a: {  	_ =	shalt  }
0x4b: {  	_ =	shalt  }
0x4c: {  	_ =	shalt  }
0x4d: {  	_ =	shalt  }
0x4e: {  	_ =	shalt  }
0x4f: {  	_ =	shalt  }
0x50: {  	_ =	shalt  }
0x51: {  	_ =	shalt  }
0x52: {  	_ =	shalt  }
0x53: {  	_ =	shalt  }
0x54: {  	_ =	shalt  }
0x55: {  	_ =	shalt  }
0x56: {  	_ =	shalt  }
0x57: {  	_ =	shalt  }
0x58: {  	_ =	shalt  }
0x59: {  	_ =	shalt  }
0x5a: {  	_ =	shalt  }
0x5b: {  	_ =	shalt  }
0x5c: {  	_ =	shalt  }
0x5d: {  	_ =	shalt  }
0x5e: {  	_ =	shalt  }
0x5f: {  	_ =	shalt  }
0x60: {  	_ =	shalt  }
0x61: {  	_ =	shalt  }
0x62: {  	_ =	shalt  }
0x63: {  	_ =	shalt  }
0x64: {  	_ =	shalt  }
0x65: {  	_ =	shalt  }
0x66: {  	_ =	shalt  }
0x67: {  	_ =	shalt  }
0x68: {  	_ =	shalt  }
0x69: {  	_ =	shalt  }
0x6a: {  	_ =	shalt  }
0x6b: {  	_ =	shalt  }
0x6c: {  	_ =	shalt  }
0x6d: {  	_ =	shalt  }
0x6e: {  	_ =	shalt  }
0x6f: {  	_ =	shalt  }
0x70: {  	_ =	shalt  }
0x71: {  	_ =	shalt  }
0x72: {  	_ =	shalt  }
0x73: {  	_ =	shalt  }
0x74: {  	_ =	shalt  }
0x75: {  	_ =	shalt  }
0x76: {  	_ =	shalt  }
0x77: {  	_ =	shalt  }
0x78: {  	_ =	shalt  }
0x79: {  	_ =	shalt  }
0x7a: {  	_ =	shalt  }
0x7b: {  	_ =	shalt  }
0x7c: {  	_ =	shalt  }
0x7d: {  	_ =	shalt  }
0x7e: {  	_ =	shalt  }
0x7f: {  	_ =	shalt  }
0x80: {  	_ =	shalt  }
0x81: {  	_ =	shalt  }
0x82: {  	_ =	shalt  }
0x83: {  	_ =	shalt  }
0x84: {  	_ =	shalt  }
0x85: {  	_ =	shalt  }
0x86: {  	_ =	shalt  }
0x87: {  	_ =	shalt  }
.Lfunc_end0:
.L_simem_size_0:
called_computation_lowered:
.L_overlay_start_0:
0x88: {  	s2 =	sld [smem:$0x3FD9]  }
0x89: {  	s3 =	sld [smem:$0x3FFE];
	_ =	sdelay $0x1  }
0x8a: {  	s1 =	srdreg.scid  }
0x8b: {  	s0 =	sand.u32 $0x1, s1  }
0x8c: {  	s18 =	sshll.u32 s0, $0xA;
	s2 =	sadd.s32 s3, s2  }
0x8d: {  	s2 =	sadd.s32 s2, s18  }
0x8e: {  	[smem:$0x3FC1] =	sst s2  }
0x8f: {  	_ = 	snop  }
0x90: {  	s2 =	sld [smem:$0x3FC9]  }
0x91: {  	s19 =	sld [smem:$0x3FC8]  }
0x92: {  	s4 =	sld [smem:$0x3FC7]  }
0x93: {  	s5 =	sld [smem:$0x3FC6]  }
0x94: {  	s6 =	sld [smem:$0x3FC5]  }
0x95: {  	s7 =	sld [smem:$0x3FC4]  }
0x96: {  	s8 =	sld [smem:$0x3FC3]  }
0x97: {  	s9 =	sld [smem:$0x3FD0];
	(tm) =	ssettm $0x1  }
0x98: {  	s10 =	sld [smem:$0x3FFB];
	_ =	sdelay $0x3  }
0x99: {  	_ =	strace s10  }
0x9a: {  	s10 =	sld [smem:$0x3FFC];
	_ =	sdelay $0x3  }
0x9b: {  	_ =	strace s10  }
0x9c: {  	s10 =	sld [smem:$0x3FFD];
	_ =	sdelay $0x3  }
0x9d: {  	_ =	strace s10  }
0x9e: {  	_ =	strace $0x8FFFFFFF  }
0x9f: {  	s20 =	sld [smem:$0x3FDB];
	_ =	sdelay $0x1  }
0xa0: {  	s11 =	simm.s32 $_scs_section_size  }
0xa1: {  	s12 =	simm.s32 $_size__tile_overlayer_lowered;
	s13 =	simm.s32 $_tile_overlayer_lowered  }
0xa2: {  	s23 =	simm.s32 $0x1BFF;
	s22 =	sshll.u32 s13, $0x1;
	s10 =	sadd.s32 s11, s20  }
0xa3: {  	s14 =	simm.s32 $0x0;
	s21 =	sshll.u32 s12, $0x1;
	s12 =	sadd.s32 s22, s10  }
0xa4: {  	[timem:s14], [sflag:s23] =	dma.local [hbm:s12], s21  }
0xa5: {  	_ =	swait.ge [sflag:s23], s21  }
0xa6: {  	s11 =	ssub.s32 $0x0, s21;
	[sflag:s23] =	ssyncset.done $0x0  }
0xa7: {  	[sflag:s23] =	ssyncadd.s32 s11;
	_ =	sdelay $0x1  }
0xa8: {  	s24 =	simm.s32 $0x1B8B  }
0xa9: {  	_ =	swait.ge [sflag:s24], $0x1  }
0xaa: {  	[sflag:s24] =	ssyncset.done $0x0  }
0xab: {  	s25 =	simm.s32 $0x1B8E;
	[sflag:s24] =	ssyncadd.s32 $0xFFFFFFFF  }
0xac: {  	s26 =	simm.s32 $execute0_lowered;
	[smem:$0x3FD2] =	sst s25  }
0xad: {  	s11 =	sshll.u32 s26, $0x1;
	_ =	strace $0x80000046;
	[dreg:$0x1] =	wrdreg $0xFFFFFFFF  }
0xae: {  	s28 =	simm.s32 $_size_execute0_lowered;
	s10 =	sadd.s32 s10, s11;
	[dreg:$0x0] =	wrdreg $0x0  }
0xaf: {  	s11 =	sshll.u32 s28, $0x1;
	[dreg:$0x2] =	wrdreg s10  }
0xb0: {  	[dreg:$0x3] =	wrdreg s11  }
0xb1: {  	[dreg:$0x4] =	wrdreg $0xC0  }
0xb2: {  	_ =	task [dreg:s14], $0x5FFFF  }
0xb3: {  	[dreg:$0x1] =	wrdreg $0xFFFFFFFF  }
0xb4: {  	[dreg:$0x0] =	wrdreg $0x60  }
0xb5: {  	[dreg:$0x2] =	wrdreg s2  }
0xb6: {  	[dreg:$0x3] =	wrdreg s19  }
0xb7: {  	[dreg:$0x4] =	wrdreg s4  }
0xb8: {  	[dreg:$0x5] =	wrdreg s5  }
0xb9: {  	[dreg:$0x6] =	wrdreg s6  }
0xba: {  	[dreg:$0x7] =	wrdreg s7  }
0xbb: {  	[dreg:$0x8] =	wrdreg s8  }
0xbc: {  	[dreg:$0x9] =	wrdreg s9  }
0xbd: {  	[dreg:$0xa] =	wrdreg $0x42800  }
0xbe: {  	[dreg:$0xb] =	wrdreg $0x9  }
0xbf: {  	_ =	task.clear_ibuf [dreg:s14], $0xCFFFF;
	_ =	strace $0x90000046  }
0xc0: {  	s29 =	simm.s32 $0x9;
	_ =	strace $0x80000048  }
0xc1: {  	_ =	swait.ge [sflag:s29], $0x1  }
0xc2: {  	[sflag:s29] =	ssyncadd.s32 $0xFFFFFFFF  }
0xc3: {  	_ =	strace $0x90000048  }
0xc4: {  	_ =	sfence  }
0xc5: {  	s30 =	sld [smem:$0x0];
	_ =	sdelay $0x2  }
0xc6: {  	s31 =	sshll.u32 s1, $0xD;
	s1 =	sshrl.u32 s1, $0x2  }
0xc7: {  	s3 =	sand.u32 $0x4000, s31;
	s1 =	sadd.s32 s1, s30  }
0xc8: {  	s0 =	sor.u32 s3, s0;
	s1 =	sshll.u32 s1, $0x11  }
0xc9: {  	s0 =	sor.u32 s1, s0  }
0xca: {  	s0 =	sadd.s32 $0x8F2B, s0  }
0xcb: {  	[sflag:s0] =	ssyncadd.remote.s32 $0x1  }
0xcc: {  	_ =	sfence.sel $0xFFFF  }
0xcd: {  	[dreg:$0x0] =	wrdreg $0xFFFFFFFF;
	(pc) =	sbr.abs _section_cstart, $3  }
0xce: {  	[dreg:$0x1] =	wrdreg $0xFFFFFFFF  }
0xcf: {  	_ =	task.clear_ibuf [dreg:s14], $0x2FFFF;
	_ =	strace $0x9FFFFFFF  }
0xd0: {  	(tm) =	ssettm $0x7FFFFFFF  }
0xd1: {  	_ =	shalt  }
tec
execute0_lowered:
.L_overlay_start_1:
0x0: {  	(tag) =	ssettag $0x1  }
0x1: {  	s0 =	rddreg [dreg:$0x0]  }
0x2: {  	s1 =	rddreg [dreg:$0x1]  }
0x3: {  	s2 =	rddreg [dreg:$0x2]  }
0x4: {  	s4 =	rddreg [dreg:$0x3]  }
0x5: {  	s5 =	rddreg [dreg:$0x4]  }
0x6: {  	s6 =	rddreg [dreg:$0x5]  }
0x7: {  	s7 =	rddreg [dreg:$0x6]  }
0x8: {  	s13 =	rddreg [dreg:$0x7]  }
0x9: {  	s9 =	rddreg [dreg:$0x8]  }
0xa: {  	s3 =	rddreg [dreg:$0x9]  }
0xb: {  	s11 =	srdreg.scid;
	s8 =	stileid.u32  }
0xc: {  	s10 =	simm.s32 $0x0;
	s19 =	simm.s32 $0x80;
	s20 =	simm.s32 $0x100  }
0xd: {  	s21 =	simm.s32 $0x180;
	s22 =	simm.s32 $0x1;
	s23 =	simm.s32 $0x0  }
0xe: {  	s11 =	sand.u32 $0x1, s11;
	s12 =	smul.u32 $0x4F000, s8;
	[smem:$0x7FF] =	sst s10  }
0xf: {  	s17 =	smul.u32 $0x13C00, s8;
	s30 =	sshll.u32 s8, $0x6;
	s14 =	ssub.s32 $0x2, s11  }
0x10: {  	s15 =	smul.u32 $0x13C000, s11;
	_ =	strace $0x80000047;
	s18 =	sshll.u32 s11, $0x4  }
0x11: {  	s11 =	sor.u32 $0x1C02, s30;
	s16 =	sshrl.u32 s14, $0x1;
	s12 =	sshrl.u32 s12, $0x2  }
0x12: {  	s31 =	sor.u32 s8, s18;
	s18 =	simm.s32 $0x4200;
	s14 =	ssub.s32 s14, s16  }
0x13: {  	s29 =	sadd.s32 s12, s9;
	s15 =	sadd.s32 s17, s15;
	s12 =	smul.u32 $0x4F, s31  }
0x14: {  	s16 =	simm.s32 $0x2;
	s17 =	simm.s32 $0x4180;
	s15 =	sshrl.u32 s15, $0x3  }
0x15: {  	s14 =	smax.u32 s14, $0x1;
	s13 =	sadd.s32 s13, s15;
	s15 =	sshrl.u32 s29, $0x3  }
.LBB2_1:
0x16: {  	[spmem:s15], [sflag:s11] =	dma.local [hbm:s7], $0x2780  }
0x17: {  	_ =	swait.ge [sflag:s16], $0x2780  }
0x18: {  	[sflag:s16] =	ssyncset.done $0x0  }
0x19: {  	[sflag:s16] =	ssyncadd.s32 $0xFFFFD880  }
0x1a: {  	[tilespmem:s17], [sflag:$0x2] =	stream.linear.gather [hbm4b:s5+s10], $0x80, $0x38;
	[tilespmem:$0x17E80] =	vst v63  }
0x1b: {  	_ =	swait.ge [sflag:s16], $0x80  }
0x1c: {  	[sflag:s16] =	ssyncset.done $0x0  }
0x1d: {  	[sflag:s16] =	ssyncadd.s32 $0xFFFFFF80  }
0x1e: {  	[tilespmem:s18], [sflag:$0x2] =	stream.linear.gather [hbm4b:s6+s10], $0x80, $0x38;
	[tilespmem:$0x17E80] =	vst v63  }
0x1f: {  	_ =	swait.ge [sflag:s16], $0x80  }
0x20: {  	[sflag:s16] =	ssyncset.done $0x0  }
0x21: {  	[sflag:s16] =	ssyncadd.s32 $0xFFFFFF80  }
0x22: {  	s24 =	simm.s32 $0x0;
	[bflag:$0x0] =	sbarrier.arrive $0xFFFF  }
.LBB2_2:
0x23: {  	s25 =	sadd.s32 s12, s24  }
0x24: {  	s26 =	sshll.u32 s25, $0x4  }
0x25: {  	s25 =	simm.s32 $0x0;
	s28 =	sadd.s32 s1, s26  }
0x26: {  	[tilespmem:s25], [sflag:$0x2] =	stream.linear.gather [hbm4b:s28+s25], $0x80, $0x38;
	[tilespmem:$0x17E80] =	vst v63  }
0x27: {  	_ =	swait.ge [sflag:s16], $0x80  }
0x28: {  	[sflag:s16] =	ssyncset.done $0x0  }
0x29: {  	s31 =	sadd.s32 s2, s26;
	[sflag:s16] =	ssyncadd.s32 $0xFFFFFF80  }
0x2a: {  	[tilespmem:s19], [sflag:$0x2] =	stream.linear.gather [hbm4b:s31+s25], $0x80, $0x38;
	[tilespmem:$0x17E80] =	vst v63  }
0x2b: {  	_ =	swait.ge [sflag:s16], $0x80  }
0x2c: {  	[sflag:s16] =	ssyncset.done $0x0  }
0x2d: {  	s26 =	sadd.s32 s4, s26;
	[sflag:s16] =	ssyncadd.s32 $0xFFFFFF80  }
0x2e: {  	[tilespmem:s20], [sflag:$0x2] =	stream.linear.gather [hbm4b:s26+s25], $0x80, $0x38;
	[tilespmem:$0x17E80] =	vst v63  }
0x2f: {  	_ =	swait.ge [sflag:s16], $0x80  }
0x30: {  	[sflag:s16] =	ssyncset.done $0x0  }
0x31: {  	[sflag:s16] =	ssyncadd.s32 $0xFFFFFF80  }
0x32: {  	[tilespmem:s21], [sflag:$0x1] =	stream.indirect.gather [hbm4b:s0+s19], $0x80, s25, s19, $0xb8;
	[tilespmem:$0x17E80] =	vst v63  }
0x33: {  	_ =	swait.ge [sflag:s22], $0x4000  }
0x34: {  	[sflag:s22] =	ssyncset.done $0x0  }
0x35: {  	[sflag:s22] =	ssyncadd.s32 $0xFFFFC000  }
.LBB2_3:
0x36: {  	s26 =	sshll.u32 s25, $0x4  }
0x37: {  	s26 =	sand.u32 $0x3FFFFFF0, s26  }
0x38: {  	v0 =	vld [tilespmem:s26+$0x100];
	_ =	sdelay $0x1  }
0x39: {  	s31 =	sshll.u32 s25, $0xB;
	v1 =	vld [tilespmem:$0x4180]  }
0x3a: {  	s26 =	sand.u32 $0x3FFFF800, s31  }
0x3b: {  	v2 =	vld [tilespmem:s26+$0x180]  }
0x3c: {  	v3 =	vbroadcast v0, $0x0  }
0x3d: {  	v4 =	vld [tilespmem:$0x4200]  }
0x3e: {  	v1 =	vmul.f32 v1, v3;
	_ =	sdelay $0x1  }
0x3f: {  	v1 =	vadd.f32 v1, v2;
	_ =	sdelay $0x1  }
0x40: {  	v1 =	vadd.f32 v1, v4;
	_ =	sdelay $0x1  }
0x41: {  	v1 =	vmax.f32 v1, $0.0e+00  }
0x42: {  	[tilespmem:s26+$0x180] =	vst v1  }
0x43: {  	v1 =	vld [tilespmem:$0x4190];
	_ =	sdelay $0x1  }
0x44: {  	v20 =	vld [tilespmem:s26+$0x190];
	_ =	sdelay $0x1  }
0x45: {  	v21 =	vld [tilespmem:$0x4210]  }
0x46: {  	v1 =	vmul.f32 v1, v3;
	_ =	sdelay $0x1  }
0x47: {  	v1 =	vadd.f32 v1, v20;
	_ =	sdelay $0x1  }
0x48: {  	v1 =	vadd.f32 v1, v21;
	_ =	sdelay $0x1  }
0x49: {  	v1 =	vmax.f32 v1, $0.0e+00  }
0x4a: {  	[tilespmem:s26+$0x190] =	vst v1  }
0x4b: {  	v1 =	vld [tilespmem:$0x41A0];
	_ =	sdelay $0x1  }
0x4c: {  	v22 =	vld [tilespmem:s26+$0x1A0];
	_ =	sdelay $0x1  }
0x4d: {  	v23 =	vld [tilespmem:$0x4220]  }
0x4e: {  	v1 =	vmul.f32 v1, v3;
	_ =	sdelay $0x1  }
0x4f: {  	v1 =	vadd.f32 v1, v22;
	_ =	sdelay $0x1  }
0x50: {  	v1 =	vadd.f32 v1, v23;
	_ =	sdelay $0x1  }
0x51: {  	v1 =	vmax.f32 v1, $0.0e+00  }
0x52: {  	[tilespmem:s26+$0x1A0] =	vst v1  }
0x53: {  	v1 =	vld [tilespmem:s26+$0x1B0]  }
0x54: {  	v24 =	vld [tilespmem:$0x41B0];
	_ =	sdelay $0x3  }
0x55: {  	v25 =	vld [tilespmem:$0x4230]  }
0x56: {  	v2 =	vmul.f32 v24, v3;
	_ =	sdelay $0x1  }
0x57: {  	v1 =	vadd.f32 v2, v1;
	_ =	sdelay $0x1  }
0x58: {  	v1 =	vadd.f32 v1, v25;
	_ =	sdelay $0x1  }
0x59: {  	v1 =	vmax.f32 v1, $0.0e+00  }
0x5a: {  	[tilespmem:s26+$0x1B0] =	vst v1  }
0x5b: {  	v1 =	vld [tilespmem:$0x41C0];
	_ =	sdelay $0x1  }
0x5c: {  	v26 =	vld [tilespmem:s26+$0x1C0];
	_ =	sdelay $0x1  }
0x5d: {  	v27 =	vld [tilespmem:$0x4240]  }
0x5e: {  	v1 =	vmul.f32 v1, v3;
	_ =	sdelay $0x1  }
0x5f: {  	v1 =	vadd.f32 v1, v26;
	_ =	sdelay $0x1  }
0x60: {  	v1 =	vadd.f32 v1, v27;
	_ =	sdelay $0x1  }
0x61: {  	v1 =	vmax.f32 v1, $0.0e+00  }
0x62: {  	[tilespmem:s26+$0x1C0] =	vst v1  }
0x63: {  	v1 =	vld [tilespmem:$0x41D0];
	_ =	sdelay $0x1  }
0x64: {  	v28 =	vld [tilespmem:s26+$0x1D0];
	_ =	sdelay $0x1  }
0x65: {  	v29 =	vld [tilespmem:$0x4250]  }
0x66: {  	v1 =	vmul.f32 v1, v3;
	_ =	sdelay $0x1  }
0x67: {  	v1 =	vadd.f32 v1, v28;
	_ =	sdelay $0x1  }
0x68: {  	v1 =	vadd.f32 v1, v29;
	_ =	sdelay $0x1  }
0x69: {  	v1 =	vmax.f32 v1, $0.0e+00  }
0x6a: {  	[tilespmem:s26+$0x1D0] =	vst v1  }
0x6b: {  	v1 =	vld [tilespmem:$0x41E0];
	_ =	sdelay $0x1  }
0x6c: {  	v30 =	vld [tilespmem:s26+$0x1E0];
	_ =	sdelay $0x1  }
0x6d: {  	v31 =	vld [tilespmem:$0x4260]  }
0x6e: {  	v1 =	vmul.f32 v1, v3;
	_ =	sdelay $0x1  }
0x6f: {  	v1 =	vadd.f32 v1, v30;
	_ =	sdelay $0x1  }
0x70: {  	v1 =	vadd.f32 v1, v31;
	_ =	sdelay $0x1  }
0x71: {  	v1 =	vmax.f32 v1, $0.0e+00  }
0x72: {  	[tilespmem:s26+$0x1E0] =	vst v1  }
0x73: {  	v1 =	vld [tilespmem:$0x41F0];
	_ =	sdelay $0x1  }
0x74: {  	v32 =	vld [tilespmem:s26+$0x1F0];
	_ =	sdelay $0x1  }
0x75: {  	v33 =	vld [tilespmem:$0x4270]  }
0x76: {  	v1 =	vmul.f32 v1, v3;
	_ =	sdelay $0x1  }
0x77: {  	v1 =	vadd.f32 v1, v32;
	_ =	sdelay $0x1  }
0x78: {  	v1 =	vadd.f32 v1, v33;
	_ =	sdelay $0x1  }
0x79: {  	v1 =	vmax.f32 v1, $0.0e+00  }
0x7a: {  	[tilespmem:s26+$0x1F0] =	vst v1  }
0x7b: {  	v1 =	vld [tilespmem:$0x4180];
	_ =	sdelay $0x1  }
0x7c: {  	v34 =	vld [tilespmem:s26+$0x200]  }
0x7d: {  	v35 =	vbroadcast v0, $0x1  }
0x7e: {  	v36 =	vld [tilespmem:$0x4200]  }
0x7f: {  	v1 =	vmul.f32 v1, v35;
	_ =	sdelay $0x1  }
0x80: {  	v1 =	vadd.f32 v1, v34;
	_ =	sdelay $0x1  }
0x81: {  	v1 =	vadd.f32 v1, v36;
	_ =	sdelay $0x1  }
0x82: {  	v1 =	vmax.f32 v1, $0.0e+00  }
0x83: {  	[tilespmem:s26+$0x200] =	vst v1  }
0x84: {  	v1 =	vld [tilespmem:$0x4190];
	_ =	sdelay $0x1  }
0x85: {  	v37 =	vld [tilespmem:s26+$0x210];
	_ =	sdelay $0x1  }
0x86: {  	v38 =	vld [tilespmem:$0x4210]  }
0x87: {  	v1 =	vmul.f32 v1, v35;
	_ =	sdelay $0x1  }
0x88: {  	v1 =	vadd.f32 v1, v37;
	_ =	sdelay $0x1  }
0x89: {  	v1 =	vadd.f32 v1, v38;
	_ =	sdelay $0x1  }
0x8a: {  	v1 =	vmax.f32 v1, $0.0e+00  }
0x8b: {  	[tilespmem:s26+$0x210] =	vst v1  }
0x8c: {  	v1 =	vld [tilespmem:$0x41A0];
	_ =	sdelay $0x1  }
0x8d: {  	v39 =	vld [tilespmem:s26+$0x220];
	_ =	sdelay $0x1  }
0x8e: {  	v40 =	vld [tilespmem:$0x4220]  }
0x8f: {  	v1 =	vmul.f32 v1, v35;
	_ =	sdelay $0x1  }
0x90: {  	v1 =	vadd.f32 v1, v39;
	_ =	sdelay $0x1  }
0x91: {  	v1 =	vadd.f32 v1, v40;
	_ =	sdelay $0x1  }
0x92: {  	v1 =	vmax.f32 v1, $0.0e+00  }
0x93: {  	[tilespmem:s26+$0x220] =	vst v1  }
0x94: {  	v1 =	vld [tilespmem:$0x41B0];
	_ =	sdelay $0x1  }
0x95: {  	v41 =	vld [tilespmem:s26+$0x230];
	_ =	sdelay $0x1  }
0x96: {  	v42 =	vld [tilespmem:$0x4230]  }
0x97: {  	v1 =	vmul.f32 v1, v35;
	_ =	sdelay $0x1  }
0x98: {  	v1 =	vadd.f32 v1, v41;
	_ =	sdelay $0x1  }
0x99: {  	v1 =	vadd.f32 v1, v42;
	_ =	sdelay $0x1  }
0x9a: {  	v1 =	vmax.f32 v1, $0.0e+00  }
0x9b: {  	[tilespmem:s26+$0x230] =	vst v1  }
0x9c: {  	v1 =	vld [tilespmem:$0x41C0];
	_ =	sdelay $0x1  }
0x9d: {  	v43 =	vld [tilespmem:s26+$0x240];
	_ =	sdelay $0x1  }
0x9e: {  	v44 =	vld [tilespmem:$0x4240]  }
0x9f: {  	v1 =	vmul.f32 v1, v35;
	_ =	sdelay $0x1  }
0xa0: {  	v1 =	vadd.f32 v1, v43;
	_ =	sdelay $0x1  }
0xa1: {  	v1 =	vadd.f32 v1, v44;
	_ =	sdelay $0x1  }
0xa2: {  	v1 =	vmax.f32 v1, $0.0e+00  }
0xa3: {  	[tilespmem:s26+$0x240] =	vst v1  }
0xa4: {  	v1 =	vld [tilespmem:$0x41D0];
	_ =	sdelay $0x1  }
0xa5: {  	v45 =	vld [tilespmem:s26+$0x250];
	_ =	sdelay $0x1  }
0xa6: {  	v46 =	vld [tilespmem:$0x4250]  }
0xa7: {  	v1 =	vmul.f32 v1, v35;
	_ =	sdelay $0x1  }
0xa8: {  	v1 =	vadd.f32 v1, v45;
	_ =	sdelay $0x1  }
0xa9: {  	v1 =	vadd.f32 v1, v46;
	_ =	sdelay $0x1  }
0xaa: {  	v1 =	vmax.f32 v1, $0.0e+00  }
0xab: {  	[tilespmem:s26+$0x250] =	vst v1  }
0xac: {  	v1 =	vld [tilespmem:$0x41E0];
	_ =	sdelay $0x1  }
0xad: {  	v47 =	vld [tilespmem:s26+$0x260];
	_ =	sdelay $0x1  }
0xae: {  	v48 =	vld [tilespmem:$0x4260]  }
0xaf: {  	v1 =	vmul.f32 v1, v35;
	_ =	sdelay $0x1  }
0xb0: {  	v1 =	vadd.f32 v1, v47;
	_ =	sdelay $0x1  }
0xb1: {  	v1 =	vadd.f32 v1, v48;
	_ =	sdelay $0x1  }
0xb2: {  	v1 =	vmax.f32 v1, $0.0e+00  }
0xb3: {  	[tilespmem:s26+$0x260] =	vst v1  }
0xb4: {  	v1 =	vld [tilespmem:$0x41F0];
	_ =	sdelay $0x1  }
0xb5: {  	v49 =	vld [tilespmem:s26+$0x270];
	_ =	sdelay $0x1  }
0xb6: {  	v50 =	vld [tilespmem:$0x4270]  }
0xb7: {  	v1 =	vmul.f32 v1, v35;
	_ =	sdelay $0x1  }
0xb8: {  	v1 =	vadd.f32 v1, v49;
	_ =	sdelay $0x1  }
0xb9: {  	v1 =	vadd.f32 v1, v50;
	_ =	sdelay $0x1  }
0xba: {  	v1 =	vmax.f32 v1, $0.0e+00  }
0xbb: {  	[tilespmem:s26+$0x270] =	vst v1  }
0xbc: {  	v1 =	vld [tilespmem:$0x4180];
	_ =	sdelay $0x1  }
0xbd: {  	v51 =	vld [tilespmem:s26+$0x280]  }
0xbe: {  	v52 =	vbroadcast v0, $0x2  }
0xbf: {  	v53 =	vld [tilespmem:$0x4200]  }
0xc0: {  	v1 =	vmul.f32 v1, v52;
	_ =	sdelay $0x1  }
0xc1: {  	v1 =	vadd.f32 v1, v51;
	_ =	sdelay $0x1  }
0xc2: {  	v1 =	vadd.f32 v1, v53;
	_ =	sdelay $0x1  }
0xc3: {  	v1 =	vmax.f32 v1, $0.0e+00  }
0xc4: {  	[tilespmem:s26+$0x280] =	vst v1  }
0xc5: {  	v1 =	vld [tilespmem:$0x4190];
	_ =	sdelay $0x1  }
0xc6: {  	v54 =	vld [tilespmem:s26+$0x290];
	_ =	sdelay $0x1  }
0xc7: {  	v55 =	vld [tilespmem:$0x4210]  }
0xc8: {  	v1 =	vmul.f32 v1, v52;
	_ =	sdelay $0x1  }
0xc9: {  	v1 =	vadd.f32 v1, v54;
	_ =	sdelay $0x1  }
0xca: {  	v1 =	vadd.f32 v1, v55;
	_ =	sdelay $0x1  }
0xcb: {  	v1 =	vmax.f32 v1, $0.0e+00  }
0xcc: {  	[tilespmem:s26+$0x290] =	vst v1  }
0xcd: {  	v1 =	vld [tilespmem:$0x41A0];
	_ =	sdelay $0x1  }
0xce: {  	v56 =	vld [tilespmem:s26+$0x2A0];
	_ =	sdelay $0x1  }
0xcf: {  	v57 =	vld [tilespmem:$0x4220]  }
0xd0: {  	v1 =	vmul.f32 v1, v52;
	_ =	sdelay $0x1  }
0xd1: {  	v1 =	vadd.f32 v1, v56;
	_ =	sdelay $0x1  }
0xd2: {  	v1 =	vadd.f32 v1, v57;
	_ =	sdelay $0x1  }
0xd3: {  	v1 =	vmax.f32 v1, $0.0e+00  }
0xd4: {  	[tilespmem:s26+$0x2A0] =	vst v1  }
0xd5: {  	v1 =	vld [tilespmem:$0x41B0];
	_ =	sdelay $0x1  }
0xd6: {  	v58 =	vld [tilespmem:s26+$0x2B0];
	_ =	sdelay $0x1  }
0xd7: {  	v59 =	vld [tilespmem:$0x4230]  }
0xd8: {  	v1 =	vmul.f32 v1, v52;
	_ =	sdelay $0x1  }
0xd9: {  	v1 =	vadd.f32 v1, v58;
	_ =	sdelay $0x1  }
0xda: {  	v1 =	vadd.f32 v1, v59;
	_ =	sdelay $0x1  }
0xdb: {  	v1 =	vmax.f32 v1, $0.0e+00  }
0xdc: {  	[tilespmem:s26+$0x2B0] =	vst v1  }
0xdd: {  	v1 =	vld [tilespmem:$0x41C0];
	_ =	sdelay $0x1  }
0xde: {  	v60 =	vld [tilespmem:s26+$0x2C0];
	_ =	sdelay $0x1  }
0xdf: {  	v61 =	vld [tilespmem:$0x4240]  }
0xe0: {  	v1 =	vmul.f32 v1, v52;
	_ =	sdelay $0x1  }
0xe1: {  	v1 =	vadd.f32 v1, v60;
	_ =	sdelay $0x1  }
0xe2: {  	v1 =	vadd.f32 v1, v61;
	_ =	sdelay $0x1  }
0xe3: {  	v1 =	vmax.f32 v1, $0.0e+00  }
0xe4: {  	[tilespmem:s26+$0x2C0] =	vst v1  }
0xe5: {  	v1 =	vld [tilespmem:$0x41D0];
	_ =	sdelay $0x1  }
0xe6: {  	v62 =	vld [tilespmem:s26+$0x2D0];
	_ =	sdelay $0x1  }
0xe7: {  	v63 =	vld [tilespmem:$0x4250]  }
0xe8: {  	v1 =	vmul.f32 v1, v52;
	_ =	sdelay $0x1  }
0xe9: {  	v1 =	vadd.f32 v1, v62;
	_ =	sdelay $0x1  }
0xea: {  	v1 =	vadd.f32 v1, v63;
	_ =	sdelay $0x1  }
0xeb: {  	v1 =	vmax.f32 v1, $0.0e+00  }
0xec: {  	[tilespmem:s26+$0x2D0] =	vst v1  }
0xed: {  	v1 =	vld [tilespmem:$0x41E0];
	_ =	sdelay $0x1  }
0xee: {  	v8 =	vld [tilespmem:s26+$0x2E0];
	_ =	sdelay $0x1  }
0xef: {  	v9 =	vld [tilespmem:$0x4260]  }
0xf0: {  	v1 =	vmul.f32 v1, v52;
	_ =	sdelay $0x1  }
0xf1: {  	v1 =	vadd.f32 v1, v8;
	_ =	sdelay $0x1  }
0xf2: {  	v1 =	vadd.f32 v1, v9;
	_ =	sdelay $0x1  }
0xf3: {  	v1 =	vmax.f32 v1, $0.0e+00  }
0xf4: {  	[tilespmem:s26+$0x2E0] =	vst v1  }
0xf5: {  	v1 =	vld [tilespmem:$0x41F0];
	_ =	sdelay $0x1  }
0xf6: {  	v10 =	vld [tilespmem:s26+$0x2F0];
	_ =	sdelay $0x1  }
0xf7: {  	v11 =	vld [tilespmem:$0x4270]  }
0xf8: {  	v1 =	vmul.f32 v1, v52;
	_ =	sdelay $0x1  }
0xf9: {  	v1 =	vadd.f32 v1, v10;
	_ =	sdelay $0x1  }
0xfa: {  	v1 =	vadd.f32 v1, v11;
	_ =	sdelay $0x1  }
0xfb: {  	v1 =	vmax.f32 v1, $0.0e+00  }
0xfc: {  	[tilespmem:s26+$0x2F0] =	vst v1  }
0xfd: {  	v1 =	vld [tilespmem:$0x4180];
	_ =	sdelay $0x1  }
0xfe: {  	v12 =	vld [tilespmem:s26+$0x300]  }
0xff: {  	v13 =	vbroadcast v0, $0x3  }
0x100: {  	v14 =	vld [tilespmem:$0x4200]  }
0x101: {  	v1 =	vmul.f32 v1, v13;
	_ =	sdelay $0x1  }
0x102: {  	v1 =	vadd.f32 v1, v12;
	_ =	sdelay $0x1  }
0x103: {  	v1 =	vadd.f32 v1, v14;
	_ =	sdelay $0x1  }
0x104: {  	v1 =	vmax.f32 v1, $0.0e+00  }
0x105: {  	[tilespmem:s26+$0x300] =	vst v1  }
0x106: {  	v1 =	vld [tilespmem:$0x4190];
	_ =	sdelay $0x1  }
0x107: {  	v15 =	vld [tilespmem:s26+$0x310];
	_ =	sdelay $0x1  }
0x108: {  	v16 =	vld [tilespmem:$0x4210]  }
0x109: {  	v1 =	vmul.f32 v1, v13;
	_ =	sdelay $0x1  }
0x10a: {  	v1 =	vadd.f32 v1, v15;
	_ =	sdelay $0x1  }
0x10b: {  	v1 =	vadd.f32 v1, v16;
	_ =	sdelay $0x1  }
0x10c: {  	v1 =	vmax.f32 v1, $0.0e+00  }
0x10d: {  	[tilespmem:s26+$0x310] =	vst v1  }
0x10e: {  	v1 =	vld [tilespmem:$0x41A0];
	_ =	sdelay $0x1  }
0x10f: {  	v17 =	vld [tilespmem:s26+$0x320];
	_ =	sdelay $0x1  }
0x110: {  	v18 =	vld [tilespmem:$0x4220]  }
0x111: {  	v1 =	vmul.f32 v1, v13;
	_ =	sdelay $0x1  }
0x112: {  	v1 =	vadd.f32 v1, v17;
	_ =	sdelay $0x1  }
0x113: {  	v1 =	vadd.f32 v1, v18;
	_ =	sdelay $0x1  }
0x114: {  	v1 =	vmax.f32 v1, $0.0e+00  }
0x115: {  	[tilespmem:s26+$0x320] =	vst v1  }
0x116: {  	v1 =	vld [tilespmem:$0x41B0];
	_ =	sdelay $0x1  }
0x117: {  	v19 =	vld [tilespmem:s26+$0x330];
	_ =	sdelay $0x1  }
0x118: {  	v20 =	vld [tilespmem:$0x4230]  }
0x119: {  	v1 =	vmul.f32 v1, v13;
	_ =	sdelay $0x1  }
0x11a: {  	v1 =	vadd.f32 v1, v19;
	_ =	sdelay $0x1  }
0x11b: {  	v1 =	vadd.f32 v1, v20;
	_ =	sdelay $0x1  }
0x11c: {  	v1 =	vmax.f32 v1, $0.0e+00  }
0x11d: {  	[tilespmem:s26+$0x330] =	vst v1  }
0x11e: {  	v1 =	vld [tilespmem:$0x41C0];
	_ =	sdelay $0x1  }
0x11f: {  	v21 =	vld [tilespmem:s26+$0x340];
	_ =	sdelay $0x1  }
0x120: {  	v22 =	vld [tilespmem:$0x4240]  }
0x121: {  	v1 =	vmul.f32 v1, v13;
	_ =	sdelay $0x1  }
0x122: {  	v1 =	vadd.f32 v1, v21;
	_ =	sdelay $0x1  }
0x123: {  	v1 =	vadd.f32 v1, v22;
	_ =	sdelay $0x1  }
0x124: {  	v1 =	vmax.f32 v1, $0.0e+00  }
0x125: {  	[tilespmem:s26+$0x340] =	vst v1  }
0x126: {  	v1 =	vld [tilespmem:$0x41D0];
	_ =	sdelay $0x1  }
0x127: {  	v23 =	vld [tilespmem:s26+$0x350];
	_ =	sdelay $0x1  }
0x128: {  	v24 =	vld [tilespmem:$0x4250]  }
0x129: {  	v1 =	vmul.f32 v1, v13;
	_ =	sdelay $0x1  }
0x12a: {  	v1 =	vadd.f32 v1, v23;
	_ =	sdelay $0x1  }
0x12b: {  	v1 =	vadd.f32 v1, v24;
	_ =	sdelay $0x1  }
0x12c: {  	v1 =	vmax.f32 v1, $0.0e+00  }
0x12d: {  	[tilespmem:s26+$0x350] =	vst v1  }
0x12e: {  	v1 =	vld [tilespmem:$0x41E0];
	_ =	sdelay $0x1  }
0x12f: {  	v25 =	vld [tilespmem:s26+$0x360];
	_ =	sdelay $0x1  }
0x130: {  	v26 =	vld [tilespmem:$0x4260]  }
0x131: {  	v1 =	vmul.f32 v1, v13;
	_ =	sdelay $0x1  }
0x132: {  	v1 =	vadd.f32 v1, v25;
	_ =	sdelay $0x1  }
0x133: {  	v1 =	vadd.f32 v1, v26;
	_ =	sdelay $0x1  }
0x134: {  	v1 =	vmax.f32 v1, $0.0e+00  }
0x135: {  	[tilespmem:s26+$0x360] =	vst v1  }
0x136: {  	v1 =	vld [tilespmem:$0x41F0];
	_ =	sdelay $0x1  }
0x137: {  	v27 =	vld [tilespmem:s26+$0x370];
	_ =	sdelay $0x1  }
0x138: {  	v28 =	vld [tilespmem:$0x4270]  }
0x139: {  	v1 =	vmul.f32 v1, v13;
	_ =	sdelay $0x1  }
0x13a: {  	v1 =	vadd.f32 v1, v27;
	_ =	sdelay $0x1  }
0x13b: {  	v1 =	vadd.f32 v1, v28;
	_ =	sdelay $0x1  }
0x13c: {  	v1 =	vmax.f32 v1, $0.0e+00  }
0x13d: {  	[tilespmem:s26+$0x370] =	vst v1  }
0x13e: {  	v1 =	vld [tilespmem:$0x4180];
	_ =	sdelay $0x1  }
0x13f: {  	v29 =	vld [tilespmem:s26+$0x380]  }
0x140: {  	v30 =	vbroadcast v0, $0x4  }
0x141: {  	v31 =	vld [tilespmem:$0x4200]  }
0x142: {  	v1 =	vmul.f32 v1, v30;
	_ =	sdelay $0x1  }
0x143: {  	v1 =	vadd.f32 v1, v29;
	_ =	sdelay $0x1  }
0x144: {  	v1 =	vadd.f32 v1, v31;
	_ =	sdelay $0x1  }
0x145: {  	v1 =	vmax.f32 v1, $0.0e+00  }
0x146: {  	[tilespmem:s26+$0x380] =	vst v1  }
0x147: {  	v1 =	vld [tilespmem:$0x4190];
	_ =	sdelay $0x1  }
0x148: {  	v32 =	vld [tilespmem:s26+$0x390];
	_ =	sdelay $0x1  }
0x149: {  	v33 =	vld [tilespmem:$0x4210]  }
0x14a: {  	v1 =	vmul.f32 v1, v30;
	_ =	sdelay $0x1  }
0x14b: {  	v1 =	vadd.f32 v1, v32;
	_ =	sdelay $0x1  }
0x14c: {  	v1 =	vadd.f32 v1, v33;
	_ =	sdelay $0x1  }
0x14d: {  	v1 =	vmax.f32 v1, $0.0e+00  }
0x14e: {  	[tilespmem:s26+$0x390] =	vst v1  }
0x14f: {  	v1 =	vld [tilespmem:$0x41A0];
	_ =	sdelay $0x1  }
0x150: {  	v34 =	vld [tilespmem:s26+$0x3A0];
	_ =	sdelay $0x1  }
0x151: {  	v35 =	vld [tilespmem:$0x4220]  }
0x152: {  	v1 =	vmul.f32 v1, v30;
	_ =	sdelay $0x1  }
0x153: {  	v1 =	vadd.f32 v1, v34;
	_ =	sdelay $0x1  }
0x154: {  	v1 =	vadd.f32 v1, v35;
	_ =	sdelay $0x1  }
0x155: {  	v1 =	vmax.f32 v1, $0.0e+00  }
0x156: {  	[tilespmem:s26+$0x3A0] =	vst v1  }
0x157: {  	v1 =	vld [tilespmem:$0x41B0];
	_ =	sdelay $0x1  }
0x158: {  	v36 =	vld [tilespmem:s26+$0x3B0];
	_ =	sdelay $0x1  }
0x159: {  	v37 =	vld [tilespmem:$0x4230]  }
0x15a: {  	v1 =	vmul.f32 v1, v30;
	_ =	sdelay $0x1  }
0x15b: {  	v1 =	vadd.f32 v1, v36;
	_ =	sdelay $0x1  }
0x15c: {  	v1 =	vadd.f32 v1, v37;
	_ =	sdelay $0x1  }
0x15d: {  	v1 =	vmax.f32 v1, $0.0e+00  }
0x15e: {  	[tilespmem:s26+$0x3B0] =	vst v1  }
0x15f: {  	v1 =	vld [tilespmem:$0x41C0];
	_ =	sdelay $0x1  }
0x160: {  	v38 =	vld [tilespmem:s26+$0x3C0];
	_ =	sdelay $0x1  }
0x161: {  	v39 =	vld [tilespmem:$0x4240]  }
0x162: {  	v1 =	vmul.f32 v1, v30;
	_ =	sdelay $0x1  }
0x163: {  	v1 =	vadd.f32 v1, v38;
	_ =	sdelay $0x1  }
0x164: {  	v1 =	vadd.f32 v1, v39;
	_ =	sdelay $0x1  }
0x165: {  	v1 =	vmax.f32 v1, $0.0e+00  }
0x166: {  	[tilespmem:s26+$0x3C0] =	vst v1  }
0x167: {  	v1 =	vld [tilespmem:$0x41D0];
	_ =	sdelay $0x1  }
0x168: {  	v40 =	vld [tilespmem:s26+$0x3D0];
	_ =	sdelay $0x1  }
0x169: {  	v41 =	vld [tilespmem:$0x4250]  }
0x16a: {  	v1 =	vmul.f32 v1, v30;
	_ =	sdelay $0x1  }
0x16b: {  	v1 =	vadd.f32 v1, v40;
	_ =	sdelay $0x1  }
0x16c: {  	v1 =	vadd.f32 v1, v41;
	_ =	sdelay $0x1  }
0x16d: {  	v1 =	vmax.f32 v1, $0.0e+00  }
0x16e: {  	[tilespmem:s26+$0x3D0] =	vst v1  }
0x16f: {  	v1 =	vld [tilespmem:$0x41E0];
	_ =	sdelay $0x1  }
0x170: {  	v42 =	vld [tilespmem:s26+$0x3E0];
	_ =	sdelay $0x1  }
0x171: {  	v43 =	vld [tilespmem:$0x4260]  }
0x172: {  	v1 =	vmul.f32 v1, v30;
	_ =	sdelay $0x1  }
0x173: {  	v1 =	vadd.f32 v1, v42;
	_ =	sdelay $0x1  }
0x174: {  	v1 =	vadd.f32 v1, v43;
	_ =	sdelay $0x1  }
0x175: {  	v1 =	vmax.f32 v1, $0.0e+00  }
0x176: {  	[tilespmem:s26+$0x3E0] =	vst v1  }
0x177: {  	v1 =	vld [tilespmem:$0x41F0];
	_ =	sdelay $0x1  }
0x178: {  	v44 =	vld [tilespmem:s26+$0x3F0];
	_ =	sdelay $0x1  }
0x179: {  	v45 =	vld [tilespmem:$0x4270]  }
0x17a: {  	v1 =	vmul.f32 v1, v30;
	_ =	sdelay $0x1  }
0x17b: {  	v1 =	vadd.f32 v1, v44;
	_ =	sdelay $0x1  }
0x17c: {  	v1 =	vadd.f32 v1, v45;
	_ =	sdelay $0x1  }
0x17d: {  	v1 =	vmax.f32 v1, $0.0e+00  }
0x17e: {  	[tilespmem:s26+$0x3F0] =	vst v1  }
0x17f: {  	v1 =	vld [tilespmem:$0x4180];
	_ =	sdelay $0x1  }
0x180: {  	v46 =	vld [tilespmem:s26+$0x400]  }
0x181: {  	v47 =	vbroadcast v0, $0x5  }
0x182: {  	v48 =	vld [tilespmem:$0x4200]  }
0x183: {  	v1 =	vmul.f32 v1, v47;
	_ =	sdelay $0x1  }
0x184: {  	v1 =	vadd.f32 v1, v46;
	_ =	sdelay $0x1  }
0x185: {  	v1 =	vadd.f32 v1, v48;
	_ =	sdelay $0x1  }
0x186: {  	v1 =	vmax.f32 v1, $0.0e+00  }
0x187: {  	[tilespmem:s26+$0x400] =	vst v1  }
0x188: {  	v1 =	vld [tilespmem:$0x4190];
	_ =	sdelay $0x1  }
0x189: {  	v49 =	vld [tilespmem:s26+$0x410];
	_ =	sdelay $0x1  }
0x18a: {  	v50 =	vld [tilespmem:$0x4210]  }
0x18b: {  	v1 =	vmul.f32 v1, v47;
	_ =	sdelay $0x1  }
0x18c: {  	v1 =	vadd.f32 v1, v49;
	_ =	sdelay $0x1  }
0x18d: {  	v1 =	vadd.f32 v1, v50;
	_ =	sdelay $0x1  }
0x18e: {  	v1 =	vmax.f32 v1, $0.0e+00  }
0x18f: {  	[tilespmem:s26+$0x410] =	vst v1  }
0x190: {  	v1 =	vld [tilespmem:$0x41A0];
	_ =	sdelay $0x1  }
0x191: {  	v51 =	vld [tilespmem:s26+$0x420];
	_ =	sdelay $0x1  }
0x192: {  	v52 =	vld [tilespmem:$0x4220]  }
0x193: {  	v1 =	vmul.f32 v1, v47;
	_ =	sdelay $0x1  }
0x194: {  	v1 =	vadd.f32 v1, v51;
	_ =	sdelay $0x1  }
0x195: {  	v1 =	vadd.f32 v1, v52;
	_ =	sdelay $0x1  }
0x196: {  	v1 =	vmax.f32 v1, $0.0e+00  }
0x197: {  	[tilespmem:s26+$0x420] =	vst v1  }
0x198: {  	v1 =	vld [tilespmem:$0x41B0];
	_ =	sdelay $0x1  }
0x199: {  	v53 =	vld [tilespmem:s26+$0x430];
	_ =	sdelay $0x1  }
0x19a: {  	v54 =	vld [tilespmem:$0x4230]  }
0x19b: {  	v1 =	vmul.f32 v1, v47;
	_ =	sdelay $0x1  }
0x19c: {  	v1 =	vadd.f32 v1, v53;
	_ =	sdelay $0x1  }
0x19d: {  	v1 =	vadd.f32 v1, v54;
	_ =	sdelay $0x1  }
0x19e: {  	v1 =	vmax.f32 v1, $0.0e+00  }
0x19f: {  	[tilespmem:s26+$0x430] =	vst v1  }
0x1a0: {  	v1 =	vld [tilespmem:$0x41C0];
	_ =	sdelay $0x1  }
0x1a1: {  	v55 =	vld [tilespmem:s26+$0x440];
	_ =	sdelay $0x1  }
0x1a2: {  	v56 =	vld [tilespmem:$0x4240]  }
0x1a3: {  	v1 =	vmul.f32 v1, v47;
	_ =	sdelay $0x1  }
0x1a4: {  	v1 =	vadd.f32 v1, v55;
	_ =	sdelay $0x1  }
0x1a5: {  	v1 =	vadd.f32 v1, v56;
	_ =	sdelay $0x1  }
0x1a6: {  	v1 =	vmax.f32 v1, $0.0e+00  }
0x1a7: {  	[tilespmem:s26+$0x440] =	vst v1  }
0x1a8: {  	v1 =	vld [tilespmem:$0x41D0];
	_ =	sdelay $0x1  }
0x1a9: {  	v57 =	vld [tilespmem:s26+$0x450];
	_ =	sdelay $0x1  }
0x1aa: {  	v58 =	vld [tilespmem:$0x4250]  }
0x1ab: {  	v1 =	vmul.f32 v1, v47;
	_ =	sdelay $0x1  }
0x1ac: {  	v1 =	vadd.f32 v1, v57;
	_ =	sdelay $0x1  }
0x1ad: {  	v1 =	vadd.f32 v1, v58;
	_ =	sdelay $0x1  }
0x1ae: {  	v1 =	vmax.f32 v1, $0.0e+00  }
0x1af: {  	[tilespmem:s26+$0x450] =	vst v1  }
0x1b0: {  	v1 =	vld [tilespmem:$0x41E0];
	_ =	sdelay $0x1  }
0x1b1: {  	v59 =	vld [tilespmem:s26+$0x460];
	_ =	sdelay $0x1  }
0x1b2: {  	v60 =	vld [tilespmem:$0x4260]  }
0x1b3: {  	v1 =	vmul.f32 v1, v47;
	_ =	sdelay $0x1  }
0x1b4: {  	v1 =	vadd.f32 v1, v59;
	_ =	sdelay $0x1  }
0x1b5: {  	v1 =	vadd.f32 v1, v60;
	_ =	sdelay $0x1  }
0x1b6: {  	v1 =	vmax.f32 v1, $0.0e+00  }
0x1b7: {  	[tilespmem:s26+$0x460] =	vst v1  }
0x1b8: {  	v1 =	vld [tilespmem:$0x41F0];
	_ =	sdelay $0x1  }
0x1b9: {  	v61 =	vld [tilespmem:s26+$0x470];
	_ =	sdelay $0x1  }
0x1ba: {  	v62 =	vld [tilespmem:$0x4270]  }
0x1bb: {  	v1 =	vmul.f32 v1, v47;
	_ =	sdelay $0x1  }
0x1bc: {  	v1 =	vadd.f32 v1, v61;
	_ =	sdelay $0x1  }
0x1bd: {  	v1 =	vadd.f32 v1, v62;
	_ =	sdelay $0x1  }
0x1be: {  	v1 =	vmax.f32 v1, $0.0e+00  }
0x1bf: {  	[tilespmem:s26+$0x470] =	vst v1  }
0x1c0: {  	v1 =	vld [tilespmem:$0x4180];
	_ =	sdelay $0x1  }
0x1c1: {  	v63 =	vld [tilespmem:s26+$0x480]  }
0x1c2: {  	v8 =	vbroadcast v0, $0x6  }
0x1c3: {  	v9 =	vld [tilespmem:$0x4200]  }
0x1c4: {  	v1 =	vmul.f32 v1, v8;
	_ =	sdelay $0x1  }
0x1c5: {  	v1 =	vadd.f32 v1, v63;
	_ =	sdelay $0x1  }
0x1c6: {  	v1 =	vadd.f32 v1, v9;
	_ =	sdelay $0x1  }
0x1c7: {  	v1 =	vmax.f32 v1, $0.0e+00  }
0x1c8: {  	[tilespmem:s26+$0x480] =	vst v1  }
0x1c9: {  	v1 =	vld [tilespmem:$0x4190];
	_ =	sdelay $0x1  }
0x1ca: {  	v10 =	vld [tilespmem:s26+$0x490];
	_ =	sdelay $0x1  }
0x1cb: {  	v11 =	vld [tilespmem:$0x4210]  }
0x1cc: {  	v1 =	vmul.f32 v1, v8;
	_ =	sdelay $0x1  }
0x1cd: {  	v1 =	vadd.f32 v1, v10;
	_ =	sdelay $0x1  }
0x1ce: {  	v1 =	vadd.f32 v1, v11;
	_ =	sdelay $0x1  }
0x1cf: {  	v1 =	vmax.f32 v1, $0.0e+00  }
0x1d0: {  	[tilespmem:s26+$0x490] =	vst v1  }
0x1d1: {  	v1 =	vld [tilespmem:$0x41A0];
	_ =	sdelay $0x1  }
0x1d2: {  	v12 =	vld [tilespmem:s26+$0x4A0];
	_ =	sdelay $0x1  }
0x1d3: {  	v13 =	vld [tilespmem:$0x4220]  }
0x1d4: {  	v1 =	vmul.f32 v1, v8;
	_ =	sdelay $0x1  }
0x1d5: {  	v1 =	vadd.f32 v1, v12;
	_ =	sdelay $0x1  }
0x1d6: {  	v1 =	vadd.f32 v1, v13;
	_ =	sdelay $0x1  }
0x1d7: {  	v1 =	vmax.f32 v1, $0.0e+00  }
0x1d8: {  	[tilespmem:s26+$0x4A0] =	vst v1  }
0x1d9: {  	v1 =	vld [tilespmem:$0x41B0];
	_ =	sdelay $0x1  }
0x1da: {  	v14 =	vld [tilespmem:s26+$0x4B0];
	_ =	sdelay $0x1  }
0x1db: {  	v15 =	vld [tilespmem:$0x4230]  }
0x1dc: {  	v1 =	vmul.f32 v1, v8;
	_ =	sdelay $0x1  }
0x1dd: {  	v1 =	vadd.f32 v1, v14;
	_ =	sdelay $0x1  }
0x1de: {  	v1 =	vadd.f32 v1, v15;
	_ =	sdelay $0x1  }
0x1df: {  	v1 =	vmax.f32 v1, $0.0e+00  }
0x1e0: {  	[tilespmem:s26+$0x4B0] =	vst v1  }
0x1e1: {  	v1 =	vld [tilespmem:$0x41C0];
	_ =	sdelay $0x1  }
0x1e2: {  	v16 =	vld [tilespmem:s26+$0x4C0];
	_ =	sdelay $0x1  }
0x1e3: {  	v17 =	vld [tilespmem:$0x4240]  }
0x1e4: {  	v1 =	vmul.f32 v1, v8;
	_ =	sdelay $0x1  }
0x1e5: {  	v1 =	vadd.f32 v1, v16;
	_ =	sdelay $0x1  }
0x1e6: {  	v1 =	vadd.f32 v1, v17;
	_ =	sdelay $0x1  }
0x1e7: {  	v1 =	vmax.f32 v1, $0.0e+00  }
0x1e8: {  	[tilespmem:s26+$0x4C0] =	vst v1  }
0x1e9: {  	v1 =	vld [tilespmem:$0x41D0];
	_ =	sdelay $0x1  }
0x1ea: {  	v18 =	vld [tilespmem:s26+$0x4D0];
	_ =	sdelay $0x1  }
0x1eb: {  	v19 =	vld [tilespmem:$0x4250]  }
0x1ec: {  	v1 =	vmul.f32 v1, v8;
	_ =	sdelay $0x1  }
0x1ed: {  	v1 =	vadd.f32 v1, v18;
	_ =	sdelay $0x1  }
0x1ee: {  	v1 =	vadd.f32 v1, v19;
	_ =	sdelay $0x1  }
0x1ef: {  	v1 =	vmax.f32 v1, $0.0e+00  }
0x1f0: {  	[tilespmem:s26+$0x4D0] =	vst v1  }
0x1f1: {  	v1 =	vld [tilespmem:$0x41E0];
	_ =	sdelay $0x1  }
0x1f2: {  	v20 =	vld [tilespmem:s26+$0x4E0];
	_ =	sdelay $0x1  }
0x1f3: {  	v21 =	vld [tilespmem:$0x4260]  }
0x1f4: {  	v1 =	vmul.f32 v1, v8;
	_ =	sdelay $0x1  }
0x1f5: {  	v1 =	vadd.f32 v1, v20;
	_ =	sdelay $0x1  }
0x1f6: {  	v1 =	vadd.f32 v1, v21;
	_ =	sdelay $0x1  }
0x1f7: {  	v1 =	vmax.f32 v1, $0.0e+00  }
0x1f8: {  	[tilespmem:s26+$0x4E0] =	vst v1  }
0x1f9: {  	v1 =	vld [tilespmem:$0x41F0];
	_ =	sdelay $0x1  }
0x1fa: {  	v22 =	vld [tilespmem:s26+$0x4F0];
	_ =	sdelay $0x1  }
0x1fb: {  	v23 =	vld [tilespmem:$0x4270]  }
0x1fc: {  	v1 =	vmul.f32 v1, v8;
	_ =	sdelay $0x1  }
0x1fd: {  	v1 =	vadd.f32 v1, v22;
	_ =	sdelay $0x1  }
0x1fe: {  	v1 =	vadd.f32 v1, v23;
	_ =	sdelay $0x1  }
0x1ff: {  	v1 =	vmax.f32 v1, $0.0e+00  }
0x200: {  	[tilespmem:s26+$0x4F0] =	vst v1  }
0x201: {  	v1 =	vld [tilespmem:$0x4180];
	_ =	sdelay $0x1  }
0x202: {  	v24 =	vld [tilespmem:s26+$0x500]  }
0x203: {  	v25 =	vbroadcast v0, $0x7  }
0x204: {  	v26 =	vld [tilespmem:$0x4200]  }
0x205: {  	v1 =	vmul.f32 v1, v25;
	_ =	sdelay $0x1  }
0x206: {  	v1 =	vadd.f32 v1, v24;
	_ =	sdelay $0x1  }
0x207: {  	v1 =	vadd.f32 v1, v26;
	_ =	sdelay $0x1  }
0x208: {  	v1 =	vmax.f32 v1, $0.0e+00  }
0x209: {  	[tilespmem:s26+$0x500] =	vst v1  }
0x20a: {  	v1 =	vld [tilespmem:$0x4190];
	_ =	sdelay $0x1  }
0x20b: {  	v27 =	vld [tilespmem:s26+$0x510];
	_ =	sdelay $0x1  }
0x20c: {  	v28 =	vld [tilespmem:$0x4210]  }
0x20d: {  	v1 =	vmul.f32 v1, v25;
	_ =	sdelay $0x1  }
0x20e: {  	v1 =	vadd.f32 v1, v27;
	_ =	sdelay $0x1  }
0x20f: {  	v1 =	vadd.f32 v1, v28;
	_ =	sdelay $0x1  }
0x210: {  	v1 =	vmax.f32 v1, $0.0e+00  }
0x211: {  	[tilespmem:s26+$0x510] =	vst v1  }
0x212: {  	v1 =	vld [tilespmem:$0x41A0];
	_ =	sdelay $0x1  }
0x213: {  	v29 =	vld [tilespmem:s26+$0x520];
	_ =	sdelay $0x1  }
0x214: {  	v30 =	vld [tilespmem:$0x4220]  }
0x215: {  	v1 =	vmul.f32 v1, v25;
	_ =	sdelay $0x1  }
0x216: {  	v1 =	vadd.f32 v1, v29;
	_ =	sdelay $0x1  }
0x217: {  	v1 =	vadd.f32 v1, v30;
	_ =	sdelay $0x1  }
0x218: {  	v1 =	vmax.f32 v1, $0.0e+00  }
0x219: {  	[tilespmem:s26+$0x520] =	vst v1  }
0x21a: {  	v1 =	vld [tilespmem:$0x41B0];
	_ =	sdelay $0x1  }
0x21b: {  	v31 =	vld [tilespmem:s26+$0x530];
	_ =	sdelay $0x1  }
0x21c: {  	v32 =	vld [tilespmem:$0x4230]  }
0x21d: {  	v1 =	vmul.f32 v1, v25;
	_ =	sdelay $0x1  }
0x21e: {  	v1 =	vadd.f32 v1, v31;
	_ =	sdelay $0x1  }
0x21f: {  	v1 =	vadd.f32 v1, v32;
	_ =	sdelay $0x1  }
0x220: {  	v1 =	vmax.f32 v1, $0.0e+00  }
0x221: {  	[tilespmem:s26+$0x530] =	vst v1  }
0x222: {  	v1 =	vld [tilespmem:$0x41C0];
	_ =	sdelay $0x1  }
0x223: {  	v33 =	vld [tilespmem:s26+$0x540];
	_ =	sdelay $0x1  }
0x224: {  	v34 =	vld [tilespmem:$0x4240]  }
0x225: {  	v1 =	vmul.f32 v1, v25;
	_ =	sdelay $0x1  }
0x226: {  	v1 =	vadd.f32 v1, v33;
	_ =	sdelay $0x1  }
0x227: {  	v1 =	vadd.f32 v1, v34;
	_ =	sdelay $0x1  }
0x228: {  	v1 =	vmax.f32 v1, $0.0e+00  }
0x229: {  	[tilespmem:s26+$0x540] =	vst v1  }
0x22a: {  	v1 =	vld [tilespmem:$0x41D0];
	_ =	sdelay $0x1  }
0x22b: {  	v35 =	vld [tilespmem:s26+$0x550];
	_ =	sdelay $0x1  }
0x22c: {  	v36 =	vld [tilespmem:$0x4250]  }
0x22d: {  	v1 =	vmul.f32 v1, v25;
	_ =	sdelay $0x1  }
0x22e: {  	v1 =	vadd.f32 v1, v35;
	_ =	sdelay $0x1  }
0x22f: {  	v1 =	vadd.f32 v1, v36;
	_ =	sdelay $0x1  }
0x230: {  	v1 =	vmax.f32 v1, $0.0e+00  }
0x231: {  	[tilespmem:s26+$0x550] =	vst v1  }
0x232: {  	v1 =	vld [tilespmem:$0x41E0];
	_ =	sdelay $0x1  }
0x233: {  	v37 =	vld [tilespmem:s26+$0x560];
	_ =	sdelay $0x1  }
0x234: {  	v38 =	vld [tilespmem:$0x4260]  }
0x235: {  	v1 =	vmul.f32 v1, v25;
	_ =	sdelay $0x1  }
0x236: {  	v1 =	vadd.f32 v1, v37;
	_ =	sdelay $0x1  }
0x237: {  	v1 =	vadd.f32 v1, v38;
	_ =	sdelay $0x1  }
0x238: {  	v1 =	vmax.f32 v1, $0.0e+00  }
0x239: {  	[tilespmem:s26+$0x560] =	vst v1  }
0x23a: {  	v1 =	vld [tilespmem:$0x41F0];
	_ =	sdelay $0x1  }
0x23b: {  	v39 =	vld [tilespmem:s26+$0x570];
	_ =	sdelay $0x1  }
0x23c: {  	v40 =	vld [tilespmem:$0x4270]  }
0x23d: {  	v1 =	vmul.f32 v1, v25;
	_ =	sdelay $0x1  }
0x23e: {  	v1 =	vadd.f32 v1, v39;
	_ =	sdelay $0x1  }
0x23f: {  	v1 =	vadd.f32 v1, v40;
	_ =	sdelay $0x1  }
0x240: {  	v1 =	vmax.f32 v1, $0.0e+00  }
0x241: {  	[tilespmem:s26+$0x570] =	vst v1  }
0x242: {  	v1 =	vld [tilespmem:$0x4180];
	_ =	sdelay $0x1  }
0x243: {  	v41 =	vld [tilespmem:s26+$0x580]  }
0x244: {  	v42 =	vbroadcast v0, $0x8  }
0x245: {  	v43 =	vld [tilespmem:$0x4200]  }
0x246: {  	v1 =	vmul.f32 v1, v42;
	_ =	sdelay $0x1  }
0x247: {  	v1 =	vadd.f32 v1, v41;
	_ =	sdelay $0x1  }
0x248: {  	v1 =	vadd.f32 v1, v43;
	_ =	sdelay $0x1  }
0x249: {  	v1 =	vmax.f32 v1, $0.0e+00  }
0x24a: {  	[tilespmem:s26+$0x580] =	vst v1  }
0x24b: {  	v1 =	vld [tilespmem:$0x4190];
	_ =	sdelay $0x1  }
0x24c: {  	v44 =	vld [tilespmem:s26+$0x590];
	_ =	sdelay $0x1  }
0x24d: {  	v45 =	vld [tilespmem:$0x4210]  }
0x24e: {  	v1 =	vmul.f32 v1, v42;
	_ =	sdelay $0x1  }
0x24f: {  	v1 =	vadd.f32 v1, v44;
	_ =	sdelay $0x1  }
0x250: {  	v1 =	vadd.f32 v1, v45;
	_ =	sdelay $0x1  }
0x251: {  	v1 =	vmax.f32 v1, $0.0e+00  }
0x252: {  	[tilespmem:s26+$0x590] =	vst v1  }
0x253: {  	v1 =	vld [tilespmem:$0x41A0];
	_ =	sdelay $0x1  }
0x254: {  	v46 =	vld [tilespmem:s26+$0x5A0];
	_ =	sdelay $0x1  }
0x255: {  	v47 =	vld [tilespmem:$0x4220]  }
0x256: {  	v1 =	vmul.f32 v1, v42;
	_ =	sdelay $0x1  }
0x257: {  	v1 =	vadd.f32 v1, v46;
	_ =	sdelay $0x1  }
0x258: {  	v1 =	vadd.f32 v1, v47;
	_ =	sdelay $0x1  }
0x259: {  	v1 =	vmax.f32 v1, $0.0e+00  }
0x25a: {  	[tilespmem:s26+$0x5A0] =	vst v1  }
0x25b: {  	v1 =	vld [tilespmem:$0x41B0];
	_ =	sdelay $0x1  }
0x25c: {  	v48 =	vld [tilespmem:s26+$0x5B0];
	_ =	sdelay $0x1  }
0x25d: {  	v49 =	vld [tilespmem:$0x4230]  }
0x25e: {  	v1 =	vmul.f32 v1, v42;
	_ =	sdelay $0x1  }
0x25f: {  	v1 =	vadd.f32 v1, v48;
	_ =	sdelay $0x1  }
0x260: {  	v1 =	vadd.f32 v1, v49;
	_ =	sdelay $0x1  }
0x261: {  	v1 =	vmax.f32 v1, $0.0e+00  }
0x262: {  	[tilespmem:s26+$0x5B0] =	vst v1  }
0x263: {  	v1 =	vld [tilespmem:$0x41C0];
	_ =	sdelay $0x1  }
0x264: {  	v50 =	vld [tilespmem:s26+$0x5C0];
	_ =	sdelay $0x1  }
0x265: {  	v51 =	vld [tilespmem:$0x4240]  }
0x266: {  	v1 =	vmul.f32 v1, v42;
	_ =	sdelay $0x1  }
0x267: {  	v1 =	vadd.f32 v1, v50;
	_ =	sdelay $0x1  }
0x268: {  	v1 =	vadd.f32 v1, v51;
	_ =	sdelay $0x1  }
0x269: {  	v1 =	vmax.f32 v1, $0.0e+00  }
0x26a: {  	[tilespmem:s26+$0x5C0] =	vst v1  }
0x26b: {  	v1 =	vld [tilespmem:$0x41D0];
	_ =	sdelay $0x1  }
0x26c: {  	v52 =	vld [tilespmem:s26+$0x5D0];
	_ =	sdelay $0x1  }
0x26d: {  	v53 =	vld [tilespmem:$0x4250]  }
0x26e: {  	v1 =	vmul.f32 v1, v42;
	_ =	sdelay $0x1  }
0x26f: {  	v1 =	vadd.f32 v1, v52;
	_ =	sdelay $0x1  }
0x270: {  	v1 =	vadd.f32 v1, v53;
	_ =	sdelay $0x1  }
0x271: {  	v1 =	vmax.f32 v1, $0.0e+00  }
0x272: {  	[tilespmem:s26+$0x5D0] =	vst v1  }
0x273: {  	v1 =	vld [tilespmem:$0x41E0];
	_ =	sdelay $0x1  }
0x274: {  	v54 =	vld [tilespmem:s26+$0x5E0];
	_ =	sdelay $0x1  }
0x275: {  	v55 =	vld [tilespmem:$0x4260]  }
0x276: {  	v1 =	vmul.f32 v1, v42;
	_ =	sdelay $0x1  }
0x277: {  	v1 =	vadd.f32 v1, v54;
	_ =	sdelay $0x1  }
0x278: {  	v1 =	vadd.f32 v1, v55;
	_ =	sdelay $0x1  }
0x279: {  	v1 =	vmax.f32 v1, $0.0e+00  }
0x27a: {  	[tilespmem:s26+$0x5E0] =	vst v1  }
0x27b: {  	v1 =	vld [tilespmem:$0x41F0];
	_ =	sdelay $0x1  }
0x27c: {  	v56 =	vld [tilespmem:s26+$0x5F0];
	_ =	sdelay $0x1  }
0x27d: {  	v57 =	vld [tilespmem:$0x4270]  }
0x27e: {  	v1 =	vmul.f32 v1, v42;
	_ =	sdelay $0x1  }
0x27f: {  	v1 =	vadd.f32 v1, v56;
	_ =	sdelay $0x1  }
0x280: {  	v1 =	vadd.f32 v1, v57;
	_ =	sdelay $0x1  }
0x281: {  	v1 =	vmax.f32 v1, $0.0e+00  }
0x282: {  	[tilespmem:s26+$0x5F0] =	vst v1  }
0x283: {  	v1 =	vld [tilespmem:$0x4180];
	_ =	sdelay $0x1  }
0x284: {  	v58 =	vld [tilespmem:s26+$0x600]  }
0x285: {  	v59 =	vbroadcast v0, $0x9  }
0x286: {  	v60 =	vld [tilespmem:$0x4200]  }
0x287: {  	v1 =	vmul.f32 v1, v59;
	_ =	sdelay $0x1  }
0x288: {  	v1 =	vadd.f32 v1, v58;
	_ =	sdelay $0x1  }
0x289: {  	v1 =	vadd.f32 v1, v60;
	_ =	sdelay $0x1  }
0x28a: {  	v1 =	vmax.f32 v1, $0.0e+00  }
0x28b: {  	[tilespmem:s26+$0x600] =	vst v1  }
0x28c: {  	v1 =	vld [tilespmem:$0x4190];
	_ =	sdelay $0x1  }
0x28d: {  	v61 =	vld [tilespmem:s26+$0x610];
	_ =	sdelay $0x1  }
0x28e: {  	v62 =	vld [tilespmem:$0x4210]  }
0x28f: {  	v1 =	vmul.f32 v1, v59;
	_ =	sdelay $0x1  }
0x290: {  	v1 =	vadd.f32 v1, v61;
	_ =	sdelay $0x1  }
0x291: {  	v1 =	vadd.f32 v1, v62;
	_ =	sdelay $0x1  }
0x292: {  	v1 =	vmax.f32 v1, $0.0e+00  }
0x293: {  	[tilespmem:s26+$0x610] =	vst v1  }
0x294: {  	v1 =	vld [tilespmem:$0x41A0];
	_ =	sdelay $0x1  }
0x295: {  	v63 =	vld [tilespmem:s26+$0x620];
	_ =	sdelay $0x1  }
0x296: {  	v8 =	vld [tilespmem:$0x4220]  }
0x297: {  	v1 =	vmul.f32 v1, v59;
	_ =	sdelay $0x1  }
0x298: {  	v1 =	vadd.f32 v1, v63;
	_ =	sdelay $0x1  }
0x299: {  	v1 =	vadd.f32 v1, v8;
	_ =	sdelay $0x1  }
0x29a: {  	v1 =	vmax.f32 v1, $0.0e+00  }
0x29b: {  	[tilespmem:s26+$0x620] =	vst v1  }
0x29c: {  	v1 =	vld [tilespmem:$0x41B0];
	_ =	sdelay $0x1  }
0x29d: {  	v9 =	vld [tilespmem:s26+$0x630];
	_ =	sdelay $0x1  }
0x29e: {  	v10 =	vld [tilespmem:$0x4230]  }
0x29f: {  	v1 =	vmul.f32 v1, v59;
	_ =	sdelay $0x1  }
0x2a0: {  	v1 =	vadd.f32 v1, v9;
	_ =	sdelay $0x1  }
0x2a1: {  	v1 =	vadd.f32 v1, v10;
	_ =	sdelay $0x1  }
0x2a2: {  	v1 =	vmax.f32 v1, $0.0e+00  }
0x2a3: {  	[tilespmem:s26+$0x630] =	vst v1  }
0x2a4: {  	v1 =	vld [tilespmem:$0x41C0];
	_ =	sdelay $0x1  }
0x2a5: {  	v11 =	vld [tilespmem:s26+$0x640];
	_ =	sdelay $0x1  }
0x2a6: {  	v12 =	vld [tilespmem:$0x4240]  }
0x2a7: {  	v1 =	vmul.f32 v1, v59;
	_ =	sdelay $0x1  }
0x2a8: {  	v1 =	vadd.f32 v1, v11;
	_ =	sdelay $0x1  }
0x2a9: {  	v1 =	vadd.f32 v1, v12;
	_ =	sdelay $0x1  }
0x2aa: {  	v1 =	vmax.f32 v1, $0.0e+00  }
0x2ab: {  	[tilespmem:s26+$0x640] =	vst v1  }
0x2ac: {  	v1 =	vld [tilespmem:$0x41D0];
	_ =	sdelay $0x1  }
0x2ad: {  	v13 =	vld [tilespmem:s26+$0x650];
	_ =	sdelay $0x1  }
0x2ae: {  	v14 =	vld [tilespmem:$0x4250]  }
0x2af: {  	v1 =	vmul.f32 v1, v59;
	_ =	sdelay $0x1  }
0x2b0: {  	v1 =	vadd.f32 v1, v13;
	_ =	sdelay $0x1  }
0x2b1: {  	v1 =	vadd.f32 v1, v14;
	_ =	sdelay $0x1  }
0x2b2: {  	v1 =	vmax.f32 v1, $0.0e+00  }
0x2b3: {  	[tilespmem:s26+$0x650] =	vst v1  }
0x2b4: {  	v1 =	vld [tilespmem:$0x41E0];
	_ =	sdelay $0x1  }
0x2b5: {  	v15 =	vld [tilespmem:s26+$0x660];
	_ =	sdelay $0x1  }
0x2b6: {  	v16 =	vld [tilespmem:$0x4260]  }
0x2b7: {  	v1 =	vmul.f32 v1, v59;
	_ =	sdelay $0x1  }
0x2b8: {  	v1 =	vadd.f32 v1, v15;
	_ =	sdelay $0x1  }
0x2b9: {  	v1 =	vadd.f32 v1, v16;
	_ =	sdelay $0x1  }
0x2ba: {  	v1 =	vmax.f32 v1, $0.0e+00  }
0x2bb: {  	[tilespmem:s26+$0x660] =	vst v1  }
0x2bc: {  	v1 =	vld [tilespmem:$0x41F0];
	_ =	sdelay $0x1  }
0x2bd: {  	v17 =	vld [tilespmem:s26+$0x670];
	_ =	sdelay $0x1  }
0x2be: {  	v18 =	vld [tilespmem:$0x4270]  }
0x2bf: {  	v1 =	vmul.f32 v1, v59;
	_ =	sdelay $0x1  }
0x2c0: {  	v1 =	vadd.f32 v1, v17;
	_ =	sdelay $0x1  }
0x2c1: {  	v1 =	vadd.f32 v1, v18;
	_ =	sdelay $0x1  }
0x2c2: {  	v1 =	vmax.f32 v1, $0.0e+00  }
0x2c3: {  	[tilespmem:s26+$0x670] =	vst v1  }
0x2c4: {  	v1 =	vld [tilespmem:$0x4180];
	_ =	sdelay $0x1  }
0x2c5: {  	v19 =	vld [tilespmem:s26+$0x680]  }
0x2c6: {  	v20 =	vbroadcast v0, $0xA  }
0x2c7: {  	v21 =	vld [tilespmem:$0x4200]  }
0x2c8: {  	v1 =	vmul.f32 v1, v20;
	_ =	sdelay $0x1  }
0x2c9: {  	v1 =	vadd.f32 v1, v19;
	_ =	sdelay $0x1  }
0x2ca: {  	v1 =	vadd.f32 v1, v21;
	_ =	sdelay $0x1  }
0x2cb: {  	v1 =	vmax.f32 v1, $0.0e+00  }
0x2cc: {  	[tilespmem:s26+$0x680] =	vst v1  }
0x2cd: {  	v1 =	vld [tilespmem:$0x4190];
	_ =	sdelay $0x1  }
0x2ce: {  	v22 =	vld [tilespmem:s26+$0x690];
	_ =	sdelay $0x1  }
0x2cf: {  	v23 =	vld [tilespmem:$0x4210]  }
0x2d0: {  	v1 =	vmul.f32 v1, v20;
	_ =	sdelay $0x1  }
0x2d1: {  	v1 =	vadd.f32 v1, v22;
	_ =	sdelay $0x1  }
0x2d2: {  	v1 =	vadd.f32 v1, v23;
	_ =	sdelay $0x1  }
0x2d3: {  	v1 =	vmax.f32 v1, $0.0e+00  }
0x2d4: {  	[tilespmem:s26+$0x690] =	vst v1  }
0x2d5: {  	v1 =	vld [tilespmem:$0x41A0];
	_ =	sdelay $0x1  }
0x2d6: {  	v24 =	vld [tilespmem:s26+$0x6A0];
	_ =	sdelay $0x1  }
0x2d7: {  	v25 =	vld [tilespmem:$0x4220]  }
0x2d8: {  	v1 =	vmul.f32 v1, v20;
	_ =	sdelay $0x1  }
0x2d9: {  	v1 =	vadd.f32 v1, v24;
	_ =	sdelay $0x1  }
0x2da: {  	v1 =	vadd.f32 v1, v25;
	_ =	sdelay $0x1  }
0x2db: {  	v1 =	vmax.f32 v1, $0.0e+00  }
0x2dc: {  	[tilespmem:s26+$0x6A0] =	vst v1  }
0x2dd: {  	v1 =	vld [tilespmem:$0x41B0];
	_ =	sdelay $0x1  }
0x2de: {  	v26 =	vld [tilespmem:s26+$0x6B0];
	_ =	sdelay $0x1  }
0x2df: {  	v27 =	vld [tilespmem:$0x4230]  }
0x2e0: {  	v1 =	vmul.f32 v1, v20;
	_ =	sdelay $0x1  }
0x2e1: {  	v1 =	vadd.f32 v1, v26;
	_ =	sdelay $0x1  }
0x2e2: {  	v1 =	vadd.f32 v1, v27;
	_ =	sdelay $0x1  }
0x2e3: {  	v1 =	vmax.f32 v1, $0.0e+00  }
0x2e4: {  	[tilespmem:s26+$0x6B0] =	vst v1  }
0x2e5: {  	v1 =	vld [tilespmem:$0x41C0];
	_ =	sdelay $0x1  }
0x2e6: {  	v28 =	vld [tilespmem:s26+$0x6C0];
	_ =	sdelay $0x1  }
0x2e7: {  	v29 =	vld [tilespmem:$0x4240]  }
0x2e8: {  	v1 =	vmul.f32 v1, v20;
	_ =	sdelay $0x1  }
0x2e9: {  	v1 =	vadd.f32 v1, v28;
	_ =	sdelay $0x1  }
0x2ea: {  	v1 =	vadd.f32 v1, v29;
	_ =	sdelay $0x1  }
0x2eb: {  	v1 =	vmax.f32 v1, $0.0e+00  }
0x2ec: {  	[tilespmem:s26+$0x6C0] =	vst v1  }
0x2ed: {  	v1 =	vld [tilespmem:$0x41D0];
	_ =	sdelay $0x1  }
0x2ee: {  	v30 =	vld [tilespmem:s26+$0x6D0];
	_ =	sdelay $0x1  }
0x2ef: {  	v31 =	vld [tilespmem:$0x4250]  }
0x2f0: {  	v1 =	vmul.f32 v1, v20;
	_ =	sdelay $0x1  }
0x2f1: {  	v1 =	vadd.f32 v1, v30;
	_ =	sdelay $0x1  }
0x2f2: {  	v1 =	vadd.f32 v1, v31;
	_ =	sdelay $0x1  }
0x2f3: {  	v1 =	vmax.f32 v1, $0.0e+00  }
0x2f4: {  	[tilespmem:s26+$0x6D0] =	vst v1  }
0x2f5: {  	v1 =	vld [tilespmem:$0x41E0];
	_ =	sdelay $0x1  }
0x2f6: {  	v32 =	vld [tilespmem:s26+$0x6E0];
	_ =	sdelay $0x1  }
0x2f7: {  	v33 =	vld [tilespmem:$0x4260]  }
0x2f8: {  	v1 =	vmul.f32 v1, v20;
	_ =	sdelay $0x1  }
0x2f9: {  	v1 =	vadd.f32 v1, v32;
	_ =	sdelay $0x1  }
0x2fa: {  	v1 =	vadd.f32 v1, v33;
	_ =	sdelay $0x1  }
0x2fb: {  	v1 =	vmax.f32 v1, $0.0e+00  }
0x2fc: {  	[tilespmem:s26+$0x6E0] =	vst v1  }
0x2fd: {  	v1 =	vld [tilespmem:$0x41F0];
	_ =	sdelay $0x1  }
0x2fe: {  	v34 =	vld [tilespmem:s26+$0x6F0];
	_ =	sdelay $0x1  }
0x2ff: {  	v35 =	vld [tilespmem:$0x4270]  }
0x300: {  	v1 =	vmul.f32 v1, v20;
	_ =	sdelay $0x1  }
0x301: {  	v1 =	vadd.f32 v1, v34;
	_ =	sdelay $0x1  }
0x302: {  	v1 =	vadd.f32 v1, v35;
	_ =	sdelay $0x1  }
0x303: {  	v1 =	vmax.f32 v1, $0.0e+00  }
0x304: {  	[tilespmem:s26+$0x6F0] =	vst v1  }
0x305: {  	v1 =	vld [tilespmem:$0x4180];
	_ =	sdelay $0x1  }
0x306: {  	v36 =	vld [tilespmem:s26+$0x700]  }
0x307: {  	v37 =	vbroadcast v0, $0xB  }
0x308: {  	v38 =	vld [tilespmem:$0x4200]  }
0x309: {  	v1 =	vmul.f32 v1, v37;
	_ =	sdelay $0x1  }
0x30a: {  	v1 =	vadd.f32 v1, v36;
	_ =	sdelay $0x1  }
0x30b: {  	v1 =	vadd.f32 v1, v38;
	_ =	sdelay $0x1  }
0x30c: {  	v1 =	vmax.f32 v1, $0.0e+00  }
0x30d: {  	[tilespmem:s26+$0x700] =	vst v1  }
0x30e: {  	v1 =	vld [tilespmem:$0x4190];
	_ =	sdelay $0x1  }
0x30f: {  	v39 =	vld [tilespmem:s26+$0x710];
	_ =	sdelay $0x1  }
0x310: {  	v40 =	vld [tilespmem:$0x4210]  }
0x311: {  	v1 =	vmul.f32 v1, v37;
	_ =	sdelay $0x1  }
0x312: {  	v1 =	vadd.f32 v1, v39;
	_ =	sdelay $0x1  }
0x313: {  	v1 =	vadd.f32 v1, v40;
	_ =	sdelay $0x1  }
0x314: {  	v1 =	vmax.f32 v1, $0.0e+00  }
0x315: {  	[tilespmem:s26+$0x710] =	vst v1  }
0x316: {  	v1 =	vld [tilespmem:$0x41A0];
	_ =	sdelay $0x1  }
0x317: {  	v41 =	vld [tilespmem:s26+$0x720];
	_ =	sdelay $0x1  }
0x318: {  	v42 =	vld [tilespmem:$0x4220]  }
0x319: {  	v1 =	vmul.f32 v1, v37;
	_ =	sdelay $0x1  }
0x31a: {  	v1 =	vadd.f32 v1, v41;
	_ =	sdelay $0x1  }
0x31b: {  	v1 =	vadd.f32 v1, v42;
	_ =	sdelay $0x1  }
0x31c: {  	v1 =	vmax.f32 v1, $0.0e+00  }
0x31d: {  	[tilespmem:s26+$0x720] =	vst v1  }
0x31e: {  	v1 =	vld [tilespmem:$0x41B0];
	_ =	sdelay $0x1  }
0x31f: {  	v43 =	vld [tilespmem:s26+$0x730];
	_ =	sdelay $0x1  }
0x320: {  	v44 =	vld [tilespmem:$0x4230]  }
0x321: {  	v1 =	vmul.f32 v1, v37;
	_ =	sdelay $0x1  }
0x322: {  	v1 =	vadd.f32 v1, v43;
	_ =	sdelay $0x1  }
0x323: {  	v1 =	vadd.f32 v1, v44;
	_ =	sdelay $0x1  }
0x324: {  	v1 =	vmax.f32 v1, $0.0e+00  }
0x325: {  	[tilespmem:s26+$0x730] =	vst v1  }
0x326: {  	v1 =	vld [tilespmem:$0x41C0];
	_ =	sdelay $0x1  }
0x327: {  	v45 =	vld [tilespmem:s26+$0x740];
	_ =	sdelay $0x1  }
0x328: {  	v46 =	vld [tilespmem:$0x4240]  }
0x329: {  	v1 =	vmul.f32 v1, v37;
	_ =	sdelay $0x1  }
0x32a: {  	v1 =	vadd.f32 v1, v45;
	_ =	sdelay $0x1  }
0x32b: {  	v1 =	vadd.f32 v1, v46;
	_ =	sdelay $0x1  }
0x32c: {  	v1 =	vmax.f32 v1, $0.0e+00  }
0x32d: {  	[tilespmem:s26+$0x740] =	vst v1  }
0x32e: {  	v1 =	vld [tilespmem:$0x41D0];
	_ =	sdelay $0x1  }
0x32f: {  	v47 =	vld [tilespmem:s26+$0x750];
	_ =	sdelay $0x1  }
0x330: {  	v48 =	vld [tilespmem:$0x4250]  }
0x331: {  	v1 =	vmul.f32 v1, v37;
	_ =	sdelay $0x1  }
0x332: {  	v1 =	vadd.f32 v1, v47;
	_ =	sdelay $0x1  }
0x333: {  	v1 =	vadd.f32 v1, v48;
	_ =	sdelay $0x1  }
0x334: {  	v1 =	vmax.f32 v1, $0.0e+00  }
0x335: {  	[tilespmem:s26+$0x750] =	vst v1  }
0x336: {  	v1 =	vld [tilespmem:$0x41E0];
	_ =	sdelay $0x1  }
0x337: {  	v49 =	vld [tilespmem:s26+$0x760];
	_ =	sdelay $0x1  }
0x338: {  	v50 =	vld [tilespmem:$0x4260]  }
0x339: {  	v1 =	vmul.f32 v1, v37;
	_ =	sdelay $0x1  }
0x33a: {  	v1 =	vadd.f32 v1, v49;
	_ =	sdelay $0x1  }
0x33b: {  	v1 =	vadd.f32 v1, v50;
	_ =	sdelay $0x1  }
0x33c: {  	v1 =	vmax.f32 v1, $0.0e+00  }
0x33d: {  	[tilespmem:s26+$0x760] =	vst v1  }
0x33e: {  	v1 =	vld [tilespmem:$0x41F0];
	_ =	sdelay $0x1  }
0x33f: {  	v51 =	vld [tilespmem:s26+$0x770];
	_ =	sdelay $0x1  }
0x340: {  	v52 =	vld [tilespmem:$0x4270]  }
0x341: {  	v1 =	vmul.f32 v1, v37;
	_ =	sdelay $0x1  }
0x342: {  	v1 =	vadd.f32 v1, v51;
	_ =	sdelay $0x1  }
0x343: {  	v1 =	vadd.f32 v1, v52;
	_ =	sdelay $0x1  }
0x344: {  	v1 =	vmax.f32 v1, $0.0e+00  }
0x345: {  	[tilespmem:s26+$0x770] =	vst v1  }
0x346: {  	v1 =	vld [tilespmem:$0x4180];
	_ =	sdelay $0x1  }
0x347: {  	v53 =	vld [tilespmem:s26+$0x780]  }
0x348: {  	v54 =	vbroadcast v0, $0xC  }
0x349: {  	v55 =	vld [tilespmem:$0x4200]  }
0x34a: {  	v1 =	vmul.f32 v1, v54;
	_ =	sdelay $0x1  }
0x34b: {  	v1 =	vadd.f32 v1, v53;
	_ =	sdelay $0x1  }
0x34c: {  	v1 =	vadd.f32 v1, v55;
	_ =	sdelay $0x1  }
0x34d: {  	v1 =	vmax.f32 v1, $0.0e+00  }
0x34e: {  	[tilespmem:s26+$0x780] =	vst v1  }
0x34f: {  	v1 =	vld [tilespmem:$0x4190];
	_ =	sdelay $0x1  }
0x350: {  	v56 =	vld [tilespmem:s26+$0x790];
	_ =	sdelay $0x1  }
0x351: {  	v57 =	vld [tilespmem:$0x4210]  }
0x352: {  	v1 =	vmul.f32 v1, v54;
	_ =	sdelay $0x1  }
0x353: {  	v1 =	vadd.f32 v1, v56;
	_ =	sdelay $0x1  }
0x354: {  	v1 =	vadd.f32 v1, v57;
	_ =	sdelay $0x1  }
0x355: {  	v1 =	vmax.f32 v1, $0.0e+00  }
0x356: {  	[tilespmem:s26+$0x790] =	vst v1  }
0x357: {  	v1 =	vld [tilespmem:$0x41A0];
	_ =	sdelay $0x1  }
0x358: {  	v58 =	vld [tilespmem:s26+$0x7A0];
	_ =	sdelay $0x1  }
0x359: {  	v59 =	vld [tilespmem:$0x4220]  }
0x35a: {  	v1 =	vmul.f32 v1, v54;
	_ =	sdelay $0x1  }
0x35b: {  	v1 =	vadd.f32 v1, v58;
	_ =	sdelay $0x1  }
0x35c: {  	v1 =	vadd.f32 v1, v59;
	_ =	sdelay $0x1  }
0x35d: {  	v1 =	vmax.f32 v1, $0.0e+00  }
0x35e: {  	[tilespmem:s26+$0x7A0] =	vst v1  }
0x35f: {  	v1 =	vld [tilespmem:$0x41B0];
	_ =	sdelay $0x1  }
0x360: {  	v60 =	vld [tilespmem:s26+$0x7B0];
	_ =	sdelay $0x1  }
0x361: {  	v61 =	vld [tilespmem:$0x4230]  }
0x362: {  	v1 =	vmul.f32 v1, v54;
	_ =	sdelay $0x1  }
0x363: {  	v1 =	vadd.f32 v1, v60;
	_ =	sdelay $0x1  }
0x364: {  	v1 =	vadd.f32 v1, v61;
	_ =	sdelay $0x1  }
0x365: {  	v1 =	vmax.f32 v1, $0.0e+00  }
0x366: {  	[tilespmem:s26+$0x7B0] =	vst v1  }
0x367: {  	v1 =	vld [tilespmem:$0x41C0];
	_ =	sdelay $0x1  }
0x368: {  	v62 =	vld [tilespmem:s26+$0x7C0];
	_ =	sdelay $0x1  }
0x369: {  	v63 =	vld [tilespmem:$0x4240]  }
0x36a: {  	v1 =	vmul.f32 v1, v54;
	_ =	sdelay $0x1  }
0x36b: {  	v1 =	vadd.f32 v1, v62;
	_ =	sdelay $0x1  }
0x36c: {  	v1 =	vadd.f32 v1, v63;
	_ =	sdelay $0x1  }
0x36d: {  	v1 =	vmax.f32 v1, $0.0e+00  }
0x36e: {  	[tilespmem:s26+$0x7C0] =	vst v1  }
0x36f: {  	v1 =	vld [tilespmem:$0x41D0];
	_ =	sdelay $0x1  }
0x370: {  	v8 =	vld [tilespmem:s26+$0x7D0];
	_ =	sdelay $0x1  }
0x371: {  	v9 =	vld [tilespmem:$0x4250]  }
0x372: {  	v1 =	vmul.f32 v1, v54;
	_ =	sdelay $0x1  }
0x373: {  	v1 =	vadd.f32 v1, v8;
	_ =	sdelay $0x1  }
0x374: {  	v1 =	vadd.f32 v1, v9;
	_ =	sdelay $0x1  }
0x375: {  	v1 =	vmax.f32 v1, $0.0e+00  }
0x376: {  	[tilespmem:s26+$0x7D0] =	vst v1  }
0x377: {  	v1 =	vld [tilespmem:$0x41E0];
	_ =	sdelay $0x1  }
0x378: {  	v10 =	vld [tilespmem:s26+$0x7E0];
	_ =	sdelay $0x1  }
0x379: {  	v11 =	vld [tilespmem:$0x4260]  }
0x37a: {  	v1 =	vmul.f32 v1, v54;
	_ =	sdelay $0x1  }
0x37b: {  	v1 =	vadd.f32 v1, v10;
	_ =	sdelay $0x1  }
0x37c: {  	v1 =	vadd.f32 v1, v11;
	_ =	sdelay $0x1  }
0x37d: {  	v1 =	vmax.f32 v1, $0.0e+00  }
0x37e: {  	[tilespmem:s26+$0x7E0] =	vst v1  }
0x37f: {  	v1 =	vld [tilespmem:$0x41F0];
	_ =	sdelay $0x1  }
0x380: {  	v12 =	vld [tilespmem:s26+$0x7F0];
	_ =	sdelay $0x1  }
0x381: {  	v13 =	vld [tilespmem:$0x4270]  }
0x382: {  	v1 =	vmul.f32 v1, v54;
	_ =	sdelay $0x1  }
0x383: {  	v1 =	vadd.f32 v1, v12;
	_ =	sdelay $0x1  }
0x384: {  	v1 =	vadd.f32 v1, v13;
	_ =	sdelay $0x1  }
0x385: {  	v1 =	vmax.f32 v1, $0.0e+00  }
0x386: {  	[tilespmem:s26+$0x7F0] =	vst v1  }
0x387: {  	v1 =	vld [tilespmem:$0x4180];
	_ =	sdelay $0x1  }
0x388: {  	v14 =	vld [tilespmem:s26+$0x800]  }
0x389: {  	v15 =	vbroadcast v0, $0xD  }
0x38a: {  	v16 =	vld [tilespmem:$0x4200]  }
0x38b: {  	v1 =	vmul.f32 v1, v15;
	_ =	sdelay $0x1  }
0x38c: {  	v1 =	vadd.f32 v1, v14;
	_ =	sdelay $0x1  }
0x38d: {  	v1 =	vadd.f32 v1, v16;
	_ =	sdelay $0x1  }
0x38e: {  	v1 =	vmax.f32 v1, $0.0e+00  }
0x38f: {  	[tilespmem:s26+$0x800] =	vst v1  }
0x390: {  	v1 =	vld [tilespmem:$0x4190];
	_ =	sdelay $0x1  }
0x391: {  	v17 =	vld [tilespmem:s26+$0x810];
	_ =	sdelay $0x1  }
0x392: {  	v18 =	vld [tilespmem:$0x4210]  }
0x393: {  	v1 =	vmul.f32 v1, v15;
	_ =	sdelay $0x1  }
0x394: {  	v1 =	vadd.f32 v1, v17;
	_ =	sdelay $0x1  }
0x395: {  	v1 =	vadd.f32 v1, v18;
	_ =	sdelay $0x1  }
0x396: {  	v1 =	vmax.f32 v1, $0.0e+00  }
0x397: {  	[tilespmem:s26+$0x810] =	vst v1  }
0x398: {  	v1 =	vld [tilespmem:$0x41A0];
	_ =	sdelay $0x1  }
0x399: {  	v19 =	vld [tilespmem:s26+$0x820];
	_ =	sdelay $0x1  }
0x39a: {  	v20 =	vld [tilespmem:$0x4220]  }
0x39b: {  	v1 =	vmul.f32 v1, v15;
	_ =	sdelay $0x1  }
0x39c: {  	v1 =	vadd.f32 v1, v19;
	_ =	sdelay $0x1  }
0x39d: {  	v1 =	vadd.f32 v1, v20;
	_ =	sdelay $0x1  }
0x39e: {  	v1 =	vmax.f32 v1, $0.0e+00  }
0x39f: {  	[tilespmem:s26+$0x820] =	vst v1  }
0x3a0: {  	v1 =	vld [tilespmem:$0x41B0];
	_ =	sdelay $0x1  }
0x3a1: {  	v21 =	vld [tilespmem:s26+$0x830];
	_ =	sdelay $0x1  }
0x3a2: {  	v22 =	vld [tilespmem:$0x4230]  }
0x3a3: {  	v1 =	vmul.f32 v1, v15;
	_ =	sdelay $0x1  }
0x3a4: {  	v1 =	vadd.f32 v1, v21;
	_ =	sdelay $0x1  }
0x3a5: {  	v1 =	vadd.f32 v1, v22;
	_ =	sdelay $0x1  }
0x3a6: {  	v1 =	vmax.f32 v1, $0.0e+00  }
0x3a7: {  	[tilespmem:s26+$0x830] =	vst v1  }
0x3a8: {  	v1 =	vld [tilespmem:$0x41C0];
	_ =	sdelay $0x1  }
0x3a9: {  	v23 =	vld [tilespmem:s26+$0x840];
	_ =	sdelay $0x1  }
0x3aa: {  	v24 =	vld [tilespmem:$0x4240]  }
0x3ab: {  	v1 =	vmul.f32 v1, v15;
	_ =	sdelay $0x1  }
0x3ac: {  	v1 =	vadd.f32 v1, v23;
	_ =	sdelay $0x1  }
0x3ad: {  	v1 =	vadd.f32 v1, v24;
	_ =	sdelay $0x1  }
0x3ae: {  	v1 =	vmax.f32 v1, $0.0e+00  }
0x3af: {  	[tilespmem:s26+$0x840] =	vst v1  }
0x3b0: {  	v1 =	vld [tilespmem:$0x41D0];
	_ =	sdelay $0x1  }
0x3b1: {  	v25 =	vld [tilespmem:s26+$0x850];
	_ =	sdelay $0x1  }
0x3b2: {  	v26 =	vld [tilespmem:$0x4250]  }
0x3b3: {  	v1 =	vmul.f32 v1, v15;
	_ =	sdelay $0x1  }
0x3b4: {  	v1 =	vadd.f32 v1, v25;
	_ =	sdelay $0x1  }
0x3b5: {  	v1 =	vadd.f32 v1, v26;
	_ =	sdelay $0x1  }
0x3b6: {  	v1 =	vmax.f32 v1, $0.0e+00  }
0x3b7: {  	[tilespmem:s26+$0x850] =	vst v1  }
0x3b8: {  	v1 =	vld [tilespmem:$0x41E0];
	_ =	sdelay $0x1  }
0x3b9: {  	v27 =	vld [tilespmem:s26+$0x860];
	_ =	sdelay $0x1  }
0x3ba: {  	v28 =	vld [tilespmem:$0x4260]  }
0x3bb: {  	v1 =	vmul.f32 v1, v15;
	_ =	sdelay $0x1  }
0x3bc: {  	v1 =	vadd.f32 v1, v27;
	_ =	sdelay $0x1  }
0x3bd: {  	v1 =	vadd.f32 v1, v28;
	_ =	sdelay $0x1  }
0x3be: {  	v1 =	vmax.f32 v1, $0.0e+00  }
0x3bf: {  	[tilespmem:s26+$0x860] =	vst v1  }
0x3c0: {  	v1 =	vld [tilespmem:$0x41F0];
	_ =	sdelay $0x1  }
0x3c1: {  	v29 =	vld [tilespmem:s26+$0x870];
	_ =	sdelay $0x1  }
0x3c2: {  	v30 =	vld [tilespmem:$0x4270]  }
0x3c3: {  	v1 =	vmul.f32 v1, v15;
	_ =	sdelay $0x1  }
0x3c4: {  	v1 =	vadd.f32 v1, v29;
	_ =	sdelay $0x1  }
0x3c5: {  	v1 =	vadd.f32 v1, v30;
	_ =	sdelay $0x1  }
0x3c6: {  	v1 =	vmax.f32 v1, $0.0e+00  }
0x3c7: {  	[tilespmem:s26+$0x870] =	vst v1  }
0x3c8: {  	v1 =	vld [tilespmem:$0x4180];
	_ =	sdelay $0x1  }
0x3c9: {  	v31 =	vld [tilespmem:s26+$0x880]  }
0x3ca: {  	v32 =	vbroadcast v0, $0xE  }
0x3cb: {  	v33 =	vld [tilespmem:$0x4200]  }
0x3cc: {  	v1 =	vmul.f32 v1, v32;
	_ =	sdelay $0x1  }
0x3cd: {  	v1 =	vadd.f32 v1, v31;
	_ =	sdelay $0x1  }
0x3ce: {  	v1 =	vadd.f32 v1, v33;
	_ =	sdelay $0x1  }
0x3cf: {  	v1 =	vmax.f32 v1, $0.0e+00  }
0x3d0: {  	[tilespmem:s26+$0x880] =	vst v1  }
0x3d1: {  	v1 =	vld [tilespmem:$0x4190];
	_ =	sdelay $0x1  }
0x3d2: {  	v34 =	vld [tilespmem:s26+$0x890];
	_ =	sdelay $0x1  }
0x3d3: {  	v35 =	vld [tilespmem:$0x4210]  }
0x3d4: {  	v1 =	vmul.f32 v1, v32;
	_ =	sdelay $0x1  }
0x3d5: {  	v1 =	vadd.f32 v1, v34;
	_ =	sdelay $0x1  }
0x3d6: {  	v1 =	vadd.f32 v1, v35;
	_ =	sdelay $0x1  }
0x3d7: {  	v1 =	vmax.f32 v1, $0.0e+00  }
0x3d8: {  	[tilespmem:s26+$0x890] =	vst v1  }
0x3d9: {  	v1 =	vld [tilespmem:$0x41A0];
	_ =	sdelay $0x1  }
0x3da: {  	v36 =	vld [tilespmem:s26+$0x8A0];
	_ =	sdelay $0x1  }
0x3db: {  	v37 =	vld [tilespmem:$0x4220]  }
0x3dc: {  	v1 =	vmul.f32 v1, v32;
	_ =	sdelay $0x1  }
0x3dd: {  	v1 =	vadd.f32 v1, v36;
	_ =	sdelay $0x1  }
0x3de: {  	v1 =	vadd.f32 v1, v37;
	_ =	sdelay $0x1  }
0x3df: {  	v1 =	vmax.f32 v1, $0.0e+00  }
0x3e0: {  	[tilespmem:s26+$0x8A0] =	vst v1  }
0x3e1: {  	v1 =	vld [tilespmem:$0x41B0];
	_ =	sdelay $0x1  }
0x3e2: {  	v38 =	vld [tilespmem:s26+$0x8B0];
	_ =	sdelay $0x1  }
0x3e3: {  	v39 =	vld [tilespmem:$0x4230]  }
0x3e4: {  	v1 =	vmul.f32 v1, v32;
	_ =	sdelay $0x1  }
0x3e5: {  	v1 =	vadd.f32 v1, v38;
	_ =	sdelay $0x1  }
0x3e6: {  	v1 =	vadd.f32 v1, v39;
	_ =	sdelay $0x1  }
0x3e7: {  	v1 =	vmax.f32 v1, $0.0e+00  }
0x3e8: {  	[tilespmem:s26+$0x8B0] =	vst v1  }
0x3e9: {  	v1 =	vld [tilespmem:$0x41C0];
	_ =	sdelay $0x1  }
0x3ea: {  	v40 =	vld [tilespmem:s26+$0x8C0];
	_ =	sdelay $0x1  }
0x3eb: {  	v41 =	vld [tilespmem:$0x4240]  }
0x3ec: {  	v1 =	vmul.f32 v1, v32;
	_ =	sdelay $0x1  }
0x3ed: {  	v1 =	vadd.f32 v1, v40;
	_ =	sdelay $0x1  }
0x3ee: {  	v1 =	vadd.f32 v1, v41;
	_ =	sdelay $0x1  }
0x3ef: {  	v1 =	vmax.f32 v1, $0.0e+00  }
0x3f0: {  	[tilespmem:s26+$0x8C0] =	vst v1  }
0x3f1: {  	v1 =	vld [tilespmem:$0x41D0];
	_ =	sdelay $0x1  }
0x3f2: {  	v42 =	vld [tilespmem:s26+$0x8D0];
	_ =	sdelay $0x1  }
0x3f3: {  	v43 =	vld [tilespmem:$0x4250]  }
0x3f4: {  	v1 =	vmul.f32 v1, v32;
	_ =	sdelay $0x1  }
0x3f5: {  	v1 =	vadd.f32 v1, v42;
	_ =	sdelay $0x1  }
0x3f6: {  	v1 =	vadd.f32 v1, v43;
	_ =	sdelay $0x1  }
0x3f7: {  	v1 =	vmax.f32 v1, $0.0e+00  }
0x3f8: {  	[tilespmem:s26+$0x8D0] =	vst v1  }
0x3f9: {  	v1 =	vld [tilespmem:$0x41E0];
	_ =	sdelay $0x1  }
0x3fa: {  	v44 =	vld [tilespmem:s26+$0x8E0];
	_ =	sdelay $0x1  }
0x3fb: {  	v45 =	vld [tilespmem:$0x4260]  }
0x3fc: {  	v1 =	vmul.f32 v1, v32;
	_ =	sdelay $0x1  }
0x3fd: {  	v1 =	vadd.f32 v1, v44;
	_ =	sdelay $0x1  }
0x3fe: {  	v1 =	vadd.f32 v1, v45;
	_ =	sdelay $0x1  }
0x3ff: {  	v1 =	vmax.f32 v1, $0.0e+00  }
0x400: {  	[tilespmem:s26+$0x8E0] =	vst v1  }
0x401: {  	v1 =	vld [tilespmem:$0x41F0];
	_ =	sdelay $0x1  }
0x402: {  	v46 =	vld [tilespmem:s26+$0x8F0];
	_ =	sdelay $0x1  }
0x403: {  	v47 =	vld [tilespmem:$0x4270]  }
0x404: {  	v1 =	vmul.f32 v1, v32;
	_ =	sdelay $0x1  }
0x405: {  	v1 =	vadd.f32 v1, v46;
	_ =	sdelay $0x1  }
0x406: {  	v1 =	vadd.f32 v1, v47;
	_ =	sdelay $0x1  }
0x407: {  	v1 =	vmax.f32 v1, $0.0e+00  }
0x408: {  	[tilespmem:s26+$0x8F0] =	vst v1  }
0x409: {  	v1 =	vld [tilespmem:$0x4180];
	_ =	sdelay $0x1  }
0x40a: {  	v48 =	vld [tilespmem:s26+$0x900]  }
0x40b: {  	v0 =	vbroadcast v0, $0xF  }
0x40c: {  	v49 =	vld [tilespmem:$0x4200]  }
0x40d: {  	v1 =	vmul.f32 v1, v0;
	_ =	sdelay $0x1  }
0x40e: {  	v1 =	vadd.f32 v1, v48;
	_ =	sdelay $0x1  }
0x40f: {  	v1 =	vadd.f32 v1, v49;
	_ =	sdelay $0x1  }
0x410: {  	v1 =	vmax.f32 v1, $0.0e+00  }
0x411: {  	[tilespmem:s26+$0x900] =	vst v1  }
0x412: {  	v1 =	vld [tilespmem:$0x4190];
	_ =	sdelay $0x1  }
0x413: {  	v50 =	vld [tilespmem:s26+$0x910];
	_ =	sdelay $0x1  }
0x414: {  	v51 =	vld [tilespmem:$0x4210]  }
0x415: {  	v1 =	vmul.f32 v1, v0;
	_ =	sdelay $0x1  }
0x416: {  	v1 =	vadd.f32 v1, v50;
	_ =	sdelay $0x1  }
0x417: {  	v1 =	vadd.f32 v1, v51;
	_ =	sdelay $0x1  }
0x418: {  	v1 =	vmax.f32 v1, $0.0e+00  }
0x419: {  	[tilespmem:s26+$0x910] =	vst v1  }
0x41a: {  	v1 =	vld [tilespmem:$0x41A0];
	_ =	sdelay $0x1  }
0x41b: {  	v52 =	vld [tilespmem:s26+$0x920];
	_ =	sdelay $0x1  }
0x41c: {  	v53 =	vld [tilespmem:$0x4220]  }
0x41d: {  	v1 =	vmul.f32 v1, v0;
	_ =	sdelay $0x1  }
0x41e: {  	v1 =	vadd.f32 v1, v52;
	_ =	sdelay $0x1  }
0x41f: {  	v1 =	vadd.f32 v1, v53;
	_ =	sdelay $0x1  }
0x420: {  	v1 =	vmax.f32 v1, $0.0e+00  }
0x421: {  	[tilespmem:s26+$0x920] =	vst v1  }
0x422: {  	v1 =	vld [tilespmem:$0x41B0];
	_ =	sdelay $0x1  }
0x423: {  	v54 =	vld [tilespmem:s26+$0x930];
	_ =	sdelay $0x1  }
0x424: {  	v55 =	vld [tilespmem:$0x4230]  }
0x425: {  	v1 =	vmul.f32 v1, v0;
	_ =	sdelay $0x1  }
0x426: {  	v1 =	vadd.f32 v1, v54;
	_ =	sdelay $0x1  }
0x427: {  	v1 =	vadd.f32 v1, v55;
	_ =	sdelay $0x1  }
0x428: {  	v1 =	vmax.f32 v1, $0.0e+00  }
0x429: {  	[tilespmem:s26+$0x930] =	vst v1  }
0x42a: {  	v1 =	vld [tilespmem:$0x41C0];
	_ =	sdelay $0x1  }
0x42b: {  	v56 =	vld [tilespmem:s26+$0x940];
	_ =	sdelay $0x1  }
0x42c: {  	v57 =	vld [tilespmem:$0x4240]  }
0x42d: {  	v1 =	vmul.f32 v1, v0;
	_ =	sdelay $0x1  }
0x42e: {  	v1 =	vadd.f32 v1, v56;
	_ =	sdelay $0x1  }
0x42f: {  	v1 =	vadd.f32 v1, v57;
	_ =	sdelay $0x1  }
0x430: {  	v1 =	vmax.f32 v1, $0.0e+00  }
0x431: {  	[tilespmem:s26+$0x940] =	vst v1  }
0x432: {  	v1 =	vld [tilespmem:$0x41D0];
	_ =	sdelay $0x1  }
0x433: {  	v58 =	vld [tilespmem:s26+$0x950];
	_ =	sdelay $0x1  }
0x434: {  	v59 =	vld [tilespmem:$0x4250]  }
0x435: {  	v1 =	vmul.f32 v1, v0;
	_ =	sdelay $0x1  }
0x436: {  	v1 =	vadd.f32 v1, v58;
	_ =	sdelay $0x1  }
0x437: {  	v1 =	vadd.f32 v1, v59;
	_ =	sdelay $0x1  }
0x438: {  	v1 =	vmax.f32 v1, $0.0e+00  }
0x439: {  	[tilespmem:s26+$0x950] =	vst v1  }
0x43a: {  	v1 =	vld [tilespmem:$0x41E0];
	_ =	sdelay $0x1  }
0x43b: {  	v60 =	vld [tilespmem:s26+$0x960];
	_ =	sdelay $0x1  }
0x43c: {  	v61 =	vld [tilespmem:$0x4260]  }
0x43d: {  	v1 =	vmul.f32 v1, v0;
	_ =	sdelay $0x1  }
0x43e: {  	v1 =	vadd.f32 v1, v60;
	_ =	sdelay $0x1  }
0x43f: {  	v1 =	vadd.f32 v1, v61;
	_ =	sdelay $0x1  }
0x440: {  	v1 =	vmax.f32 v1, $0.0e+00  }
0x441: {  	[tilespmem:s26+$0x960] =	vst v1  }
0x442: {  	v1 =	vld [tilespmem:$0x41F0];
	_ =	sdelay $0x1  }
0x443: {  	v62 =	vld [tilespmem:s26+$0x970];
	_ =	sdelay $0x1  }
0x444: {  	v63 =	vld [tilespmem:$0x4270]  }
0x445: {  	v0 =	vmul.f32 v1, v0;
	_ =	sdelay $0x1  }
0x446: {  	p0 =	sne.s32 s25, $0x7;
	v0 =	vadd.f32 v0, v62  }
.Ltmp0:
0x447: {  	_ = 	snop;
	(pc) =	sbr.rel @p0 .LBB2_3-.Ltmp0, $3  }
0x448: {  	v0 =	vadd.f32 v0, v63;
	_ =	sdelay $0x1  }
0x449: {  	v0 =	vmax.f32 v0, $0.0e+00  }
0x44a: {  	s25 =	sadd.s32 $0x1, s25;
	[tilespmem:s26+$0x970] =	vst v0  }
0x44b: {  	s24 =	sadd.s32 $0x1, s24  }
0x44c: {  	p0 =	sne.s32 s24, $0x4F  }
.Ltmp1:
0x44d: {  	_ = 	snop;
	(pc) =	sbr.rel @p0 .LBB2_2-.Ltmp1, $4  }
0x44e: {  	[spmem:s9] =	stream.indirect.scatter.add.f32 [tilespmem:s21], [sflag:$0x2], $0x80, s19, s19, $0xb8;
	[tilespmem:$0x17E80] =	vst v63  }
0x44f: {  	_ =	swait.ge [sflag:s16], $0x4000  }
0x450: {  	[sflag:s16] =	ssyncset.done $0x0  }
0x451: {  	[sflag:s16] =	ssyncadd.s32 $0xFFFFC000  }
0x452: {  	s23 =	sadd.s32 $0x1, s23  }
0x453: {  	p0 =	sne.s32 s23, s14  }
.Ltmp2:
0x454: {  	[bflag:$0x0] =	sbarrier.arrive $0xFFFF;
	(pc) =	sbr.rel @p0 .LBB2_1-.Ltmp2, $4  }
0x455: {  	[hbm:s13], [sflag:s11] =	dma.local [spmem:s15], $0x2780  }
0x456: {  	_ =	swait.ge [sflag:s16], $0x2780  }
0x457: {  	[sflag:s16] =	ssyncset.done $0x0  }
0x458: {  	[sflag:s16] =	ssyncadd.s32 $0xFFFFD880  }
0x459: {  	_ =	sfence.sel $0x180000  }
0x45a: {  	[bflag:$0x0] =	sbarrier.arrive $0xFFFF  }
0x45b: {  	p0 =	sne.s32 s8, $0x0;
	_ =	strace $0x90000047  }
0x45c: {  	s0 =	sadd.s32 @!p0 $0x100000, s3;
	[bflag:$0x2] =	sbarrier.arrive $0xFFFF  }
0x45d: {  	[sflag:s0] =	ssyncadd.tile.s32 @!p0 $0x1;
	_ =	shalt  }
.Lfunc_end2:
_tile_overlayer_lowered:
.L_overlay_start_2:
0x45e: {  	(tag) =	ssettag $0x2  }
0x45f: {  	s0 =	rddreg [dreg:$0x0];
	s2 =	stileid.u32  }
0x460: {  	s1 =	rddreg [dreg:$0x1];
	p0 =	sne.s32 s2, $0x0  }
0x461: {  	s3 =	rddreg [dreg:$0x2];
	[bflag:$0x3] =	sbarrier.arrive $0xFFFF;
	s2 =	simm.s32 @!p0 $0x1C02  }
0x462: {  	[timem:s3], [sflag:s2] =	dma.local @!p0 [hbm:s0], s1  }
0x463: {  	s0 =	simm.s32 @!p0 $0x2  }
0x464: {  	_ =	swait.ge @!p0 [sflag:s0], s1  }
0x465: {  	s1 =	ssub.s32 @!p0 $0x0, s1;
	[sflag:s0] =	ssyncset.done @!p0 $0x0  }
0x466: {  	[sflag:s0] =	ssyncadd.s32 @!p0 s1  }
0x467: {  	[bflag:$0x3] =	sbarrier.arrive $0xFFFF  }
0x468: {  	_ =	shalt  }

</sc_bundles>
